<compile_context>
chip_gen: v7x
topology: tpu7x:2x2x1
jax: 0.10.2.dev20260603
libtpu: 0.0.44.dev20260713+nightly
codegen_flags: <defaults>
</compile_context>

<pallas_src>
import functools

import numpy as np
import jax
import jax.numpy as jnp
from jax import lax
from jax.experimental import pallas as pl
from jax.experimental.pallas import tpu as pltpu
from jax.experimental.pallas import tpu_sc as plsc

NUM_HEADS = 16
KV = 16
QH = 64
QW = 64
W_IN = 31
W_OUT = 79

NC = 2
NS = 16
NW = NC * NS
ROWS_TOTAL = NUM_HEADS * QH * QW
ROWS_PER_W = ROWS_TOTAL // NW
BLK = 128
NBLK = ROWS_PER_W // BLK


def _cubic_kernel(x):
    out = ((1.5 * x - 2.5) * x) * x + 1.0
    out = np.where(x >= 1.0, ((-0.5 * x + 2.5) * x - 4.0) * x + 2.0, out)
    return np.where(x >= 2.0, 0.0, out)


def _weight_mat(in_size, out_size):
    inv_scale = in_size / out_size
    sample_f = (np.arange(out_size, dtype=np.float64) + 0.5) * inv_scale - 0.5
    x = np.abs(sample_f[None, :] - np.arange(in_size, dtype=np.float64)[:, None])
    w = _cubic_kernel(x)
    tot = np.sum(w, axis=0, keepdims=True)
    w = np.where(np.abs(tot) > 1000 * np.finfo(np.float32).eps,
                 w / np.where(tot != 0, tot, 1), 0)
    w = w * ((sample_f >= -0.5) & (sample_f <= in_size - 0.5))[None, :]
    return w.astype(np.float32)


_WFLIP = _weight_mat(W_IN, W_OUT)[:, ::-1]
_WT_CONST = np.ascontiguousarray(_WFLIP.T)
_WF_CONST = np.ascontiguousarray(_WFLIP)


W_PAD = 80


def _resize_body(t_ref, wt_ref, wf_ref, out_ref):
    wt = wt_ref[...]
    wf = wf_ref[...]
    for h in range(NUM_HEADS):
        tmp = jnp.dot(wt, t_ref[h], preferred_element_type=jnp.float32)
        out_ref[h, 0:W_OUT, :] = jnp.dot(tmp, wf,
                                         preferred_element_type=jnp.float32)
        out_ref[h, W_OUT:W_PAD, :] = jnp.zeros((W_PAD - W_OUT, W_OUT),
                                               jnp.float32)


def _resize_tc(table_t):
    return pl.pallas_call(
        _resize_body,
        out_shape=jax.ShapeDtypeStruct((NUM_HEADS, W_PAD, W_OUT), jnp.float32),
    )(table_t, jnp.asarray(_WT_CONST), jnp.asarray(_WF_CONST))


N_QI = ROWS_PER_W // QW
QI_PER_BLK = BLK // QW
BAND = N_QI + KV


def _sc_gather_body(f_hbm, out_hbm, band, buf0, buf1, sem0, sem1):
    wid = lax.axis_index("s") * NC + lax.axis_index("c")
    row_base = wid * ROWS_PER_W
    h = row_base // (QH * QW)
    qi_base = (row_base % (QH * QW)) // QW
    band_start = pl.multiple_of(h * W_PAD + (N_QI - qi_base), 8)
    pltpu.sync_copy(f_hbm.at[pl.ds(band_start, BAND)], band)

    def fill(buf, b):
        r_base0 = (N_QI - 1) - b * QI_PER_BLK

        def row(i, _):
            cj = (QW - 1) - i
            vals = [band[r_base0 + ki, pl.ds(cj, 16)] for ki in range(KV)]
            for ki in range(KV):
                buf[pl.ds(i * (KV * KV) + 16 * ki, 16)] = vals[ki]
            for a in range(1, QI_PER_BLK):
                vals = [band[r_base0 - a, pl.ds(cj, 16)]] + vals[:KV - 1]
                off = (a * QW + i) * (KV * KV)
                for ki in range(KV):
                    buf[pl.ds(off + 16 * ki, 16)] = vals[ki]
            return 0

        lax.fori_loop(0, QW, row, 0, unroll=4)

    NSPLIT = 4
    PIECE = BLK * KV * KV // NSPLIT

    def fire(buf, b, sem):
        for p in range(NSPLIT):
            pltpu.async_copy(
                buf.at[pl.ds(p * PIECE, PIECE)],
                out_hbm.at[pl.ds((row_base + b * BLK) * (KV * KV) + p * PIECE,
                                 PIECE)],
                sem)

    def drain(buf, sem):
        for p in range(NSPLIT):
            pltpu.make_async_copy(
                buf.at[pl.ds(0, PIECE)],
                out_hbm.at[pl.ds(row_base * (KV * KV), PIECE)],
                sem).wait()

    def b2_body(b2, _):
        @pl.when(b2 > 0)
        def _():
            drain(buf0, sem0)
        fill(buf0, 2 * b2)
        fire(buf0, 2 * b2, sem0)

        @pl.when(b2 > 0)
        def _():
            drain(buf1, sem1)
        fill(buf1, 2 * b2 + 1)
        fire(buf1, 2 * b2 + 1, sem1)
        return 0

    lax.fori_loop(0, NBLK // 2, b2_body, 0)
    drain(buf0, sem0)
    drain(buf1, sem1)


@functools.lru_cache(maxsize=None)
def _make_sc_gather():
    return pl.kernel(
        _sc_gather_body,
        out_type=jax.ShapeDtypeStruct((ROWS_TOTAL * KV * KV,), jnp.float32),
        mesh=plsc.VectorSubcoreMesh(core_axis_name="c", subcore_axis_name="s",
                                    num_cores=NC, num_subcores=NS),
        scratch_types=[
            pltpu.VMEM((BAND, W_OUT), jnp.float32),
            pltpu.VMEM((BLK * KV * KV,), jnp.float32),
            pltpu.VMEM((BLK * KV * KV,), jnp.float32),
            pltpu.SemaphoreType.DMA,
            pltpu.SemaphoreType.DMA,
        ],
    )


def kernel(q_shape_h, q_shape_w, relative_position_bias_table):
    t = relative_position_bias_table.reshape(W_IN, W_IN, NUM_HEADS)
    t = jnp.transpose(t, (2, 0, 1))
    f = _resize_tc(t).reshape(NUM_HEADS * W_PAD, W_OUT)
    out = _make_sc_gather()(f)
    return out.reshape(NUM_HEADS, QH * QW, KV * KV)

# --- scband reference (transcript-rebuilt; emitter-appended) ---
"""Pipeline reference for scband-rpe-83056077570685 (READ-ONLY COPY).

The authoritative reference and input builder live on the scoring server;
editing this copy changes nothing except your own understanding.
"""

import jax, jax.numpy as jnp
import numpy as np

NUM_HEADS = 16
Q_WS = 16
KV_WS = 16

Q_SHAPE_H = 64
Q_SHAPE_W = 64


def _get_coord(h, w):
    ch = jnp.arange(h)
    cw = jnp.arange(w)
    coords = jnp.stack(jnp.meshgrid(ch, cw, indexing='ij'))
    return coords.reshape(2, -1)


def _relative_position_index(q_h, q_w, kv):
    cf = _get_coord(q_h, q_w)
    cfk = _get_coord(kv, kv)
    rc = cf[:, :, None] - cfk[:, None, :]
    rc = jnp.transpose(rc, (1, 2, 0))
    rc0 = (rc[..., 0] + kv - 1) * (q_w + kv - 1)
    rc1 = rc[..., 1] + kv - 1
    return rc0 + rc1


def setup_inputs(seed: int = 0) -> dict:
    key = jax.random.key(seed)
    table = jax.random.normal(
        key,
        ((Q_WS + KV_WS - 1) * (Q_WS + KV_WS - 1), NUM_HEADS),
        dtype=jnp.float32,
    ) * 0.02
    return {
        "q_shape_h": 64,
        "q_shape_w": 64,
        "relative_position_bias_table": table,
    }


def reference(q_shape_h, q_shape_w, relative_position_bias_table):
    kv = KV_WS
    qh = Q_SHAPE_H
    qw = Q_SHAPE_W
    num_heads = relative_position_bias_table.shape[1]
    W = Q_WS + kv - 1
    target_index = _relative_position_index(qh, qw, kv)
    ts0 = qh + kv - 1
    ts1 = qw + kv - 1
    rpb = relative_position_bias_table.reshape(1, W, W, num_heads)
    rpb = jnp.transpose(rpb, (0, 3, 1, 2))
    rpb = jax.image.resize(rpb, (1, num_heads, ts0, ts1), method='bicubic')
    rpb = rpb.reshape(num_heads, ts0 * ts1)
    rpb = jnp.transpose(rpb, (1, 0))
    gathered = jnp.take(rpb, target_index.reshape(-1), axis=0)
    gathered = gathered.reshape(qh * qw, kv * kv, num_heads)
    relative_position_bias = jnp.transpose(gathered, (2, 0, 1))
    zero = (jnp.asarray(q_shape_h) * 0 + jnp.asarray(q_shape_w) * 0).astype(
        relative_position_bias.dtype
    )
    return relative_position_bias + zero

if __name__ == "__main__":
    import jax
    _d = setup_inputs()
    print(jax.jit(kernel)(*tuple(_d.values())))

</pallas_src>

<mosaic_0001>
#map = affine_map<(d0, d1) -> (0, 0)>
#map1 = affine_map<(d0, d1) -> (0)>
module attributes {stable_mosaic.version = 14 : i64} {
  func.func @_sc_gather_body(%arg0: i32, %arg1: i32, %arg2: memref<1280x79xf32, #tpu.memory_space<hbm>>, %arg3: memref<16777216xf32, #tpu.memory_space<hbm>>, %arg4: memref<48x79xf32, #tpu.memory_space<vmem>>, %arg5: memref<32768xf32, #tpu.memory_space<vmem>>, %arg6: memref<32768xf32, #tpu.memory_space<vmem>>, %arg7: memref<!tpu.dma_semaphore, #tpu.memory_space<semaphore_mem>>, %arg8: memref<!tpu.dma_semaphore, #tpu.memory_space<semaphore_mem>>) attributes {dimension_semantics = [#tpu.dimension_semantics<core_parallel>, #tpu.dimension_semantics<subcore_parallel>], iteration_bounds = array<i64: 2, 16>, scalar_prefetch = 0 : i64, scratch_operands = 5 : i64, tpu.core_type = #tpu.core_type<sc_vector_subcore>, window_params = [{transform_indices = #map}, {transform_indices = #map1}]} {
    %mul3A = arith.constant 2 : i32
    %mul3A_0 = arith.muli %arg1, %mul3A : i32
    %add3A = arith.addi %mul3A_0, %arg0 : i32
    %mul3A_1 = arith.constant 2048 : i32
    %mul3A_2 = arith.muli %add3A, %mul3A_1 : i32
    %jit3A = arith.constant 4096 : i32
    %div3A = arith.divsi %mul3A_2, %jit3A : i32
    %sign3A = arith.constant 0 : i32
    %sign3A_3 = arith.cmpi sgt, %mul3A_2, %sign3A : i32
    %sign3A_4 = arith.extui %sign3A_3 : i1 to i32
    %sign3A_5 = arith.constant 0 : i32
    %sign3A_6 = arith.cmpi slt, %mul3A_2, %sign3A_5 : i32
    %sign3A_7 = arith.extui %sign3A_6 : i1 to i32
    %sign3A_8 = arith.subi %sign3A_4, %sign3A_7 : i32
    %sign3A_9 = arith.constant 0 : i32
    %sign3A_10 = arith.cmpi sgt, %jit3A, %sign3A_9 : i32
    %sign3A_11 = arith.extui %sign3A_10 : i1 to i32
    %sign3A_12 = arith.constant 0 : i32
    %sign3A_13 = arith.cmpi slt, %jit3A, %sign3A_12 : i32
    %sign3A_14 = arith.extui %sign3A_13 : i1 to i32
    %sign3A_15 = arith.subi %sign3A_11, %sign3A_14 : i32
    %ne3A = arith.cmpi ne, %sign3A_8, %sign3A_15 : i32
    %rem3A = arith.remsi %mul3A_2, %jit3A : i32
    %ne3A_16 = arith.constant 0 : i32
    %ne3A_17 = arith.cmpi ne, %rem3A, %ne3A_16 : i32
    %and3A = arith.andi %ne3A, %ne3A_17 : i1
    %sub3A = arith.constant 1 : i32
    %sub3A_18 = arith.subi %div3A, %sub3A : i32
    %select_n3A = arith.select %and3A, %sub3A_18, %div3A : i32
    %jit3A_19 = arith.constant 4096 : i32
    %eq3A = arith.constant 0 : i32
    %eq3A_20 = arith.cmpi eq, %jit3A_19, %eq3A : i32
    %jit3A_21 = arith.constant 1 : i32
    %select_n3A_22 = arith.select %eq3A_20, %jit3A_21, %jit3A_19 : i32
    %rem3A_23 = arith.remsi %mul3A_2, %select_n3A_22 : i32
    %ne3A_24 = arith.constant 0 : i32
    %ne3A_25 = arith.cmpi ne, %rem3A_23, %ne3A_24 : i32
    %lt3A = arith.constant 0 : i32
    %lt3A_26 = arith.cmpi slt, %rem3A_23, %lt3A : i32
    %lt3A_27 = arith.constant 0 : i32
    %lt3A_28 = arith.cmpi slt, %select_n3A_22, %lt3A_27 : i32
    %ne3A_29 = arith.xori %lt3A_26, %lt3A_28 : i1
    %and3A_30 = arith.andi %ne3A_29, %ne3A_25 : i1
    %add3A_31 = arith.addi %rem3A_23, %select_n3A_22 : i32
    %select_n3A_32 = arith.select %and3A_30, %add3A_31, %rem3A_23 : i32
    %jit3A_33 = arith.constant 64 : i32
    %div3A_34 = arith.divsi %select_n3A_32, %jit3A_33 : i32
    %sign3A_35 = arith.constant 0 : i32
    %sign3A_36 = arith.cmpi sgt, %select_n3A_32, %sign3A_35 : i32
    %sign3A_37 = arith.extui %sign3A_36 : i1 to i32
    %sign3A_38 = arith.constant 0 : i32
    %sign3A_39 = arith.cmpi slt, %select_n3A_32, %sign3A_38 : i32
    %sign3A_40 = arith.extui %sign3A_39 : i1 to i32
    %sign3A_41 = arith.subi %sign3A_37, %sign3A_40 : i32
    %sign3A_42 = arith.constant 0 : i32
    %sign3A_43 = arith.cmpi sgt, %jit3A_33, %sign3A_42 : i32
    %sign3A_44 = arith.extui %sign3A_43 : i1 to i32
    %sign3A_45 = arith.constant 0 : i32
    %sign3A_46 = arith.cmpi slt, %jit3A_33, %sign3A_45 : i32
    %sign3A_47 = arith.extui %sign3A_46 : i1 to i32
    %sign3A_48 = arith.subi %sign3A_44, %sign3A_47 : i32
    %ne3A_49 = arith.cmpi ne, %sign3A_41, %sign3A_48 : i32
    %rem3A_50 = arith.remsi %select_n3A_32, %jit3A_33 : i32
    %ne3A_51 = arith.constant 0 : i32
    %ne3A_52 = arith.cmpi ne, %rem3A_50, %ne3A_51 : i32
    %and3A_53 = arith.andi %ne3A_49, %ne3A_52 : i1
    %sub3A_54 = arith.constant 1 : i32
    %sub3A_55 = arith.subi %div3A_34, %sub3A_54 : i32
    %select_n3A_56 = arith.select %and3A_53, %sub3A_55, %div3A_34 : i32
    %mul3A_57 = arith.constant 80 : i32
    %mul3A_58 = arith.muli %select_n3A, %mul3A_57 : i32
    %sub3A_59 = arith.constant 32 : i32
    %sub3A_60 = arith.subi %sub3A_59, %select_n3A_56 : i32
    %add3A_61 = arith.addi %mul3A_58, %sub3A_60 : i32
    %multiple_of3A = tpu.assume_multiple %add3A_61, 8 : i32
    "tpu.region"() ({
      %run_scoped3A = tpu.sem_alloc : memref<!tpu.dma_semaphore, #tpu.memory_space<semaphore_mem>>
      %dma_start3A = arith.constant 0 : i32
      %dma_start3A_131 = tpu.memref_slice %arg2[%multiple_of3A, %dma_start3A] : memref<1280x79xf32, #tpu.memory_space<hbm>> -> memref<48x79xf32, #tpu.memory_space<hbm>>
      %dma_start3A_132 = arith.constant 0 : i32
      %dma_start3A_133 = tpu.memref_slice %arg2[%multiple_of3A, %dma_start3A_132] : memref<1280x79xf32, #tpu.memory_space<hbm>> -> memref<48x79xf32, #tpu.memory_space<hbm>>
      tpu.enqueue_dma source(%dma_start3A_133 : memref<48x79xf32, #tpu.memory_space<hbm>>) target(%arg4 : memref<48x79xf32, #tpu.memory_space<vmem>>) target_semaphore(%run_scoped3A : memref<!tpu.dma_semaphore, #tpu.memory_space<semaphore_mem>>)
      %dma_wait3A_134 = arith.constant 0 : i32
      %dma_wait3A_135 = tpu.memref_slice %arg2[%multiple_of3A, %dma_wait3A_134] : memref<1280x79xf32, #tpu.memory_space<hbm>> -> memref<48x79xf32, #tpu.memory_space<hbm>>
      %dma_wait3A_136 = arith.constant 0 : i32
      %dma_wait3A_137 = tpu.memref_slice %arg2[%multiple_of3A, %dma_wait3A_136] : memref<1280x79xf32, #tpu.memory_space<hbm>> -> memref<48x79xf32, #tpu.memory_space<hbm>>
      tpu.wait_dma2 semaphore(%run_scoped3A : memref<!tpu.dma_semaphore, #tpu.memory_space<semaphore_mem>>) src(%dma_wait3A_137 : memref<48x79xf32, #tpu.memory_space<hbm>>) dst(%arg4 : memref<48x79xf32, #tpu.memory_space<vmem>>)
      tpu.yield
    }) : () -> ()
    %scan3A = arith.constant 0 : i32
    %scan3A_62 = arith.constant 0 : i32
    %scan3A_63 = arith.constant 8 : i32
    %scan3A_64 = arith.addi %scan3A_62, %scan3A_63 : i32
    %scan3A_65 = arith.constant 1 : i32
    %scan3A_66 = scf.for %scan3A_131 = %scan3A_62 to %scan3A_64 step %scan3A_65 iter_args(%scan3A_132 = %scan3A) -> (i32)  : i32 {
      %gt3A = arith.constant 0 : i32
      %gt3A_133 = arith.cmpi sgt, %scan3A_131, %gt3A : i32
      %convert_element_type3A = arith.extui %gt3A_133 : i1 to i32
      %cond3A = arith.constant 0 : i32
      %cond3A_134 = arith.cmpi ne, %convert_element_type3A, %cond3A : i32
      scf.if %cond3A_134 {
        %mul3A_278 = arith.constant 256 : i32
        %mul3A_279 = arith.muli %mul3A_2, %mul3A_278 : i32
        %dma_wait3A_280 = arith.constant 0 : i32
        %dma_wait3A_281 = tpu.memref_slice %arg5[%dma_wait3A_280] : memref<32768xf32, #tpu.memory_space<vmem>> -> memref<8192xf32, #tpu.memory_space<vmem>>
        %dma_wait3A_282 = tpu.memref_slice %arg3[%mul3A_279] : memref<16777216xf32, #tpu.memory_space<hbm>> -> memref<8192xf32, #tpu.memory_space<hbm>>
        %dma_wait3A_283 = tpu.memref_slice %arg3[%mul3A_279] : memref<16777216xf32, #tpu.memory_space<hbm>> -> memref<8192xf32, #tpu.memory_space<hbm>>
        %dma_wait3A_284 = arith.constant 0 : i32
        %dma_wait3A_285 = tpu.memref_slice %arg5[%dma_wait3A_284] : memref<32768xf32, #tpu.memory_space<vmem>> -> memref<8192xf32, #tpu.memory_space<vmem>>
        tpu.wait_dma2 semaphore(%arg7 : memref<!tpu.dma_semaphore, #tpu.memory_space<semaphore_mem>>) src(%dma_wait3A_285 : memref<8192xf32, #tpu.memory_space<vmem>>) dst(%dma_wait3A_283 : memref<8192xf32, #tpu.memory_space<hbm>>)
        %mul3A_286 = arith.constant 256 : i32
        %mul3A_287 = arith.muli %mul3A_2, %mul3A_286 : i32
        %dma_wait3A_288 = arith.constant 0 : i32
        %dma_wait3A_289 = tpu.memref_slice %arg5[%dma_wait3A_288] : memref<32768xf32, #tpu.memory_space<vmem>> -> memref<8192xf32, #tpu.memory_space<vmem>>
        %dma_wait3A_290 = tpu.memref_slice %arg3[%mul3A_287] : memref<16777216xf32, #tpu.memory_space<hbm>> -> memref<8192xf32, #tpu.memory_space<hbm>>
        %dma_wait3A_291 = tpu.memref_slice %arg3[%mul3A_287] : memref<16777216xf32, #tpu.memory_space<hbm>> -> memref<8192xf32, #tpu.memory_space<hbm>>
        %dma_wait3A_292 = arith.constant 0 : i32
        %dma_wait3A_293 = tpu.memref_slice %arg5[%dma_wait3A_292] : memref<32768xf32, #tpu.memory_space<vmem>> -> memref<8192xf32, #tpu.memory_space<vmem>>
        tpu.wait_dma2 semaphore(%arg7 : memref<!tpu.dma_semaphore, #tpu.memory_space<semaphore_mem>>) src(%dma_wait3A_293 : memref<8192xf32, #tpu.memory_space<vmem>>) dst(%dma_wait3A_291 : memref<8192xf32, #tpu.memory_space<hbm>>)
        %mul3A_294 = arith.constant 256 : i32
        %mul3A_295 = arith.muli %mul3A_2, %mul3A_294 : i32
        %dma_wait3A_296 = arith.constant 0 : i32
        %dma_wait3A_297 = tpu.memref_slice %arg5[%dma_wait3A_296] : memref<32768xf32, #tpu.memory_space<vmem>> -> memref<8192xf32, #tpu.memory_space<vmem>>
        %dma_wait3A_298 = tpu.memref_slice %arg3[%mul3A_295] : memref<16777216xf32, #tpu.memory_space<hbm>> -> memref<8192xf32, #tpu.memory_space<hbm>>
        %dma_wait3A_299 = tpu.memref_slice %arg3[%mul3A_295] : memref<16777216xf32, #tpu.memory_space<hbm>> -> memref<8192xf32, #tpu.memory_space<hbm>>
        %dma_wait3A_300 = arith.constant 0 : i32
        %dma_wait3A_301 = tpu.memref_slice %arg5[%dma_wait3A_300] : memref<32768xf32, #tpu.memory_space<vmem>> -> memref<8192xf32, #tpu.memory_space<vmem>>
        tpu.wait_dma2 semaphore(%arg7 : memref<!tpu.dma_semaphore, #tpu.memory_space<semaphore_mem>>) src(%dma_wait3A_301 : memref<8192xf32, #tpu.memory_space<vmem>>) dst(%dma_wait3A_299 : memref<8192xf32, #tpu.memory_space<hbm>>)
        %mul3A_302 = arith.constant 256 : i32
        %mul3A_303 = arith.muli %mul3A_2, %mul3A_302 : i32
        %dma_wait3A_304 = arith.constant 0 : i32
        %dma_wait3A_305 = tpu.memref_slice %arg5[%dma_wait3A_304] : memref<32768xf32, #tpu.memory_space<vmem>> -> memref<8192xf32, #tpu.memory_space<vmem>>
        %dma_wait3A_306 = tpu.memref_slice %arg3[%mul3A_303] : memref<16777216xf32, #tpu.memory_space<hbm>> -> memref<8192xf32, #tpu.memory_space<hbm>>
        %dma_wait3A_307 = tpu.memref_slice %arg3[%mul3A_303] : memref<16777216xf32, #tpu.memory_space<hbm>> -> memref<8192xf32, #tpu.memory_space<hbm>>
        %dma_wait3A_308 = arith.constant 0 : i32
        %dma_wait3A_309 = tpu.memref_slice %arg5[%dma_wait3A_308] : memref<32768xf32, #tpu.memory_space<vmem>> -> memref<8192xf32, #tpu.memory_space<vmem>>
        tpu.wait_dma2 semaphore(%arg7 : memref<!tpu.dma_semaphore, #tpu.memory_space<semaphore_mem>>) src(%dma_wait3A_309 : memref<8192xf32, #tpu.memory_space<vmem>>) dst(%dma_wait3A_307 : memref<8192xf32, #tpu.memory_space<hbm>>)
      } else {
      }
      %mul3A_135 = arith.constant 2 : i32
      %mul3A_136 = arith.muli %mul3A_135, %scan3A_131 : i32
      %mul3A_137 = arith.constant 2 : i32
      %mul3A_138 = arith.muli %mul3A_136, %mul3A_137 : i32
      %sub3A_139 = arith.constant 31 : i32
      %sub3A_140 = arith.subi %sub3A_139, %mul3A_138 : i32
      %scan3A_141 = arith.constant 0 : i32
      %scan3A_142 = arith.constant 0 : i32
      %scan3A_143 = arith.constant 64 : i32
      %scan3A_144 = arith.addi %scan3A_142, %scan3A_143 : i32
      %scan3A_145 = arith.constant 4 : i32
      %scan3A_146 = scf.for %scan3A_278 = %scan3A_142 to %scan3A_144 step %scan3A_145 iter_args(%scan3A_279 = %scan3A_141) -> (i32)  : i32 {
        %sub3A_280 = arith.constant 63 : i32
        %sub3A_281 = arith.subi %sub3A_280, %scan3A_278 : i32
        %add3A_282 = arith.constant 0 : i32
        %add3A_283 = arith.addi %sub3A_140, %add3A_282 : i32
        %get3A = arith.index_cast %add3A_283 : i32 to index
        %get3A_284 = arith.index_cast %sub3A_281 : i32 to index
        %get3A_285 = tpu.vector_load %arg4[%get3A, %get3A_284] {strides = array<i32>} : memref<48x79xf32, #tpu.memory_space<vmem>>, vector<1x16xf32>,
        %get3A_286 = vector.shape_cast %get3A_285 : vector<1x16xf32> to vector<16xf32>
        %add3A_287 = arith.constant 1 : i32
        %add3A_288 = arith.addi %sub3A_140, %add3A_287 : i32
        %get3A_289 = arith.index_cast %add3A_288 : i32 to index
        %get3A_290 = arith.index_cast %sub3A_281 : i32 to index
        %get3A_291 = tpu.vector_load %arg4[%get3A_289, %get3A_290] {strides = array<i32>} : memref<48x79xf32, #tpu.memory_space<vmem>>, vector<1x16xf32>,
        %get3A_292 = vector.shape_cast %get3A_291 : vector<1x16xf32> to vector<16xf32>
        %add3A_293 = arith.constant 2 : i32
        %add3A_294 = arith.addi %sub3A_140, %add3A_293 : i32
        %get3A_295 = arith.index_cast %add3A_294 : i32 to index
        %get3A_296 = arith.index_cast %sub3A_281 : i32 to index
        %get3A_297 = tpu.vector_load %arg4[%get3A_295, %get3A_296] {strides = array<i32>} : memref<48x79xf32, #tpu.memory_space<vmem>>, vector<1x16xf32>,
        %get3A_298 = vector.shape_cast %get3A_297 : vector<1x16xf32> to vector<16xf32>
        %add3A_299 = arith.constant 3 : i32
        %add3A_300 = arith.addi %sub3A_140, %add3A_299 : i32
        %get3A_301 = arith.index_cast %add3A_300 : i32 to index
        %get3A_302 = arith.index_cast %sub3A_281 : i32 to index
        %get3A_303 = tpu.vector_load %arg4[%get3A_301, %get3A_302] {strides = array<i32>} : memref<48x79xf32, #tpu.memory_space<vmem>>, vector<1x16xf32>,
        %get3A_304 = vector.shape_cast %get3A_303 : vector<1x16xf32> to vector<16xf32>
        %add3A_305 = arith.constant 4 : i32
        %add3A_306 = arith.addi %sub3A_140, %add3A_305 : i32
        %get3A_307 = arith.index_cast %add3A_306 : i32 to index
        %get3A_308 = arith.index_cast %sub3A_281 : i32 to index
        %get3A_309 = tpu.vector_load %arg4[%get3A_307, %get3A_308] {strides = array<i32>} : memref<48x79xf32, #tpu.memory_space<vmem>>, vector<1x16xf32>,
        %get3A_310 = vector.shape_cast %get3A_309 : vector<1x16xf32> to vector<16xf32>
        %add3A_311 = arith.constant 5 : i32
        %add3A_312 = arith.addi %sub3A_140, %add3A_311 : i32
        %get3A_313 = arith.index_cast %add3A_312 : i32 to index
        %get3A_314 = arith.index_cast %sub3A_281 : i32 to index
        %get3A_315 = tpu.vector_load %arg4[%get3A_313, %get3A_314] {strides = array<i32>} : memref<48x79xf32, #tpu.memory_space<vmem>>, vector<1x16xf32>,
        %get3A_316 = vector.shape_cast %get3A_315 : vector<1x16xf32> to vector<16xf32>
        %add3A_317 = arith.constant 6 : i32
        %add3A_318 = arith.addi %sub3A_140, %add3A_317 : i32
        %get3A_319 = arith.index_cast %add3A_318 : i32 to index
        %get3A_320 = arith.index_cast %sub3A_281 : i32 to index
        %get3A_321 = tpu.vector_load %arg4[%get3A_319, %get3A_320] {strides = array<i32>} : memref<48x79xf32, #tpu.memory_space<vmem>>, vector<1x16xf32>,
        %get3A_322 = vector.shape_cast %get3A_321 : vector<1x16xf32> to vector<16xf32>
        %add3A_323 = arith.constant 7 : i32
        %add3A_324 = arith.addi %sub3A_140, %add3A_323 : i32
        %get3A_325 = arith.index_cast %add3A_324 : i32 to index
        %get3A_326 = arith.index_cast %sub3A_281 : i32 to index
        %get3A_327 = tpu.vector_load %arg4[%get3A_325, %get3A_326] {strides = array<i32>} : memref<48x79xf32, #tpu.memory_space<vmem>>, vector<1x16xf32>,
        %get3A_328 = vector.shape_cast %get3A_327 : vector<1x16xf32> to vector<16xf32>
        %add3A_329 = arith.constant 8 : i32
        %add3A_330 = arith.addi %sub3A_140, %add3A_329 : i32
        %get3A_331 = arith.index_cast %add3A_330 : i32 to index
        %get3A_332 = arith.index_cast %sub3A_281 : i32 to index
        %get3A_333 = tpu.vector_load %arg4[%get3A_331, %get3A_332] {strides = array<i32>} : memref<48x79xf32, #tpu.memory_space<vmem>>, vector<1x16xf32>,
        %get3A_334 = vector.shape_cast %get3A_333 : vector<1x16xf32> to vector<16xf32>
        %add3A_335 = arith.constant 9 : i32
        %add3A_336 = arith.addi %sub3A_140, %add3A_335 : i32
        %get3A_337 = arith.index_cast %add3A_336 : i32 to index
        %get3A_338 = arith.index_cast %sub3A_281 : i32 to index
        %get3A_339 = tpu.vector_load %arg4[%get3A_337, %get3A_338] {strides = array<i32>} : memref<48x79xf32, #tpu.memory_space<vmem>>, vector<1x16xf32>,
        %get3A_340 = vector.shape_cast %get3A_339 : vector<1x16xf32> to vector<16xf32>
        %add3A_341 = arith.constant 10 : i32
        %add3A_342 = arith.addi %sub3A_140, %add3A_341 : i32
        %get3A_343 = arith.index_cast %add3A_342 : i32 to index
        %get3A_344 = arith.index_cast %sub3A_281 : i32 to index
        %get3A_345 = tpu.vector_load %arg4[%get3A_343, %get3A_344] {strides = array<i32>} : memref<48x79xf32, #tpu.memory_space<vmem>>, vector<1x16xf32>,
        %get3A_346 = vector.shape_cast %get3A_345 : vector<1x16xf32> to vector<16xf32>
        %add3A_347 = arith.constant 11 : i32
        %add3A_348 = arith.addi %sub3A_140, %add3A_347 : i32
        %get3A_349 = arith.index_cast %add3A_348 : i32 to index
        %get3A_350 = arith.index_cast %sub3A_281 : i32 to index
        %get3A_351 = tpu.vector_load %arg4[%get3A_349, %get3A_350] {strides = array<i32>} : memref<48x79xf32, #tpu.memory_space<vmem>>, vector<1x16xf32>,
        %get3A_352 = vector.shape_cast %get3A_351 : vector<1x16xf32> to vector<16xf32>
        %add3A_353 = arith.constant 12 : i32
        %add3A_354 = arith.addi %sub3A_140, %add3A_353 : i32
        %get3A_355 = arith.index_cast %add3A_354 : i32 to index
        %get3A_356 = arith.index_cast %sub3A_281 : i32 to index
        %get3A_357 = tpu.vector_load %arg4[%get3A_355, %get3A_356] {strides = array<i32>} : memref<48x79xf32, #tpu.memory_space<vmem>>, vector<1x16xf32>,
        %get3A_358 = vector.shape_cast %get3A_357 : vector<1x16xf32> to vector<16xf32>
        %add3A_359 = arith.constant 13 : i32
        %add3A_360 = arith.addi %sub3A_140, %add3A_359 : i32
        %get3A_361 = arith.index_cast %add3A_360 : i32 to index
        %get3A_362 = arith.index_cast %sub3A_281 : i32 to index
        %get3A_363 = tpu.vector_load %arg4[%get3A_361, %get3A_362] {strides = array<i32>} : memref<48x79xf32, #tpu.memory_space<vmem>>, vector<1x16xf32>,
        %get3A_364 = vector.shape_cast %get3A_363 : vector<1x16xf32> to vector<16xf32>
        %add3A_365 = arith.constant 14 : i32
        %add3A_366 = arith.addi %sub3A_140, %add3A_365 : i32
        %get3A_367 = arith.index_cast %add3A_366 : i32 to index
        %get3A_368 = arith.index_cast %sub3A_281 : i32 to index
        %get3A_369 = tpu.vector_load %arg4[%get3A_367, %get3A_368] {strides = array<i32>} : memref<48x79xf32, #tpu.memory_space<vmem>>, vector<1x16xf32>,
        %get3A_370 = vector.shape_cast %get3A_369 : vector<1x16xf32> to vector<16xf32>
        %add3A_371 = arith.constant 15 : i32
        %add3A_372 = arith.addi %sub3A_140, %add3A_371 : i32
        %get3A_373 = arith.index_cast %add3A_372 : i32 to index
        %get3A_374 = arith.index_cast %sub3A_281 : i32 to index
        %get3A_375 = tpu.vector_load %arg4[%get3A_373, %get3A_374] {strides = array<i32>} : memref<48x79xf32, #tpu.memory_space<vmem>>, vector<1x16xf32>,
        %get3A_376 = vector.shape_cast %get3A_375 : vector<1x16xf32> to vector<16xf32>
        %mul3A_377 = arith.constant 256 : i32
        %mul3A_378 = arith.muli %scan3A_278, %mul3A_377 : i32
        %add3A_379 = arith.constant 0 : i32
        %add3A_380 = arith.addi %mul3A_378, %add3A_379 : i32
        %swap3A = arith.index_cast %add3A_380 : i32 to index
        %swap3A_381 = tpu.vector_load %arg5[%swap3A] {strides = array<i32>} : memref<32768xf32, #tpu.memory_space<vmem>>, vector<16xf32>,
        %swap3A_382 = vector.shape_cast %swap3A_381 : vector<16xf32> to vector<16xf32>
        %swap3A_383 = vector.shape_cast %get3A_286 : vector<16xf32> to vector<16xf32>
        tpu.vector_store %arg5[%swap3A], %swap3A_383 {strides = array<i32>} : memref<32768xf32, #tpu.memory_space<vmem>>, vector<16xf32>,
        %mul3A_384 = arith.constant 256 : i32
        %mul3A_385 = arith.muli %scan3A_278, %mul3A_384 : i32
        %add3A_386 = arith.constant 16 : i32
        %add3A_387 = arith.addi %mul3A_385, %add3A_386 : i32
        %swap3A_388 = arith.index_cast %add3A_387 : i32 to index
        %swap3A_389 = tpu.vector_load %arg5[%swap3A_388] {strides = array<i32>} : memref<32768xf32, #tpu.memory_space<vmem>>, vector<16xf32>,
        %swap3A_390 = vector.shape_cast %swap3A_389 : vector<16xf32> to vector<16xf32>
        %swap3A_391 = vector.shape_cast %get3A_292 : vector<16xf32> to vector<16xf32>
        tpu.vector_store %arg5[%swap3A_388], %swap3A_391 {strides = array<i32>} : memref<32768xf32, #tpu.memory_space<vmem>>, vector<16xf32>,
        %mul3A_392 = arith.constant 256 : i32
        %mul3A_393 = arith.muli %scan3A_278, %mul3A_392 : i32
        %add3A_394 = arith.constant 32 : i32
        %add3A_395 = arith.addi %mul3A_393, %add3A_394 : i32
        %swap3A_396 = arith.index_cast %add3A_395 : i32 to index
        %swap3A_397 = tpu.vector_load %arg5[%swap3A_396] {strides = array<i32>} : memref<32768xf32, #tpu.memory_space<vmem>>, vector<16xf32>,
        %swap3A_398 = vector.shape_cast %swap3A_397 : vector<16xf32> to vector<16xf32>
        %swap3A_399 = vector.shape_cast %get3A_298 : vector<16xf32> to vector<16xf32>
        tpu.vector_store %arg5[%swap3A_396], %swap3A_399 {strides = array<i32>} : memref<32768xf32, #tpu.memory_space<vmem>>, vector<16xf32>,
        %mul3A_400 = arith.constant 256 : i32
        %mul3A_401 = arith.muli %scan3A_278, %mul3A_400 : i32
        %add3A_402 = arith.constant 48 : i32
        %add3A_403 = arith.addi %mul3A_401, %add3A_402 : i32
        %swap3A_404 = arith.index_cast %add3A_403 : i32 to index
        %swap3A_405 = tpu.vector_load %arg5[%swap3A_404] {strides = array<i32>} : memref<32768xf32, #tpu.memory_space<vmem>>, vector<16xf32>,
        %swap3A_406 = vector.shape_cast %swap3A_405 : vector<16xf32> to vector<16xf32>
        %swap3A_407 = vector.shape_cast %get3A_304 : vector<16xf32> to vector<16xf32>
        tpu.vector_store %arg5[%swap3A_404], %swap3A_407 {strides = array<i32>} : memref<32768xf32, #tpu.memory_space<vmem>>, vector<16xf32>,
        %mul3A_408 = arith.constant 256 : i32
        %mul3A_409 = arith.muli %scan3A_278, %mul3A_408 : i32
        %add3A_410 = arith.constant 64 : i32
        %add3A_411 = arith.addi %mul3A_409, %add3A_410 : i32
        %swap3A_412 = arith.index_cast %add3A_411 : i32 to index
        %swap3A_413 = tpu.vector_load %arg5[%swap3A_412] {strides = array<i32>} : memref<32768xf32, #tpu.memory_space<vmem>>, vector<16xf32>,
        %swap3A_414 = vector.shape_cast %swap3A_413 : vector<16xf32> to vector<16xf32>
        %swap3A_415 = vector.shape_cast %get3A_310 : vector<16xf32> to vector<16xf32>
        tpu.vector_store %arg5[%swap3A_412], %swap3A_415 {strides = array<i32>} : memref<32768xf32, #tpu.memory_space<vmem>>, vector<16xf32>,
        %mul3A_416 = arith.constant 256 : i32
        %mul3A_417 = arith.muli %scan3A_278, %mul3A_416 : i32
        %add3A_418 = arith.constant 80 : i32
        %add3A_419 = arith.addi %mul3A_417, %add3A_418 : i32
        %swap3A_420 = arith.index_cast %add3A_419 : i32 to index
        %swap3A_421 = tpu.vector_load %arg5[%swap3A_420] {strides = array<i32>} : memref<32768xf32, #tpu.memory_space<vmem>>, vector<16xf32>,
        %swap3A_422 = vector.shape_cast %swap3A_421 : vector<16xf32> to vector<16xf32>
        %swap3A_423 = vector.shape_cast %get3A_316 : vector<16xf32> to vector<16xf32>
        tpu.vector_store %arg5[%swap3A_420], %swap3A_423 {strides = array<i32>} : memref<32768xf32, #tpu.memory_space<vmem>>, vector<16xf32>,
        %mul3A_424 = arith.constant 256 : i32
        %mul3A_425 = arith.muli %scan3A_278, %mul3A_424 : i32
        %add3A_426 = arith.constant 96 : i32
        %add3A_427 = arith.addi %mul3A_425, %add3A_426 : i32
        %swap3A_428 = arith.index_cast %add3A_427 : i32 to index
        %swap3A_429 = tpu.vector_load %arg5[%swap3A_428] {strides = array<i32>} : memref<32768xf32, #tpu.memory_space<vmem>>, vector<16xf32>,
        %swap3A_430 = vector.shape_cast %swap3A_429 : vector<16xf32> to vector<16xf32>
        %swap3A_431 = vector.shape_cast %get3A_322 : vector<16xf32> to vector<16xf32>
        tpu.vector_store %arg5[%swap3A_428], %swap3A_431 {strides = array<i32>} : memref<32768xf32, #tpu.memory_space<vmem>>, vector<16xf32>,
        %mul3A_432 = arith.constant 256 : i32
        %mul3A_433 = arith.muli %scan3A_278, %mul3A_432 : i32
        %add3A_434 = arith.constant 112 : i32
        %add3A_435 = arith.addi %mul3A_433, %add3A_434 : i32
        %swap3A_436 = arith.index_cast %add3A_435 : i32 to index
        %swap3A_437 = tpu.vector_load %arg5[%swap3A_436] {strides = array<i32>} : memref<32768xf32, #tpu.memory_space<vmem>>, vector<16xf32>,
        %swap3A_438 = vector.shape_cast %swap3A_437 : vector<16xf32> to vector<16xf32>
        %swap3A_439 = vector.shape_cast %get3A_328 : vector<16xf32> to vector<16xf32>
        tpu.vector_store %arg5[%swap3A_436], %swap3A_439 {strides = array<i32>} : memref<32768xf32, #tpu.memory_space<vmem>>, vector<16xf32>,
        %mul3A_440 = arith.constant 256 : i32
        %mul3A_441 = arith.muli %scan3A_278, %mul3A_440 : i32
        %add3A_442 = arith.constant 128 : i32
        %add3A_443 = arith.addi %mul3A_441, %add3A_442 : i32
        %swap3A_444 = arith.index_cast %add3A_443 : i32 to index
        %swap3A_445 = tpu.vector_load %arg5[%swap3A_444] {strides = array<i32>} : memref<32768xf32, #tpu.memory_space<vmem>>, vector<16xf32>,
        %swap3A_446 = vector.shape_cast %swap3A_445 : vector<16xf32> to vector<16xf32>
        %swap3A_447 = vector.shape_cast %get3A_334 : vector<16xf32> to vector<16xf32>
        tpu.vector_store %arg5[%swap3A_444], %swap3A_447 {strides = array<i32>} : memref<32768xf32, #tpu.memory_space<vmem>>, vector<16xf32>,
        %mul3A_448 = arith.constant 256 : i32
        %mul3A_449 = arith.muli %scan3A_278, %mul3A_448 : i32
        %add3A_450 = arith.constant 144 : i32
        %add3A_451 = arith.addi %mul3A_449, %add3A_450 : i32
        %swap3A_452 = arith.index_cast %add3A_451 : i32 to index
        %swap3A_453 = tpu.vector_load %arg5[%swap3A_452] {strides = array<i32>} : memref<32768xf32, #tpu.memory_space<vmem>>, vector<16xf32>,
        %swap3A_454 = vector.shape_cast %swap3A_453 : vector<16xf32> to vector<16xf32>
        %swap3A_455 = vector.shape_cast %get3A_340 : vector<16xf32> to vector<16xf32>
        tpu.vector_store %arg5[%swap3A_452], %swap3A_455 {strides = array<i32>} : memref<32768xf32, #tpu.memory_space<vmem>>, vector<16xf32>,
        %mul3A_456 = arith.constant 256 : i32
        %mul3A_457 = arith.muli %scan3A_278, %mul3A_456 : i32
        %add3A_458 = arith.constant 160 : i32
        %add3A_459 = arith.addi %mul3A_457, %add3A_458 : i32
        %swap3A_460 = arith.index_cast %add3A_459 : i32 to index
        %swap3A_461 = tpu.vector_load %arg5[%swap3A_460] {strides = array<i32>} : memref<32768xf32, #tpu.memory_space<vmem>>, vector<16xf32>,
        %swap3A_462 = vector.shape_cast %swap3A_461 : vector<16xf32> to vector<16xf32>
        %swap3A_463 = vector.shape_cast %get3A_346 : vector<16xf32> to vector<16xf32>
        tpu.vector_store %arg5[%swap3A_460], %swap3A_463 {strides = array<i32>} : memref<32768xf32, #tpu.memory_space<vmem>>, vector<16xf32>,
        %mul3A_464 = arith.constant 256 : i32
        %mul3A_465 = arith.muli %scan3A_278, %mul3A_464 : i32
        %add3A_466 = arith.constant 176 : i32
        %add3A_467 = arith.addi %mul3A_465, %add3A_466 : i32
        %swap3A_468 = arith.index_cast %add3A_467 : i32 to index
        %swap3A_469 = tpu.vector_load %arg5[%swap3A_468] {strides = array<i32>} : memref<32768xf32, #tpu.memory_space<vmem>>, vector<16xf32>,
        %swap3A_470 = vector.shape_cast %swap3A_469 : vector<16xf32> to vector<16xf32>
        %swap3A_471 = vector.shape_cast %get3A_352 : vector<16xf32> to vector<16xf32>
        tpu.vector_store %arg5[%swap3A_468], %swap3A_471 {strides = array<i32>} : memref<32768xf32, #tpu.memory_space<vmem>>, vector<16xf32>,
        %mul3A_472 = arith.constant 256 : i32
        %mul3A_473 = arith.muli %scan3A_278, %mul3A_472 : i32
        %add3A_474 = arith.constant 192 : i32
        %add3A_475 = arith.addi %mul3A_473, %add3A_474 : i32
        %swap3A_476 = arith.index_cast %add3A_475 : i32 to index
        %swap3A_477 = tpu.vector_load %arg5[%swap3A_476] {strides = array<i32>} : memref<32768xf32, #tpu.memory_space<vmem>>, vector<16xf32>,
        %swap3A_478 = vector.shape_cast %swap3A_477 : vector<16xf32> to vector<16xf32>
        %swap3A_479 = vector.shape_cast %get3A_358 : vector<16xf32> to vector<16xf32>
        tpu.vector_store %arg5[%swap3A_476], %swap3A_479 {strides = array<i32>} : memref<32768xf32, #tpu.memory_space<vmem>>, vector<16xf32>,
        %mul3A_480 = arith.constant 256 : i32
        %mul3A_481 = arith.muli %scan3A_278, %mul3A_480 : i32
        %add3A_482 = arith.constant 208 : i32
        %add3A_483 = arith.addi %mul3A_481, %add3A_482 : i32
        %swap3A_484 = arith.index_cast %add3A_483 : i32 to index
        %swap3A_485 = tpu.vector_load %arg5[%swap3A_484] {strides = array<i32>} : memref<32768xf32, #tpu.memory_space<vmem>>, vector<16xf32>,
        %swap3A_486 = vector.shape_cast %swap3A_485 : vector<16xf32> to vector<16xf32>
        %swap3A_487 = vector.shape_cast %get3A_364 : vector<16xf32> to vector<16xf32>
        tpu.vector_store %arg5[%swap3A_484], %swap3A_487 {strides = array<i32>} : memref<32768xf32, #tpu.memory_space<vmem>>, vector<16xf32>,
        %mul3A_488 = arith.constant 256 : i32
        %mul3A_489 = arith.muli %scan3A_278, %mul3A_488 : i32
        %add3A_490 = arith.constant 224 : i32
        %add3A_491 = arith.addi %mul3A_489, %add3A_490 : i32
        %swap3A_492 = arith.index_cast %add3A_491 : i32 to index
        %swap3A_493 = tpu.vector_load %arg5[%swap3A_492] {strides = array<i32>} : memref<32768xf32, #tpu.memory_space<vmem>>, vector<16xf32>,
        %swap3A_494 = vector.shape_cast %swap3A_493 : vector<16xf32> to vector<16xf32>
        %swap3A_495 = vector.shape_cast %get3A_370 : vector<16xf32> to vector<16xf32>
        tpu.vector_store %arg5[%swap3A_492], %swap3A_495 {strides = array<i32>} : memref<32768xf32, #tpu.memory_space<vmem>>, vector<16xf32>,
        %mul3A_496 = arith.constant 256 : i32
        %mul3A_497 = arith.muli %scan3A_278, %mul3A_496 : i32
        %add3A_498 = arith.constant 240 : i32
        %add3A_499 = arith.addi %mul3A_497, %add3A_498 : i32
        %swap3A_500 = arith.index_cast %add3A_499 : i32 to index
        %swap3A_501 = tpu.vector_load %arg5[%swap3A_500] {strides = array<i32>} : memref<32768xf32, #tpu.memory_space<vmem>>, vector<16xf32>,
        %swap3A_502 = vector.shape_cast %swap3A_501 : vector<16xf32> to vector<16xf32>
        %swap3A_503 = vector.shape_cast %get3A_376 : vector<16xf32> to vector<16xf32>
        tpu.vector_store %arg5[%swap3A_500], %swap3A_503 {strides = array<i32>} : memref<32768xf32, #tpu.memory_space<vmem>>, vector<16xf32>,
        %sub3A_504 = arith.constant 1 : i32
        %sub3A_505 = arith.subi %sub3A_140, %sub3A_504 : i32
        %get3A_506 = arith.index_cast %sub3A_505 : i32 to index
        %get3A_507 = arith.index_cast %sub3A_281 : i32 to index
        %get3A_508 = tpu.vector_load %arg4[%get3A_506, %get3A_507] {strides = array<i32>} : memref<48x79xf32, #tpu.memory_space<vmem>>, vector<1x16xf32>,
        %get3A_509 = vector.shape_cast %get3A_508 : vector<1x16xf32> to vector<16xf32>
        %add3A_510 = arith.constant 64 : i32
        %add3A_511 = arith.addi %add3A_510, %scan3A_278 : i32
        %mul3A_512 = arith.constant 256 : i32
        %mul3A_513 = arith.muli %add3A_511, %mul3A_512 : i32
        %add3A_514 = arith.constant 0 : i32
        %add3A_515 = arith.addi %mul3A_513, %add3A_514 : i32
        %swap3A_516 = arith.index_cast %add3A_515 : i32 to index
        %swap3A_517 = tpu.vector_load %arg5[%swap3A_516] {strides = array<i32>} : memref<32768xf32, #tpu.memory_space<vmem>>, vector<16xf32>,
        %swap3A_518 = vector.shape_cast %swap3A_517 : vector<16xf32> to vector<16xf32>
        %swap3A_519 = vector.shape_cast %get3A_509 : vector<16xf32> to vector<16xf32>
        tpu.vector_store %arg5[%swap3A_516], %swap3A_519 {strides = array<i32>} : memref<32768xf32, #tpu.memory_space<vmem>>, vector<16xf32>,
        %add3A_520 = arith.constant 16 : i32
        %add3A_521 = arith.addi %mul3A_513, %add3A_520 : i32
        %swap3A_522 = arith.index_cast %add3A_521 : i32 to index
        %swap3A_523 = tpu.vector_load %arg5[%swap3A_522] {strides = array<i32>} : memref<32768xf32, #tpu.memory_space<vmem>>, vector<16xf32>,
        %swap3A_524 = vector.shape_cast %swap3A_523 : vector<16xf32> to vector<16xf32>
        %swap3A_525 = vector.shape_cast %get3A_286 : vector<16xf32> to vector<16xf32>
        tpu.vector_store %arg5[%swap3A_522], %swap3A_525 {strides = array<i32>} : memref<32768xf32, #tpu.memory_space<vmem>>, vector<16xf32>,
        %add3A_526 = arith.constant 32 : i32
        %add3A_527 = arith.addi %mul3A_513, %add3A_526 : i32
        %swap3A_528 = arith.index_cast %add3A_527 : i32 to index
        %swap3A_529 = tpu.vector_load %arg5[%swap3A_528] {strides = array<i32>} : memref<32768xf32, #tpu.memory_space<vmem>>, vector<16xf32>,
        %swap3A_530 = vector.shape_cast %swap3A_529 : vector<16xf32> to vector<16xf32>
        %swap3A_531 = vector.shape_cast %get3A_292 : vector<16xf32> to vector<16xf32>
        tpu.vector_store %arg5[%swap3A_528], %swap3A_531 {strides = array<i32>} : memref<32768xf32, #tpu.memory_space<vmem>>, vector<16xf32>,
        %add3A_532 = arith.constant 48 : i32
        %add3A_533 = arith.addi %mul3A_513, %add3A_532 : i32
        %swap3A_534 = arith.index_cast %add3A_533 : i32 to index
        %swap3A_535 = tpu.vector_load %arg5[%swap3A_534] {strides = array<i32>} : memref<32768xf32, #tpu.memory_space<vmem>>, vector<16xf32>,
        %swap3A_536 = vector.shape_cast %swap3A_535 : vector<16xf32> to vector<16xf32>
        %swap3A_537 = vector.shape_cast %get3A_298 : vector<16xf32> to vector<16xf32>
        tpu.vector_store %arg5[%swap3A_534], %swap3A_537 {strides = array<i32>} : memref<32768xf32, #tpu.memory_space<vmem>>, vector<16xf32>,
        %add3A_538 = arith.constant 64 : i32
        %add3A_539 = arith.addi %mul3A_513, %add3A_538 : i32
        %swap3A_540 = arith.index_cast %add3A_539 : i32 to index
        %swap3A_541 = tpu.vector_load %arg5[%swap3A_540] {strides = array<i32>} : memref<32768xf32, #tpu.memory_space<vmem>>, vector<16xf32>,
        %swap3A_542 = vector.shape_cast %swap3A_541 : vector<16xf32> to vector<16xf32>
        %swap3A_543 = vector.shape_cast %get3A_304 : vector<16xf32> to vector<16xf32>
        tpu.vector_store %arg5[%swap3A_540], %swap3A_543 {strides = array<i32>} : memref<32768xf32, #tpu.memory_space<vmem>>, vector<16xf32>,
        %add3A_544 = arith.constant 80 : i32
        %add3A_545 = arith.addi %mul3A_513, %add3A_544 : i32
        %swap3A_546 = arith.index_cast %add3A_545 : i32 to index
        %swap3A_547 = tpu.vector_load %arg5[%swap3A_546] {strides = array<i32>} : memref<32768xf32, #tpu.memory_space<vmem>>, vector<16xf32>,
        %swap3A_548 = vector.shape_cast %swap3A_547 : vector<16xf32> to vector<16xf32>
        %swap3A_549 = vector.shape_cast %get3A_310 : vector<16xf32> to vector<16xf32>
        tpu.vector_store %arg5[%swap3A_546], %swap3A_549 {strides = array<i32>} : memref<32768xf32, #tpu.memory_space<vmem>>, vector<16xf32>,
        %add3A_550 = arith.constant 96 : i32
        %add3A_551 = arith.addi %mul3A_513, %add3A_550 : i32
        %swap3A_552 = arith.index_cast %add3A_551 : i32 to index
        %swap3A_553 = tpu.vector_load %arg5[%swap3A_552] {strides = array<i32>} : memref<32768xf32, #tpu.memory_space<vmem>>, vector<16xf32>,
        %swap3A_554 = vector.shape_cast %swap3A_553 : vector<16xf32> to vector<16xf32>
        %swap3A_555 = vector.shape_cast %get3A_316 : vector<16xf32> to vector<16xf32>
        tpu.vector_store %arg5[%swap3A_552], %swap3A_555 {strides = array<i32>} : memref<32768xf32, #tpu.memory_space<vmem>>, vector<16xf32>,
        %add3A_556 = arith.constant 112 : i32
        %add3A_557 = arith.addi %mul3A_513, %add3A_556 : i32
        %swap3A_558 = arith.index_cast %add3A_557 : i32 to index
        %swap3A_559 = tpu.vector_load %arg5[%swap3A_558] {strides = array<i32>} : memref<32768xf32, #tpu.memory_space<vmem>>, vector<16xf32>,
        %swap3A_560 = vector.shape_cast %swap3A_559 : vector<16xf32> to vector<16xf32>
        %swap3A_561 = vector.shape_cast %get3A_322 : vector<16xf32> to vector<16xf32>
        tpu.vector_store %arg5[%swap3A_558], %swap3A_561 {strides = array<i32>} : memref<32768xf32, #tpu.memory_space<vmem>>, vector<16xf32>,
        %add3A_562 = arith.constant 128 : i32
        %add3A_563 = arith.addi %mul3A_513, %add3A_562 : i32
        %swap3A_564 = arith.index_cast %add3A_563 : i32 to index
        %swap3A_565 = tpu.vector_load %arg5[%swap3A_564] {strides = array<i32>} : memref<32768xf32, #tpu.memory_space<vmem>>, vector<16xf32>,
        %swap3A_566 = vector.shape_cast %swap3A_565 : vector<16xf32> to vector<16xf32>
        %swap3A_567 = vector.shape_cast %get3A_328 : vector<16xf32> to vector<16xf32>
        tpu.vector_store %arg5[%swap3A_564], %swap3A_567 {strides = array<i32>} : memref<32768xf32, #tpu.memory_space<vmem>>, vector<16xf32>,
        %add3A_568 = arith.constant 144 : i32
        %add3A_569 = arith.addi %mul3A_513, %add3A_568 : i32
        %swap3A_570 = arith.index_cast %add3A_569 : i32 to index
        %swap3A_571 = tpu.vector_load %arg5[%swap3A_570] {strides = array<i32>} : memref<32768xf32, #tpu.memory_space<vmem>>, vector<16xf32>,
        %swap3A_572 = vector.shape_cast %swap3A_571 : vector<16xf32> to vector<16xf32>
        %swap3A_573 = vector.shape_cast %get3A_334 : vector<16xf32> to vector<16xf32>
        tpu.vector_store %arg5[%swap3A_570], %swap3A_573 {strides = array<i32>} : memref<32768xf32, #tpu.memory_space<vmem>>, vector<16xf32>,
        %add3A_574 = arith.constant 160 : i32
        %add3A_575 = arith.addi %mul3A_513, %add3A_574 : i32
        %swap3A_576 = arith.index_cast %add3A_575 : i32 to index
        %swap3A_577 = tpu.vector_load %arg5[%swap3A_576] {strides = array<i32>} : memref<32768xf32, #tpu.memory_space<vmem>>, vector<16xf32>,
        %swap3A_578 = vector.shape_cast %swap3A_577 : vector<16xf32> to vector<16xf32>
        %swap3A_579 = vector.shape_cast %get3A_340 : vector<16xf32> to vector<16xf32>
        tpu.vector_store %arg5[%swap3A_576], %swap3A_579 {strides = array<i32>} : memref<32768xf32, #tpu.memory_space<vmem>>, vector<16xf32>,
        %add3A_580 = arith.constant 176 : i32
        %add3A_581 = arith.addi %mul3A_513, %add3A_580 : i32
        %swap3A_582 = arith.index_cast %add3A_581 : i32 to index
        %swap3A_583 = tpu.vector_load %arg5[%swap3A_582] {strides = array<i32>} : memref<32768xf32, #tpu.memory_space<vmem>>, vector<16xf32>,
        %swap3A_584 = vector.shape_cast %swap3A_583 : vector<16xf32> to vector<16xf32>
        %swap3A_585 = vector.shape_cast %get3A_346 : vector<16xf32> to vector<16xf32>
        tpu.vector_store %arg5[%swap3A_582], %swap3A_585 {strides = array<i32>} : memref<32768xf32, #tpu.memory_space<vmem>>, vector<16xf32>,
        %add3A_586 = arith.constant 192 : i32
        %add3A_587 = arith.addi %mul3A_513, %add3A_586 : i32
        %swap3A_588 = arith.index_cast %add3A_587 : i32 to index
        %swap3A_589 = tpu.vector_load %arg5[%swap3A_588] {strides = array<i32>} : memref<32768xf32, #tpu.memory_space<vmem>>, vector<16xf32>,
        %swap3A_590 = vector.shape_cast %swap3A_589 : vector<16xf32> to vector<16xf32>
        %swap3A_591 = vector.shape_cast %get3A_352 : vector<16xf32> to vector<16xf32>
        tpu.vector_store %arg5[%swap3A_588], %swap3A_591 {strides = array<i32>} : memref<32768xf32, #tpu.memory_space<vmem>>, vector<16xf32>,
        %add3A_592 = arith.constant 208 : i32
        %add3A_593 = arith.addi %mul3A_513, %add3A_592 : i32
        %swap3A_594 = arith.index_cast %add3A_593 : i32 to index
        %swap3A_595 = tpu.vector_load %arg5[%swap3A_594] {strides = array<i32>} : memref<32768xf32, #tpu.memory_space<vmem>>, vector<16xf32>,
        %swap3A_596 = vector.shape_cast %swap3A_595 : vector<16xf32> to vector<16xf32>
        %swap3A_597 = vector.shape_cast %get3A_358 : vector<16xf32> to vector<16xf32>
        tpu.vector_store %arg5[%swap3A_594], %swap3A_597 {strides = array<i32>} : memref<32768xf32, #tpu.memory_space<vmem>>, vector<16xf32>,
        %add3A_598 = arith.constant 224 : i32
        %add3A_599 = arith.addi %mul3A_513, %add3A_598 : i32
        %swap3A_600 = arith.index_cast %add3A_599 : i32 to index
        %swap3A_601 = tpu.vector_load %arg5[%swap3A_600] {strides = array<i32>} : memref<32768xf32, #tpu.memory_space<vmem>>, vector<16xf32>,
        %swap3A_602 = vector.shape_cast %swap3A_601 : vector<16xf32> to vector<16xf32>
        %swap3A_603 = vector.shape_cast %get3A_364 : vector<16xf32> to vector<16xf32>
        tpu.vector_store %arg5[%swap3A_600], %swap3A_603 {strides = array<i32>} : memref<32768xf32, #tpu.memory_space<vmem>>, vector<16xf32>,
        %add3A_604 = arith.constant 240 : i32
        %add3A_605 = arith.addi %mul3A_513, %add3A_604 : i32
        %swap3A_606 = arith.index_cast %add3A_605 : i32 to index
        %swap3A_607 = tpu.vector_load %arg5[%swap3A_606] {strides = array<i32>} : memref<32768xf32, #tpu.memory_space<vmem>>, vector<16xf32>,
        %swap3A_608 = vector.shape_cast %swap3A_607 : vector<16xf32> to vector<16xf32>
        %swap3A_609 = vector.shape_cast %get3A_370 : vector<16xf32> to vector<16xf32>
        tpu.vector_store %arg5[%swap3A_606], %swap3A_609 {strides = array<i32>} : memref<32768xf32, #tpu.memory_space<vmem>>, vector<16xf32>,
        %scan3A_610 = arith.constant 0 : i32
        %scan3A_611 = arith.constant 1 : i32
        %scan3A_612 = arith.addi %scan3A_278, %scan3A_611 : i32
        %sub3A_613 = arith.constant 63 : i32
        %sub3A_614 = arith.subi %sub3A_613, %scan3A_612 : i32
        %add3A_615 = arith.constant 0 : i32
        %add3A_616 = arith.addi %sub3A_140, %add3A_615 : i32
        %get3A_617 = arith.index_cast %add3A_616 : i32 to index
        %get3A_618 = arith.index_cast %sub3A_614 : i32 to index
        %get3A_619 = tpu.vector_load %arg4[%get3A_617, %get3A_618] {strides = array<i32>} : memref<48x79xf32, #tpu.memory_space<vmem>>, vector<1x16xf32>,
        %get3A_620 = vector.shape_cast %get3A_619 : vector<1x16xf32> to vector<16xf32>
        %add3A_621 = arith.constant 1 : i32
        %add3A_622 = arith.addi %sub3A_140, %add3A_621 : i32
        %get3A_623 = arith.index_cast %add3A_622 : i32 to index
        %get3A_624 = arith.index_cast %sub3A_614 : i32 to index
        %get3A_625 = tpu.vector_load %arg4[%get3A_623, %get3A_624] {strides = array<i32>} : memref<48x79xf32, #tpu.memory_space<vmem>>, vector<1x16xf32>,
        %get3A_626 = vector.shape_cast %get3A_625 : vector<1x16xf32> to vector<16xf32>
        %add3A_627 = arith.constant 2 : i32
        %add3A_628 = arith.addi %sub3A_140, %add3A_627 : i32
        %get3A_629 = arith.index_cast %add3A_628 : i32 to index
        %get3A_630 = arith.index_cast %sub3A_614 : i32 to index
        %get3A_631 = tpu.vector_load %arg4[%get3A_629, %get3A_630] {strides = array<i32>} : memref<48x79xf32, #tpu.memory_space<vmem>>, vector<1x16xf32>,
        %get3A_632 = vector.shape_cast %get3A_631 : vector<1x16xf32> to vector<16xf32>
        %add3A_633 = arith.constant 3 : i32
        %add3A_634 = arith.addi %sub3A_140, %add3A_633 : i32
        %get3A_635 = arith.index_cast %add3A_634 : i32 to index
        %get3A_636 = arith.index_cast %sub3A_614 : i32 to index
        %get3A_637 = tpu.vector_load %arg4[%get3A_635, %get3A_636] {strides = array<i32>} : memref<48x79xf32, #tpu.memory_space<vmem>>, vector<1x16xf32>,
        %get3A_638 = vector.shape_cast %get3A_637 : vector<1x16xf32> to vector<16xf32>
        %add3A_639 = arith.constant 4 : i32
        %add3A_640 = arith.addi %sub3A_140, %add3A_639 : i32
        %get3A_641 = arith.index_cast %add3A_640 : i32 to index
        %get3A_642 = arith.index_cast %sub3A_614 : i32 to index
        %get3A_643 = tpu.vector_load %arg4[%get3A_641, %get3A_642] {strides = array<i32>} : memref<48x79xf32, #tpu.memory_space<vmem>>, vector<1x16xf32>,
        %get3A_644 = vector.shape_cast %get3A_643 : vector<1x16xf32> to vector<16xf32>
        %add3A_645 = arith.constant 5 : i32
        %add3A_646 = arith.addi %sub3A_140, %add3A_645 : i32
        %get3A_647 = arith.index_cast %add3A_646 : i32 to index
        %get3A_648 = arith.index_cast %sub3A_614 : i32 to index
        %get3A_649 = tpu.vector_load %arg4[%get3A_647, %get3A_648] {strides = array<i32>} : memref<48x79xf32, #tpu.memory_space<vmem>>, vector<1x16xf32>,
        %get3A_650 = vector.shape_cast %get3A_649 : vector<1x16xf32> to vector<16xf32>
        %add3A_651 = arith.constant 6 : i32
        %add3A_652 = arith.addi %sub3A_140, %add3A_651 : i32
        %get3A_653 = arith.index_cast %add3A_652 : i32 to index
        %get3A_654 = arith.index_cast %sub3A_614 : i32 to index
        %get3A_655 = tpu.vector_load %arg4[%get3A_653, %get3A_654] {strides = array<i32>} : memref<48x79xf32, #tpu.memory_space<vmem>>, vector<1x16xf32>,
        %get3A_656 = vector.shape_cast %get3A_655 : vector<1x16xf32> to vector<16xf32>
        %add3A_657 = arith.constant 7 : i32
        %add3A_658 = arith.addi %sub3A_140, %add3A_657 : i32
        %get3A_659 = arith.index_cast %add3A_658 : i32 to index
        %get3A_660 = arith.index_cast %sub3A_614 : i32 to index
        %get3A_661 = tpu.vector_load %arg4[%get3A_659, %get3A_660] {strides = array<i32>} : memref<48x79xf32, #tpu.memory_space<vmem>>, vector<1x16xf32>,
        %get3A_662 = vector.shape_cast %get3A_661 : vector<1x16xf32> to vector<16xf32>
        %add3A_663 = arith.constant 8 : i32
        %add3A_664 = arith.addi %sub3A_140, %add3A_663 : i32
        %get3A_665 = arith.index_cast %add3A_664 : i32 to index
        %get3A_666 = arith.index_cast %sub3A_614 : i32 to index
        %get3A_667 = tpu.vector_load %arg4[%get3A_665, %get3A_666] {strides = array<i32>} : memref<48x79xf32, #tpu.memory_space<vmem>>, vector<1x16xf32>,
        %get3A_668 = vector.shape_cast %get3A_667 : vector<1x16xf32> to vector<16xf32>
        %add3A_669 = arith.constant 9 : i32
        %add3A_670 = arith.addi %sub3A_140, %add3A_669 : i32
        %get3A_671 = arith.index_cast %add3A_670 : i32 to index
        %get3A_672 = arith.index_cast %sub3A_614 : i32 to index
        %get3A_673 = tpu.vector_load %arg4[%get3A_671, %get3A_672] {strides = array<i32>} : memref<48x79xf32, #tpu.memory_space<vmem>>, vector<1x16xf32>,
        %get3A_674 = vector.shape_cast %get3A_673 : vector<1x16xf32> to vector<16xf32>
        %add3A_675 = arith.constant 10 : i32
        %add3A_676 = arith.addi %sub3A_140, %add3A_675 : i32
        %get3A_677 = arith.index_cast %add3A_676 : i32 to index
        %get3A_678 = arith.index_cast %sub3A_614 : i32 to index
        %get3A_679 = tpu.vector_load %arg4[%get3A_677, %get3A_678] {strides = array<i32>} : memref<48x79xf32, #tpu.memory_space<vmem>>, vector<1x16xf32>,
        %get3A_680 = vector.shape_cast %get3A_679 : vector<1x16xf32> to vector<16xf32>
        %add3A_681 = arith.constant 11 : i32
        %add3A_682 = arith.addi %sub3A_140, %add3A_681 : i32
        %get3A_683 = arith.index_cast %add3A_682 : i32 to index
        %get3A_684 = arith.index_cast %sub3A_614 : i32 to index
        %get3A_685 = tpu.vector_load %arg4[%get3A_683, %get3A_684] {strides = array<i32>} : memref<48x79xf32, #tpu.memory_space<vmem>>, vector<1x16xf32>,
        %get3A_686 = vector.shape_cast %get3A_685 : vector<1x16xf32> to vector<16xf32>
        %add3A_687 = arith.constant 12 : i32
        %add3A_688 = arith.addi %sub3A_140, %add3A_687 : i32
        %get3A_689 = arith.index_cast %add3A_688 : i32 to index
        %get3A_690 = arith.index_cast %sub3A_614 : i32 to index
        %get3A_691 = tpu.vector_load %arg4[%get3A_689, %get3A_690] {strides = array<i32>} : memref<48x79xf32, #tpu.memory_space<vmem>>, vector<1x16xf32>,
        %get3A_692 = vector.shape_cast %get3A_691 : vector<1x16xf32> to vector<16xf32>
        %add3A_693 = arith.constant 13 : i32
        %add3A_694 = arith.addi %sub3A_140, %add3A_693 : i32
        %get3A_695 = arith.index_cast %add3A_694 : i32 to index
        %get3A_696 = arith.index_cast %sub3A_614 : i32 to index
        %get3A_697 = tpu.vector_load %arg4[%get3A_695, %get3A_696] {strides = array<i32>} : memref<48x79xf32, #tpu.memory_space<vmem>>, vector<1x16xf32>,
        %get3A_698 = vector.shape_cast %get3A_697 : vector<1x16xf32> to vector<16xf32>
        %add3A_699 = arith.constant 14 : i32
        %add3A_700 = arith.addi %sub3A_140, %add3A_699 : i32
        %get3A_701 = arith.index_cast %add3A_700 : i32 to index
        %get3A_702 = arith.index_cast %sub3A_614 : i32 to index
        %get3A_703 = tpu.vector_load %arg4[%get3A_701, %get3A_702] {strides = array<i32>} : memref<48x79xf32, #tpu.memory_space<vmem>>, vector<1x16xf32>,
        %get3A_704 = vector.shape_cast %get3A_703 : vector<1x16xf32> to vector<16xf32>
        %add3A_705 = arith.constant 15 : i32
        %add3A_706 = arith.addi %sub3A_140, %add3A_705 : i32
        %get3A_707 = arith.index_cast %add3A_706 : i32 to index
        %get3A_708 = arith.index_cast %sub3A_614 : i32 to index
        %get3A_709 = tpu.vector_load %arg4[%get3A_707, %get3A_708] {strides = array<i32>} : memref<48x79xf32, #tpu.memory_space<vmem>>, vector<1x16xf32>,
        %get3A_710 = vector.shape_cast %get3A_709 : vector<1x16xf32> to vector<16xf32>
        %mul3A_711 = arith.constant 256 : i32
        %mul3A_712 = arith.muli %scan3A_612, %mul3A_711 : i32
        %add3A_713 = arith.constant 0 : i32
        %add3A_714 = arith.addi %mul3A_712, %add3A_713 : i32
        %swap3A_715 = arith.index_cast %add3A_714 : i32 to index
        %swap3A_716 = tpu.vector_load %arg5[%swap3A_715] {strides = array<i32>} : memref<32768xf32, #tpu.memory_space<vmem>>, vector<16xf32>,
        %swap3A_717 = vector.shape_cast %swap3A_716 : vector<16xf32> to vector<16xf32>
        %swap3A_718 = vector.shape_cast %get3A_620 : vector<16xf32> to vector<16xf32>
        tpu.vector_store %arg5[%swap3A_715], %swap3A_718 {strides = array<i32>} : memref<32768xf32, #tpu.memory_space<vmem>>, vector<16xf32>,
        %mul3A_719 = arith.constant 256 : i32
        %mul3A_720 = arith.muli %scan3A_612, %mul3A_719 : i32
        %add3A_721 = arith.constant 16 : i32
        %add3A_722 = arith.addi %mul3A_720, %add3A_721 : i32
        %swap3A_723 = arith.index_cast %add3A_722 : i32 to index
        %swap3A_724 = tpu.vector_load %arg5[%swap3A_723] {strides = array<i32>} : memref<32768xf32, #tpu.memory_space<vmem>>, vector<16xf32>,
        %swap3A_725 = vector.shape_cast %swap3A_724 : vector<16xf32> to vector<16xf32>
        %swap3A_726 = vector.shape_cast %get3A_626 : vector<16xf32> to vector<16xf32>
        tpu.vector_store %arg5[%swap3A_723], %swap3A_726 {strides = array<i32>} : memref<32768xf32, #tpu.memory_space<vmem>>, vector<16xf32>,
        %mul3A_727 = arith.constant 256 : i32
        %mul3A_728 = arith.muli %scan3A_612, %mul3A_727 : i32
        %add3A_729 = arith.constant 32 : i32
        %add3A_730 = arith.addi %mul3A_728, %add3A_729 : i32
        %swap3A_731 = arith.index_cast %add3A_730 : i32 to index
        %swap3A_732 = tpu.vector_load %arg5[%swap3A_731] {strides = array<i32>} : memref<32768xf32, #tpu.memory_space<vmem>>, vector<16xf32>,
        %swap3A_733 = vector.shape_cast %swap3A_732 : vector<16xf32> to vector<16xf32>
        %swap3A_734 = vector.shape_cast %get3A_632 : vector<16xf32> to vector<16xf32>
        tpu.vector_store %arg5[%swap3A_731], %swap3A_734 {strides = array<i32>} : memref<32768xf32, #tpu.memory_space<vmem>>, vector<16xf32>,
        %mul3A_735 = arith.constant 256 : i32
        %mul3A_736 = arith.muli %scan3A_612, %mul3A_735 : i32
        %add3A_737 = arith.constant 48 : i32
        %add3A_738 = arith.addi %mul3A_736, %add3A_737 : i32
        %swap3A_739 = arith.index_cast %add3A_738 : i32 to index
        %swap3A_740 = tpu.vector_load %arg5[%swap3A_739] {strides = array<i32>} : memref<32768xf32, #tpu.memory_space<vmem>>, vector<16xf32>,
        %swap3A_741 = vector.shape_cast %swap3A_740 : vector<16xf32> to vector<16xf32>
        %swap3A_742 = vector.shape_cast %get3A_638 : vector<16xf32> to vector<16xf32>
        tpu.vector_store %arg5[%swap3A_739], %swap3A_742 {strides = array<i32>} : memref<32768xf32, #tpu.memory_space<vmem>>, vector<16xf32>,
        %mul3A_743 = arith.constant 256 : i32
        %mul3A_744 = arith.muli %scan3A_612, %mul3A_743 : i32
        %add3A_745 = arith.constant 64 : i32
        %add3A_746 = arith.addi %mul3A_744, %add3A_745 : i32
        %swap3A_747 = arith.index_cast %add3A_746 : i32 to index
        %swap3A_748 = tpu.vector_load %arg5[%swap3A_747] {strides = array<i32>} : memref<32768xf32, #tpu.memory_space<vmem>>, vector<16xf32>,
        %swap3A_749 = vector.shape_cast %swap3A_748 : vector<16xf32> to vector<16xf32>
        %swap3A_750 = vector.shape_cast %get3A_644 : vector<16xf32> to vector<16xf32>
        tpu.vector_store %arg5[%swap3A_747], %swap3A_750 {strides = array<i32>} : memref<32768xf32, #tpu.memory_space<vmem>>, vector<16xf32>,
        %mul3A_751 = arith.constant 256 : i32
        %mul3A_752 = arith.muli %scan3A_612, %mul3A_751 : i32
        %add3A_753 = arith.constant 80 : i32
        %add3A_754 = arith.addi %mul3A_752, %add3A_753 : i32
        %swap3A_755 = arith.index_cast %add3A_754 : i32 to index
        %swap3A_756 = tpu.vector_load %arg5[%swap3A_755] {strides = array<i32>} : memref<32768xf32, #tpu.memory_space<vmem>>, vector<16xf32>,
        %swap3A_757 = vector.shape_cast %swap3A_756 : vector<16xf32> to vector<16xf32>
        %swap3A_758 = vector.shape_cast %get3A_650 : vector<16xf32> to vector<16xf32>
        tpu.vector_store %arg5[%swap3A_755], %swap3A_758 {strides = array<i32>} : memref<32768xf32, #tpu.memory_space<vmem>>, vector<16xf32>,
        %mul3A_759 = arith.constant 256 : i32
        %mul3A_760 = arith.muli %scan3A_612, %mul3A_759 : i32
        %add3A_761 = arith.constant 96 : i32
        %add3A_762 = arith.addi %mul3A_760, %add3A_761 : i32
        %swap3A_763 = arith.index_cast %add3A_762 : i32 to index
        %swap3A_764 = tpu.vector_load %arg5[%swap3A_763] {strides = array<i32>} : memref<32768xf32, #tpu.memory_space<vmem>>, vector<16xf32>,
        %swap3A_765 = vector.shape_cast %swap3A_764 : vector<16xf32> to vector<16xf32>
        %swap3A_766 = vector.shape_cast %get3A_656 : vector<16xf32> to vector<16xf32>
        tpu.vector_store %arg5[%swap3A_763], %swap3A_766 {strides = array<i32>} : memref<32768xf32, #tpu.memory_space<vmem>>, vector<16xf32>,
        %mul3A_767 = arith.constant 256 : i32
        %mul3A_768 = arith.muli %scan3A_612, %mul3A_767 : i32
        %add3A_769 = arith.constant 112 : i32
        %add3A_770 = arith.addi %mul3A_768, %add3A_769 : i32
        %swap3A_771 = arith.index_cast %add3A_770 : i32 to index
        %swap3A_772 = tpu.vector_load %arg5[%swap3A_771] {strides = array<i32>} : memref<32768xf32, #tpu.memory_space<vmem>>, vector<16xf32>,
        %swap3A_773 = vector.shape_cast %swap3A_772 : vector<16xf32> to vector<16xf32>
        %swap3A_774 = vector.shape_cast %get3A_662 : vector<16xf32> to vector<16xf32>
        tpu.vector_store %arg5[%swap3A_771], %swap3A_774 {strides = array<i32>} : memref<32768xf32, #tpu.memory_space<vmem>>, vector<16xf32>,
        %mul3A_775 = arith.constant 256 : i32
        %mul3A_776 = arith.muli %scan3A_612, %mul3A_775 : i32
        %add3A_777 = arith.constant 128 : i32
        %add3A_778 = arith.addi %mul3A_776, %add3A_777 : i32
        %swap3A_779 = arith.index_cast %add3A_778 : i32 to index
        %swap3A_780 = tpu.vector_load %arg5[%swap3A_779] {strides = array<i32>} : memref<32768xf32, #tpu.memory_space<vmem>>, vector<16xf32>,
        %swap3A_781 = vector.shape_cast %swap3A_780 : vector<16xf32> to vector<16xf32>
        %swap3A_782 = vector.shape_cast %get3A_668 : vector<16xf32> to vector<16xf32>
        tpu.vector_store %arg5[%swap3A_779], %swap3A_782 {strides = array<i32>} : memref<32768xf32, #tpu.memory_space<vmem>>, vector<16xf32>,
        %mul3A_783 = arith.constant 256 : i32
        %mul3A_784 = arith.muli %scan3A_612, %mul3A_783 : i32
        %add3A_785 = arith.constant 144 : i32
        %add3A_786 = arith.addi %mul3A_784, %add3A_785 : i32
        %swap3A_787 = arith.index_cast %add3A_786 : i32 to index
        %swap3A_788 = tpu.vector_load %arg5[%swap3A_787] {strides = array<i32>} : memref<32768xf32, #tpu.memory_space<vmem>>, vector<16xf32>,
        %swap3A_789 = vector.shape_cast %swap3A_788 : vector<16xf32> to vector<16xf32>
        %swap3A_790 = vector.shape_cast %get3A_674 : vector<16xf32> to vector<16xf32>
        tpu.vector_store %arg5[%swap3A_787], %swap3A_790 {strides = array<i32>} : memref<32768xf32, #tpu.memory_space<vmem>>, vector<16xf32>,
        %mul3A_791 = arith.constant 256 : i32
        %mul3A_792 = arith.muli %scan3A_612, %mul3A_791 : i32
        %add3A_793 = arith.constant 160 : i32
        %add3A_794 = arith.addi %mul3A_792, %add3A_793 : i32
        %swap3A_795 = arith.index_cast %add3A_794 : i32 to index
        %swap3A_796 = tpu.vector_load %arg5[%swap3A_795] {strides = array<i32>} : memref<32768xf32, #tpu.memory_space<vmem>>, vector<16xf32>,
        %swap3A_797 = vector.shape_cast %swap3A_796 : vector<16xf32> to vector<16xf32>
        %swap3A_798 = vector.shape_cast %get3A_680 : vector<16xf32> to vector<16xf32>
        tpu.vector_store %arg5[%swap3A_795], %swap3A_798 {strides = array<i32>} : memref<32768xf32, #tpu.memory_space<vmem>>, vector<16xf32>,
        %mul3A_799 = arith.constant 256 : i32
        %mul3A_800 = arith.muli %scan3A_612, %mul3A_799 : i32
        %add3A_801 = arith.constant 176 : i32
        %add3A_802 = arith.addi %mul3A_800, %add3A_801 : i32
        %swap3A_803 = arith.index_cast %add3A_802 : i32 to index
        %swap3A_804 = tpu.vector_load %arg5[%swap3A_803] {strides = array<i32>} : memref<32768xf32, #tpu.memory_space<vmem>>, vector<16xf32>,
        %swap3A_805 = vector.shape_cast %swap3A_804 : vector<16xf32> to vector<16xf32>
        %swap3A_806 = vector.shape_cast %get3A_686 : vector<16xf32> to vector<16xf32>
        tpu.vector_store %arg5[%swap3A_803], %swap3A_806 {strides = array<i32>} : memref<32768xf32, #tpu.memory_space<vmem>>, vector<16xf32>,
        %mul3A_807 = arith.constant 256 : i32
        %mul3A_808 = arith.muli %scan3A_612, %mul3A_807 : i32
        %add3A_809 = arith.constant 192 : i32
        %add3A_810 = arith.addi %mul3A_808, %add3A_809 : i32
        %swap3A_811 = arith.index_cast %add3A_810 : i32 to index
        %swap3A_812 = tpu.vector_load %arg5[%swap3A_811] {strides = array<i32>} : memref<32768xf32, #tpu.memory_space<vmem>>, vector<16xf32>,
        %swap3A_813 = vector.shape_cast %swap3A_812 : vector<16xf32> to vector<16xf32>
        %swap3A_814 = vector.shape_cast %get3A_692 : vector<16xf32> to vector<16xf32>
        tpu.vector_store %arg5[%swap3A_811], %swap3A_814 {strides = array<i32>} : memref<32768xf32, #tpu.memory_space<vmem>>, vector<16xf32>,
        %mul3A_815 = arith.constant 256 : i32
        %mul3A_816 = arith.muli %scan3A_612, %mul3A_815 : i32
        %add3A_817 = arith.constant 208 : i32
        %add3A_818 = arith.addi %mul3A_816, %add3A_817 : i32
        %swap3A_819 = arith.index_cast %add3A_818 : i32 to index
        %swap3A_820 = tpu.vector_load %arg5[%swap3A_819] {strides = array<i32>} : memref<32768xf32, #tpu.memory_space<vmem>>, vector<16xf32>,
        %swap3A_821 = vector.shape_cast %swap3A_820 : vector<16xf32> to vector<16xf32>
        %swap3A_822 = vector.shape_cast %get3A_698 : vector<16xf32> to vector<16xf32>
        tpu.vector_store %arg5[%swap3A_819], %swap3A_822 {strides = array<i32>} : memref<32768xf32, #tpu.memory_space<vmem>>, vector<16xf32>,
        %mul3A_823 = arith.constant 256 : i32
        %mul3A_824 = arith.muli %scan3A_612, %mul3A_823 : i32
        %add3A_825 = arith.constant 224 : i32
        %add3A_826 = arith.addi %mul3A_824, %add3A_825 : i32
        %swap3A_827 = arith.index_cast %add3A_826 : i32 to index
        %swap3A_828 = tpu.vector_load %arg5[%swap3A_827] {strides = array<i32>} : memref<32768xf32, #tpu.memory_space<vmem>>, vector<16xf32>,
        %swap3A_829 = vector.shape_cast %swap3A_828 : vector<16xf32> to vector<16xf32>
        %swap3A_830 = vector.shape_cast %get3A_704 : vector<16xf32> to vector<16xf32>
        tpu.vector_store %arg5[%swap3A_827], %swap3A_830 {strides = array<i32>} : memref<32768xf32, #tpu.memory_space<vmem>>, vector<16xf32>,
        %mul3A_831 = arith.constant 256 : i32
        %mul3A_832 = arith.muli %scan3A_612, %mul3A_831 : i32
        %add3A_833 = arith.constant 240 : i32
        %add3A_834 = arith.addi %mul3A_832, %add3A_833 : i32
        %swap3A_835 = arith.index_cast %add3A_834 : i32 to index
        %swap3A_836 = tpu.vector_load %arg5[%swap3A_835] {strides = array<i32>} : memref<32768xf32, #tpu.memory_space<vmem>>, vector<16xf32>,
        %swap3A_837 = vector.shape_cast %swap3A_836 : vector<16xf32> to vector<16xf32>
        %swap3A_838 = vector.shape_cast %get3A_710 : vector<16xf32> to vector<16xf32>
        tpu.vector_store %arg5[%swap3A_835], %swap3A_838 {strides = array<i32>} : memref<32768xf32, #tpu.memory_space<vmem>>, vector<16xf32>,
        %sub3A_839 = arith.constant 1 : i32
        %sub3A_840 = arith.subi %sub3A_140, %sub3A_839 : i32
        %get3A_841 = arith.index_cast %sub3A_840 : i32 to index
        %get3A_842 = arith.index_cast %sub3A_614 : i32 to index
        %get3A_843 = tpu.vector_load %arg4[%get3A_841, %get3A_842] {strides = array<i32>} : memref<48x79xf32, #tpu.memory_space<vmem>>, vector<1x16xf32>,
        %get3A_844 = vector.shape_cast %get3A_843 : vector<1x16xf32> to vector<16xf32>
        %add3A_845 = arith.constant 64 : i32
        %add3A_846 = arith.addi %add3A_845, %scan3A_612 : i32
        %mul3A_847 = arith.constant 256 : i32
        %mul3A_848 = arith.muli %add3A_846, %mul3A_847 : i32
        %add3A_849 = arith.constant 0 : i32
        %add3A_850 = arith.addi %mul3A_848, %add3A_849 : i32
        %swap3A_851 = arith.index_cast %add3A_850 : i32 to index
        %swap3A_852 = tpu.vector_load %arg5[%swap3A_851] {strides = array<i32>} : memref<32768xf32, #tpu.memory_space<vmem>>, vector<16xf32>,
        %swap3A_853 = vector.shape_cast %swap3A_852 : vector<16xf32> to vector<16xf32>
        %swap3A_854 = vector.shape_cast %get3A_844 : vector<16xf32> to vector<16xf32>
        tpu.vector_store %arg5[%swap3A_851], %swap3A_854 {strides = array<i32>} : memref<32768xf32, #tpu.memory_space<vmem>>, vector<16xf32>,
        %add3A_855 = arith.constant 16 : i32
        %add3A_856 = arith.addi %mul3A_848, %add3A_855 : i32
        %swap3A_857 = arith.index_cast %add3A_856 : i32 to index
        %swap3A_858 = tpu.vector_load %arg5[%swap3A_857] {strides = array<i32>} : memref<32768xf32, #tpu.memory_space<vmem>>, vector<16xf32>,
        %swap3A_859 = vector.shape_cast %swap3A_858 : vector<16xf32> to vector<16xf32>
        %swap3A_860 = vector.shape_cast %get3A_620 : vector<16xf32> to vector<16xf32>
        tpu.vector_store %arg5[%swap3A_857], %swap3A_860 {strides = array<i32>} : memref<32768xf32, #tpu.memory_space<vmem>>, vector<16xf32>,
        %add3A_861 = arith.constant 32 : i32
        %add3A_862 = arith.addi %mul3A_848, %add3A_861 : i32
        %swap3A_863 = arith.index_cast %add3A_862 : i32 to index
        %swap3A_864 = tpu.vector_load %arg5[%swap3A_863] {strides = array<i32>} : memref<32768xf32, #tpu.memory_space<vmem>>, vector<16xf32>,
        %swap3A_865 = vector.shape_cast %swap3A_864 : vector<16xf32> to vector<16xf32>
        %swap3A_866 = vector.shape_cast %get3A_626 : vector<16xf32> to vector<16xf32>
        tpu.vector_store %arg5[%swap3A_863], %swap3A_866 {strides = array<i32>} : memref<32768xf32, #tpu.memory_space<vmem>>, vector<16xf32>,
        %add3A_867 = arith.constant 48 : i32
        %add3A_868 = arith.addi %mul3A_848, %add3A_867 : i32
        %swap3A_869 = arith.index_cast %add3A_868 : i32 to index
        %swap3A_870 = tpu.vector_load %arg5[%swap3A_869] {strides = array<i32>} : memref<32768xf32, #tpu.memory_space<vmem>>, vector<16xf32>,
        %swap3A_871 = vector.shape_cast %swap3A_870 : vector<16xf32> to vector<16xf32>
        %swap3A_872 = vector.shape_cast %get3A_632 : vector<16xf32> to vector<16xf32>
        tpu.vector_store %arg5[%swap3A_869], %swap3A_872 {strides = array<i32>} : memref<32768xf32, #tpu.memory_space<vmem>>, vector<16xf32>,
        %add3A_873 = arith.constant 64 : i32
        %add3A_874 = arith.addi %mul3A_848, %add3A_873 : i32
        %swap3A_875 = arith.index_cast %add3A_874 : i32 to index
        %swap3A_876 = tpu.vector_load %arg5[%swap3A_875] {strides = array<i32>} : memref<32768xf32, #tpu.memory_space<vmem>>, vector<16xf32>,
        %swap3A_877 = vector.shape_cast %swap3A_876 : vector<16xf32> to vector<16xf32>
        %swap3A_878 = vector.shape_cast %get3A_638 : vector<16xf32> to vector<16xf32>
        tpu.vector_store %arg5[%swap3A_875], %swap3A_878 {strides = array<i32>} : memref<32768xf32, #tpu.memory_space<vmem>>, vector<16xf32>,
        %add3A_879 = arith.constant 80 : i32
        %add3A_880 = arith.addi %mul3A_848, %add3A_879 : i32
        %swap3A_881 = arith.index_cast %add3A_880 : i32 to index
        %swap3A_882 = tpu.vector_load %arg5[%swap3A_881] {strides = array<i32>} : memref<32768xf32, #tpu.memory_space<vmem>>, vector<16xf32>,
        %swap3A_883 = vector.shape_cast %swap3A_882 : vector<16xf32> to vector<16xf32>
        %swap3A_884 = vector.shape_cast %get3A_644 : vector<16xf32> to vector<16xf32>
        tpu.vector_store %arg5[%swap3A_881], %swap3A_884 {strides = array<i32>} : memref<32768xf32, #tpu.memory_space<vmem>>, vector<16xf32>,
        %add3A_885 = arith.constant 96 : i32
        %add3A_886 = arith.addi %mul3A_848, %add3A_885 : i32
        %swap3A_887 = arith.index_cast %add3A_886 : i32 to index
        %swap3A_888 = tpu.vector_load %arg5[%swap3A_887] {strides = array<i32>} : memref<32768xf32, #tpu.memory_space<vmem>>, vector<16xf32>,
        %swap3A_889 = vector.shape_cast %swap3A_888 : vector<16xf32> to vector<16xf32>
        %swap3A_890 = vector.shape_cast %get3A_650 : vector<16xf32> to vector<16xf32>
        tpu.vector_store %arg5[%swap3A_887], %swap3A_890 {strides = array<i32>} : memref<32768xf32, #tpu.memory_space<vmem>>, vector<16xf32>,
        %add3A_891 = arith.constant 112 : i32
        %add3A_892 = arith.addi %mul3A_848, %add3A_891 : i32
        %swap3A_893 = arith.index_cast %add3A_892 : i32 to index
        %swap3A_894 = tpu.vector_load %arg5[%swap3A_893] {strides = array<i32>} : memref<32768xf32, #tpu.memory_space<vmem>>, vector<16xf32>,
        %swap3A_895 = vector.shape_cast %swap3A_894 : vector<16xf32> to vector<16xf32>
        %swap3A_896 = vector.shape_cast %get3A_656 : vector<16xf32> to vector<16xf32>
        tpu.vector_store %arg5[%swap3A_893], %swap3A_896 {strides = array<i32>} : memref<32768xf32, #tpu.memory_space<vmem>>, vector<16xf32>,
        %add3A_897 = arith.constant 128 : i32
        %add3A_898 = arith.addi %mul3A_848, %add3A_897 : i32
        %swap3A_899 = arith.index_cast %add3A_898 : i32 to index
        %swap3A_900 = tpu.vector_load %arg5[%swap3A_899] {strides = array<i32>} : memref<32768xf32, #tpu.memory_space<vmem>>, vector<16xf32>,
        %swap3A_901 = vector.shape_cast %swap3A_900 : vector<16xf32> to vector<16xf32>
        %swap3A_902 = vector.shape_cast %get3A_662 : vector<16xf32> to vector<16xf32>
        tpu.vector_store %arg5[%swap3A_899], %swap3A_902 {strides = array<i32>} : memref<32768xf32, #tpu.memory_space<vmem>>, vector<16xf32>,
        %add3A_903 = arith.constant 144 : i32
        %add3A_904 = arith.addi %mul3A_848, %add3A_903 : i32
        %swap3A_905 = arith.index_cast %add3A_904 : i32 to index
        %swap3A_906 = tpu.vector_load %arg5[%swap3A_905] {strides = array<i32>} : memref<32768xf32, #tpu.memory_space<vmem>>, vector<16xf32>,
        %swap3A_907 = vector.shape_cast %swap3A_906 : vector<16xf32> to vector<16xf32>
        %swap3A_908 = vector.shape_cast %get3A_668 : vector<16xf32> to vector<16xf32>
        tpu.vector_store %arg5[%swap3A_905], %swap3A_908 {strides = array<i32>} : memref<32768xf32, #tpu.memory_space<vmem>>, vector<16xf32>,
        %add3A_909 = arith.constant 160 : i32
        %add3A_910 = arith.addi %mul3A_848, %add3A_909 : i32
        %swap3A_911 = arith.index_cast %add3A_910 : i32 to index
        %swap3A_912 = tpu.vector_load %arg5[%swap3A_911] {strides = array<i32>} : memref<32768xf32, #tpu.memory_space<vmem>>, vector<16xf32>,
        %swap3A_913 = vector.shape_cast %swap3A_912 : vector<16xf32> to vector<16xf32>
        %swap3A_914 = vector.shape_cast %get3A_674 : vector<16xf32> to vector<16xf32>
        tpu.vector_store %arg5[%swap3A_911], %swap3A_914 {strides = array<i32>} : memref<32768xf32, #tpu.memory_space<vmem>>, vector<16xf32>,
        %add3A_915 = arith.constant 176 : i32
        %add3A_916 = arith.addi %mul3A_848, %add3A_915 : i32
        %swap3A_917 = arith.index_cast %add3A_916 : i32 to index
        %swap3A_918 = tpu.vector_load %arg5[%swap3A_917] {strides = array<i32>} : memref<32768xf32, #tpu.memory_space<vmem>>, vector<16xf32>,
        %swap3A_919 = vector.shape_cast %swap3A_918 : vector<16xf32> to vector<16xf32>
        %swap3A_920 = vector.shape_cast %get3A_680 : vector<16xf32> to vector<16xf32>
        tpu.vector_store %arg5[%swap3A_917], %swap3A_920 {strides = array<i32>} : memref<32768xf32, #tpu.memory_space<vmem>>, vector<16xf32>,
        %add3A_921 = arith.constant 192 : i32
        %add3A_922 = arith.addi %mul3A_848, %add3A_921 : i32
        %swap3A_923 = arith.index_cast %add3A_922 : i32 to index
        %swap3A_924 = tpu.vector_load %arg5[%swap3A_923] {strides = array<i32>} : memref<32768xf32, #tpu.memory_space<vmem>>, vector<16xf32>,
        %swap3A_925 = vector.shape_cast %swap3A_924 : vector<16xf32> to vector<16xf32>
        %swap3A_926 = vector.shape_cast %get3A_686 : vector<16xf32> to vector<16xf32>
        tpu.vector_store %arg5[%swap3A_923], %swap3A_926 {strides = array<i32>} : memref<32768xf32, #tpu.memory_space<vmem>>, vector<16xf32>,
        %add3A_927 = arith.constant 208 : i32
        %add3A_928 = arith.addi %mul3A_848, %add3A_927 : i32
        %swap3A_929 = arith.index_cast %add3A_928 : i32 to index
        %swap3A_930 = tpu.vector_load %arg5[%swap3A_929] {strides = array<i32>} : memref<32768xf32, #tpu.memory_space<vmem>>, vector<16xf32>,
        %swap3A_931 = vector.shape_cast %swap3A_930 : vector<16xf32> to vector<16xf32>
        %swap3A_932 = vector.shape_cast %get3A_692 : vector<16xf32> to vector<16xf32>
        tpu.vector_store %arg5[%swap3A_929], %swap3A_932 {strides = array<i32>} : memref<32768xf32, #tpu.memory_space<vmem>>, vector<16xf32>,
        %add3A_933 = arith.constant 224 : i32
        %add3A_934 = arith.addi %mul3A_848, %add3A_933 : i32
        %swap3A_935 = arith.index_cast %add3A_934 : i32 to index
        %swap3A_936 = tpu.vector_load %arg5[%swap3A_935] {strides = array<i32>} : memref<32768xf32, #tpu.memory_space<vmem>>, vector<16xf32>,
        %swap3A_937 = vector.shape_cast %swap3A_936 : vector<16xf32> to vector<16xf32>
        %swap3A_938 = vector.shape_cast %get3A_698 : vector<16xf32> to vector<16xf32>
        tpu.vector_store %arg5[%swap3A_935], %swap3A_938 {strides = array<i32>} : memref<32768xf32, #tpu.memory_space<vmem>>, vector<16xf32>,
        %add3A_939 = arith.constant 240 : i32
        %add3A_940 = arith.addi %mul3A_848, %add3A_939 : i32
        %swap3A_941 = arith.index_cast %add3A_940 : i32 to index
        %swap3A_942 = tpu.vector_load %arg5[%swap3A_941] {strides = array<i32>} : memref<32768xf32, #tpu.memory_space<vmem>>, vector<16xf32>,
        %swap3A_943 = vector.shape_cast %swap3A_942 : vector<16xf32> to vector<16xf32>
        %swap3A_944 = vector.shape_cast %get3A_704 : vector<16xf32> to vector<16xf32>
        tpu.vector_store %arg5[%swap3A_941], %swap3A_944 {strides = array<i32>} : memref<32768xf32, #tpu.memory_space<vmem>>, vector<16xf32>,
        %scan3A_945 = arith.constant 0 : i32
        %scan3A_946 = arith.constant 2 : i32
        %scan3A_947 = arith.addi %scan3A_278, %scan3A_946 : i32
        %sub3A_948 = arith.constant 63 : i32
        %sub3A_949 = arith.subi %sub3A_948, %scan3A_947 : i32
        %add3A_950 = arith.constant 0 : i32
        %add3A_951 = arith.addi %sub3A_140, %add3A_950 : i32
        %get3A_952 = arith.index_cast %add3A_951 : i32 to index
        %get3A_953 = arith.index_cast %sub3A_949 : i32 to index
        %get3A_954 = tpu.vector_load %arg4[%get3A_952, %get3A_953] {strides = array<i32>} : memref<48x79xf32, #tpu.memory_space<vmem>>, vector<1x16xf32>,
        %get3A_955 = vector.shape_cast %get3A_954 : vector<1x16xf32> to vector<16xf32>
        %add3A_956 = arith.constant 1 : i32
        %add3A_957 = arith.addi %sub3A_140, %add3A_956 : i32
        %get3A_958 = arith.index_cast %add3A_957 : i32 to index
        %get3A_959 = arith.index_cast %sub3A_949 : i32 to index
        %get3A_960 = tpu.vector_load %arg4[%get3A_958, %get3A_959] {strides = array<i32>} : memref<48x79xf32, #tpu.memory_space<vmem>>, vector<1x16xf32>,
        %get3A_961 = vector.shape_cast %get3A_960 : vector<1x16xf32> to vector<16xf32>
        %add3A_962 = arith.constant 2 : i32
        %add3A_963 = arith.addi %sub3A_140, %add3A_962 : i32
        %get3A_964 = arith.index_cast %add3A_963 : i32 to index
        %get3A_965 = arith.index_cast %sub3A_949 : i32 to index
        %get3A_966 = tpu.vector_load %arg4[%get3A_964, %get3A_965] {strides = array<i32>} : memref<48x79xf32, #tpu.memory_space<vmem>>, vector<1x16xf32>,
        %get3A_967 = vector.shape_cast %get3A_966 : vector<1x16xf32> to vector<16xf32>
        %add3A_968 = arith.constant 3 : i32
        %add3A_969 = arith.addi %sub3A_140, %add3A_968 : i32
        %get3A_970 = arith.index_cast %add3A_969 : i32 to index
        %get3A_971 = arith.index_cast %sub3A_949 : i32 to index
        %get3A_972 = tpu.vector_load %arg4[%get3A_970, %get3A_971] {strides = array<i32>} : memref<48x79xf32, #tpu.memory_space<vmem>>, vector<1x16xf32>,
        %get3A_973 = vector.shape_cast %get3A_972 : vector<1x16xf32> to vector<16xf32>
        %add3A_974 = arith.constant 4 : i32
        %add3A_975 = arith.addi %sub3A_140, %add3A_974 : i32
        %get3A_976 = arith.index_cast %add3A_975 : i32 to index
        %get3A_977 = arith.index_cast %sub3A_949 : i32 to index
        %get3A_978 = tpu.vector_load %arg4[%get3A_976, %get3A_977] {strides = array<i32>} : memref<48x79xf32, #tpu.memory_space<vmem>>, vector<1x16xf32>,
        %get3A_979 = vector.shape_cast %get3A_978 : vector<1x16xf32> to vector<16xf32>
        %add3A_980 = arith.constant 5 : i32
        %add3A_981 = arith.addi %sub3A_140, %add3A_980 : i32
        %get3A_982 = arith.index_cast %add3A_981 : i32 to index
        %get3A_983 = arith.index_cast %sub3A_949 : i32 to index
        %get3A_984 = tpu.vector_load %arg4[%get3A_982, %get3A_983] {strides = array<i32>} : memref<48x79xf32, #tpu.memory_space<vmem>>, vector<1x16xf32>,
        %get3A_985 = vector.shape_cast %get3A_984 : vector<1x16xf32> to vector<16xf32>
        %add3A_986 = arith.constant 6 : i32
        %add3A_987 = arith.addi %sub3A_140, %add3A_986 : i32
        %get3A_988 = arith.index_cast %add3A_987 : i32 to index
        %get3A_989 = arith.index_cast %sub3A_949 : i32 to index
        %get3A_990 = tpu.vector_load %arg4[%get3A_988, %get3A_989] {strides = array<i32>} : memref<48x79xf32, #tpu.memory_space<vmem>>, vector<1x16xf32>,
        %get3A_991 = vector.shape_cast %get3A_990 : vector<1x16xf32> to vector<16xf32>
        %add3A_992 = arith.constant 7 : i32
        %add3A_993 = arith.addi %sub3A_140, %add3A_992 : i32
        %get3A_994 = arith.index_cast %add3A_993 : i32 to index
        %get3A_995 = arith.index_cast %sub3A_949 : i32 to index
        %get3A_996 = tpu.vector_load %arg4[%get3A_994, %get3A_995] {strides = array<i32>} : memref<48x79xf32, #tpu.memory_space<vmem>>, vector<1x16xf32>,
        %get3A_997 = vector.shape_cast %get3A_996 : vector<1x16xf32> to vector<16xf32>
        %add3A_998 = arith.constant 8 : i32
        %add3A_999 = arith.addi %sub3A_140, %add3A_998 : i32
        %get3A_1000 = arith.index_cast %add3A_999 : i32 to index
        %get3A_1001 = arith.index_cast %sub3A_949 : i32 to index
        %get3A_1002 = tpu.vector_load %arg4[%get3A_1000, %get3A_1001] {strides = array<i32>} : memref<48x79xf32, #tpu.memory_space<vmem>>, vector<1x16xf32>,
        %get3A_1003 = vector.shape_cast %get3A_1002 : vector<1x16xf32> to vector<16xf32>
        %add3A_1004 = arith.constant 9 : i32
        %add3A_1005 = arith.addi %sub3A_140, %add3A_1004 : i32
        %get3A_1006 = arith.index_cast %add3A_1005 : i32 to index
        %get3A_1007 = arith.index_cast %sub3A_949 : i32 to index
        %get3A_1008 = tpu.vector_load %arg4[%get3A_1006, %get3A_1007] {strides = array<i32>} : memref<48x79xf32, #tpu.memory_space<vmem>>, vector<1x16xf32>,
        %get3A_1009 = vector.shape_cast %get3A_1008 : vector<1x16xf32> to vector<16xf32>
        %add3A_1010 = arith.constant 10 : i32
        %add3A_1011 = arith.addi %sub3A_140, %add3A_1010 : i32
        %get3A_1012 = arith.index_cast %add3A_1011 : i32 to index
        %get3A_1013 = arith.index_cast %sub3A_949 : i32 to index
        %get3A_1014 = tpu.vector_load %arg4[%get3A_1012, %get3A_1013] {strides = array<i32>} : memref<48x79xf32, #tpu.memory_space<vmem>>, vector<1x16xf32>,
        %get3A_1015 = vector.shape_cast %get3A_1014 : vector<1x16xf32> to vector<16xf32>
        %add3A_1016 = arith.constant 11 : i32
        %add3A_1017 = arith.addi %sub3A_140, %add3A_1016 : i32
        %get3A_1018 = arith.index_cast %add3A_1017 : i32 to index
        %get3A_1019 = arith.index_cast %sub3A_949 : i32 to index
        %get3A_1020 = tpu.vector_load %arg4[%get3A_1018, %get3A_1019] {strides = array<i32>} : memref<48x79xf32, #tpu.memory_space<vmem>>, vector<1x16xf32>,
        %get3A_1021 = vector.shape_cast %get3A_1020 : vector<1x16xf32> to vector<16xf32>
        %add3A_1022 = arith.constant 12 : i32
        %add3A_1023 = arith.addi %sub3A_140, %add3A_1022 : i32
        %get3A_1024 = arith.index_cast %add3A_1023 : i32 to index
        %get3A_1025 = arith.index_cast %sub3A_949 : i32 to index
        %get3A_1026 = tpu.vector_load %arg4[%get3A_1024, %get3A_1025] {strides = array<i32>} : memref<48x79xf32, #tpu.memory_space<vmem>>, vector<1x16xf32>,
        %get3A_1027 = vector.shape_cast %get3A_1026 : vector<1x16xf32> to vector<16xf32>
        %add3A_1028 = arith.constant 13 : i32
        %add3A_1029 = arith.addi %sub3A_140, %add3A_1028 : i32
        %get3A_1030 = arith.index_cast %add3A_1029 : i32 to index
        %get3A_1031 = arith.index_cast %sub3A_949 : i32 to index
        %get3A_1032 = tpu.vector_load %arg4[%get3A_1030, %get3A_1031] {strides = array<i32>} : memref<48x79xf32, #tpu.memory_space<vmem>>, vector<1x16xf32>,
        %get3A_1033 = vector.shape_cast %get3A_1032 : vector<1x16xf32> to vector<16xf32>
        %add3A_1034 = arith.constant 14 : i32
        %add3A_1035 = arith.addi %sub3A_140, %add3A_1034 : i32
        %get3A_1036 = arith.index_cast %add3A_1035 : i32 to index
        %get3A_1037 = arith.index_cast %sub3A_949 : i32 to index
        %get3A_1038 = tpu.vector_load %arg4[%get3A_1036, %get3A_1037] {strides = array<i32>} : memref<48x79xf32, #tpu.memory_space<vmem>>, vector<1x16xf32>,
        %get3A_1039 = vector.shape_cast %get3A_1038 : vector<1x16xf32> to vector<16xf32>
        %add3A_1040 = arith.constant 15 : i32
        %add3A_1041 = arith.addi %sub3A_140, %add3A_1040 : i32
        %get3A_1042 = arith.index_cast %add3A_1041 : i32 to index
        %get3A_1043 = arith.index_cast %sub3A_949 : i32 to index
        %get3A_1044 = tpu.vector_load %arg4[%get3A_1042, %get3A_1043] {strides = array<i32>} : memref<48x79xf32, #tpu.memory_space<vmem>>, vector<1x16xf32>,
        %get3A_1045 = vector.shape_cast %get3A_1044 : vector<1x16xf32> to vector<16xf32>
        %mul3A_1046 = arith.constant 256 : i32
        %mul3A_1047 = arith.muli %scan3A_947, %mul3A_1046 : i32
        %add3A_1048 = arith.constant 0 : i32
        %add3A_1049 = arith.addi %mul3A_1047, %add3A_1048 : i32
        %swap3A_1050 = arith.index_cast %add3A_1049 : i32 to index
        %swap3A_1051 = tpu.vector_load %arg5[%swap3A_1050] {strides = array<i32>} : memref<32768xf32, #tpu.memory_space<vmem>>, vector<16xf32>,
        %swap3A_1052 = vector.shape_cast %swap3A_1051 : vector<16xf32> to vector<16xf32>
        %swap3A_1053 = vector.shape_cast %get3A_955 : vector<16xf32> to vector<16xf32>
        tpu.vector_store %arg5[%swap3A_1050], %swap3A_1053 {strides = array<i32>} : memref<32768xf32, #tpu.memory_space<vmem>>, vector<16xf32>,
        %mul3A_1054 = arith.constant 256 : i32
        %mul3A_1055 = arith.muli %scan3A_947, %mul3A_1054 : i32
        %add3A_1056 = arith.constant 16 : i32
        %add3A_1057 = arith.addi %mul3A_1055, %add3A_1056 : i32
        %swap3A_1058 = arith.index_cast %add3A_1057 : i32 to index
        %swap3A_1059 = tpu.vector_load %arg5[%swap3A_1058] {strides = array<i32>} : memref<32768xf32, #tpu.memory_space<vmem>>, vector<16xf32>,
        %swap3A_1060 = vector.shape_cast %swap3A_1059 : vector<16xf32> to vector<16xf32>
        %swap3A_1061 = vector.shape_cast %get3A_961 : vector<16xf32> to vector<16xf32>
        tpu.vector_store %arg5[%swap3A_1058], %swap3A_1061 {strides = array<i32>} : memref<32768xf32, #tpu.memory_space<vmem>>, vector<16xf32>,
        %mul3A_1062 = arith.constant 256 : i32
        %mul3A_1063 = arith.muli %scan3A_947, %mul3A_1062 : i32
        %add3A_1064 = arith.constant 32 : i32
        %add3A_1065 = arith.addi %mul3A_1063, %add3A_1064 : i32
        %swap3A_1066 = arith.index_cast %add3A_1065 : i32 to index
        %swap3A_1067 = tpu.vector_load %arg5[%swap3A_1066] {strides = array<i32>} : memref<32768xf32, #tpu.memory_space<vmem>>, vector<16xf32>,
        %swap3A_1068 = vector.shape_cast %swap3A_1067 : vector<16xf32> to vector<16xf32>
        %swap3A_1069 = vector.shape_cast %get3A_967 : vector<16xf32> to vector<16xf32>
        tpu.vector_store %arg5[%swap3A_1066], %swap3A_1069 {strides = array<i32>} : memref<32768xf32, #tpu.memory_space<vmem>>, vector<16xf32>,
        %mul3A_1070 = arith.constant 256 : i32
        %mul3A_1071 = arith.muli %scan3A_947, %mul3A_1070 : i32
        %add3A_1072 = arith.constant 48 : i32
        %add3A_1073 = arith.addi %mul3A_1071, %add3A_1072 : i32
        %swap3A_1074 = arith.index_cast %add3A_1073 : i32 to index
        %swap3A_1075 = tpu.vector_load %arg5[%swap3A_1074] {strides = array<i32>} : memref<32768xf32, #tpu.memory_space<vmem>>, vector<16xf32>,
        %swap3A_1076 = vector.shape_cast %swap3A_1075 : vector<16xf32> to vector<16xf32>
        %swap3A_1077 = vector.shape_cast %get3A_973 : vector<16xf32> to vector<16xf32>
        tpu.vector_store %arg5[%swap3A_1074], %swap3A_1077 {strides = array<i32>} : memref<32768xf32, #tpu.memory_space<vmem>>, vector<16xf32>,
        %mul3A_1078 = arith.constant 256 : i32
        %mul3A_1079 = arith.muli %scan3A_947, %mul3A_1078 : i32
        %add3A_1080 = arith.constant 64 : i32
        %add3A_1081 = arith.addi %mul3A_1079, %add3A_1080 : i32
        %swap3A_1082 = arith.index_cast %add3A_1081 : i32 to index
        %swap3A_1083 = tpu.vector_load %arg5[%swap3A_1082] {strides = array<i32>} : memref<32768xf32, #tpu.memory_space<vmem>>, vector<16xf32>,
        %swap3A_1084 = vector.shape_cast %swap3A_1083 : vector<16xf32> to vector<16xf32>
        %swap3A_1085 = vector.shape_cast %get3A_979 : vector<16xf32> to vector<16xf32>
        tpu.vector_store %arg5[%swap3A_1082], %swap3A_1085 {strides = array<i32>} : memref<32768xf32, #tpu.memory_space<vmem>>, vector<16xf32>,
        %mul3A_1086 = arith.constant 256 : i32
        %mul3A_1087 = arith.muli %scan3A_947, %mul3A_1086 : i32
        %add3A_1088 = arith.constant 80 : i32
        %add3A_1089 = arith.addi %mul3A_1087, %add3A_1088 : i32
        %swap3A_1090 = arith.index_cast %add3A_1089 : i32 to index
        %swap3A_1091 = tpu.vector_load %arg5[%swap3A_1090] {strides = array<i32>} : memref<32768xf32, #tpu.memory_space<vmem>>, vector<16xf32>,
        %swap3A_1092 = vector.shape_cast %swap3A_1091 : vector<16xf32> to vector<16xf32>
        %swap3A_1093 = vector.shape_cast %get3A_985 : vector<16xf32> to vector<16xf32>
        tpu.vector_store %arg5[%swap3A_1090], %swap3A_1093 {strides = array<i32>} : memref<32768xf32, #tpu.memory_space<vmem>>, vector<16xf32>,
        %mul3A_1094 = arith.constant 256 : i32
        %mul3A_1095 = arith.muli %scan3A_947, %mul3A_1094 : i32
        %add3A_1096 = arith.constant 96 : i32
        %add3A_1097 = arith.addi %mul3A_1095, %add3A_1096 : i32
        %swap3A_1098 = arith.index_cast %add3A_1097 : i32 to index
        %swap3A_1099 = tpu.vector_load %arg5[%swap3A_1098] {strides = array<i32>} : memref<32768xf32, #tpu.memory_space<vmem>>, vector<16xf32>,
        %swap3A_1100 = vector.shape_cast %swap3A_1099 : vector<16xf32> to vector<16xf32>
        %swap3A_1101 = vector.shape_cast %get3A_991 : vector<16xf32> to vector<16xf32>
        tpu.vector_store %arg5[%swap3A_1098], %swap3A_1101 {strides = array<i32>} : memref<32768xf32, #tpu.memory_space<vmem>>, vector<16xf32>,
        %mul3A_1102 = arith.constant 256 : i32
        %mul3A_1103 = arith.muli %scan3A_947, %mul3A_1102 : i32
        %add3A_1104 = arith.constant 112 : i32
        %add3A_1105 = arith.addi %mul3A_1103, %add3A_1104 : i32
        %swap3A_1106 = arith.index_cast %add3A_1105 : i32 to index
        %swap3A_1107 = tpu.vector_load %arg5[%swap3A_1106] {strides = array<i32>} : memref<32768xf32, #tpu.memory_space<vmem>>, vector<16xf32>,
        %swap3A_1108 = vector.shape_cast %swap3A_1107 : vector<16xf32> to vector<16xf32>
        %swap3A_1109 = vector.shape_cast %get3A_997 : vector<16xf32> to vector<16xf32>
        tpu.vector_store %arg5[%swap3A_1106], %swap3A_1109 {strides = array<i32>} : memref<32768xf32, #tpu.memory_space<vmem>>, vector<16xf32>,
        %mul3A_1110 = arith.constant 256 : i32
        %mul3A_1111 = arith.muli %scan3A_947, %mul3A_1110 : i32
        %add3A_1112 = arith.constant 128 : i32
        %add3A_1113 = arith.addi %mul3A_1111, %add3A_1112 : i32
        %swap3A_1114 = arith.index_cast %add3A_1113 : i32 to index
        %swap3A_1115 = tpu.vector_load %arg5[%swap3A_1114] {strides = array<i32>} : memref<32768xf32, #tpu.memory_space<vmem>>, vector<16xf32>,
        %swap3A_1116 = vector.shape_cast %swap3A_1115 : vector<16xf32> to vector<16xf32>
        %swap3A_1117 = vector.shape_cast %get3A_1003 : vector<16xf32> to vector<16xf32>
        tpu.vector_store %arg5[%swap3A_1114], %swap3A_1117 {strides = array<i32>} : memref<32768xf32, #tpu.memory_space<vmem>>, vector<16xf32>,
        %mul3A_1118 = arith.constant 256 : i32
        %mul3A_1119 = arith.muli %scan3A_947, %mul3A_1118 : i32
        %add3A_1120 = arith.constant 144 : i32
        %add3A_1121 = arith.addi %mul3A_1119, %add3A_1120 : i32
        %swap3A_1122 = arith.index_cast %add3A_1121 : i32 to index
        %swap3A_1123 = tpu.vector_load %arg5[%swap3A_1122] {strides = array<i32>} : memref<32768xf32, #tpu.memory_space<vmem>>, vector<16xf32>,
        %swap3A_1124 = vector.shape_cast %swap3A_1123 : vector<16xf32> to vector<16xf32>
        %swap3A_1125 = vector.shape_cast %get3A_1009 : vector<16xf32> to vector<16xf32>
        tpu.vector_store %arg5[%swap3A_1122], %swap3A_1125 {strides = array<i32>} : memref<32768xf32, #tpu.memory_space<vmem>>, vector<16xf32>,
        %mul3A_1126 = arith.constant 256 : i32
        %mul3A_1127 = arith.muli %scan3A_947, %mul3A_1126 : i32
        %add3A_1128 = arith.constant 160 : i32
        %add3A_1129 = arith.addi %mul3A_1127, %add3A_1128 : i32
        %swap3A_1130 = arith.index_cast %add3A_1129 : i32 to index
        %swap3A_1131 = tpu.vector_load %arg5[%swap3A_1130] {strides = array<i32>} : memref<32768xf32, #tpu.memory_space<vmem>>, vector<16xf32>,
        %swap3A_1132 = vector.shape_cast %swap3A_1131 : vector<16xf32> to vector<16xf32>
        %swap3A_1133 = vector.shape_cast %get3A_1015 : vector<16xf32> to vector<16xf32>
        tpu.vector_store %arg5[%swap3A_1130], %swap3A_1133 {strides = array<i32>} : memref<32768xf32, #tpu.memory_space<vmem>>, vector<16xf32>,
        %mul3A_1134 = arith.constant 256 : i32
        %mul3A_1135 = arith.muli %scan3A_947, %mul3A_1134 : i32
        %add3A_1136 = arith.constant 176 : i32
        %add3A_1137 = arith.addi %mul3A_1135, %add3A_1136 : i32
        %swap3A_1138 = arith.index_cast %add3A_1137 : i32 to index
        %swap3A_1139 = tpu.vector_load %arg5[%swap3A_1138] {strides = array<i32>} : memref<32768xf32, #tpu.memory_space<vmem>>, vector<16xf32>,
        %swap3A_1140 = vector.shape_cast %swap3A_1139 : vector<16xf32> to vector<16xf32>
        %swap3A_1141 = vector.shape_cast %get3A_1021 : vector<16xf32> to vector<16xf32>
        tpu.vector_store %arg5[%swap3A_1138], %swap3A_1141 {strides = array<i32>} : memref<32768xf32, #tpu.memory_space<vmem>>, vector<16xf32>,
        %mul3A_1142 = arith.constant 256 : i32
        %mul3A_1143 = arith.muli %scan3A_947, %mul3A_1142 : i32
        %add3A_1144 = arith.constant 192 : i32
        %add3A_1145 = arith.addi %mul3A_1143, %add3A_1144 : i32
        %swap3A_1146 = arith.index_cast %add3A_1145 : i32 to index
        %swap3A_1147 = tpu.vector_load %arg5[%swap3A_1146] {strides = array<i32>} : memref<32768xf32, #tpu.memory_space<vmem>>, vector<16xf32>,
        %swap3A_1148 = vector.shape_cast %swap3A_1147 : vector<16xf32> to vector<16xf32>
        %swap3A_1149 = vector.shape_cast %get3A_1027 : vector<16xf32> to vector<16xf32>
        tpu.vector_store %arg5[%swap3A_1146], %swap3A_1149 {strides = array<i32>} : memref<32768xf32, #tpu.memory_space<vmem>>, vector<16xf32>,
        %mul3A_1150 = arith.constant 256 : i32
        %mul3A_1151 = arith.muli %scan3A_947, %mul3A_1150 : i32
        %add3A_1152 = arith.constant 208 : i32
        %add3A_1153 = arith.addi %mul3A_1151, %add3A_1152 : i32
        %swap3A_1154 = arith.index_cast %add3A_1153 : i32 to index
        %swap3A_1155 = tpu.vector_load %arg5[%swap3A_1154] {strides = array<i32>} : memref<32768xf32, #tpu.memory_space<vmem>>, vector<16xf32>,
        %swap3A_1156 = vector.shape_cast %swap3A_1155 : vector<16xf32> to vector<16xf32>
        %swap3A_1157 = vector.shape_cast %get3A_1033 : vector<16xf32> to vector<16xf32>
        tpu.vector_store %arg5[%swap3A_1154], %swap3A_1157 {strides = array<i32>} : memref<32768xf32, #tpu.memory_space<vmem>>, vector<16xf32>,
        %mul3A_1158 = arith.constant 256 : i32
        %mul3A_1159 = arith.muli %scan3A_947, %mul3A_1158 : i32
        %add3A_1160 = arith.constant 224 : i32
        %add3A_1161 = arith.addi %mul3A_1159, %add3A_1160 : i32
        %swap3A_1162 = arith.index_cast %add3A_1161 : i32 to index
        %swap3A_1163 = tpu.vector_load %arg5[%swap3A_1162] {strides = array<i32>} : memref<32768xf32, #tpu.memory_space<vmem>>, vector<16xf32>,
        %swap3A_1164 = vector.shape_cast %swap3A_1163 : vector<16xf32> to vector<16xf32>
        %swap3A_1165 = vector.shape_cast %get3A_1039 : vector<16xf32> to vector<16xf32>
        tpu.vector_store %arg5[%swap3A_1162], %swap3A_1165 {strides = array<i32>} : memref<32768xf32, #tpu.memory_space<vmem>>, vector<16xf32>,
        %mul3A_1166 = arith.constant 256 : i32
        %mul3A_1167 = arith.muli %scan3A_947, %mul3A_1166 : i32
        %add3A_1168 = arith.constant 240 : i32
        %add3A_1169 = arith.addi %mul3A_1167, %add3A_1168 : i32
        %swap3A_1170 = arith.index_cast %add3A_1169 : i32 to index
        %swap3A_1171 = tpu.vector_load %arg5[%swap3A_1170] {strides = array<i32>} : memref<32768xf32, #tpu.memory_space<vmem>>, vector<16xf32>,
        %swap3A_1172 = vector.shape_cast %swap3A_1171 : vector<16xf32> to vector<16xf32>
        %swap3A_1173 = vector.shape_cast %get3A_1045 : vector<16xf32> to vector<16xf32>
        tpu.vector_store %arg5[%swap3A_1170], %swap3A_1173 {strides = array<i32>} : memref<32768xf32, #tpu.memory_space<vmem>>, vector<16xf32>,
        %sub3A_1174 = arith.constant 1 : i32
        %sub3A_1175 = arith.subi %sub3A_140, %sub3A_1174 : i32
        %get3A_1176 = arith.index_cast %sub3A_1175 : i32 to index
        %get3A_1177 = arith.index_cast %sub3A_949 : i32 to index
        %get3A_1178 = tpu.vector_load %arg4[%get3A_1176, %get3A_1177] {strides = array<i32>} : memref<48x79xf32, #tpu.memory_space<vmem>>, vector<1x16xf32>,
        %get3A_1179 = vector.shape_cast %get3A_1178 : vector<1x16xf32> to vector<16xf32>
        %add3A_1180 = arith.constant 64 : i32
        %add3A_1181 = arith.addi %add3A_1180, %scan3A_947 : i32
        %mul3A_1182 = arith.constant 256 : i32
        %mul3A_1183 = arith.muli %add3A_1181, %mul3A_1182 : i32
        %add3A_1184 = arith.constant 0 : i32
        %add3A_1185 = arith.addi %mul3A_1183, %add3A_1184 : i32
        %swap3A_1186 = arith.index_cast %add3A_1185 : i32 to index
        %swap3A_1187 = tpu.vector_load %arg5[%swap3A_1186] {strides = array<i32>} : memref<32768xf32, #tpu.memory_space<vmem>>, vector<16xf32>,
        %swap3A_1188 = vector.shape_cast %swap3A_1187 : vector<16xf32> to vector<16xf32>
        %swap3A_1189 = vector.shape_cast %get3A_1179 : vector<16xf32> to vector<16xf32>
        tpu.vector_store %arg5[%swap3A_1186], %swap3A_1189 {strides = array<i32>} : memref<32768xf32, #tpu.memory_space<vmem>>, vector<16xf32>,
        %add3A_1190 = arith.constant 16 : i32
        %add3A_1191 = arith.addi %mul3A_1183, %add3A_1190 : i32
        %swap3A_1192 = arith.index_cast %add3A_1191 : i32 to index
        %swap3A_1193 = tpu.vector_load %arg5[%swap3A_1192] {strides = array<i32>} : memref<32768xf32, #tpu.memory_space<vmem>>, vector<16xf32>,
        %swap3A_1194 = vector.shape_cast %swap3A_1193 : vector<16xf32> to vector<16xf32>
        %swap3A_1195 = vector.shape_cast %get3A_955 : vector<16xf32> to vector<16xf32>
        tpu.vector_store %arg5[%swap3A_1192], %swap3A_1195 {strides = array<i32>} : memref<32768xf32, #tpu.memory_space<vmem>>, vector<16xf32>,
        %add3A_1196 = arith.constant 32 : i32
        %add3A_1197 = arith.addi %mul3A_1183, %add3A_1196 : i32
        %swap3A_1198 = arith.index_cast %add3A_1197 : i32 to index
        %swap3A_1199 = tpu.vector_load %arg5[%swap3A_1198] {strides = array<i32>} : memref<32768xf32, #tpu.memory_space<vmem>>, vector<16xf32>,
        %swap3A_1200 = vector.shape_cast %swap3A_1199 : vector<16xf32> to vector<16xf32>
        %swap3A_1201 = vector.shape_cast %get3A_961 : vector<16xf32> to vector<16xf32>
        tpu.vector_store %arg5[%swap3A_1198], %swap3A_1201 {strides = array<i32>} : memref<32768xf32, #tpu.memory_space<vmem>>, vector<16xf32>,
        %add3A_1202 = arith.constant 48 : i32
        %add3A_1203 = arith.addi %mul3A_1183, %add3A_1202 : i32
        %swap3A_1204 = arith.index_cast %add3A_1203 : i32 to index
        %swap3A_1205 = tpu.vector_load %arg5[%swap3A_1204] {strides = array<i32>} : memref<32768xf32, #tpu.memory_space<vmem>>, vector<16xf32>,
        %swap3A_1206 = vector.shape_cast %swap3A_1205 : vector<16xf32> to vector<16xf32>
        %swap3A_1207 = vector.shape_cast %get3A_967 : vector<16xf32> to vector<16xf32>
        tpu.vector_store %arg5[%swap3A_1204], %swap3A_1207 {strides = array<i32>} : memref<32768xf32, #tpu.memory_space<vmem>>, vector<16xf32>,
        %add3A_1208 = arith.constant 64 : i32
        %add3A_1209 = arith.addi %mul3A_1183, %add3A_1208 : i32
        %swap3A_1210 = arith.index_cast %add3A_1209 : i32 to index
        %swap3A_1211 = tpu.vector_load %arg5[%swap3A_1210] {strides = array<i32>} : memref<32768xf32, #tpu.memory_space<vmem>>, vector<16xf32>,
        %swap3A_1212 = vector.shape_cast %swap3A_1211 : vector<16xf32> to vector<16xf32>
        %swap3A_1213 = vector.shape_cast %get3A_973 : vector<16xf32> to vector<16xf32>
        tpu.vector_store %arg5[%swap3A_1210], %swap3A_1213 {strides = array<i32>} : memref<32768xf32, #tpu.memory_space<vmem>>, vector<16xf32>,
        %add3A_1214 = arith.constant 80 : i32
        %add3A_1215 = arith.addi %mul3A_1183, %add3A_1214 : i32
        %swap3A_1216 = arith.index_cast %add3A_1215 : i32 to index
        %swap3A_1217 = tpu.vector_load %arg5[%swap3A_1216] {strides = array<i32>} : memref<32768xf32, #tpu.memory_space<vmem>>, vector<16xf32>,
        %swap3A_1218 = vector.shape_cast %swap3A_1217 : vector<16xf32> to vector<16xf32>
        %swap3A_1219 = vector.shape_cast %get3A_979 : vector<16xf32> to vector<16xf32>
        tpu.vector_store %arg5[%swap3A_1216], %swap3A_1219 {strides = array<i32>} : memref<32768xf32, #tpu.memory_space<vmem>>, vector<16xf32>,
        %add3A_1220 = arith.constant 96 : i32
        %add3A_1221 = arith.addi %mul3A_1183, %add3A_1220 : i32
        %swap3A_1222 = arith.index_cast %add3A_1221 : i32 to index
        %swap3A_1223 = tpu.vector_load %arg5[%swap3A_1222] {strides = array<i32>} : memref<32768xf32, #tpu.memory_space<vmem>>, vector<16xf32>,
        %swap3A_1224 = vector.shape_cast %swap3A_1223 : vector<16xf32> to vector<16xf32>
        %swap3A_1225 = vector.shape_cast %get3A_985 : vector<16xf32> to vector<16xf32>
        tpu.vector_store %arg5[%swap3A_1222], %swap3A_1225 {strides = array<i32>} : memref<32768xf32, #tpu.memory_space<vmem>>, vector<16xf32>,
        %add3A_1226 = arith.constant 112 : i32
        %add3A_1227 = arith.addi %mul3A_1183, %add3A_1226 : i32
        %swap3A_1228 = arith.index_cast %add3A_1227 : i32 to index
        %swap3A_1229 = tpu.vector_load %arg5[%swap3A_1228] {strides = array<i32>} : memref<32768xf32, #tpu.memory_space<vmem>>, vector<16xf32>,
        %swap3A_1230 = vector.shape_cast %swap3A_1229 : vector<16xf32> to vector<16xf32>
        %swap3A_1231 = vector.shape_cast %get3A_991 : vector<16xf32> to vector<16xf32>
        tpu.vector_store %arg5[%swap3A_1228], %swap3A_1231 {strides = array<i32>} : memref<32768xf32, #tpu.memory_space<vmem>>, vector<16xf32>,
        %add3A_1232 = arith.constant 128 : i32
        %add3A_1233 = arith.addi %mul3A_1183, %add3A_1232 : i32
        %swap3A_1234 = arith.index_cast %add3A_1233 : i32 to index
        %swap3A_1235 = tpu.vector_load %arg5[%swap3A_1234] {strides = array<i32>} : memref<32768xf32, #tpu.memory_space<vmem>>, vector<16xf32>,
        %swap3A_1236 = vector.shape_cast %swap3A_1235 : vector<16xf32> to vector<16xf32>
        %swap3A_1237 = vector.shape_cast %get3A_997 : vector<16xf32> to vector<16xf32>
        tpu.vector_store %arg5[%swap3A_1234], %swap3A_1237 {strides = array<i32>} : memref<32768xf32, #tpu.memory_space<vmem>>, vector<16xf32>,
        %add3A_1238 = arith.constant 144 : i32
        %add3A_1239 = arith.addi %mul3A_1183, %add3A_1238 : i32
        %swap3A_1240 = arith.index_cast %add3A_1239 : i32 to index
        %swap3A_1241 = tpu.vector_load %arg5[%swap3A_1240] {strides = array<i32>} : memref<32768xf32, #tpu.memory_space<vmem>>, vector<16xf32>,
        %swap3A_1242 = vector.shape_cast %swap3A_1241 : vector<16xf32> to vector<16xf32>
        %swap3A_1243 = vector.shape_cast %get3A_1003 : vector<16xf32> to vector<16xf32>
        tpu.vector_store %arg5[%swap3A_1240], %swap3A_1243 {strides = array<i32>} : memref<32768xf32, #tpu.memory_space<vmem>>, vector<16xf32>,
        %add3A_1244 = arith.constant 160 : i32
        %add3A_1245 = arith.addi %mul3A_1183, %add3A_1244 : i32
        %swap3A_1246 = arith.index_cast %add3A_1245 : i32 to index
        %swap3A_1247 = tpu.vector_load %arg5[%swap3A_1246] {strides = array<i32>} : memref<32768xf32, #tpu.memory_space<vmem>>, vector<16xf32>,
        %swap3A_1248 = vector.shape_cast %swap3A_1247 : vector<16xf32> to vector<16xf32>
        %swap3A_1249 = vector.shape_cast %get3A_1009 : vector<16xf32> to vector<16xf32>
        tpu.vector_store %arg5[%swap3A_1246], %swap3A_1249 {strides = array<i32>} : memref<32768xf32, #tpu.memory_space<vmem>>, vector<16xf32>,
        %add3A_1250 = arith.constant 176 : i32
        %add3A_1251 = arith.addi %mul3A_1183, %add3A_1250 : i32
        %swap3A_1252 = arith.index_cast %add3A_1251 : i32 to index
        %swap3A_1253 = tpu.vector_load %arg5[%swap3A_1252] {strides = array<i32>} : memref<32768xf32, #tpu.memory_space<vmem>>, vector<16xf32>,
        %swap3A_1254 = vector.shape_cast %swap3A_1253 : vector<16xf32> to vector<16xf32>
        %swap3A_1255 = vector.shape_cast %get3A_1015 : vector<16xf32> to vector<16xf32>
        tpu.vector_store %arg5[%swap3A_1252], %swap3A_1255 {strides = array<i32>} : memref<32768xf32, #tpu.memory_space<vmem>>, vector<16xf32>,
        %add3A_1256 = arith.constant 192 : i32
        %add3A_1257 = arith.addi %mul3A_1183, %add3A_1256 : i32
        %swap3A_1258 = arith.index_cast %add3A_1257 : i32 to index
        %swap3A_1259 = tpu.vector_load %arg5[%swap3A_1258] {strides = array<i32>} : memref<32768xf32, #tpu.memory_space<vmem>>, vector<16xf32>,
        %swap3A_1260 = vector.shape_cast %swap3A_1259 : vector<16xf32> to vector<16xf32>
        %swap3A_1261 = vector.shape_cast %get3A_1021 : vector<16xf32> to vector<16xf32>
        tpu.vector_store %arg5[%swap3A_1258], %swap3A_1261 {strides = array<i32>} : memref<32768xf32, #tpu.memory_space<vmem>>, vector<16xf32>,
        %add3A_1262 = arith.constant 208 : i32
        %add3A_1263 = arith.addi %mul3A_1183, %add3A_1262 : i32
        %swap3A_1264 = arith.index_cast %add3A_1263 : i32 to index
        %swap3A_1265 = tpu.vector_load %arg5[%swap3A_1264] {strides = array<i32>} : memref<32768xf32, #tpu.memory_space<vmem>>, vector<16xf32>,
        %swap3A_1266 = vector.shape_cast %swap3A_1265 : vector<16xf32> to vector<16xf32>
        %swap3A_1267 = vector.shape_cast %get3A_1027 : vector<16xf32> to vector<16xf32>
        tpu.vector_store %arg5[%swap3A_1264], %swap3A_1267 {strides = array<i32>} : memref<32768xf32, #tpu.memory_space<vmem>>, vector<16xf32>,
        %add3A_1268 = arith.constant 224 : i32
        %add3A_1269 = arith.addi %mul3A_1183, %add3A_1268 : i32
        %swap3A_1270 = arith.index_cast %add3A_1269 : i32 to index
        %swap3A_1271 = tpu.vector_load %arg5[%swap3A_1270] {strides = array<i32>} : memref<32768xf32, #tpu.memory_space<vmem>>, vector<16xf32>,
        %swap3A_1272 = vector.shape_cast %swap3A_1271 : vector<16xf32> to vector<16xf32>
        %swap3A_1273 = vector.shape_cast %get3A_1033 : vector<16xf32> to vector<16xf32>
        tpu.vector_store %arg5[%swap3A_1270], %swap3A_1273 {strides = array<i32>} : memref<32768xf32, #tpu.memory_space<vmem>>, vector<16xf32>,
        %add3A_1274 = arith.constant 240 : i32
        %add3A_1275 = arith.addi %mul3A_1183, %add3A_1274 : i32
        %swap3A_1276 = arith.index_cast %add3A_1275 : i32 to index
        %swap3A_1277 = tpu.vector_load %arg5[%swap3A_1276] {strides = array<i32>} : memref<32768xf32, #tpu.memory_space<vmem>>, vector<16xf32>,
        %swap3A_1278 = vector.shape_cast %swap3A_1277 : vector<16xf32> to vector<16xf32>
        %swap3A_1279 = vector.shape_cast %get3A_1039 : vector<16xf32> to vector<16xf32>
        tpu.vector_store %arg5[%swap3A_1276], %swap3A_1279 {strides = array<i32>} : memref<32768xf32, #tpu.memory_space<vmem>>, vector<16xf32>,
        %scan3A_1280 = arith.constant 0 : i32
        %scan3A_1281 = arith.constant 3 : i32
        %scan3A_1282 = arith.addi %scan3A_278, %scan3A_1281 : i32
        %sub3A_1283 = arith.constant 63 : i32
        %sub3A_1284 = arith.subi %sub3A_1283, %scan3A_1282 : i32
        %add3A_1285 = arith.constant 0 : i32
        %add3A_1286 = arith.addi %sub3A_140, %add3A_1285 : i32
        %get3A_1287 = arith.index_cast %add3A_1286 : i32 to index
        %get3A_1288 = arith.index_cast %sub3A_1284 : i32 to index
        %get3A_1289 = tpu.vector_load %arg4[%get3A_1287, %get3A_1288] {strides = array<i32>} : memref<48x79xf32, #tpu.memory_space<vmem>>, vector<1x16xf32>,
        %get3A_1290 = vector.shape_cast %get3A_1289 : vector<1x16xf32> to vector<16xf32>
        %add3A_1291 = arith.constant 1 : i32
        %add3A_1292 = arith.addi %sub3A_140, %add3A_1291 : i32
        %get3A_1293 = arith.index_cast %add3A_1292 : i32 to index
        %get3A_1294 = arith.index_cast %sub3A_1284 : i32 to index
        %get3A_1295 = tpu.vector_load %arg4[%get3A_1293, %get3A_1294] {strides = array<i32>} : memref<48x79xf32, #tpu.memory_space<vmem>>, vector<1x16xf32>,
        %get3A_1296 = vector.shape_cast %get3A_1295 : vector<1x16xf32> to vector<16xf32>
        %add3A_1297 = arith.constant 2 : i32
        %add3A_1298 = arith.addi %sub3A_140, %add3A_1297 : i32
        %get3A_1299 = arith.index_cast %add3A_1298 : i32 to index
        %get3A_1300 = arith.index_cast %sub3A_1284 : i32 to index
        %get3A_1301 = tpu.vector_load %arg4[%get3A_1299, %get3A_1300] {strides = array<i32>} : memref<48x79xf32, #tpu.memory_space<vmem>>, vector<1x16xf32>,
        %get3A_1302 = vector.shape_cast %get3A_1301 : vector<1x16xf32> to vector<16xf32>
        %add3A_1303 = arith.constant 3 : i32
        %add3A_1304 = arith.addi %sub3A_140, %add3A_1303 : i32
        %get3A_1305 = arith.index_cast %add3A_1304 : i32 to index
        %get3A_1306 = arith.index_cast %sub3A_1284 : i32 to index
        %get3A_1307 = tpu.vector_load %arg4[%get3A_1305, %get3A_1306] {strides = array<i32>} : memref<48x79xf32, #tpu.memory_space<vmem>>, vector<1x16xf32>,
        %get3A_1308 = vector.shape_cast %get3A_1307 : vector<1x16xf32> to vector<16xf32>
        %add3A_1309 = arith.constant 4 : i32
        %add3A_1310 = arith.addi %sub3A_140, %add3A_1309 : i32
        %get3A_1311 = arith.index_cast %add3A_1310 : i32 to index
        %get3A_1312 = arith.index_cast %sub3A_1284 : i32 to index
        %get3A_1313 = tpu.vector_load %arg4[%get3A_1311, %get3A_1312] {strides = array<i32>} : memref<48x79xf32, #tpu.memory_space<vmem>>, vector<1x16xf32>,
        %get3A_1314 = vector.shape_cast %get3A_1313 : vector<1x16xf32> to vector<16xf32>
        %add3A_1315 = arith.constant 5 : i32
        %add3A_1316 = arith.addi %sub3A_140, %add3A_1315 : i32
        %get3A_1317 = arith.index_cast %add3A_1316 : i32 to index
        %get3A_1318 = arith.index_cast %sub3A_1284 : i32 to index
        %get3A_1319 = tpu.vector_load %arg4[%get3A_1317, %get3A_1318] {strides = array<i32>} : memref<48x79xf32, #tpu.memory_space<vmem>>, vector<1x16xf32>,
        %get3A_1320 = vector.shape_cast %get3A_1319 : vector<1x16xf32> to vector<16xf32>
        %add3A_1321 = arith.constant 6 : i32
        %add3A_1322 = arith.addi %sub3A_140, %add3A_1321 : i32
        %get3A_1323 = arith.index_cast %add3A_1322 : i32 to index
        %get3A_1324 = arith.index_cast %sub3A_1284 : i32 to index
        %get3A_1325 = tpu.vector_load %arg4[%get3A_1323, %get3A_1324] {strides = array<i32>} : memref<48x79xf32, #tpu.memory_space<vmem>>, vector<1x16xf32>,
        %get3A_1326 = vector.shape_cast %get3A_1325 : vector<1x16xf32> to vector<16xf32>
        %add3A_1327 = arith.constant 7 : i32
        %add3A_1328 = arith.addi %sub3A_140, %add3A_1327 : i32
        %get3A_1329 = arith.index_cast %add3A_1328 : i32 to index
        %get3A_1330 = arith.index_cast %sub3A_1284 : i32 to index
        %get3A_1331 = tpu.vector_load %arg4[%get3A_1329, %get3A_1330] {strides = array<i32>} : memref<48x79xf32, #tpu.memory_space<vmem>>, vector<1x16xf32>,
        %get3A_1332 = vector.shape_cast %get3A_1331 : vector<1x16xf32> to vector<16xf32>
        %add3A_1333 = arith.constant 8 : i32
        %add3A_1334 = arith.addi %sub3A_140, %add3A_1333 : i32
        %get3A_1335 = arith.index_cast %add3A_1334 : i32 to index
        %get3A_1336 = arith.index_cast %sub3A_1284 : i32 to index
        %get3A_1337 = tpu.vector_load %arg4[%get3A_1335, %get3A_1336] {strides = array<i32>} : memref<48x79xf32, #tpu.memory_space<vmem>>, vector<1x16xf32>,
        %get3A_1338 = vector.shape_cast %get3A_1337 : vector<1x16xf32> to vector<16xf32>
        %add3A_1339 = arith.constant 9 : i32
        %add3A_1340 = arith.addi %sub3A_140, %add3A_1339 : i32
        %get3A_1341 = arith.index_cast %add3A_1340 : i32 to index
        %get3A_1342 = arith.index_cast %sub3A_1284 : i32 to index
        %get3A_1343 = tpu.vector_load %arg4[%get3A_1341, %get3A_1342] {strides = array<i32>} : memref<48x79xf32, #tpu.memory_space<vmem>>, vector<1x16xf32>,
        %get3A_1344 = vector.shape_cast %get3A_1343 : vector<1x16xf32> to vector<16xf32>
        %add3A_1345 = arith.constant 10 : i32
        %add3A_1346 = arith.addi %sub3A_140, %add3A_1345 : i32
        %get3A_1347 = arith.index_cast %add3A_1346 : i32 to index
        %get3A_1348 = arith.index_cast %sub3A_1284 : i32 to index
        %get3A_1349 = tpu.vector_load %arg4[%get3A_1347, %get3A_1348] {strides = array<i32>} : memref<48x79xf32, #tpu.memory_space<vmem>>, vector<1x16xf32>,
        %get3A_1350 = vector.shape_cast %get3A_1349 : vector<1x16xf32> to vector<16xf32>
        %add3A_1351 = arith.constant 11 : i32
        %add3A_1352 = arith.addi %sub3A_140, %add3A_1351 : i32
        %get3A_1353 = arith.index_cast %add3A_1352 : i32 to index
        %get3A_1354 = arith.index_cast %sub3A_1284 : i32 to index
        %get3A_1355 = tpu.vector_load %arg4[%get3A_1353, %get3A_1354] {strides = array<i32>} : memref<48x79xf32, #tpu.memory_space<vmem>>, vector<1x16xf32>,
        %get3A_1356 = vector.shape_cast %get3A_1355 : vector<1x16xf32> to vector<16xf32>
        %add3A_1357 = arith.constant 12 : i32
        %add3A_1358 = arith.addi %sub3A_140, %add3A_1357 : i32
        %get3A_1359 = arith.index_cast %add3A_1358 : i32 to index
        %get3A_1360 = arith.index_cast %sub3A_1284 : i32 to index
        %get3A_1361 = tpu.vector_load %arg4[%get3A_1359, %get3A_1360] {strides = array<i32>} : memref<48x79xf32, #tpu.memory_space<vmem>>, vector<1x16xf32>,
        %get3A_1362 = vector.shape_cast %get3A_1361 : vector<1x16xf32> to vector<16xf32>
        %add3A_1363 = arith.constant 13 : i32
        %add3A_1364 = arith.addi %sub3A_140, %add3A_1363 : i32
        %get3A_1365 = arith.index_cast %add3A_1364 : i32 to index
        %get3A_1366 = arith.index_cast %sub3A_1284 : i32 to index
        %get3A_1367 = tpu.vector_load %arg4[%get3A_1365, %get3A_1366] {strides = array<i32>} : memref<48x79xf32, #tpu.memory_space<vmem>>, vector<1x16xf32>,
        %get3A_1368 = vector.shape_cast %get3A_1367 : vector<1x16xf32> to vector<16xf32>
        %add3A_1369 = arith.constant 14 : i32
        %add3A_1370 = arith.addi %sub3A_140, %add3A_1369 : i32
        %get3A_1371 = arith.index_cast %add3A_1370 : i32 to index
        %get3A_1372 = arith.index_cast %sub3A_1284 : i32 to index
        %get3A_1373 = tpu.vector_load %arg4[%get3A_1371, %get3A_1372] {strides = array<i32>} : memref<48x79xf32, #tpu.memory_space<vmem>>, vector<1x16xf32>,
        %get3A_1374 = vector.shape_cast %get3A_1373 : vector<1x16xf32> to vector<16xf32>
        %add3A_1375 = arith.constant 15 : i32
        %add3A_1376 = arith.addi %sub3A_140, %add3A_1375 : i32
        %get3A_1377 = arith.index_cast %add3A_1376 : i32 to index
        %get3A_1378 = arith.index_cast %sub3A_1284 : i32 to index
        %get3A_1379 = tpu.vector_load %arg4[%get3A_1377, %get3A_1378] {strides = array<i32>} : memref<48x79xf32, #tpu.memory_space<vmem>>, vector<1x16xf32>,
        %get3A_1380 = vector.shape_cast %get3A_1379 : vector<1x16xf32> to vector<16xf32>
        %mul3A_1381 = arith.constant 256 : i32
        %mul3A_1382 = arith.muli %scan3A_1282, %mul3A_1381 : i32
        %add3A_1383 = arith.constant 0 : i32
        %add3A_1384 = arith.addi %mul3A_1382, %add3A_1383 : i32
        %swap3A_1385 = arith.index_cast %add3A_1384 : i32 to index
        %swap3A_1386 = tpu.vector_load %arg5[%swap3A_1385] {strides = array<i32>} : memref<32768xf32, #tpu.memory_space<vmem>>, vector<16xf32>,
        %swap3A_1387 = vector.shape_cast %swap3A_1386 : vector<16xf32> to vector<16xf32>
        %swap3A_1388 = vector.shape_cast %get3A_1290 : vector<16xf32> to vector<16xf32>
        tpu.vector_store %arg5[%swap3A_1385], %swap3A_1388 {strides = array<i32>} : memref<32768xf32, #tpu.memory_space<vmem>>, vector<16xf32>,
        %mul3A_1389 = arith.constant 256 : i32
        %mul3A_1390 = arith.muli %scan3A_1282, %mul3A_1389 : i32
        %add3A_1391 = arith.constant 16 : i32
        %add3A_1392 = arith.addi %mul3A_1390, %add3A_1391 : i32
        %swap3A_1393 = arith.index_cast %add3A_1392 : i32 to index
        %swap3A_1394 = tpu.vector_load %arg5[%swap3A_1393] {strides = array<i32>} : memref<32768xf32, #tpu.memory_space<vmem>>, vector<16xf32>,
        %swap3A_1395 = vector.shape_cast %swap3A_1394 : vector<16xf32> to vector<16xf32>
        %swap3A_1396 = vector.shape_cast %get3A_1296 : vector<16xf32> to vector<16xf32>
        tpu.vector_store %arg5[%swap3A_1393], %swap3A_1396 {strides = array<i32>} : memref<32768xf32, #tpu.memory_space<vmem>>, vector<16xf32>,
        %mul3A_1397 = arith.constant 256 : i32
        %mul3A_1398 = arith.muli %scan3A_1282, %mul3A_1397 : i32
        %add3A_1399 = arith.constant 32 : i32
        %add3A_1400 = arith.addi %mul3A_1398, %add3A_1399 : i32
        %swap3A_1401 = arith.index_cast %add3A_1400 : i32 to index
        %swap3A_1402 = tpu.vector_load %arg5[%swap3A_1401] {strides = array<i32>} : memref<32768xf32, #tpu.memory_space<vmem>>, vector<16xf32>,
        %swap3A_1403 = vector.shape_cast %swap3A_1402 : vector<16xf32> to vector<16xf32>
        %swap3A_1404 = vector.shape_cast %get3A_1302 : vector<16xf32> to vector<16xf32>
        tpu.vector_store %arg5[%swap3A_1401], %swap3A_1404 {strides = array<i32>} : memref<32768xf32, #tpu.memory_space<vmem>>, vector<16xf32>,
        %mul3A_1405 = arith.constant 256 : i32
        %mul3A_1406 = arith.muli %scan3A_1282, %mul3A_1405 : i32
        %add3A_1407 = arith.constant 48 : i32
        %add3A_1408 = arith.addi %mul3A_1406, %add3A_1407 : i32
        %swap3A_1409 = arith.index_cast %add3A_1408 : i32 to index
        %swap3A_1410 = tpu.vector_load %arg5[%swap3A_1409] {strides = array<i32>} : memref<32768xf32, #tpu.memory_space<vmem>>, vector<16xf32>,
        %swap3A_1411 = vector.shape_cast %swap3A_1410 : vector<16xf32> to vector<16xf32>
        %swap3A_1412 = vector.shape_cast %get3A_1308 : vector<16xf32> to vector<16xf32>
        tpu.vector_store %arg5[%swap3A_1409], %swap3A_1412 {strides = array<i32>} : memref<32768xf32, #tpu.memory_space<vmem>>, vector<16xf32>,
        %mul3A_1413 = arith.constant 256 : i32
        %mul3A_1414 = arith.muli %scan3A_1282, %mul3A_1413 : i32
        %add3A_1415 = arith.constant 64 : i32
        %add3A_1416 = arith.addi %mul3A_1414, %add3A_1415 : i32
        %swap3A_1417 = arith.index_cast %add3A_1416 : i32 to index
        %swap3A_1418 = tpu.vector_load %arg5[%swap3A_1417] {strides = array<i32>} : memref<32768xf32, #tpu.memory_space<vmem>>, vector<16xf32>,
        %swap3A_1419 = vector.shape_cast %swap3A_1418 : vector<16xf32> to vector<16xf32>
        %swap3A_1420 = vector.shape_cast %get3A_1314 : vector<16xf32> to vector<16xf32>
        tpu.vector_store %arg5[%swap3A_1417], %swap3A_1420 {strides = array<i32>} : memref<32768xf32, #tpu.memory_space<vmem>>, vector<16xf32>,
        %mul3A_1421 = arith.constant 256 : i32
        %mul3A_1422 = arith.muli %scan3A_1282, %mul3A_1421 : i32
        %add3A_1423 = arith.constant 80 : i32
        %add3A_1424 = arith.addi %mul3A_1422, %add3A_1423 : i32
        %swap3A_1425 = arith.index_cast %add3A_1424 : i32 to index
        %swap3A_1426 = tpu.vector_load %arg5[%swap3A_1425] {strides = array<i32>} : memref<32768xf32, #tpu.memory_space<vmem>>, vector<16xf32>,
        %swap3A_1427 = vector.shape_cast %swap3A_1426 : vector<16xf32> to vector<16xf32>
        %swap3A_1428 = vector.shape_cast %get3A_1320 : vector<16xf32> to vector<16xf32>
        tpu.vector_store %arg5[%swap3A_1425], %swap3A_1428 {strides = array<i32>} : memref<32768xf32, #tpu.memory_space<vmem>>, vector<16xf32>,
        %mul3A_1429 = arith.constant 256 : i32
        %mul3A_1430 = arith.muli %scan3A_1282, %mul3A_1429 : i32
        %add3A_1431 = arith.constant 96 : i32
        %add3A_1432 = arith.addi %mul3A_1430, %add3A_1431 : i32
        %swap3A_1433 = arith.index_cast %add3A_1432 : i32 to index
        %swap3A_1434 = tpu.vector_load %arg5[%swap3A_1433] {strides = array<i32>} : memref<32768xf32, #tpu.memory_space<vmem>>, vector<16xf32>,
        %swap3A_1435 = vector.shape_cast %swap3A_1434 : vector<16xf32> to vector<16xf32>
        %swap3A_1436 = vector.shape_cast %get3A_1326 : vector<16xf32> to vector<16xf32>
        tpu.vector_store %arg5[%swap3A_1433], %swap3A_1436 {strides = array<i32>} : memref<32768xf32, #tpu.memory_space<vmem>>, vector<16xf32>,
        %mul3A_1437 = arith.constant 256 : i32
        %mul3A_1438 = arith.muli %scan3A_1282, %mul3A_1437 : i32
        %add3A_1439 = arith.constant 112 : i32
        %add3A_1440 = arith.addi %mul3A_1438, %add3A_1439 : i32
        %swap3A_1441 = arith.index_cast %add3A_1440 : i32 to index
        %swap3A_1442 = tpu.vector_load %arg5[%swap3A_1441] {strides = array<i32>} : memref<32768xf32, #tpu.memory_space<vmem>>, vector<16xf32>,
        %swap3A_1443 = vector.shape_cast %swap3A_1442 : vector<16xf32> to vector<16xf32>
        %swap3A_1444 = vector.shape_cast %get3A_1332 : vector<16xf32> to vector<16xf32>
        tpu.vector_store %arg5[%swap3A_1441], %swap3A_1444 {strides = array<i32>} : memref<32768xf32, #tpu.memory_space<vmem>>, vector<16xf32>,
        %mul3A_1445 = arith.constant 256 : i32
        %mul3A_1446 = arith.muli %scan3A_1282, %mul3A_1445 : i32
        %add3A_1447 = arith.constant 128 : i32
        %add3A_1448 = arith.addi %mul3A_1446, %add3A_1447 : i32
        %swap3A_1449 = arith.index_cast %add3A_1448 : i32 to index
        %swap3A_1450 = tpu.vector_load %arg5[%swap3A_1449] {strides = array<i32>} : memref<32768xf32, #tpu.memory_space<vmem>>, vector<16xf32>,
        %swap3A_1451 = vector.shape_cast %swap3A_1450 : vector<16xf32> to vector<16xf32>
        %swap3A_1452 = vector.shape_cast %get3A_1338 : vector<16xf32> to vector<16xf32>
        tpu.vector_store %arg5[%swap3A_1449], %swap3A_1452 {strides = array<i32>} : memref<32768xf32, #tpu.memory_space<vmem>>, vector<16xf32>,
        %mul3A_1453 = arith.constant 256 : i32
        %mul3A_1454 = arith.muli %scan3A_1282, %mul3A_1453 : i32
        %add3A_1455 = arith.constant 144 : i32
        %add3A_1456 = arith.addi %mul3A_1454, %add3A_1455 : i32
        %swap3A_1457 = arith.index_cast %add3A_1456 : i32 to index
        %swap3A_1458 = tpu.vector_load %arg5[%swap3A_1457] {strides = array<i32>} : memref<32768xf32, #tpu.memory_space<vmem>>, vector<16xf32>,
        %swap3A_1459 = vector.shape_cast %swap3A_1458 : vector<16xf32> to vector<16xf32>
        %swap3A_1460 = vector.shape_cast %get3A_1344 : vector<16xf32> to vector<16xf32>
        tpu.vector_store %arg5[%swap3A_1457], %swap3A_1460 {strides = array<i32>} : memref<32768xf32, #tpu.memory_space<vmem>>, vector<16xf32>,
        %mul3A_1461 = arith.constant 256 : i32
        %mul3A_1462 = arith.muli %scan3A_1282, %mul3A_1461 : i32
        %add3A_1463 = arith.constant 160 : i32
        %add3A_1464 = arith.addi %mul3A_1462, %add3A_1463 : i32
        %swap3A_1465 = arith.index_cast %add3A_1464 : i32 to index
        %swap3A_1466 = tpu.vector_load %arg5[%swap3A_1465] {strides = array<i32>} : memref<32768xf32, #tpu.memory_space<vmem>>, vector<16xf32>,
        %swap3A_1467 = vector.shape_cast %swap3A_1466 : vector<16xf32> to vector<16xf32>
        %swap3A_1468 = vector.shape_cast %get3A_1350 : vector<16xf32> to vector<16xf32>
        tpu.vector_store %arg5[%swap3A_1465], %swap3A_1468 {strides = array<i32>} : memref<32768xf32, #tpu.memory_space<vmem>>, vector<16xf32>,
        %mul3A_1469 = arith.constant 256 : i32
        %mul3A_1470 = arith.muli %scan3A_1282, %mul3A_1469 : i32
        %add3A_1471 = arith.constant 176 : i32
        %add3A_1472 = arith.addi %mul3A_1470, %add3A_1471 : i32
        %swap3A_1473 = arith.index_cast %add3A_1472 : i32 to index
        %swap3A_1474 = tpu.vector_load %arg5[%swap3A_1473] {strides = array<i32>} : memref<32768xf32, #tpu.memory_space<vmem>>, vector<16xf32>,
        %swap3A_1475 = vector.shape_cast %swap3A_1474 : vector<16xf32> to vector<16xf32>
        %swap3A_1476 = vector.shape_cast %get3A_1356 : vector<16xf32> to vector<16xf32>
        tpu.vector_store %arg5[%swap3A_1473], %swap3A_1476 {strides = array<i32>} : memref<32768xf32, #tpu.memory_space<vmem>>, vector<16xf32>,
        %mul3A_1477 = arith.constant 256 : i32
        %mul3A_1478 = arith.muli %scan3A_1282, %mul3A_1477 : i32
        %add3A_1479 = arith.constant 192 : i32
        %add3A_1480 = arith.addi %mul3A_1478, %add3A_1479 : i32
        %swap3A_1481 = arith.index_cast %add3A_1480 : i32 to index
        %swap3A_1482 = tpu.vector_load %arg5[%swap3A_1481] {strides = array<i32>} : memref<32768xf32, #tpu.memory_space<vmem>>, vector<16xf32>,
        %swap3A_1483 = vector.shape_cast %swap3A_1482 : vector<16xf32> to vector<16xf32>
        %swap3A_1484 = vector.shape_cast %get3A_1362 : vector<16xf32> to vector<16xf32>
        tpu.vector_store %arg5[%swap3A_1481], %swap3A_1484 {strides = array<i32>} : memref<32768xf32, #tpu.memory_space<vmem>>, vector<16xf32>,
        %mul3A_1485 = arith.constant 256 : i32
        %mul3A_1486 = arith.muli %scan3A_1282, %mul3A_1485 : i32
        %add3A_1487 = arith.constant 208 : i32
        %add3A_1488 = arith.addi %mul3A_1486, %add3A_1487 : i32
        %swap3A_1489 = arith.index_cast %add3A_1488 : i32 to index
        %swap3A_1490 = tpu.vector_load %arg5[%swap3A_1489] {strides = array<i32>} : memref<32768xf32, #tpu.memory_space<vmem>>, vector<16xf32>,
        %swap3A_1491 = vector.shape_cast %swap3A_1490 : vector<16xf32> to vector<16xf32>
        %swap3A_1492 = vector.shape_cast %get3A_1368 : vector<16xf32> to vector<16xf32>
        tpu.vector_store %arg5[%swap3A_1489], %swap3A_1492 {strides = array<i32>} : memref<32768xf32, #tpu.memory_space<vmem>>, vector<16xf32>,
        %mul3A_1493 = arith.constant 256 : i32
        %mul3A_1494 = arith.muli %scan3A_1282, %mul3A_1493 : i32
        %add3A_1495 = arith.constant 224 : i32
        %add3A_1496 = arith.addi %mul3A_1494, %add3A_1495 : i32
        %swap3A_1497 = arith.index_cast %add3A_1496 : i32 to index
        %swap3A_1498 = tpu.vector_load %arg5[%swap3A_1497] {strides = array<i32>} : memref<32768xf32, #tpu.memory_space<vmem>>, vector<16xf32>,
        %swap3A_1499 = vector.shape_cast %swap3A_1498 : vector<16xf32> to vector<16xf32>
        %swap3A_1500 = vector.shape_cast %get3A_1374 : vector<16xf32> to vector<16xf32>
        tpu.vector_store %arg5[%swap3A_1497], %swap3A_1500 {strides = array<i32>} : memref<32768xf32, #tpu.memory_space<vmem>>, vector<16xf32>,
        %mul3A_1501 = arith.constant 256 : i32
        %mul3A_1502 = arith.muli %scan3A_1282, %mul3A_1501 : i32
        %add3A_1503 = arith.constant 240 : i32
        %add3A_1504 = arith.addi %mul3A_1502, %add3A_1503 : i32
        %swap3A_1505 = arith.index_cast %add3A_1504 : i32 to index
        %swap3A_1506 = tpu.vector_load %arg5[%swap3A_1505] {strides = array<i32>} : memref<32768xf32, #tpu.memory_space<vmem>>, vector<16xf32>,
        %swap3A_1507 = vector.shape_cast %swap3A_1506 : vector<16xf32> to vector<16xf32>
        %swap3A_1508 = vector.shape_cast %get3A_1380 : vector<16xf32> to vector<16xf32>
        tpu.vector_store %arg5[%swap3A_1505], %swap3A_1508 {strides = array<i32>} : memref<32768xf32, #tpu.memory_space<vmem>>, vector<16xf32>,
        %sub3A_1509 = arith.constant 1 : i32
        %sub3A_1510 = arith.subi %sub3A_140, %sub3A_1509 : i32
        %get3A_1511 = arith.index_cast %sub3A_1510 : i32 to index
        %get3A_1512 = arith.index_cast %sub3A_1284 : i32 to index
        %get3A_1513 = tpu.vector_load %arg4[%get3A_1511, %get3A_1512] {strides = array<i32>} : memref<48x79xf32, #tpu.memory_space<vmem>>, vector<1x16xf32>,
        %get3A_1514 = vector.shape_cast %get3A_1513 : vector<1x16xf32> to vector<16xf32>
        %add3A_1515 = arith.constant 64 : i32
        %add3A_1516 = arith.addi %add3A_1515, %scan3A_1282 : i32
        %mul3A_1517 = arith.constant 256 : i32
        %mul3A_1518 = arith.muli %add3A_1516, %mul3A_1517 : i32
        %add3A_1519 = arith.constant 0 : i32
        %add3A_1520 = arith.addi %mul3A_1518, %add3A_1519 : i32
        %swap3A_1521 = arith.index_cast %add3A_1520 : i32 to index
        %swap3A_1522 = tpu.vector_load %arg5[%swap3A_1521] {strides = array<i32>} : memref<32768xf32, #tpu.memory_space<vmem>>, vector<16xf32>,
        %swap3A_1523 = vector.shape_cast %swap3A_1522 : vector<16xf32> to vector<16xf32>
        %swap3A_1524 = vector.shape_cast %get3A_1514 : vector<16xf32> to vector<16xf32>
        tpu.vector_store %arg5[%swap3A_1521], %swap3A_1524 {strides = array<i32>} : memref<32768xf32, #tpu.memory_space<vmem>>, vector<16xf32>,
        %add3A_1525 = arith.constant 16 : i32
        %add3A_1526 = arith.addi %mul3A_1518, %add3A_1525 : i32
        %swap3A_1527 = arith.index_cast %add3A_1526 : i32 to index
        %swap3A_1528 = tpu.vector_load %arg5[%swap3A_1527] {strides = array<i32>} : memref<32768xf32, #tpu.memory_space<vmem>>, vector<16xf32>,
        %swap3A_1529 = vector.shape_cast %swap3A_1528 : vector<16xf32> to vector<16xf32>
        %swap3A_1530 = vector.shape_cast %get3A_1290 : vector<16xf32> to vector<16xf32>
        tpu.vector_store %arg5[%swap3A_1527], %swap3A_1530 {strides = array<i32>} : memref<32768xf32, #tpu.memory_space<vmem>>, vector<16xf32>,
        %add3A_1531 = arith.constant 32 : i32
        %add3A_1532 = arith.addi %mul3A_1518, %add3A_1531 : i32
        %swap3A_1533 = arith.index_cast %add3A_1532 : i32 to index
        %swap3A_1534 = tpu.vector_load %arg5[%swap3A_1533] {strides = array<i32>} : memref<32768xf32, #tpu.memory_space<vmem>>, vector<16xf32>,
        %swap3A_1535 = vector.shape_cast %swap3A_1534 : vector<16xf32> to vector<16xf32>
        %swap3A_1536 = vector.shape_cast %get3A_1296 : vector<16xf32> to vector<16xf32>
        tpu.vector_store %arg5[%swap3A_1533], %swap3A_1536 {strides = array<i32>} : memref<32768xf32, #tpu.memory_space<vmem>>, vector<16xf32>,
        %add3A_1537 = arith.constant 48 : i32
        %add3A_1538 = arith.addi %mul3A_1518, %add3A_1537 : i32
        %swap3A_1539 = arith.index_cast %add3A_1538 : i32 to index
        %swap3A_1540 = tpu.vector_load %arg5[%swap3A_1539] {strides = array<i32>} : memref<32768xf32, #tpu.memory_space<vmem>>, vector<16xf32>,
        %swap3A_1541 = vector.shape_cast %swap3A_1540 : vector<16xf32> to vector<16xf32>
        %swap3A_1542 = vector.shape_cast %get3A_1302 : vector<16xf32> to vector<16xf32>
        tpu.vector_store %arg5[%swap3A_1539], %swap3A_1542 {strides = array<i32>} : memref<32768xf32, #tpu.memory_space<vmem>>, vector<16xf32>,
        %add3A_1543 = arith.constant 64 : i32
        %add3A_1544 = arith.addi %mul3A_1518, %add3A_1543 : i32
        %swap3A_1545 = arith.index_cast %add3A_1544 : i32 to index
        %swap3A_1546 = tpu.vector_load %arg5[%swap3A_1545] {strides = array<i32>} : memref<32768xf32, #tpu.memory_space<vmem>>, vector<16xf32>,
        %swap3A_1547 = vector.shape_cast %swap3A_1546 : vector<16xf32> to vector<16xf32>
        %swap3A_1548 = vector.shape_cast %get3A_1308 : vector<16xf32> to vector<16xf32>
        tpu.vector_store %arg5[%swap3A_1545], %swap3A_1548 {strides = array<i32>} : memref<32768xf32, #tpu.memory_space<vmem>>, vector<16xf32>,
        %add3A_1549 = arith.constant 80 : i32
        %add3A_1550 = arith.addi %mul3A_1518, %add3A_1549 : i32
        %swap3A_1551 = arith.index_cast %add3A_1550 : i32 to index
        %swap3A_1552 = tpu.vector_load %arg5[%swap3A_1551] {strides = array<i32>} : memref<32768xf32, #tpu.memory_space<vmem>>, vector<16xf32>,
        %swap3A_1553 = vector.shape_cast %swap3A_1552 : vector<16xf32> to vector<16xf32>
        %swap3A_1554 = vector.shape_cast %get3A_1314 : vector<16xf32> to vector<16xf32>
        tpu.vector_store %arg5[%swap3A_1551], %swap3A_1554 {strides = array<i32>} : memref<32768xf32, #tpu.memory_space<vmem>>, vector<16xf32>,
        %add3A_1555 = arith.constant 96 : i32
        %add3A_1556 = arith.addi %mul3A_1518, %add3A_1555 : i32
        %swap3A_1557 = arith.index_cast %add3A_1556 : i32 to index
        %swap3A_1558 = tpu.vector_load %arg5[%swap3A_1557] {strides = array<i32>} : memref<32768xf32, #tpu.memory_space<vmem>>, vector<16xf32>,
        %swap3A_1559 = vector.shape_cast %swap3A_1558 : vector<16xf32> to vector<16xf32>
        %swap3A_1560 = vector.shape_cast %get3A_1320 : vector<16xf32> to vector<16xf32>
        tpu.vector_store %arg5[%swap3A_1557], %swap3A_1560 {strides = array<i32>} : memref<32768xf32, #tpu.memory_space<vmem>>, vector<16xf32>,
        %add3A_1561 = arith.constant 112 : i32
        %add3A_1562 = arith.addi %mul3A_1518, %add3A_1561 : i32
        %swap3A_1563 = arith.index_cast %add3A_1562 : i32 to index
        %swap3A_1564 = tpu.vector_load %arg5[%swap3A_1563] {strides = array<i32>} : memref<32768xf32, #tpu.memory_space<vmem>>, vector<16xf32>,
        %swap3A_1565 = vector.shape_cast %swap3A_1564 : vector<16xf32> to vector<16xf32>
        %swap3A_1566 = vector.shape_cast %get3A_1326 : vector<16xf32> to vector<16xf32>
        tpu.vector_store %arg5[%swap3A_1563], %swap3A_1566 {strides = array<i32>} : memref<32768xf32, #tpu.memory_space<vmem>>, vector<16xf32>,
        %add3A_1567 = arith.constant 128 : i32
        %add3A_1568 = arith.addi %mul3A_1518, %add3A_1567 : i32
        %swap3A_1569 = arith.index_cast %add3A_1568 : i32 to index
        %swap3A_1570 = tpu.vector_load %arg5[%swap3A_1569] {strides = array<i32>} : memref<32768xf32, #tpu.memory_space<vmem>>, vector<16xf32>,
        %swap3A_1571 = vector.shape_cast %swap3A_1570 : vector<16xf32> to vector<16xf32>
        %swap3A_1572 = vector.shape_cast %get3A_1332 : vector<16xf32> to vector<16xf32>
        tpu.vector_store %arg5[%swap3A_1569], %swap3A_1572 {strides = array<i32>} : memref<32768xf32, #tpu.memory_space<vmem>>, vector<16xf32>,
        %add3A_1573 = arith.constant 144 : i32
        %add3A_1574 = arith.addi %mul3A_1518, %add3A_1573 : i32
        %swap3A_1575 = arith.index_cast %add3A_1574 : i32 to index
        %swap3A_1576 = tpu.vector_load %arg5[%swap3A_1575] {strides = array<i32>} : memref<32768xf32, #tpu.memory_space<vmem>>, vector<16xf32>,
        %swap3A_1577 = vector.shape_cast %swap3A_1576 : vector<16xf32> to vector<16xf32>
        %swap3A_1578 = vector.shape_cast %get3A_1338 : vector<16xf32> to vector<16xf32>
        tpu.vector_store %arg5[%swap3A_1575], %swap3A_1578 {strides = array<i32>} : memref<32768xf32, #tpu.memory_space<vmem>>, vector<16xf32>,
        %add3A_1579 = arith.constant 160 : i32
        %add3A_1580 = arith.addi %mul3A_1518, %add3A_1579 : i32
        %swap3A_1581 = arith.index_cast %add3A_1580 : i32 to index
        %swap3A_1582 = tpu.vector_load %arg5[%swap3A_1581] {strides = array<i32>} : memref<32768xf32, #tpu.memory_space<vmem>>, vector<16xf32>,
        %swap3A_1583 = vector.shape_cast %swap3A_1582 : vector<16xf32> to vector<16xf32>
        %swap3A_1584 = vector.shape_cast %get3A_1344 : vector<16xf32> to vector<16xf32>
        tpu.vector_store %arg5[%swap3A_1581], %swap3A_1584 {strides = array<i32>} : memref<32768xf32, #tpu.memory_space<vmem>>, vector<16xf32>,
        %add3A_1585 = arith.constant 176 : i32
        %add3A_1586 = arith.addi %mul3A_1518, %add3A_1585 : i32
        %swap3A_1587 = arith.index_cast %add3A_1586 : i32 to index
        %swap3A_1588 = tpu.vector_load %arg5[%swap3A_1587] {strides = array<i32>} : memref<32768xf32, #tpu.memory_space<vmem>>, vector<16xf32>,
        %swap3A_1589 = vector.shape_cast %swap3A_1588 : vector<16xf32> to vector<16xf32>
        %swap3A_1590 = vector.shape_cast %get3A_1350 : vector<16xf32> to vector<16xf32>
        tpu.vector_store %arg5[%swap3A_1587], %swap3A_1590 {strides = array<i32>} : memref<32768xf32, #tpu.memory_space<vmem>>, vector<16xf32>,
        %add3A_1591 = arith.constant 192 : i32
        %add3A_1592 = arith.addi %mul3A_1518, %add3A_1591 : i32
        %swap3A_1593 = arith.index_cast %add3A_1592 : i32 to index
        %swap3A_1594 = tpu.vector_load %arg5[%swap3A_1593] {strides = array<i32>} : memref<32768xf32, #tpu.memory_space<vmem>>, vector<16xf32>,
        %swap3A_1595 = vector.shape_cast %swap3A_1594 : vector<16xf32> to vector<16xf32>
        %swap3A_1596 = vector.shape_cast %get3A_1356 : vector<16xf32> to vector<16xf32>
        tpu.vector_store %arg5[%swap3A_1593], %swap3A_1596 {strides = array<i32>} : memref<32768xf32, #tpu.memory_space<vmem>>, vector<16xf32>,
        %add3A_1597 = arith.constant 208 : i32
        %add3A_1598 = arith.addi %mul3A_1518, %add3A_1597 : i32
        %swap3A_1599 = arith.index_cast %add3A_1598 : i32 to index
        %swap3A_1600 = tpu.vector_load %arg5[%swap3A_1599] {strides = array<i32>} : memref<32768xf32, #tpu.memory_space<vmem>>, vector<16xf32>,
        %swap3A_1601 = vector.shape_cast %swap3A_1600 : vector<16xf32> to vector<16xf32>
        %swap3A_1602 = vector.shape_cast %get3A_1362 : vector<16xf32> to vector<16xf32>
        tpu.vector_store %arg5[%swap3A_1599], %swap3A_1602 {strides = array<i32>} : memref<32768xf32, #tpu.memory_space<vmem>>, vector<16xf32>,
        %add3A_1603 = arith.constant 224 : i32
        %add3A_1604 = arith.addi %mul3A_1518, %add3A_1603 : i32
        %swap3A_1605 = arith.index_cast %add3A_1604 : i32 to index
        %swap3A_1606 = tpu.vector_load %arg5[%swap3A_1605] {strides = array<i32>} : memref<32768xf32, #tpu.memory_space<vmem>>, vector<16xf32>,
        %swap3A_1607 = vector.shape_cast %swap3A_1606 : vector<16xf32> to vector<16xf32>
        %swap3A_1608 = vector.shape_cast %get3A_1368 : vector<16xf32> to vector<16xf32>
        tpu.vector_store %arg5[%swap3A_1605], %swap3A_1608 {strides = array<i32>} : memref<32768xf32, #tpu.memory_space<vmem>>, vector<16xf32>,
        %add3A_1609 = arith.constant 240 : i32
        %add3A_1610 = arith.addi %mul3A_1518, %add3A_1609 : i32
        %swap3A_1611 = arith.index_cast %add3A_1610 : i32 to index
        %swap3A_1612 = tpu.vector_load %arg5[%swap3A_1611] {strides = array<i32>} : memref<32768xf32, #tpu.memory_space<vmem>>, vector<16xf32>,
        %swap3A_1613 = vector.shape_cast %swap3A_1612 : vector<16xf32> to vector<16xf32>
        %swap3A_1614 = vector.shape_cast %get3A_1374 : vector<16xf32> to vector<16xf32>
        tpu.vector_store %arg5[%swap3A_1611], %swap3A_1614 {strides = array<i32>} : memref<32768xf32, #tpu.memory_space<vmem>>, vector<16xf32>,
        %scan3A_1615 = arith.constant 0 : i32
        scf.yield %scan3A_1615 : i32
      }
      %scan3A_147 = arith.constant 64 : i32
      %mul3A_148 = arith.constant 2 : i32
      %mul3A_149 = arith.muli %mul3A_148, %scan3A_131 : i32
      %mul3A_150 = arith.constant 128 : i32
      %mul3A_151 = arith.muli %mul3A_149, %mul3A_150 : i32
      %add3A_152 = arith.addi %mul3A_2, %mul3A_151 : i32
      %mul3A_153 = arith.constant 256 : i32
      %mul3A_154 = arith.muli %add3A_152, %mul3A_153 : i32
      %add3A_155 = arith.constant 0 : i32
      %add3A_156 = arith.addi %mul3A_154, %add3A_155 : i32
      %dma_start3A = arith.constant 0 : i32
      %dma_start3A_157 = tpu.memref_slice %arg5[%dma_start3A] : memref<32768xf32, #tpu.memory_space<vmem>> -> memref<8192xf32, #tpu.memory_space<vmem>>
      %dma_start3A_158 = tpu.memref_slice %arg3[%add3A_156] : memref<16777216xf32, #tpu.memory_space<hbm>> -> memref<8192xf32, #tpu.memory_space<hbm>>
      %dma_start3A_159 = tpu.memref_slice %arg3[%add3A_156] : memref<16777216xf32, #tpu.memory_space<hbm>> -> memref<8192xf32, #tpu.memory_space<hbm>>
      %dma_start3A_160 = arith.constant 0 : i32
      %dma_start3A_161 = tpu.memref_slice %arg5[%dma_start3A_160] : memref<32768xf32, #tpu.memory_space<vmem>> -> memref<8192xf32, #tpu.memory_space<vmem>>
      tpu.enqueue_dma source(%dma_start3A_161 : memref<8192xf32, #tpu.memory_space<vmem>>) target(%dma_start3A_159 : memref<8192xf32, #tpu.memory_space<hbm>>) target_semaphore(%arg7 : memref<!tpu.dma_semaphore, #tpu.memory_space<semaphore_mem>>)
      %mul3A_162 = arith.constant 128 : i32
      %mul3A_163 = arith.muli %mul3A_149, %mul3A_162 : i32
      %add3A_164 = arith.addi %mul3A_2, %mul3A_163 : i32
      %mul3A_165 = arith.constant 256 : i32
      %mul3A_166 = arith.muli %add3A_164, %mul3A_165 : i32
      %add3A_167 = arith.constant 8192 : i32
      %add3A_168 = arith.addi %mul3A_166, %add3A_167 : i32
      %dma_start3A_169 = arith.constant 8192 : i32
      %dma_start3A_170 = tpu.memref_slice %arg5[%dma_start3A_169] : memref<32768xf32, #tpu.memory_space<vmem>> -> memref<8192xf32, #tpu.memory_space<vmem>>
      %dma_start3A_171 = tpu.memref_slice %arg3[%add3A_168] : memref<16777216xf32, #tpu.memory_space<hbm>> -> memref<8192xf32, #tpu.memory_space<hbm>>
      %dma_start3A_172 = tpu.memref_slice %arg3[%add3A_168] : memref<16777216xf32, #tpu.memory_space<hbm>> -> memref<8192xf32, #tpu.memory_space<hbm>>
      %dma_start3A_173 = arith.constant 8192 : i32
      %dma_start3A_174 = tpu.memref_slice %arg5[%dma_start3A_173] : memref<32768xf32, #tpu.memory_space<vmem>> -> memref<8192xf32, #tpu.memory_space<vmem>>
      tpu.enqueue_dma source(%dma_start3A_174 : memref<8192xf32, #tpu.memory_space<vmem>>) target(%dma_start3A_172 : memref<8192xf32, #tpu.memory_space<hbm>>) target_semaphore(%arg7 : memref<!tpu.dma_semaphore, #tpu.memory_space<semaphore_mem>>)
      %mul3A_175 = arith.constant 128 : i32
      %mul3A_176 = arith.muli %mul3A_149, %mul3A_175 : i32
      %add3A_177 = arith.addi %mul3A_2, %mul3A_176 : i32
      %mul3A_178 = arith.constant 256 : i32
      %mul3A_179 = arith.muli %add3A_177, %mul3A_178 : i32
      %add3A_180 = arith.constant 16384 : i32
      %add3A_181 = arith.addi %mul3A_179, %add3A_180 : i32
      %dma_start3A_182 = arith.constant 16384 : i32
      %dma_start3A_183 = tpu.memref_slice %arg5[%dma_start3A_182] : memref<32768xf32, #tpu.memory_space<vmem>> -> memref<8192xf32, #tpu.memory_space<vmem>>
      %dma_start3A_184 = tpu.memref_slice %arg3[%add3A_181] : memref<16777216xf32, #tpu.memory_space<hbm>> -> memref<8192xf32, #tpu.memory_space<hbm>>
      %dma_start3A_185 = tpu.memref_slice %arg3[%add3A_181] : memref<16777216xf32, #tpu.memory_space<hbm>> -> memref<8192xf32, #tpu.memory_space<hbm>>
      %dma_start3A_186 = arith.constant 16384 : i32
      %dma_start3A_187 = tpu.memref_slice %arg5[%dma_start3A_186] : memref<32768xf32, #tpu.memory_space<vmem>> -> memref<8192xf32, #tpu.memory_space<vmem>>
      tpu.enqueue_dma source(%dma_start3A_187 : memref<8192xf32, #tpu.memory_space<vmem>>) target(%dma_start3A_185 : memref<8192xf32, #tpu.memory_space<hbm>>) target_semaphore(%arg7 : memref<!tpu.dma_semaphore, #tpu.memory_space<semaphore_mem>>)
      %mul3A_188 = arith.constant 128 : i32
      %mul3A_189 = arith.muli %mul3A_149, %mul3A_188 : i32
      %add3A_190 = arith.addi %mul3A_2, %mul3A_189 : i32
      %mul3A_191 = arith.constant 256 : i32
      %mul3A_192 = arith.muli %add3A_190, %mul3A_191 : i32
      %add3A_193 = arith.constant 24576 : i32
      %add3A_194 = arith.addi %mul3A_192, %add3A_193 : i32
      %dma_start3A_195 = arith.constant 24576 : i32
      %dma_start3A_196 = tpu.memref_slice %arg5[%dma_start3A_195] : memref<32768xf32, #tpu.memory_space<vmem>> -> memref<8192xf32, #tpu.memory_space<vmem>>
      %dma_start3A_197 = tpu.memref_slice %arg3[%add3A_194] : memref<16777216xf32, #tpu.memory_space<hbm>> -> memref<8192xf32, #tpu.memory_space<hbm>>
      %dma_start3A_198 = tpu.memref_slice %arg3[%add3A_194] : memref<16777216xf32, #tpu.memory_space<hbm>> -> memref<8192xf32, #tpu.memory_space<hbm>>
      %dma_start3A_199 = arith.constant 24576 : i32
      %dma_start3A_200 = tpu.memref_slice %arg5[%dma_start3A_199] : memref<32768xf32, #tpu.memory_space<vmem>> -> memref<8192xf32, #tpu.memory_space<vmem>>
      tpu.enqueue_dma source(%dma_start3A_200 : memref<8192xf32, #tpu.memory_space<vmem>>) target(%dma_start3A_198 : memref<8192xf32, #tpu.memory_space<hbm>>) target_semaphore(%arg7 : memref<!tpu.dma_semaphore, #tpu.memory_space<semaphore_mem>>)
      %gt3A_201 = arith.constant 0 : i32
      %gt3A_202 = arith.cmpi sgt, %scan3A_131, %gt3A_201 : i32
      %convert_element_type3A_203 = arith.extui %gt3A_202 : i1 to i32
      %cond3A_204 = arith.constant 0 : i32
      %cond3A_205 = arith.cmpi ne, %convert_element_type3A_203, %cond3A_204 : i32
      scf.if %cond3A_205 {
        %mul3A_278 = arith.constant 256 : i32
        %mul3A_279 = arith.muli %mul3A_2, %mul3A_278 : i32
        %dma_wait3A_280 = arith.constant 0 : i32
        %dma_wait3A_281 = tpu.memref_slice %arg6[%dma_wait3A_280] : memref<32768xf32, #tpu.memory_space<vmem>> -> memref<8192xf32, #tpu.memory_space<vmem>>
        %dma_wait3A_282 = tpu.memref_slice %arg3[%mul3A_279] : memref<16777216xf32, #tpu.memory_space<hbm>> -> memref<8192xf32, #tpu.memory_space<hbm>>
        %dma_wait3A_283 = tpu.memref_slice %arg3[%mul3A_279] : memref<16777216xf32, #tpu.memory_space<hbm>> -> memref<8192xf32, #tpu.memory_space<hbm>>
        %dma_wait3A_284 = arith.constant 0 : i32
        %dma_wait3A_285 = tpu.memref_slice %arg6[%dma_wait3A_284] : memref<32768xf32, #tpu.memory_space<vmem>> -> memref<8192xf32, #tpu.memory_space<vmem>>
        tpu.wait_dma2 semaphore(%arg8 : memref<!tpu.dma_semaphore, #tpu.memory_space<semaphore_mem>>) src(%dma_wait3A_285 : memref<8192xf32, #tpu.memory_space<vmem>>) dst(%dma_wait3A_283 : memref<8192xf32, #tpu.memory_space<hbm>>)
        %mul3A_286 = arith.constant 256 : i32
        %mul3A_287 = arith.muli %mul3A_2, %mul3A_286 : i32
        %dma_wait3A_288 = arith.constant 0 : i32
        %dma_wait3A_289 = tpu.memref_slice %arg6[%dma_wait3A_288] : memref<32768xf32, #tpu.memory_space<vmem>> -> memref<8192xf32, #tpu.memory_space<vmem>>
        %dma_wait3A_290 = tpu.memref_slice %arg3[%mul3A_287] : memref<16777216xf32, #tpu.memory_space<hbm>> -> memref<8192xf32, #tpu.memory_space<hbm>>
        %dma_wait3A_291 = tpu.memref_slice %arg3[%mul3A_287] : memref<16777216xf32, #tpu.memory_space<hbm>> -> memref<8192xf32, #tpu.memory_space<hbm>>
        %dma_wait3A_292 = arith.constant 0 : i32
        %dma_wait3A_293 = tpu.memref_slice %arg6[%dma_wait3A_292] : memref<32768xf32, #tpu.memory_space<vmem>> -> memref<8192xf32, #tpu.memory_space<vmem>>
        tpu.wait_dma2 semaphore(%arg8 : memref<!tpu.dma_semaphore, #tpu.memory_space<semaphore_mem>>) src(%dma_wait3A_293 : memref<8192xf32, #tpu.memory_space<vmem>>) dst(%dma_wait3A_291 : memref<8192xf32, #tpu.memory_space<hbm>>)
        %mul3A_294 = arith.constant 256 : i32
        %mul3A_295 = arith.muli %mul3A_2, %mul3A_294 : i32
        %dma_wait3A_296 = arith.constant 0 : i32
        %dma_wait3A_297 = tpu.memref_slice %arg6[%dma_wait3A_296] : memref<32768xf32, #tpu.memory_space<vmem>> -> memref<8192xf32, #tpu.memory_space<vmem>>
        %dma_wait3A_298 = tpu.memref_slice %arg3[%mul3A_295] : memref<16777216xf32, #tpu.memory_space<hbm>> -> memref<8192xf32, #tpu.memory_space<hbm>>
        %dma_wait3A_299 = tpu.memref_slice %arg3[%mul3A_295] : memref<16777216xf32, #tpu.memory_space<hbm>> -> memref<8192xf32, #tpu.memory_space<hbm>>
        %dma_wait3A_300 = arith.constant 0 : i32
        %dma_wait3A_301 = tpu.memref_slice %arg6[%dma_wait3A_300] : memref<32768xf32, #tpu.memory_space<vmem>> -> memref<8192xf32, #tpu.memory_space<vmem>>
        tpu.wait_dma2 semaphore(%arg8 : memref<!tpu.dma_semaphore, #tpu.memory_space<semaphore_mem>>) src(%dma_wait3A_301 : memref<8192xf32, #tpu.memory_space<vmem>>) dst(%dma_wait3A_299 : memref<8192xf32, #tpu.memory_space<hbm>>)
        %mul3A_302 = arith.constant 256 : i32
        %mul3A_303 = arith.muli %mul3A_2, %mul3A_302 : i32
        %dma_wait3A_304 = arith.constant 0 : i32
        %dma_wait3A_305 = tpu.memref_slice %arg6[%dma_wait3A_304] : memref<32768xf32, #tpu.memory_space<vmem>> -> memref<8192xf32, #tpu.memory_space<vmem>>
        %dma_wait3A_306 = tpu.memref_slice %arg3[%mul3A_303] : memref<16777216xf32, #tpu.memory_space<hbm>> -> memref<8192xf32, #tpu.memory_space<hbm>>
        %dma_wait3A_307 = tpu.memref_slice %arg3[%mul3A_303] : memref<16777216xf32, #tpu.memory_space<hbm>> -> memref<8192xf32, #tpu.memory_space<hbm>>
        %dma_wait3A_308 = arith.constant 0 : i32
        %dma_wait3A_309 = tpu.memref_slice %arg6[%dma_wait3A_308] : memref<32768xf32, #tpu.memory_space<vmem>> -> memref<8192xf32, #tpu.memory_space<vmem>>
        tpu.wait_dma2 semaphore(%arg8 : memref<!tpu.dma_semaphore, #tpu.memory_space<semaphore_mem>>) src(%dma_wait3A_309 : memref<8192xf32, #tpu.memory_space<vmem>>) dst(%dma_wait3A_307 : memref<8192xf32, #tpu.memory_space<hbm>>)
      } else {
      }
      %mul3A_206 = arith.constant 2 : i32
      %mul3A_207 = arith.muli %mul3A_206, %scan3A_131 : i32
      %add3A_208 = arith.constant 1 : i32
      %add3A_209 = arith.addi %mul3A_207, %add3A_208 : i32
      %mul3A_210 = arith.constant 2 : i32
      %mul3A_211 = arith.muli %add3A_209, %mul3A_210 : i32
      %sub3A_212 = arith.constant 31 : i32
      %sub3A_213 = arith.subi %sub3A_212, %mul3A_211 : i32
      %scan3A_214 = arith.constant 0 : i32
      %scan3A_215 = arith.constant 0 : i32
      %scan3A_216 = arith.constant 64 : i32
      %scan3A_217 = arith.addi %scan3A_215, %scan3A_216 : i32
      %scan3A_218 = arith.constant 4 : i32
      %scan3A_219 = scf.for %scan3A_278 = %scan3A_215 to %scan3A_217 step %scan3A_218 iter_args(%scan3A_279 = %scan3A_214) -> (i32)  : i32 {
        %sub3A_280 = arith.constant 63 : i32
        %sub3A_281 = arith.subi %sub3A_280, %scan3A_278 : i32
        %add3A_282 = arith.constant 0 : i32
        %add3A_283 = arith.addi %sub3A_213, %add3A_282 : i32
        %get3A = arith.index_cast %add3A_283 : i32 to index
        %get3A_284 = arith.index_cast %sub3A_281 : i32 to index
        %get3A_285 = tpu.vector_load %arg4[%get3A, %get3A_284] {strides = array<i32>} : memref<48x79xf32, #tpu.memory_space<vmem>>, vector<1x16xf32>,
        %get3A_286 = vector.shape_cast %get3A_285 : vector<1x16xf32> to vector<16xf32>
        %add3A_287 = arith.constant 1 : i32
        %add3A_288 = arith.addi %sub3A_213, %add3A_287 : i32
        %get3A_289 = arith.index_cast %add3A_288 : i32 to index
        %get3A_290 = arith.index_cast %sub3A_281 : i32 to index
        %get3A_291 = tpu.vector_load %arg4[%get3A_289, %get3A_290] {strides = array<i32>} : memref<48x79xf32, #tpu.memory_space<vmem>>, vector<1x16xf32>,
        %get3A_292 = vector.shape_cast %get3A_291 : vector<1x16xf32> to vector<16xf32>
        %add3A_293 = arith.constant 2 : i32
        %add3A_294 = arith.addi %sub3A_213, %add3A_293 : i32
        %get3A_295 = arith.index_cast %add3A_294 : i32 to index
        %get3A_296 = arith.index_cast %sub3A_281 : i32 to index
        %get3A_297 = tpu.vector_load %arg4[%get3A_295, %get3A_296] {strides = array<i32>} : memref<48x79xf32, #tpu.memory_space<vmem>>, vector<1x16xf32>,
        %get3A_298 = vector.shape_cast %get3A_297 : vector<1x16xf32> to vector<16xf32>
        %add3A_299 = arith.constant 3 : i32
        %add3A_300 = arith.addi %sub3A_213, %add3A_299 : i32
        %get3A_301 = arith.index_cast %add3A_300 : i32 to index
        %get3A_302 = arith.index_cast %sub3A_281 : i32 to index
        %get3A_303 = tpu.vector_load %arg4[%get3A_301, %get3A_302] {strides = array<i32>} : memref<48x79xf32, #tpu.memory_space<vmem>>, vector<1x16xf32>,
        %get3A_304 = vector.shape_cast %get3A_303 : vector<1x16xf32> to vector<16xf32>
        %add3A_305 = arith.constant 4 : i32
        %add3A_306 = arith.addi %sub3A_213, %add3A_305 : i32
        %get3A_307 = arith.index_cast %add3A_306 : i32 to index
        %get3A_308 = arith.index_cast %sub3A_281 : i32 to index
        %get3A_309 = tpu.vector_load %arg4[%get3A_307, %get3A_308] {strides = array<i32>} : memref<48x79xf32, #tpu.memory_space<vmem>>, vector<1x16xf32>,
        %get3A_310 = vector.shape_cast %get3A_309 : vector<1x16xf32> to vector<16xf32>
        %add3A_311 = arith.constant 5 : i32
        %add3A_312 = arith.addi %sub3A_213, %add3A_311 : i32
        %get3A_313 = arith.index_cast %add3A_312 : i32 to index
        %get3A_314 = arith.index_cast %sub3A_281 : i32 to index
        %get3A_315 = tpu.vector_load %arg4[%get3A_313, %get3A_314] {strides = array<i32>} : memref<48x79xf32, #tpu.memory_space<vmem>>, vector<1x16xf32>,
        %get3A_316 = vector.shape_cast %get3A_315 : vector<1x16xf32> to vector<16xf32>
        %add3A_317 = arith.constant 6 : i32
        %add3A_318 = arith.addi %sub3A_213, %add3A_317 : i32
        %get3A_319 = arith.index_cast %add3A_318 : i32 to index
        %get3A_320 = arith.index_cast %sub3A_281 : i32 to index
        %get3A_321 = tpu.vector_load %arg4[%get3A_319, %get3A_320] {strides = array<i32>} : memref<48x79xf32, #tpu.memory_space<vmem>>, vector<1x16xf32>,
        %get3A_322 = vector.shape_cast %get3A_321 : vector<1x16xf32> to vector<16xf32>
        %add3A_323 = arith.constant 7 : i32
        %add3A_324 = arith.addi %sub3A_213, %add3A_323 : i32
        %get3A_325 = arith.index_cast %add3A_324 : i32 to index
        %get3A_326 = arith.index_cast %sub3A_281 : i32 to index
        %get3A_327 = tpu.vector_load %arg4[%get3A_325, %get3A_326] {strides = array<i32>} : memref<48x79xf32, #tpu.memory_space<vmem>>, vector<1x16xf32>,
        %get3A_328 = vector.shape_cast %get3A_327 : vector<1x16xf32> to vector<16xf32>
        %add3A_329 = arith.constant 8 : i32
        %add3A_330 = arith.addi %sub3A_213, %add3A_329 : i32
        %get3A_331 = arith.index_cast %add3A_330 : i32 to index
        %get3A_332 = arith.index_cast %sub3A_281 : i32 to index
        %get3A_333 = tpu.vector_load %arg4[%get3A_331, %get3A_332] {strides = array<i32>} : memref<48x79xf32, #tpu.memory_space<vmem>>, vector<1x16xf32>,
        %get3A_334 = vector.shape_cast %get3A_333 : vector<1x16xf32> to vector<16xf32>
        %add3A_335 = arith.constant 9 : i32
        %add3A_336 = arith.addi %sub3A_213, %add3A_335 : i32
        %get3A_337 = arith.index_cast %add3A_336 : i32 to index
        %get3A_338 = arith.index_cast %sub3A_281 : i32 to index
        %get3A_339 = tpu.vector_load %arg4[%get3A_337, %get3A_338] {strides = array<i32>} : memref<48x79xf32, #tpu.memory_space<vmem>>, vector<1x16xf32>,
        %get3A_340 = vector.shape_cast %get3A_339 : vector<1x16xf32> to vector<16xf32>
        %add3A_341 = arith.constant 10 : i32
        %add3A_342 = arith.addi %sub3A_213, %add3A_341 : i32
        %get3A_343 = arith.index_cast %add3A_342 : i32 to index
        %get3A_344 = arith.index_cast %sub3A_281 : i32 to index
        %get3A_345 = tpu.vector_load %arg4[%get3A_343, %get3A_344] {strides = array<i32>} : memref<48x79xf32, #tpu.memory_space<vmem>>, vector<1x16xf32>,
        %get3A_346 = vector.shape_cast %get3A_345 : vector<1x16xf32> to vector<16xf32>
        %add3A_347 = arith.constant 11 : i32
        %add3A_348 = arith.addi %sub3A_213, %add3A_347 : i32
        %get3A_349 = arith.index_cast %add3A_348 : i32 to index
        %get3A_350 = arith.index_cast %sub3A_281 : i32 to index
        %get3A_351 = tpu.vector_load %arg4[%get3A_349, %get3A_350] {strides = array<i32>} : memref<48x79xf32, #tpu.memory_space<vmem>>, vector<1x16xf32>,
        %get3A_352 = vector.shape_cast %get3A_351 : vector<1x16xf32> to vector<16xf32>
        %add3A_353 = arith.constant 12 : i32
        %add3A_354 = arith.addi %sub3A_213, %add3A_353 : i32
        %get3A_355 = arith.index_cast %add3A_354 : i32 to index
        %get3A_356 = arith.index_cast %sub3A_281 : i32 to index
        %get3A_357 = tpu.vector_load %arg4[%get3A_355, %get3A_356] {strides = array<i32>} : memref<48x79xf32, #tpu.memory_space<vmem>>, vector<1x16xf32>,
        %get3A_358 = vector.shape_cast %get3A_357 : vector<1x16xf32> to vector<16xf32>
        %add3A_359 = arith.constant 13 : i32
        %add3A_360 = arith.addi %sub3A_213, %add3A_359 : i32
        %get3A_361 = arith.index_cast %add3A_360 : i32 to index
        %get3A_362 = arith.index_cast %sub3A_281 : i32 to index
        %get3A_363 = tpu.vector_load %arg4[%get3A_361, %get3A_362] {strides = array<i32>} : memref<48x79xf32, #tpu.memory_space<vmem>>, vector<1x16xf32>,
        %get3A_364 = vector.shape_cast %get3A_363 : vector<1x16xf32> to vector<16xf32>
        %add3A_365 = arith.constant 14 : i32
        %add3A_366 = arith.addi %sub3A_213, %add3A_365 : i32
        %get3A_367 = arith.index_cast %add3A_366 : i32 to index
        %get3A_368 = arith.index_cast %sub3A_281 : i32 to index
        %get3A_369 = tpu.vector_load %arg4[%get3A_367, %get3A_368] {strides = array<i32>} : memref<48x79xf32, #tpu.memory_space<vmem>>, vector<1x16xf32>,
        %get3A_370 = vector.shape_cast %get3A_369 : vector<1x16xf32> to vector<16xf32>
        %add3A_371 = arith.constant 15 : i32
        %add3A_372 = arith.addi %sub3A_213, %add3A_371 : i32
        %get3A_373 = arith.index_cast %add3A_372 : i32 to index
        %get3A_374 = arith.index_cast %sub3A_281 : i32 to index
        %get3A_375 = tpu.vector_load %arg4[%get3A_373, %get3A_374] {strides = array<i32>} : memref<48x79xf32, #tpu.memory_space<vmem>>, vector<1x16xf32>,
        %get3A_376 = vector.shape_cast %get3A_375 : vector<1x16xf32> to vector<16xf32>
        %mul3A_377 = arith.constant 256 : i32
        %mul3A_378 = arith.muli %scan3A_278, %mul3A_377 : i32
        %add3A_379 = arith.constant 0 : i32
        %add3A_380 = arith.addi %mul3A_378, %add3A_379 : i32
        %swap3A = arith.index_cast %add3A_380 : i32 to index
        %swap3A_381 = tpu.vector_load %arg6[%swap3A] {strides = array<i32>} : memref<32768xf32, #tpu.memory_space<vmem>>, vector<16xf32>,
        %swap3A_382 = vector.shape_cast %swap3A_381 : vector<16xf32> to vector<16xf32>
        %swap3A_383 = vector.shape_cast %get3A_286 : vector<16xf32> to vector<16xf32>
        tpu.vector_store %arg6[%swap3A], %swap3A_383 {strides = array<i32>} : memref<32768xf32, #tpu.memory_space<vmem>>, vector<16xf32>,
        %mul3A_384 = arith.constant 256 : i32
        %mul3A_385 = arith.muli %scan3A_278, %mul3A_384 : i32
        %add3A_386 = arith.constant 16 : i32
        %add3A_387 = arith.addi %mul3A_385, %add3A_386 : i32
        %swap3A_388 = arith.index_cast %add3A_387 : i32 to index
        %swap3A_389 = tpu.vector_load %arg6[%swap3A_388] {strides = array<i32>} : memref<32768xf32, #tpu.memory_space<vmem>>, vector<16xf32>,
        %swap3A_390 = vector.shape_cast %swap3A_389 : vector<16xf32> to vector<16xf32>
        %swap3A_391 = vector.shape_cast %get3A_292 : vector<16xf32> to vector<16xf32>
        tpu.vector_store %arg6[%swap3A_388], %swap3A_391 {strides = array<i32>} : memref<32768xf32, #tpu.memory_space<vmem>>, vector<16xf32>,
        %mul3A_392 = arith.constant 256 : i32
        %mul3A_393 = arith.muli %scan3A_278, %mul3A_392 : i32
        %add3A_394 = arith.constant 32 : i32
        %add3A_395 = arith.addi %mul3A_393, %add3A_394 : i32
        %swap3A_396 = arith.index_cast %add3A_395 : i32 to index
        %swap3A_397 = tpu.vector_load %arg6[%swap3A_396] {strides = array<i32>} : memref<32768xf32, #tpu.memory_space<vmem>>, vector<16xf32>,
        %swap3A_398 = vector.shape_cast %swap3A_397 : vector<16xf32> to vector<16xf32>
        %swap3A_399 = vector.shape_cast %get3A_298 : vector<16xf32> to vector<16xf32>
        tpu.vector_store %arg6[%swap3A_396], %swap3A_399 {strides = array<i32>} : memref<32768xf32, #tpu.memory_space<vmem>>, vector<16xf32>,
        %mul3A_400 = arith.constant 256 : i32
        %mul3A_401 = arith.muli %scan3A_278, %mul3A_400 : i32
        %add3A_402 = arith.constant 48 : i32
        %add3A_403 = arith.addi %mul3A_401, %add3A_402 : i32
        %swap3A_404 = arith.index_cast %add3A_403 : i32 to index
        %swap3A_405 = tpu.vector_load %arg6[%swap3A_404] {strides = array<i32>} : memref<32768xf32, #tpu.memory_space<vmem>>, vector<16xf32>,
        %swap3A_406 = vector.shape_cast %swap3A_405 : vector<16xf32> to vector<16xf32>
        %swap3A_407 = vector.shape_cast %get3A_304 : vector<16xf32> to vector<16xf32>
        tpu.vector_store %arg6[%swap3A_404], %swap3A_407 {strides = array<i32>} : memref<32768xf32, #tpu.memory_space<vmem>>, vector<16xf32>,
        %mul3A_408 = arith.constant 256 : i32
        %mul3A_409 = arith.muli %scan3A_278, %mul3A_408 : i32
        %add3A_410 = arith.constant 64 : i32
        %add3A_411 = arith.addi %mul3A_409, %add3A_410 : i32
        %swap3A_412 = arith.index_cast %add3A_411 : i32 to index
        %swap3A_413 = tpu.vector_load %arg6[%swap3A_412] {strides = array<i32>} : memref<32768xf32, #tpu.memory_space<vmem>>, vector<16xf32>,
        %swap3A_414 = vector.shape_cast %swap3A_413 : vector<16xf32> to vector<16xf32>
        %swap3A_415 = vector.shape_cast %get3A_310 : vector<16xf32> to vector<16xf32>
        tpu.vector_store %arg6[%swap3A_412], %swap3A_415 {strides = array<i32>} : memref<32768xf32, #tpu.memory_space<vmem>>, vector<16xf32>,
        %mul3A_416 = arith.constant 256 : i32
        %mul3A_417 = arith.muli %scan3A_278, %mul3A_416 : i32
        %add3A_418 = arith.constant 80 : i32
        %add3A_419 = arith.addi %mul3A_417, %add3A_418 : i32
        %swap3A_420 = arith.index_cast %add3A_419 : i32 to index
        %swap3A_421 = tpu.vector_load %arg6[%swap3A_420] {strides = array<i32>} : memref<32768xf32, #tpu.memory_space<vmem>>, vector<16xf32>,
        %swap3A_422 = vector.shape_cast %swap3A_421 : vector<16xf32> to vector<16xf32>
        %swap3A_423 = vector.shape_cast %get3A_316 : vector<16xf32> to vector<16xf32>
        tpu.vector_store %arg6[%swap3A_420], %swap3A_423 {strides = array<i32>} : memref<32768xf32, #tpu.memory_space<vmem>>, vector<16xf32>,
        %mul3A_424 = arith.constant 256 : i32
        %mul3A_425 = arith.muli %scan3A_278, %mul3A_424 : i32
        %add3A_426 = arith.constant 96 : i32
        %add3A_427 = arith.addi %mul3A_425, %add3A_426 : i32
        %swap3A_428 = arith.index_cast %add3A_427 : i32 to index
        %swap3A_429 = tpu.vector_load %arg6[%swap3A_428] {strides = array<i32>} : memref<32768xf32, #tpu.memory_space<vmem>>, vector<16xf32>,
        %swap3A_430 = vector.shape_cast %swap3A_429 : vector<16xf32> to vector<16xf32>
        %swap3A_431 = vector.shape_cast %get3A_322 : vector<16xf32> to vector<16xf32>
        tpu.vector_store %arg6[%swap3A_428], %swap3A_431 {strides = array<i32>} : memref<32768xf32, #tpu.memory_space<vmem>>, vector<16xf32>,
        %mul3A_432 = arith.constant 256 : i32
        %mul3A_433 = arith.muli %scan3A_278, %mul3A_432 : i32
        %add3A_434 = arith.constant 112 : i32
        %add3A_435 = arith.addi %mul3A_433, %add3A_434 : i32
        %swap3A_436 = arith.index_cast %add3A_435 : i32 to index
        %swap3A_437 = tpu.vector_load %arg6[%swap3A_436] {strides = array<i32>} : memref<32768xf32, #tpu.memory_space<vmem>>, vector<16xf32>,
        %swap3A_438 = vector.shape_cast %swap3A_437 : vector<16xf32> to vector<16xf32>
        %swap3A_439 = vector.shape_cast %get3A_328 : vector<16xf32> to vector<16xf32>
        tpu.vector_store %arg6[%swap3A_436], %swap3A_439 {strides = array<i32>} : memref<32768xf32, #tpu.memory_space<vmem>>, vector<16xf32>,
        %mul3A_440 = arith.constant 256 : i32
        %mul3A_441 = arith.muli %scan3A_278, %mul3A_440 : i32
        %add3A_442 = arith.constant 128 : i32
        %add3A_443 = arith.addi %mul3A_441, %add3A_442 : i32
        %swap3A_444 = arith.index_cast %add3A_443 : i32 to index
        %swap3A_445 = tpu.vector_load %arg6[%swap3A_444] {strides = array<i32>} : memref<32768xf32, #tpu.memory_space<vmem>>, vector<16xf32>,
        %swap3A_446 = vector.shape_cast %swap3A_445 : vector<16xf32> to vector<16xf32>
        %swap3A_447 = vector.shape_cast %get3A_334 : vector<16xf32> to vector<16xf32>
        tpu.vector_store %arg6[%swap3A_444], %swap3A_447 {strides = array<i32>} : memref<32768xf32, #tpu.memory_space<vmem>>, vector<16xf32>,
        %mul3A_448 = arith.constant 256 : i32
        %mul3A_449 = arith.muli %scan3A_278, %mul3A_448 : i32
        %add3A_450 = arith.constant 144 : i32
        %add3A_451 = arith.addi %mul3A_449, %add3A_450 : i32
        %swap3A_452 = arith.index_cast %add3A_451 : i32 to index
        %swap3A_453 = tpu.vector_load %arg6[%swap3A_452] {strides = array<i32>} : memref<32768xf32, #tpu.memory_space<vmem>>, vector<16xf32>,
        %swap3A_454 = vector.shape_cast %swap3A_453 : vector<16xf32> to vector<16xf32>
        %swap3A_455 = vector.shape_cast %get3A_340 : vector<16xf32> to vector<16xf32>
        tpu.vector_store %arg6[%swap3A_452], %swap3A_455 {strides = array<i32>} : memref<32768xf32, #tpu.memory_space<vmem>>, vector<16xf32>,
        %mul3A_456 = arith.constant 256 : i32
        %mul3A_457 = arith.muli %scan3A_278, %mul3A_456 : i32
        %add3A_458 = arith.constant 160 : i32
        %add3A_459 = arith.addi %mul3A_457, %add3A_458 : i32
        %swap3A_460 = arith.index_cast %add3A_459 : i32 to index
        %swap3A_461 = tpu.vector_load %arg6[%swap3A_460] {strides = array<i32>} : memref<32768xf32, #tpu.memory_space<vmem>>, vector<16xf32>,
        %swap3A_462 = vector.shape_cast %swap3A_461 : vector<16xf32> to vector<16xf32>
        %swap3A_463 = vector.shape_cast %get3A_346 : vector<16xf32> to vector<16xf32>
        tpu.vector_store %arg6[%swap3A_460], %swap3A_463 {strides = array<i32>} : memref<32768xf32, #tpu.memory_space<vmem>>, vector<16xf32>,
        %mul3A_464 = arith.constant 256 : i32
        %mul3A_465 = arith.muli %scan3A_278, %mul3A_464 : i32
        %add3A_466 = arith.constant 176 : i32
        %add3A_467 = arith.addi %mul3A_465, %add3A_466 : i32
        %swap3A_468 = arith.index_cast %add3A_467 : i32 to index
        %swap3A_469 = tpu.vector_load %arg6[%swap3A_468] {strides = array<i32>} : memref<32768xf32, #tpu.memory_space<vmem>>, vector<16xf32>,
        %swap3A_470 = vector.shape_cast %swap3A_469 : vector<16xf32> to vector<16xf32>
        %swap3A_471 = vector.shape_cast %get3A_352 : vector<16xf32> to vector<16xf32>
        tpu.vector_store %arg6[%swap3A_468], %swap3A_471 {strides = array<i32>} : memref<32768xf32, #tpu.memory_space<vmem>>, vector<16xf32>,
        %mul3A_472 = arith.constant 256 : i32
        %mul3A_473 = arith.muli %scan3A_278, %mul3A_472 : i32
        %add3A_474 = arith.constant 192 : i32
        %add3A_475 = arith.addi %mul3A_473, %add3A_474 : i32
        %swap3A_476 = arith.index_cast %add3A_475 : i32 to index
        %swap3A_477 = tpu.vector_load %arg6[%swap3A_476] {strides = array<i32>} : memref<32768xf32, #tpu.memory_space<vmem>>, vector<16xf32>,
        %swap3A_478 = vector.shape_cast %swap3A_477 : vector<16xf32> to vector<16xf32>
        %swap3A_479 = vector.shape_cast %get3A_358 : vector<16xf32> to vector<16xf32>
        tpu.vector_store %arg6[%swap3A_476], %swap3A_479 {strides = array<i32>} : memref<32768xf32, #tpu.memory_space<vmem>>, vector<16xf32>,
        %mul3A_480 = arith.constant 256 : i32
        %mul3A_481 = arith.muli %scan3A_278, %mul3A_480 : i32
        %add3A_482 = arith.constant 208 : i32
        %add3A_483 = arith.addi %mul3A_481, %add3A_482 : i32
        %swap3A_484 = arith.index_cast %add3A_483 : i32 to index
        %swap3A_485 = tpu.vector_load %arg6[%swap3A_484] {strides = array<i32>} : memref<32768xf32, #tpu.memory_space<vmem>>, vector<16xf32>,
        %swap3A_486 = vector.shape_cast %swap3A_485 : vector<16xf32> to vector<16xf32>
        %swap3A_487 = vector.shape_cast %get3A_364 : vector<16xf32> to vector<16xf32>
        tpu.vector_store %arg6[%swap3A_484], %swap3A_487 {strides = array<i32>} : memref<32768xf32, #tpu.memory_space<vmem>>, vector<16xf32>,
        %mul3A_488 = arith.constant 256 : i32
        %mul3A_489 = arith.muli %scan3A_278, %mul3A_488 : i32
        %add3A_490 = arith.constant 224 : i32
        %add3A_491 = arith.addi %mul3A_489, %add3A_490 : i32
        %swap3A_492 = arith.index_cast %add3A_491 : i32 to index
        %swap3A_493 = tpu.vector_load %arg6[%swap3A_492] {strides = array<i32>} : memref<32768xf32, #tpu.memory_space<vmem>>, vector<16xf32>,
        %swap3A_494 = vector.shape_cast %swap3A_493 : vector<16xf32> to vector<16xf32>
        %swap3A_495 = vector.shape_cast %get3A_370 : vector<16xf32> to vector<16xf32>
        tpu.vector_store %arg6[%swap3A_492], %swap3A_495 {strides = array<i32>} : memref<32768xf32, #tpu.memory_space<vmem>>, vector<16xf32>,
        %mul3A_496 = arith.constant 256 : i32
        %mul3A_497 = arith.muli %scan3A_278, %mul3A_496 : i32
        %add3A_498 = arith.constant 240 : i32
        %add3A_499 = arith.addi %mul3A_497, %add3A_498 : i32
        %swap3A_500 = arith.index_cast %add3A_499 : i32 to index
        %swap3A_501 = tpu.vector_load %arg6[%swap3A_500] {strides = array<i32>} : memref<32768xf32, #tpu.memory_space<vmem>>, vector<16xf32>,
        %swap3A_502 = vector.shape_cast %swap3A_501 : vector<16xf32> to vector<16xf32>
        %swap3A_503 = vector.shape_cast %get3A_376 : vector<16xf32> to vector<16xf32>
        tpu.vector_store %arg6[%swap3A_500], %swap3A_503 {strides = array<i32>} : memref<32768xf32, #tpu.memory_space<vmem>>, vector<16xf32>,
        %sub3A_504 = arith.constant 1 : i32
        %sub3A_505 = arith.subi %sub3A_213, %sub3A_504 : i32
        %get3A_506 = arith.index_cast %sub3A_505 : i32 to index
        %get3A_507 = arith.index_cast %sub3A_281 : i32 to index
        %get3A_508 = tpu.vector_load %arg4[%get3A_506, %get3A_507] {strides = array<i32>} : memref<48x79xf32, #tpu.memory_space<vmem>>, vector<1x16xf32>,
        %get3A_509 = vector.shape_cast %get3A_508 : vector<1x16xf32> to vector<16xf32>
        %add3A_510 = arith.constant 64 : i32
        %add3A_511 = arith.addi %add3A_510, %scan3A_278 : i32
        %mul3A_512 = arith.constant 256 : i32
        %mul3A_513 = arith.muli %add3A_511, %mul3A_512 : i32
        %add3A_514 = arith.constant 0 : i32
        %add3A_515 = arith.addi %mul3A_513, %add3A_514 : i32
        %swap3A_516 = arith.index_cast %add3A_515 : i32 to index
        %swap3A_517 = tpu.vector_load %arg6[%swap3A_516] {strides = array<i32>} : memref<32768xf32, #tpu.memory_space<vmem>>, vector<16xf32>,
        %swap3A_518 = vector.shape_cast %swap3A_517 : vector<16xf32> to vector<16xf32>
        %swap3A_519 = vector.shape_cast %get3A_509 : vector<16xf32> to vector<16xf32>
        tpu.vector_store %arg6[%swap3A_516], %swap3A_519 {strides = array<i32>} : memref<32768xf32, #tpu.memory_space<vmem>>, vector<16xf32>,
        %add3A_520 = arith.constant 16 : i32
        %add3A_521 = arith.addi %mul3A_513, %add3A_520 : i32
        %swap3A_522 = arith.index_cast %add3A_521 : i32 to index
        %swap3A_523 = tpu.vector_load %arg6[%swap3A_522] {strides = array<i32>} : memref<32768xf32, #tpu.memory_space<vmem>>, vector<16xf32>,
        %swap3A_524 = vector.shape_cast %swap3A_523 : vector<16xf32> to vector<16xf32>
        %swap3A_525 = vector.shape_cast %get3A_286 : vector<16xf32> to vector<16xf32>
        tpu.vector_store %arg6[%swap3A_522], %swap3A_525 {strides = array<i32>} : memref<32768xf32, #tpu.memory_space<vmem>>, vector<16xf32>,
        %add3A_526 = arith.constant 32 : i32
        %add3A_527 = arith.addi %mul3A_513, %add3A_526 : i32
        %swap3A_528 = arith.index_cast %add3A_527 : i32 to index
        %swap3A_529 = tpu.vector_load %arg6[%swap3A_528] {strides = array<i32>} : memref<32768xf32, #tpu.memory_space<vmem>>, vector<16xf32>,
        %swap3A_530 = vector.shape_cast %swap3A_529 : vector<16xf32> to vector<16xf32>
        %swap3A_531 = vector.shape_cast %get3A_292 : vector<16xf32> to vector<16xf32>
        tpu.vector_store %arg6[%swap3A_528], %swap3A_531 {strides = array<i32>} : memref<32768xf32, #tpu.memory_space<vmem>>, vector<16xf32>,
        %add3A_532 = arith.constant 48 : i32
        %add3A_533 = arith.addi %mul3A_513, %add3A_532 : i32
        %swap3A_534 = arith.index_cast %add3A_533 : i32 to index
        %swap3A_535 = tpu.vector_load %arg6[%swap3A_534] {strides = array<i32>} : memref<32768xf32, #tpu.memory_space<vmem>>, vector<16xf32>,
        %swap3A_536 = vector.shape_cast %swap3A_535 : vector<16xf32> to vector<16xf32>
        %swap3A_537 = vector.shape_cast %get3A_298 : vector<16xf32> to vector<16xf32>
        tpu.vector_store %arg6[%swap3A_534], %swap3A_537 {strides = array<i32>} : memref<32768xf32, #tpu.memory_space<vmem>>, vector<16xf32>,
        %add3A_538 = arith.constant 64 : i32
        %add3A_539 = arith.addi %mul3A_513, %add3A_538 : i32
        %swap3A_540 = arith.index_cast %add3A_539 : i32 to index
        %swap3A_541 = tpu.vector_load %arg6[%swap3A_540] {strides = array<i32>} : memref<32768xf32, #tpu.memory_space<vmem>>, vector<16xf32>,
        %swap3A_542 = vector.shape_cast %swap3A_541 : vector<16xf32> to vector<16xf32>
        %swap3A_543 = vector.shape_cast %get3A_304 : vector<16xf32> to vector<16xf32>
        tpu.vector_store %arg6[%swap3A_540], %swap3A_543 {strides = array<i32>} : memref<32768xf32, #tpu.memory_space<vmem>>, vector<16xf32>,
        %add3A_544 = arith.constant 80 : i32
        %add3A_545 = arith.addi %mul3A_513, %add3A_544 : i32
        %swap3A_546 = arith.index_cast %add3A_545 : i32 to index
        %swap3A_547 = tpu.vector_load %arg6[%swap3A_546] {strides = array<i32>} : memref<32768xf32, #tpu.memory_space<vmem>>, vector<16xf32>,
        %swap3A_548 = vector.shape_cast %swap3A_547 : vector<16xf32> to vector<16xf32>
        %swap3A_549 = vector.shape_cast %get3A_310 : vector<16xf32> to vector<16xf32>
        tpu.vector_store %arg6[%swap3A_546], %swap3A_549 {strides = array<i32>} : memref<32768xf32, #tpu.memory_space<vmem>>, vector<16xf32>,
        %add3A_550 = arith.constant 96 : i32
        %add3A_551 = arith.addi %mul3A_513, %add3A_550 : i32
        %swap3A_552 = arith.index_cast %add3A_551 : i32 to index
        %swap3A_553 = tpu.vector_load %arg6[%swap3A_552] {strides = array<i32>} : memref<32768xf32, #tpu.memory_space<vmem>>, vector<16xf32>,
        %swap3A_554 = vector.shape_cast %swap3A_553 : vector<16xf32> to vector<16xf32>
        %swap3A_555 = vector.shape_cast %get3A_316 : vector<16xf32> to vector<16xf32>
        tpu.vector_store %arg6[%swap3A_552], %swap3A_555 {strides = array<i32>} : memref<32768xf32, #tpu.memory_space<vmem>>, vector<16xf32>,
        %add3A_556 = arith.constant 112 : i32
        %add3A_557 = arith.addi %mul3A_513, %add3A_556 : i32
        %swap3A_558 = arith.index_cast %add3A_557 : i32 to index
        %swap3A_559 = tpu.vector_load %arg6[%swap3A_558] {strides = array<i32>} : memref<32768xf32, #tpu.memory_space<vmem>>, vector<16xf32>,
        %swap3A_560 = vector.shape_cast %swap3A_559 : vector<16xf32> to vector<16xf32>
        %swap3A_561 = vector.shape_cast %get3A_322 : vector<16xf32> to vector<16xf32>
        tpu.vector_store %arg6[%swap3A_558], %swap3A_561 {strides = array<i32>} : memref<32768xf32, #tpu.memory_space<vmem>>, vector<16xf32>,
        %add3A_562 = arith.constant 128 : i32
        %add3A_563 = arith.addi %mul3A_513, %add3A_562 : i32
        %swap3A_564 = arith.index_cast %add3A_563 : i32 to index
        %swap3A_565 = tpu.vector_load %arg6[%swap3A_564] {strides = array<i32>} : memref<32768xf32, #tpu.memory_space<vmem>>, vector<16xf32>,
        %swap3A_566 = vector.shape_cast %swap3A_565 : vector<16xf32> to vector<16xf32>
        %swap3A_567 = vector.shape_cast %get3A_328 : vector<16xf32> to vector<16xf32>
        tpu.vector_store %arg6[%swap3A_564], %swap3A_567 {strides = array<i32>} : memref<32768xf32, #tpu.memory_space<vmem>>, vector<16xf32>,
        %add3A_568 = arith.constant 144 : i32
        %add3A_569 = arith.addi %mul3A_513, %add3A_568 : i32
        %swap3A_570 = arith.index_cast %add3A_569 : i32 to index
        %swap3A_571 = tpu.vector_load %arg6[%swap3A_570] {strides = array<i32>} : memref<32768xf32, #tpu.memory_space<vmem>>, vector<16xf32>,
        %swap3A_572 = vector.shape_cast %swap3A_571 : vector<16xf32> to vector<16xf32>
        %swap3A_573 = vector.shape_cast %get3A_334 : vector<16xf32> to vector<16xf32>
        tpu.vector_store %arg6[%swap3A_570], %swap3A_573 {strides = array<i32>} : memref<32768xf32, #tpu.memory_space<vmem>>, vector<16xf32>,
        %add3A_574 = arith.constant 160 : i32
        %add3A_575 = arith.addi %mul3A_513, %add3A_574 : i32
        %swap3A_576 = arith.index_cast %add3A_575 : i32 to index
        %swap3A_577 = tpu.vector_load %arg6[%swap3A_576] {strides = array<i32>} : memref<32768xf32, #tpu.memory_space<vmem>>, vector<16xf32>,
        %swap3A_578 = vector.shape_cast %swap3A_577 : vector<16xf32> to vector<16xf32>
        %swap3A_579 = vector.shape_cast %get3A_340 : vector<16xf32> to vector<16xf32>
        tpu.vector_store %arg6[%swap3A_576], %swap3A_579 {strides = array<i32>} : memref<32768xf32, #tpu.memory_space<vmem>>, vector<16xf32>,
        %add3A_580 = arith.constant 176 : i32
        %add3A_581 = arith.addi %mul3A_513, %add3A_580 : i32
        %swap3A_582 = arith.index_cast %add3A_581 : i32 to index
        %swap3A_583 = tpu.vector_load %arg6[%swap3A_582] {strides = array<i32>} : memref<32768xf32, #tpu.memory_space<vmem>>, vector<16xf32>,
        %swap3A_584 = vector.shape_cast %swap3A_583 : vector<16xf32> to vector<16xf32>
        %swap3A_585 = vector.shape_cast %get3A_346 : vector<16xf32> to vector<16xf32>
        tpu.vector_store %arg6[%swap3A_582], %swap3A_585 {strides = array<i32>} : memref<32768xf32, #tpu.memory_space<vmem>>, vector<16xf32>,
        %add3A_586 = arith.constant 192 : i32
        %add3A_587 = arith.addi %mul3A_513, %add3A_586 : i32
        %swap3A_588 = arith.index_cast %add3A_587 : i32 to index
        %swap3A_589 = tpu.vector_load %arg6[%swap3A_588] {strides = array<i32>} : memref<32768xf32, #tpu.memory_space<vmem>>, vector<16xf32>,
        %swap3A_590 = vector.shape_cast %swap3A_589 : vector<16xf32> to vector<16xf32>
        %swap3A_591 = vector.shape_cast %get3A_352 : vector<16xf32> to vector<16xf32>
        tpu.vector_store %arg6[%swap3A_588], %swap3A_591 {strides = array<i32>} : memref<32768xf32, #tpu.memory_space<vmem>>, vector<16xf32>,
        %add3A_592 = arith.constant 208 : i32
        %add3A_593 = arith.addi %mul3A_513, %add3A_592 : i32
        %swap3A_594 = arith.index_cast %add3A_593 : i32 to index
        %swap3A_595 = tpu.vector_load %arg6[%swap3A_594] {strides = array<i32>} : memref<32768xf32, #tpu.memory_space<vmem>>, vector<16xf32>,
        %swap3A_596 = vector.shape_cast %swap3A_595 : vector<16xf32> to vector<16xf32>
        %swap3A_597 = vector.shape_cast %get3A_358 : vector<16xf32> to vector<16xf32>
        tpu.vector_store %arg6[%swap3A_594], %swap3A_597 {strides = array<i32>} : memref<32768xf32, #tpu.memory_space<vmem>>, vector<16xf32>,
        %add3A_598 = arith.constant 224 : i32
        %add3A_599 = arith.addi %mul3A_513, %add3A_598 : i32
        %swap3A_600 = arith.index_cast %add3A_599 : i32 to index
        %swap3A_601 = tpu.vector_load %arg6[%swap3A_600] {strides = array<i32>} : memref<32768xf32, #tpu.memory_space<vmem>>, vector<16xf32>,
        %swap3A_602 = vector.shape_cast %swap3A_601 : vector<16xf32> to vector<16xf32>
        %swap3A_603 = vector.shape_cast %get3A_364 : vector<16xf32> to vector<16xf32>
        tpu.vector_store %arg6[%swap3A_600], %swap3A_603 {strides = array<i32>} : memref<32768xf32, #tpu.memory_space<vmem>>, vector<16xf32>,
        %add3A_604 = arith.constant 240 : i32
        %add3A_605 = arith.addi %mul3A_513, %add3A_604 : i32
        %swap3A_606 = arith.index_cast %add3A_605 : i32 to index
        %swap3A_607 = tpu.vector_load %arg6[%swap3A_606] {strides = array<i32>} : memref<32768xf32, #tpu.memory_space<vmem>>, vector<16xf32>,
        %swap3A_608 = vector.shape_cast %swap3A_607 : vector<16xf32> to vector<16xf32>
        %swap3A_609 = vector.shape_cast %get3A_370 : vector<16xf32> to vector<16xf32>
        tpu.vector_store %arg6[%swap3A_606], %swap3A_609 {strides = array<i32>} : memref<32768xf32, #tpu.memory_space<vmem>>, vector<16xf32>,
        %scan3A_610 = arith.constant 0 : i32
        %scan3A_611 = arith.constant 1 : i32
        %scan3A_612 = arith.addi %scan3A_278, %scan3A_611 : i32
        %sub3A_613 = arith.constant 63 : i32
        %sub3A_614 = arith.subi %sub3A_613, %scan3A_612 : i32
        %add3A_615 = arith.constant 0 : i32
        %add3A_616 = arith.addi %sub3A_213, %add3A_615 : i32
        %get3A_617 = arith.index_cast %add3A_616 : i32 to index
        %get3A_618 = arith.index_cast %sub3A_614 : i32 to index
        %get3A_619 = tpu.vector_load %arg4[%get3A_617, %get3A_618] {strides = array<i32>} : memref<48x79xf32, #tpu.memory_space<vmem>>, vector<1x16xf32>,
        %get3A_620 = vector.shape_cast %get3A_619 : vector<1x16xf32> to vector<16xf32>
        %add3A_621 = arith.constant 1 : i32
        %add3A_622 = arith.addi %sub3A_213, %add3A_621 : i32
        %get3A_623 = arith.index_cast %add3A_622 : i32 to index
        %get3A_624 = arith.index_cast %sub3A_614 : i32 to index
        %get3A_625 = tpu.vector_load %arg4[%get3A_623, %get3A_624] {strides = array<i32>} : memref<48x79xf32, #tpu.memory_space<vmem>>, vector<1x16xf32>,
        %get3A_626 = vector.shape_cast %get3A_625 : vector<1x16xf32> to vector<16xf32>
        %add3A_627 = arith.constant 2 : i32
        %add3A_628 = arith.addi %sub3A_213, %add3A_627 : i32
        %get3A_629 = arith.index_cast %add3A_628 : i32 to index
        %get3A_630 = arith.index_cast %sub3A_614 : i32 to index
        %get3A_631 = tpu.vector_load %arg4[%get3A_629, %get3A_630] {strides = array<i32>} : memref<48x79xf32, #tpu.memory_space<vmem>>, vector<1x16xf32>,
        %get3A_632 = vector.shape_cast %get3A_631 : vector<1x16xf32> to vector<16xf32>
        %add3A_633 = arith.constant 3 : i32
        %add3A_634 = arith.addi %sub3A_213, %add3A_633 : i32
        %get3A_635 = arith.index_cast %add3A_634 : i32 to index
        %get3A_636 = arith.index_cast %sub3A_614 : i32 to index
        %get3A_637 = tpu.vector_load %arg4[%get3A_635, %get3A_636] {strides = array<i32>} : memref<48x79xf32, #tpu.memory_space<vmem>>, vector<1x16xf32>,
        %get3A_638 = vector.shape_cast %get3A_637 : vector<1x16xf32> to vector<16xf32>
        %add3A_639 = arith.constant 4 : i32
        %add3A_640 = arith.addi %sub3A_213, %add3A_639 : i32
        %get3A_641 = arith.index_cast %add3A_640 : i32 to index
        %get3A_642 = arith.index_cast %sub3A_614 : i32 to index
        %get3A_643 = tpu.vector_load %arg4[%get3A_641, %get3A_642] {strides = array<i32>} : memref<48x79xf32, #tpu.memory_space<vmem>>, vector<1x16xf32>,
        %get3A_644 = vector.shape_cast %get3A_643 : vector<1x16xf32> to vector<16xf32>
        %add3A_645 = arith.constant 5 : i32
        %add3A_646 = arith.addi %sub3A_213, %add3A_645 : i32
        %get3A_647 = arith.index_cast %add3A_646 : i32 to index
        %get3A_648 = arith.index_cast %sub3A_614 : i32 to index
        %get3A_649 = tpu.vector_load %arg4[%get3A_647, %get3A_648] {strides = array<i32>} : memref<48x79xf32, #tpu.memory_space<vmem>>, vector<1x16xf32>,
        %get3A_650 = vector.shape_cast %get3A_649 : vector<1x16xf32> to vector<16xf32>
        %add3A_651 = arith.constant 6 : i32
        %add3A_652 = arith.addi %sub3A_213, %add3A_651 : i32
        %get3A_653 = arith.index_cast %add3A_652 : i32 to index
        %get3A_654 = arith.index_cast %sub3A_614 : i32 to index
        %get3A_655 = tpu.vector_load %arg4[%get3A_653, %get3A_654] {strides = array<i32>} : memref<48x79xf32, #tpu.memory_space<vmem>>, vector<1x16xf32>,
        %get3A_656 = vector.shape_cast %get3A_655 : vector<1x16xf32> to vector<16xf32>
        %add3A_657 = arith.constant 7 : i32
        %add3A_658 = arith.addi %sub3A_213, %add3A_657 : i32
        %get3A_659 = arith.index_cast %add3A_658 : i32 to index
        %get3A_660 = arith.index_cast %sub3A_614 : i32 to index
        %get3A_661 = tpu.vector_load %arg4[%get3A_659, %get3A_660] {strides = array<i32>} : memref<48x79xf32, #tpu.memory_space<vmem>>, vector<1x16xf32>,
        %get3A_662 = vector.shape_cast %get3A_661 : vector<1x16xf32> to vector<16xf32>
        %add3A_663 = arith.constant 8 : i32
        %add3A_664 = arith.addi %sub3A_213, %add3A_663 : i32
        %get3A_665 = arith.index_cast %add3A_664 : i32 to index
        %get3A_666 = arith.index_cast %sub3A_614 : i32 to index
        %get3A_667 = tpu.vector_load %arg4[%get3A_665, %get3A_666] {strides = array<i32>} : memref<48x79xf32, #tpu.memory_space<vmem>>, vector<1x16xf32>,
        %get3A_668 = vector.shape_cast %get3A_667 : vector<1x16xf32> to vector<16xf32>
        %add3A_669 = arith.constant 9 : i32
        %add3A_670 = arith.addi %sub3A_213, %add3A_669 : i32
        %get3A_671 = arith.index_cast %add3A_670 : i32 to index
        %get3A_672 = arith.index_cast %sub3A_614 : i32 to index
        %get3A_673 = tpu.vector_load %arg4[%get3A_671, %get3A_672] {strides = array<i32>} : memref<48x79xf32, #tpu.memory_space<vmem>>, vector<1x16xf32>,
        %get3A_674 = vector.shape_cast %get3A_673 : vector<1x16xf32> to vector<16xf32>
        %add3A_675 = arith.constant 10 : i32
        %add3A_676 = arith.addi %sub3A_213, %add3A_675 : i32
        %get3A_677 = arith.index_cast %add3A_676 : i32 to index
        %get3A_678 = arith.index_cast %sub3A_614 : i32 to index
        %get3A_679 = tpu.vector_load %arg4[%get3A_677, %get3A_678] {strides = array<i32>} : memref<48x79xf32, #tpu.memory_space<vmem>>, vector<1x16xf32>,
        %get3A_680 = vector.shape_cast %get3A_679 : vector<1x16xf32> to vector<16xf32>
        %add3A_681 = arith.constant 11 : i32
        %add3A_682 = arith.addi %sub3A_213, %add3A_681 : i32
        %get3A_683 = arith.index_cast %add3A_682 : i32 to index
        %get3A_684 = arith.index_cast %sub3A_614 : i32 to index
        %get3A_685 = tpu.vector_load %arg4[%get3A_683, %get3A_684] {strides = array<i32>} : memref<48x79xf32, #tpu.memory_space<vmem>>, vector<1x16xf32>,
        %get3A_686 = vector.shape_cast %get3A_685 : vector<1x16xf32> to vector<16xf32>
        %add3A_687 = arith.constant 12 : i32
        %add3A_688 = arith.addi %sub3A_213, %add3A_687 : i32
        %get3A_689 = arith.index_cast %add3A_688 : i32 to index
        %get3A_690 = arith.index_cast %sub3A_614 : i32 to index
        %get3A_691 = tpu.vector_load %arg4[%get3A_689, %get3A_690] {strides = array<i32>} : memref<48x79xf32, #tpu.memory_space<vmem>>, vector<1x16xf32>,
        %get3A_692 = vector.shape_cast %get3A_691 : vector<1x16xf32> to vector<16xf32>
        %add3A_693 = arith.constant 13 : i32
        %add3A_694 = arith.addi %sub3A_213, %add3A_693 : i32
        %get3A_695 = arith.index_cast %add3A_694 : i32 to index
        %get3A_696 = arith.index_cast %sub3A_614 : i32 to index
        %get3A_697 = tpu.vector_load %arg4[%get3A_695, %get3A_696] {strides = array<i32>} : memref<48x79xf32, #tpu.memory_space<vmem>>, vector<1x16xf32>,
        %get3A_698 = vector.shape_cast %get3A_697 : vector<1x16xf32> to vector<16xf32>
        %add3A_699 = arith.constant 14 : i32
        %add3A_700 = arith.addi %sub3A_213, %add3A_699 : i32
        %get3A_701 = arith.index_cast %add3A_700 : i32 to index
        %get3A_702 = arith.index_cast %sub3A_614 : i32 to index
        %get3A_703 = tpu.vector_load %arg4[%get3A_701, %get3A_702] {strides = array<i32>} : memref<48x79xf32, #tpu.memory_space<vmem>>, vector<1x16xf32>,
        %get3A_704 = vector.shape_cast %get3A_703 : vector<1x16xf32> to vector<16xf32>
        %add3A_705 = arith.constant 15 : i32
        %add3A_706 = arith.addi %sub3A_213, %add3A_705 : i32
        %get3A_707 = arith.index_cast %add3A_706 : i32 to index
        %get3A_708 = arith.index_cast %sub3A_614 : i32 to index
        %get3A_709 = tpu.vector_load %arg4[%get3A_707, %get3A_708] {strides = array<i32>} : memref<48x79xf32, #tpu.memory_space<vmem>>, vector<1x16xf32>,
        %get3A_710 = vector.shape_cast %get3A_709 : vector<1x16xf32> to vector<16xf32>
        %mul3A_711 = arith.constant 256 : i32
        %mul3A_712 = arith.muli %scan3A_612, %mul3A_711 : i32
        %add3A_713 = arith.constant 0 : i32
        %add3A_714 = arith.addi %mul3A_712, %add3A_713 : i32
        %swap3A_715 = arith.index_cast %add3A_714 : i32 to index
        %swap3A_716 = tpu.vector_load %arg6[%swap3A_715] {strides = array<i32>} : memref<32768xf32, #tpu.memory_space<vmem>>, vector<16xf32>,
        %swap3A_717 = vector.shape_cast %swap3A_716 : vector<16xf32> to vector<16xf32>
        %swap3A_718 = vector.shape_cast %get3A_620 : vector<16xf32> to vector<16xf32>
        tpu.vector_store %arg6[%swap3A_715], %swap3A_718 {strides = array<i32>} : memref<32768xf32, #tpu.memory_space<vmem>>, vector<16xf32>,
        %mul3A_719 = arith.constant 256 : i32
        %mul3A_720 = arith.muli %scan3A_612, %mul3A_719 : i32
        %add3A_721 = arith.constant 16 : i32
        %add3A_722 = arith.addi %mul3A_720, %add3A_721 : i32
        %swap3A_723 = arith.index_cast %add3A_722 : i32 to index
        %swap3A_724 = tpu.vector_load %arg6[%swap3A_723] {strides = array<i32>} : memref<32768xf32, #tpu.memory_space<vmem>>, vector<16xf32>,
        %swap3A_725 = vector.shape_cast %swap3A_724 : vector<16xf32> to vector<16xf32>
        %swap3A_726 = vector.shape_cast %get3A_626 : vector<16xf32> to vector<16xf32>
        tpu.vector_store %arg6[%swap3A_723], %swap3A_726 {strides = array<i32>} : memref<32768xf32, #tpu.memory_space<vmem>>, vector<16xf32>,
        %mul3A_727 = arith.constant 256 : i32
        %mul3A_728 = arith.muli %scan3A_612, %mul3A_727 : i32
        %add3A_729 = arith.constant 32 : i32
        %add3A_730 = arith.addi %mul3A_728, %add3A_729 : i32
        %swap3A_731 = arith.index_cast %add3A_730 : i32 to index
        %swap3A_732 = tpu.vector_load %arg6[%swap3A_731] {strides = array<i32>} : memref<32768xf32, #tpu.memory_space<vmem>>, vector<16xf32>,
        %swap3A_733 = vector.shape_cast %swap3A_732 : vector<16xf32> to vector<16xf32>
        %swap3A_734 = vector.shape_cast %get3A_632 : vector<16xf32> to vector<16xf32>
        tpu.vector_store %arg6[%swap3A_731], %swap3A_734 {strides = array<i32>} : memref<32768xf32, #tpu.memory_space<vmem>>, vector<16xf32>,
        %mul3A_735 = arith.constant 256 : i32
        %mul3A_736 = arith.muli %scan3A_612, %mul3A_735 : i32
        %add3A_737 = arith.constant 48 : i32
        %add3A_738 = arith.addi %mul3A_736, %add3A_737 : i32
        %swap3A_739 = arith.index_cast %add3A_738 : i32 to index
        %swap3A_740 = tpu.vector_load %arg6[%swap3A_739] {strides = array<i32>} : memref<32768xf32, #tpu.memory_space<vmem>>, vector<16xf32>,
        %swap3A_741 = vector.shape_cast %swap3A_740 : vector<16xf32> to vector<16xf32>
        %swap3A_742 = vector.shape_cast %get3A_638 : vector<16xf32> to vector<16xf32>
        tpu.vector_store %arg6[%swap3A_739], %swap3A_742 {strides = array<i32>} : memref<32768xf32, #tpu.memory_space<vmem>>, vector<16xf32>,
        %mul3A_743 = arith.constant 256 : i32
        %mul3A_744 = arith.muli %scan3A_612, %mul3A_743 : i32
        %add3A_745 = arith.constant 64 : i32
        %add3A_746 = arith.addi %mul3A_744, %add3A_745 : i32
        %swap3A_747 = arith.index_cast %add3A_746 : i32 to index
        %swap3A_748 = tpu.vector_load %arg6[%swap3A_747] {strides = array<i32>} : memref<32768xf32, #tpu.memory_space<vmem>>, vector<16xf32>,
        %swap3A_749 = vector.shape_cast %swap3A_748 : vector<16xf32> to vector<16xf32>
        %swap3A_750 = vector.shape_cast %get3A_644 : vector<16xf32> to vector<16xf32>
        tpu.vector_store %arg6[%swap3A_747], %swap3A_750 {strides = array<i32>} : memref<32768xf32, #tpu.memory_space<vmem>>, vector<16xf32>,
        %mul3A_751 = arith.constant 256 : i32
        %mul3A_752 = arith.muli %scan3A_612, %mul3A_751 : i32
        %add3A_753 = arith.constant 80 : i32
        %add3A_754 = arith.addi %mul3A_752, %add3A_753 : i32
        %swap3A_755 = arith.index_cast %add3A_754 : i32 to index
        %swap3A_756 = tpu.vector_load %arg6[%swap3A_755] {strides = array<i32>} : memref<32768xf32, #tpu.memory_space<vmem>>, vector<16xf32>,
        %swap3A_757 = vector.shape_cast %swap3A_756 : vector<16xf32> to vector<16xf32>
        %swap3A_758 = vector.shape_cast %get3A_650 : vector<16xf32> to vector<16xf32>
        tpu.vector_store %arg6[%swap3A_755], %swap3A_758 {strides = array<i32>} : memref<32768xf32, #tpu.memory_space<vmem>>, vector<16xf32>,
        %mul3A_759 = arith.constant 256 : i32
        %mul3A_760 = arith.muli %scan3A_612, %mul3A_759 : i32
        %add3A_761 = arith.constant 96 : i32
        %add3A_762 = arith.addi %mul3A_760, %add3A_761 : i32
        %swap3A_763 = arith.index_cast %add3A_762 : i32 to index
        %swap3A_764 = tpu.vector_load %arg6[%swap3A_763] {strides = array<i32>} : memref<32768xf32, #tpu.memory_space<vmem>>, vector<16xf32>,
        %swap3A_765 = vector.shape_cast %swap3A_764 : vector<16xf32> to vector<16xf32>
        %swap3A_766 = vector.shape_cast %get3A_656 : vector<16xf32> to vector<16xf32>
        tpu.vector_store %arg6[%swap3A_763], %swap3A_766 {strides = array<i32>} : memref<32768xf32, #tpu.memory_space<vmem>>, vector<16xf32>,
        %mul3A_767 = arith.constant 256 : i32
        %mul3A_768 = arith.muli %scan3A_612, %mul3A_767 : i32
        %add3A_769 = arith.constant 112 : i32
        %add3A_770 = arith.addi %mul3A_768, %add3A_769 : i32
        %swap3A_771 = arith.index_cast %add3A_770 : i32 to index
        %swap3A_772 = tpu.vector_load %arg6[%swap3A_771] {strides = array<i32>} : memref<32768xf32, #tpu.memory_space<vmem>>, vector<16xf32>,
        %swap3A_773 = vector.shape_cast %swap3A_772 : vector<16xf32> to vector<16xf32>
        %swap3A_774 = vector.shape_cast %get3A_662 : vector<16xf32> to vector<16xf32>
        tpu.vector_store %arg6[%swap3A_771], %swap3A_774 {strides = array<i32>} : memref<32768xf32, #tpu.memory_space<vmem>>, vector<16xf32>,
        %mul3A_775 = arith.constant 256 : i32
        %mul3A_776 = arith.muli %scan3A_612, %mul3A_775 : i32
        %add3A_777 = arith.constant 128 : i32
        %add3A_778 = arith.addi %mul3A_776, %add3A_777 : i32
        %swap3A_779 = arith.index_cast %add3A_778 : i32 to index
        %swap3A_780 = tpu.vector_load %arg6[%swap3A_779] {strides = array<i32>} : memref<32768xf32, #tpu.memory_space<vmem>>, vector<16xf32>,
        %swap3A_781 = vector.shape_cast %swap3A_780 : vector<16xf32> to vector<16xf32>
        %swap3A_782 = vector.shape_cast %get3A_668 : vector<16xf32> to vector<16xf32>
        tpu.vector_store %arg6[%swap3A_779], %swap3A_782 {strides = array<i32>} : memref<32768xf32, #tpu.memory_space<vmem>>, vector<16xf32>,
        %mul3A_783 = arith.constant 256 : i32
        %mul3A_784 = arith.muli %scan3A_612, %mul3A_783 : i32
        %add3A_785 = arith.constant 144 : i32
        %add3A_786 = arith.addi %mul3A_784, %add3A_785 : i32
        %swap3A_787 = arith.index_cast %add3A_786 : i32 to index
        %swap3A_788 = tpu.vector_load %arg6[%swap3A_787] {strides = array<i32>} : memref<32768xf32, #tpu.memory_space<vmem>>, vector<16xf32>,
        %swap3A_789 = vector.shape_cast %swap3A_788 : vector<16xf32> to vector<16xf32>
        %swap3A_790 = vector.shape_cast %get3A_674 : vector<16xf32> to vector<16xf32>
        tpu.vector_store %arg6[%swap3A_787], %swap3A_790 {strides = array<i32>} : memref<32768xf32, #tpu.memory_space<vmem>>, vector<16xf32>,
        %mul3A_791 = arith.constant 256 : i32
        %mul3A_792 = arith.muli %scan3A_612, %mul3A_791 : i32
        %add3A_793 = arith.constant 160 : i32
        %add3A_794 = arith.addi %mul3A_792, %add3A_793 : i32
        %swap3A_795 = arith.index_cast %add3A_794 : i32 to index
        %swap3A_796 = tpu.vector_load %arg6[%swap3A_795] {strides = array<i32>} : memref<32768xf32, #tpu.memory_space<vmem>>, vector<16xf32>,
        %swap3A_797 = vector.shape_cast %swap3A_796 : vector<16xf32> to vector<16xf32>
        %swap3A_798 = vector.shape_cast %get3A_680 : vector<16xf32> to vector<16xf32>
        tpu.vector_store %arg6[%swap3A_795], %swap3A_798 {strides = array<i32>} : memref<32768xf32, #tpu.memory_space<vmem>>, vector<16xf32>,
        %mul3A_799 = arith.constant 256 : i32
        %mul3A_800 = arith.muli %scan3A_612, %mul3A_799 : i32
        %add3A_801 = arith.constant 176 : i32
        %add3A_802 = arith.addi %mul3A_800, %add3A_801 : i32
        %swap3A_803 = arith.index_cast %add3A_802 : i32 to index
        %swap3A_804 = tpu.vector_load %arg6[%swap3A_803] {strides = array<i32>} : memref<32768xf32, #tpu.memory_space<vmem>>, vector<16xf32>,
        %swap3A_805 = vector.shape_cast %swap3A_804 : vector<16xf32> to vector<16xf32>
        %swap3A_806 = vector.shape_cast %get3A_686 : vector<16xf32> to vector<16xf32>
        tpu.vector_store %arg6[%swap3A_803], %swap3A_806 {strides = array<i32>} : memref<32768xf32, #tpu.memory_space<vmem>>, vector<16xf32>,
        %mul3A_807 = arith.constant 256 : i32
        %mul3A_808 = arith.muli %scan3A_612, %mul3A_807 : i32
        %add3A_809 = arith.constant 192 : i32
        %add3A_810 = arith.addi %mul3A_808, %add3A_809 : i32
        %swap3A_811 = arith.index_cast %add3A_810 : i32 to index
        %swap3A_812 = tpu.vector_load %arg6[%swap3A_811] {strides = array<i32>} : memref<32768xf32, #tpu.memory_space<vmem>>, vector<16xf32>,
        %swap3A_813 = vector.shape_cast %swap3A_812 : vector<16xf32> to vector<16xf32>
        %swap3A_814 = vector.shape_cast %get3A_692 : vector<16xf32> to vector<16xf32>
        tpu.vector_store %arg6[%swap3A_811], %swap3A_814 {strides = array<i32>} : memref<32768xf32, #tpu.memory_space<vmem>>, vector<16xf32>,
        %mul3A_815 = arith.constant 256 : i32
        %mul3A_816 = arith.muli %scan3A_612, %mul3A_815 : i32
        %add3A_817 = arith.constant 208 : i32
        %add3A_818 = arith.addi %mul3A_816, %add3A_817 : i32
        %swap3A_819 = arith.index_cast %add3A_818 : i32 to index
        %swap3A_820 = tpu.vector_load %arg6[%swap3A_819] {strides = array<i32>} : memref<32768xf32, #tpu.memory_space<vmem>>, vector<16xf32>,
        %swap3A_821 = vector.shape_cast %swap3A_820 : vector<16xf32> to vector<16xf32>
        %swap3A_822 = vector.shape_cast %get3A_698 : vector<16xf32> to vector<16xf32>
        tpu.vector_store %arg6[%swap3A_819], %swap3A_822 {strides = array<i32>} : memref<32768xf32, #tpu.memory_space<vmem>>, vector<16xf32>,
        %mul3A_823 = arith.constant 256 : i32
        %mul3A_824 = arith.muli %scan3A_612, %mul3A_823 : i32
        %add3A_825 = arith.constant 224 : i32
        %add3A_826 = arith.addi %mul3A_824, %add3A_825 : i32
        %swap3A_827 = arith.index_cast %add3A_826 : i32 to index
        %swap3A_828 = tpu.vector_load %arg6[%swap3A_827] {strides = array<i32>} : memref<32768xf32, #tpu.memory_space<vmem>>, vector<16xf32>,
        %swap3A_829 = vector.shape_cast %swap3A_828 : vector<16xf32> to vector<16xf32>
        %swap3A_830 = vector.shape_cast %get3A_704 : vector<16xf32> to vector<16xf32>
        tpu.vector_store %arg6[%swap3A_827], %swap3A_830 {strides = array<i32>} : memref<32768xf32, #tpu.memory_space<vmem>>, vector<16xf32>,
        %mul3A_831 = arith.constant 256 : i32
        %mul3A_832 = arith.muli %scan3A_612, %mul3A_831 : i32
        %add3A_833 = arith.constant 240 : i32
        %add3A_834 = arith.addi %mul3A_832, %add3A_833 : i32
        %swap3A_835 = arith.index_cast %add3A_834 : i32 to index
        %swap3A_836 = tpu.vector_load %arg6[%swap3A_835] {strides = array<i32>} : memref<32768xf32, #tpu.memory_space<vmem>>, vector<16xf32>,
        %swap3A_837 = vector.shape_cast %swap3A_836 : vector<16xf32> to vector<16xf32>
        %swap3A_838 = vector.shape_cast %get3A_710 : vector<16xf32> to vector<16xf32>
        tpu.vector_store %arg6[%swap3A_835], %swap3A_838 {strides = array<i32>} : memref<32768xf32, #tpu.memory_space<vmem>>, vector<16xf32>,
        %sub3A_839 = arith.constant 1 : i32
        %sub3A_840 = arith.subi %sub3A_213, %sub3A_839 : i32
        %get3A_841 = arith.index_cast %sub3A_840 : i32 to index
        %get3A_842 = arith.index_cast %sub3A_614 : i32 to index
        %get3A_843 = tpu.vector_load %arg4[%get3A_841, %get3A_842] {strides = array<i32>} : memref<48x79xf32, #tpu.memory_space<vmem>>, vector<1x16xf32>,
        %get3A_844 = vector.shape_cast %get3A_843 : vector<1x16xf32> to vector<16xf32>
        %add3A_845 = arith.constant 64 : i32
        %add3A_846 = arith.addi %add3A_845, %scan3A_612 : i32
        %mul3A_847 = arith.constant 256 : i32
        %mul3A_848 = arith.muli %add3A_846, %mul3A_847 : i32
        %add3A_849 = arith.constant 0 : i32
        %add3A_850 = arith.addi %mul3A_848, %add3A_849 : i32
        %swap3A_851 = arith.index_cast %add3A_850 : i32 to index
        %swap3A_852 = tpu.vector_load %arg6[%swap3A_851] {strides = array<i32>} : memref<32768xf32, #tpu.memory_space<vmem>>, vector<16xf32>,
        %swap3A_853 = vector.shape_cast %swap3A_852 : vector<16xf32> to vector<16xf32>
        %swap3A_854 = vector.shape_cast %get3A_844 : vector<16xf32> to vector<16xf32>
        tpu.vector_store %arg6[%swap3A_851], %swap3A_854 {strides = array<i32>} : memref<32768xf32, #tpu.memory_space<vmem>>, vector<16xf32>,
        %add3A_855 = arith.constant 16 : i32
        %add3A_856 = arith.addi %mul3A_848, %add3A_855 : i32
        %swap3A_857 = arith.index_cast %add3A_856 : i32 to index
        %swap3A_858 = tpu.vector_load %arg6[%swap3A_857] {strides = array<i32>} : memref<32768xf32, #tpu.memory_space<vmem>>, vector<16xf32>,
        %swap3A_859 = vector.shape_cast %swap3A_858 : vector<16xf32> to vector<16xf32>
        %swap3A_860 = vector.shape_cast %get3A_620 : vector<16xf32> to vector<16xf32>
        tpu.vector_store %arg6[%swap3A_857], %swap3A_860 {strides = array<i32>} : memref<32768xf32, #tpu.memory_space<vmem>>, vector<16xf32>,
        %add3A_861 = arith.constant 32 : i32
        %add3A_862 = arith.addi %mul3A_848, %add3A_861 : i32
        %swap3A_863 = arith.index_cast %add3A_862 : i32 to index
        %swap3A_864 = tpu.vector_load %arg6[%swap3A_863] {strides = array<i32>} : memref<32768xf32, #tpu.memory_space<vmem>>, vector<16xf32>,
        %swap3A_865 = vector.shape_cast %swap3A_864 : vector<16xf32> to vector<16xf32>
        %swap3A_866 = vector.shape_cast %get3A_626 : vector<16xf32> to vector<16xf32>
        tpu.vector_store %arg6[%swap3A_863], %swap3A_866 {strides = array<i32>} : memref<32768xf32, #tpu.memory_space<vmem>>, vector<16xf32>,
        %add3A_867 = arith.constant 48 : i32
        %add3A_868 = arith.addi %mul3A_848, %add3A_867 : i32
        %swap3A_869 = arith.index_cast %add3A_868 : i32 to index
        %swap3A_870 = tpu.vector_load %arg6[%swap3A_869] {strides = array<i32>} : memref<32768xf32, #tpu.memory_space<vmem>>, vector<16xf32>,
        %swap3A_871 = vector.shape_cast %swap3A_870 : vector<16xf32> to vector<16xf32>
        %swap3A_872 = vector.shape_cast %get3A_632 : vector<16xf32> to vector<16xf32>
        tpu.vector_store %arg6[%swap3A_869], %swap3A_872 {strides = array<i32>} : memref<32768xf32, #tpu.memory_space<vmem>>, vector<16xf32>,
        %add3A_873 = arith.constant 64 : i32
        %add3A_874 = arith.addi %mul3A_848, %add3A_873 : i32
        %swap3A_875 = arith.index_cast %add3A_874 : i32 to index
        %swap3A_876 = tpu.vector_load %arg6[%swap3A_875] {strides = array<i32>} : memref<32768xf32, #tpu.memory_space<vmem>>, vector<16xf32>,
        %swap3A_877 = vector.shape_cast %swap3A_876 : vector<16xf32> to vector<16xf32>
        %swap3A_878 = vector.shape_cast %get3A_638 : vector<16xf32> to vector<16xf32>
        tpu.vector_store %arg6[%swap3A_875], %swap3A_878 {strides = array<i32>} : memref<32768xf32, #tpu.memory_space<vmem>>, vector<16xf32>,
        %add3A_879 = arith.constant 80 : i32
        %add3A_880 = arith.addi %mul3A_848, %add3A_879 : i32
        %swap3A_881 = arith.index_cast %add3A_880 : i32 to index
        %swap3A_882 = tpu.vector_load %arg6[%swap3A_881] {strides = array<i32>} : memref<32768xf32, #tpu.memory_space<vmem>>, vector<16xf32>,
        %swap3A_883 = vector.shape_cast %swap3A_882 : vector<16xf32> to vector<16xf32>
        %swap3A_884 = vector.shape_cast %get3A_644 : vector<16xf32> to vector<16xf32>
        tpu.vector_store %arg6[%swap3A_881], %swap3A_884 {strides = array<i32>} : memref<32768xf32, #tpu.memory_space<vmem>>, vector<16xf32>,
        %add3A_885 = arith.constant 96 : i32
        %add3A_886 = arith.addi %mul3A_848, %add3A_885 : i32
        %swap3A_887 = arith.index_cast %add3A_886 : i32 to index
        %swap3A_888 = tpu.vector_load %arg6[%swap3A_887] {strides = array<i32>} : memref<32768xf32, #tpu.memory_space<vmem>>, vector<16xf32>,
        %swap3A_889 = vector.shape_cast %swap3A_888 : vector<16xf32> to vector<16xf32>
        %swap3A_890 = vector.shape_cast %get3A_650 : vector<16xf32> to vector<16xf32>
        tpu.vector_store %arg6[%swap3A_887], %swap3A_890 {strides = array<i32>} : memref<32768xf32, #tpu.memory_space<vmem>>, vector<16xf32>,
        %add3A_891 = arith.constant 112 : i32
        %add3A_892 = arith.addi %mul3A_848, %add3A_891 : i32
        %swap3A_893 = arith.index_cast %add3A_892 : i32 to index
        %swap3A_894 = tpu.vector_load %arg6[%swap3A_893] {strides = array<i32>} : memref<32768xf32, #tpu.memory_space<vmem>>, vector<16xf32>,
        %swap3A_895 = vector.shape_cast %swap3A_894 : vector<16xf32> to vector<16xf32>
        %swap3A_896 = vector.shape_cast %get3A_656 : vector<16xf32> to vector<16xf32>
        tpu.vector_store %arg6[%swap3A_893], %swap3A_896 {strides = array<i32>} : memref<32768xf32, #tpu.memory_space<vmem>>, vector<16xf32>,
        %add3A_897 = arith.constant 128 : i32
        %add3A_898 = arith.addi %mul3A_848, %add3A_897 : i32
        %swap3A_899 = arith.index_cast %add3A_898 : i32 to index
        %swap3A_900 = tpu.vector_load %arg6[%swap3A_899] {strides = array<i32>} : memref<32768xf32, #tpu.memory_space<vmem>>, vector<16xf32>,
        %swap3A_901 = vector.shape_cast %swap3A_900 : vector<16xf32> to vector<16xf32>
        %swap3A_902 = vector.shape_cast %get3A_662 : vector<16xf32> to vector<16xf32>
        tpu.vector_store %arg6[%swap3A_899], %swap3A_902 {strides = array<i32>} : memref<32768xf32, #tpu.memory_space<vmem>>, vector<16xf32>,
        %add3A_903 = arith.constant 144 : i32
        %add3A_904 = arith.addi %mul3A_848, %add3A_903 : i32
        %swap3A_905 = arith.index_cast %add3A_904 : i32 to index
        %swap3A_906 = tpu.vector_load %arg6[%swap3A_905] {strides = array<i32>} : memref<32768xf32, #tpu.memory_space<vmem>>, vector<16xf32>,
        %swap3A_907 = vector.shape_cast %swap3A_906 : vector<16xf32> to vector<16xf32>
        %swap3A_908 = vector.shape_cast %get3A_668 : vector<16xf32> to vector<16xf32>
        tpu.vector_store %arg6[%swap3A_905], %swap3A_908 {strides = array<i32>} : memref<32768xf32, #tpu.memory_space<vmem>>, vector<16xf32>,
        %add3A_909 = arith.constant 160 : i32
        %add3A_910 = arith.addi %mul3A_848, %add3A_909 : i32
        %swap3A_911 = arith.index_cast %add3A_910 : i32 to index
        %swap3A_912 = tpu.vector_load %arg6[%swap3A_911] {strides = array<i32>} : memref<32768xf32, #tpu.memory_space<vmem>>, vector<16xf32>,
        %swap3A_913 = vector.shape_cast %swap3A_912 : vector<16xf32> to vector<16xf32>
        %swap3A_914 = vector.shape_cast %get3A_674 : vector<16xf32> to vector<16xf32>
        tpu.vector_store %arg6[%swap3A_911], %swap3A_914 {strides = array<i32>} : memref<32768xf32, #tpu.memory_space<vmem>>, vector<16xf32>,
        %add3A_915 = arith.constant 176 : i32
        %add3A_916 = arith.addi %mul3A_848, %add3A_915 : i32
        %swap3A_917 = arith.index_cast %add3A_916 : i32 to index
        %swap3A_918 = tpu.vector_load %arg6[%swap3A_917] {strides = array<i32>} : memref<32768xf32, #tpu.memory_space<vmem>>, vector<16xf32>,
        %swap3A_919 = vector.shape_cast %swap3A_918 : vector<16xf32> to vector<16xf32>
        %swap3A_920 = vector.shape_cast %get3A_680 : vector<16xf32> to vector<16xf32>
        tpu.vector_store %arg6[%swap3A_917], %swap3A_920 {strides = array<i32>} : memref<32768xf32, #tpu.memory_space<vmem>>, vector<16xf32>,
        %add3A_921 = arith.constant 192 : i32
        %add3A_922 = arith.addi %mul3A_848, %add3A_921 : i32
        %swap3A_923 = arith.index_cast %add3A_922 : i32 to index
        %swap3A_924 = tpu.vector_load %arg6[%swap3A_923] {strides = array<i32>} : memref<32768xf32, #tpu.memory_space<vmem>>, vector<16xf32>,
        %swap3A_925 = vector.shape_cast %swap3A_924 : vector<16xf32> to vector<16xf32>
        %swap3A_926 = vector.shape_cast %get3A_686 : vector<16xf32> to vector<16xf32>
        tpu.vector_store %arg6[%swap3A_923], %swap3A_926 {strides = array<i32>} : memref<32768xf32, #tpu.memory_space<vmem>>, vector<16xf32>,
        %add3A_927 = arith.constant 208 : i32
        %add3A_928 = arith.addi %mul3A_848, %add3A_927 : i32
        %swap3A_929 = arith.index_cast %add3A_928 : i32 to index
        %swap3A_930 = tpu.vector_load %arg6[%swap3A_929] {strides = array<i32>} : memref<32768xf32, #tpu.memory_space<vmem>>, vector<16xf32>,
        %swap3A_931 = vector.shape_cast %swap3A_930 : vector<16xf32> to vector<16xf32>
        %swap3A_932 = vector.shape_cast %get3A_692 : vector<16xf32> to vector<16xf32>
        tpu.vector_store %arg6[%swap3A_929], %swap3A_932 {strides = array<i32>} : memref<32768xf32, #tpu.memory_space<vmem>>, vector<16xf32>,
        %add3A_933 = arith.constant 224 : i32
        %add3A_934 = arith.addi %mul3A_848, %add3A_933 : i32
        %swap3A_935 = arith.index_cast %add3A_934 : i32 to index
        %swap3A_936 = tpu.vector_load %arg6[%swap3A_935] {strides = array<i32>} : memref<32768xf32, #tpu.memory_space<vmem>>, vector<16xf32>,
        %swap3A_937 = vector.shape_cast %swap3A_936 : vector<16xf32> to vector<16xf32>
        %swap3A_938 = vector.shape_cast %get3A_698 : vector<16xf32> to vector<16xf32>
        tpu.vector_store %arg6[%swap3A_935], %swap3A_938 {strides = array<i32>} : memref<32768xf32, #tpu.memory_space<vmem>>, vector<16xf32>,
        %add3A_939 = arith.constant 240 : i32
        %add3A_940 = arith.addi %mul3A_848, %add3A_939 : i32
        %swap3A_941 = arith.index_cast %add3A_940 : i32 to index
        %swap3A_942 = tpu.vector_load %arg6[%swap3A_941] {strides = array<i32>} : memref<32768xf32, #tpu.memory_space<vmem>>, vector<16xf32>,
        %swap3A_943 = vector.shape_cast %swap3A_942 : vector<16xf32> to vector<16xf32>
        %swap3A_944 = vector.shape_cast %get3A_704 : vector<16xf32> to vector<16xf32>
        tpu.vector_store %arg6[%swap3A_941], %swap3A_944 {strides = array<i32>} : memref<32768xf32, #tpu.memory_space<vmem>>, vector<16xf32>,
        %scan3A_945 = arith.constant 0 : i32
        %scan3A_946 = arith.constant 2 : i32
        %scan3A_947 = arith.addi %scan3A_278, %scan3A_946 : i32
        %sub3A_948 = arith.constant 63 : i32
        %sub3A_949 = arith.subi %sub3A_948, %scan3A_947 : i32
        %add3A_950 = arith.constant 0 : i32
        %add3A_951 = arith.addi %sub3A_213, %add3A_950 : i32
        %get3A_952 = arith.index_cast %add3A_951 : i32 to index
        %get3A_953 = arith.index_cast %sub3A_949 : i32 to index
        %get3A_954 = tpu.vector_load %arg4[%get3A_952, %get3A_953] {strides = array<i32>} : memref<48x79xf32, #tpu.memory_space<vmem>>, vector<1x16xf32>,
        %get3A_955 = vector.shape_cast %get3A_954 : vector<1x16xf32> to vector<16xf32>
        %add3A_956 = arith.constant 1 : i32
        %add3A_957 = arith.addi %sub3A_213, %add3A_956 : i32
        %get3A_958 = arith.index_cast %add3A_957 : i32 to index
        %get3A_959 = arith.index_cast %sub3A_949 : i32 to index
        %get3A_960 = tpu.vector_load %arg4[%get3A_958, %get3A_959] {strides = array<i32>} : memref<48x79xf32, #tpu.memory_space<vmem>>, vector<1x16xf32>,
        %get3A_961 = vector.shape_cast %get3A_960 : vector<1x16xf32> to vector<16xf32>
        %add3A_962 = arith.constant 2 : i32
        %add3A_963 = arith.addi %sub3A_213, %add3A_962 : i32
        %get3A_964 = arith.index_cast %add3A_963 : i32 to index
        %get3A_965 = arith.index_cast %sub3A_949 : i32 to index
        %get3A_966 = tpu.vector_load %arg4[%get3A_964, %get3A_965] {strides = array<i32>} : memref<48x79xf32, #tpu.memory_space<vmem>>, vector<1x16xf32>,
        %get3A_967 = vector.shape_cast %get3A_966 : vector<1x16xf32> to vector<16xf32>
        %add3A_968 = arith.constant 3 : i32
        %add3A_969 = arith.addi %sub3A_213, %add3A_968 : i32
        %get3A_970 = arith.index_cast %add3A_969 : i32 to index
        %get3A_971 = arith.index_cast %sub3A_949 : i32 to index
        %get3A_972 = tpu.vector_load %arg4[%get3A_970, %get3A_971] {strides = array<i32>} : memref<48x79xf32, #tpu.memory_space<vmem>>, vector<1x16xf32>,
        %get3A_973 = vector.shape_cast %get3A_972 : vector<1x16xf32> to vector<16xf32>
        %add3A_974 = arith.constant 4 : i32
        %add3A_975 = arith.addi %sub3A_213, %add3A_974 : i32
        %get3A_976 = arith.index_cast %add3A_975 : i32 to index
        %get3A_977 = arith.index_cast %sub3A_949 : i32 to index
        %get3A_978 = tpu.vector_load %arg4[%get3A_976, %get3A_977] {strides = array<i32>} : memref<48x79xf32, #tpu.memory_space<vmem>>, vector<1x16xf32>,
        %get3A_979 = vector.shape_cast %get3A_978 : vector<1x16xf32> to vector<16xf32>
        %add3A_980 = arith.constant 5 : i32
        %add3A_981 = arith.addi %sub3A_213, %add3A_980 : i32
        %get3A_982 = arith.index_cast %add3A_981 : i32 to index
        %get3A_983 = arith.index_cast %sub3A_949 : i32 to index
        %get3A_984 = tpu.vector_load %arg4[%get3A_982, %get3A_983] {strides = array<i32>} : memref<48x79xf32, #tpu.memory_space<vmem>>, vector<1x16xf32>,
        %get3A_985 = vector.shape_cast %get3A_984 : vector<1x16xf32> to vector<16xf32>
        %add3A_986 = arith.constant 6 : i32
        %add3A_987 = arith.addi %sub3A_213, %add3A_986 : i32
        %get3A_988 = arith.index_cast %add3A_987 : i32 to index
        %get3A_989 = arith.index_cast %sub3A_949 : i32 to index
        %get3A_990 = tpu.vector_load %arg4[%get3A_988, %get3A_989] {strides = array<i32>} : memref<48x79xf32, #tpu.memory_space<vmem>>, vector<1x16xf32>,
        %get3A_991 = vector.shape_cast %get3A_990 : vector<1x16xf32> to vector<16xf32>
        %add3A_992 = arith.constant 7 : i32
        %add3A_993 = arith.addi %sub3A_213, %add3A_992 : i32
        %get3A_994 = arith.index_cast %add3A_993 : i32 to index
        %get3A_995 = arith.index_cast %sub3A_949 : i32 to index
        %get3A_996 = tpu.vector_load %arg4[%get3A_994, %get3A_995] {strides = array<i32>} : memref<48x79xf32, #tpu.memory_space<vmem>>, vector<1x16xf32>,
        %get3A_997 = vector.shape_cast %get3A_996 : vector<1x16xf32> to vector<16xf32>
        %add3A_998 = arith.constant 8 : i32
        %add3A_999 = arith.addi %sub3A_213, %add3A_998 : i32
        %get3A_1000 = arith.index_cast %add3A_999 : i32 to index
        %get3A_1001 = arith.index_cast %sub3A_949 : i32 to index
        %get3A_1002 = tpu.vector_load %arg4[%get3A_1000, %get3A_1001] {strides = array<i32>} : memref<48x79xf32, #tpu.memory_space<vmem>>, vector<1x16xf32>,
        %get3A_1003 = vector.shape_cast %get3A_1002 : vector<1x16xf32> to vector<16xf32>
        %add3A_1004 = arith.constant 9 : i32
        %add3A_1005 = arith.addi %sub3A_213, %add3A_1004 : i32
        %get3A_1006 = arith.index_cast %add3A_1005 : i32 to index
        %get3A_1007 = arith.index_cast %sub3A_949 : i32 to index
        %get3A_1008 = tpu.vector_load %arg4[%get3A_1006, %get3A_1007] {strides = array<i32>} : memref<48x79xf32, #tpu.memory_space<vmem>>, vector<1x16xf32>,
        %get3A_1009 = vector.shape_cast %get3A_1008 : vector<1x16xf32> to vector<16xf32>
        %add3A_1010 = arith.constant 10 : i32
        %add3A_1011 = arith.addi %sub3A_213, %add3A_1010 : i32
        %get3A_1012 = arith.index_cast %add3A_1011 : i32 to index
        %get3A_1013 = arith.index_cast %sub3A_949 : i32 to index
        %get3A_1014 = tpu.vector_load %arg4[%get3A_1012, %get3A_1013] {strides = array<i32>} : memref<48x79xf32, #tpu.memory_space<vmem>>, vector<1x16xf32>,
        %get3A_1015 = vector.shape_cast %get3A_1014 : vector<1x16xf32> to vector<16xf32>
        %add3A_1016 = arith.constant 11 : i32
        %add3A_1017 = arith.addi %sub3A_213, %add3A_1016 : i32
        %get3A_1018 = arith.index_cast %add3A_1017 : i32 to index
        %get3A_1019 = arith.index_cast %sub3A_949 : i32 to index
        %get3A_1020 = tpu.vector_load %arg4[%get3A_1018, %get3A_1019] {strides = array<i32>} : memref<48x79xf32, #tpu.memory_space<vmem>>, vector<1x16xf32>,
        %get3A_1021 = vector.shape_cast %get3A_1020 : vector<1x16xf32> to vector<16xf32>
        %add3A_1022 = arith.constant 12 : i32
        %add3A_1023 = arith.addi %sub3A_213, %add3A_1022 : i32
        %get3A_1024 = arith.index_cast %add3A_1023 : i32 to index
        %get3A_1025 = arith.index_cast %sub3A_949 : i32 to index
        %get3A_1026 = tpu.vector_load %arg4[%get3A_1024, %get3A_1025] {strides = array<i32>} : memref<48x79xf32, #tpu.memory_space<vmem>>, vector<1x16xf32>,
        %get3A_1027 = vector.shape_cast %get3A_1026 : vector<1x16xf32> to vector<16xf32>
        %add3A_1028 = arith.constant 13 : i32
        %add3A_1029 = arith.addi %sub3A_213, %add3A_1028 : i32
        %get3A_1030 = arith.index_cast %add3A_1029 : i32 to index
        %get3A_1031 = arith.index_cast %sub3A_949 : i32 to index
        %get3A_1032 = tpu.vector_load %arg4[%get3A_1030, %get3A_1031] {strides = array<i32>} : memref<48x79xf32, #tpu.memory_space<vmem>>, vector<1x16xf32>,
        %get3A_1033 = vector.shape_cast %get3A_1032 : vector<1x16xf32> to vector<16xf32>
        %add3A_1034 = arith.constant 14 : i32
        %add3A_1035 = arith.addi %sub3A_213, %add3A_1034 : i32
        %get3A_1036 = arith.index_cast %add3A_1035 : i32 to index
        %get3A_1037 = arith.index_cast %sub3A_949 : i32 to index
        %get3A_1038 = tpu.vector_load %arg4[%get3A_1036, %get3A_1037] {strides = array<i32>} : memref<48x79xf32, #tpu.memory_space<vmem>>, vector<1x16xf32>,
        %get3A_1039 = vector.shape_cast %get3A_1038 : vector<1x16xf32> to vector<16xf32>
        %add3A_1040 = arith.constant 15 : i32
        %add3A_1041 = arith.addi %sub3A_213, %add3A_1040 : i32
        %get3A_1042 = arith.index_cast %add3A_1041 : i32 to index
        %get3A_1043 = arith.index_cast %sub3A_949 : i32 to index
        %get3A_1044 = tpu.vector_load %arg4[%get3A_1042, %get3A_1043] {strides = array<i32>} : memref<48x79xf32, #tpu.memory_space<vmem>>, vector<1x16xf32>,
        %get3A_1045 = vector.shape_cast %get3A_1044 : vector<1x16xf32> to vector<16xf32>
        %mul3A_1046 = arith.constant 256 : i32
        %mul3A_1047 = arith.muli %scan3A_947, %mul3A_1046 : i32
        %add3A_1048 = arith.constant 0 : i32
        %add3A_1049 = arith.addi %mul3A_1047, %add3A_1048 : i32
        %swap3A_1050 = arith.index_cast %add3A_1049 : i32 to index
        %swap3A_1051 = tpu.vector_load %arg6[%swap3A_1050] {strides = array<i32>} : memref<32768xf32, #tpu.memory_space<vmem>>, vector<16xf32>,
        %swap3A_1052 = vector.shape_cast %swap3A_1051 : vector<16xf32> to vector<16xf32>
        %swap3A_1053 = vector.shape_cast %get3A_955 : vector<16xf32> to vector<16xf32>
        tpu.vector_store %arg6[%swap3A_1050], %swap3A_1053 {strides = array<i32>} : memref<32768xf32, #tpu.memory_space<vmem>>, vector<16xf32>,
        %mul3A_1054 = arith.constant 256 : i32
        %mul3A_1055 = arith.muli %scan3A_947, %mul3A_1054 : i32
        %add3A_1056 = arith.constant 16 : i32
        %add3A_1057 = arith.addi %mul3A_1055, %add3A_1056 : i32
        %swap3A_1058 = arith.index_cast %add3A_1057 : i32 to index
        %swap3A_1059 = tpu.vector_load %arg6[%swap3A_1058] {strides = array<i32>} : memref<32768xf32, #tpu.memory_space<vmem>>, vector<16xf32>,
        %swap3A_1060 = vector.shape_cast %swap3A_1059 : vector<16xf32> to vector<16xf32>
        %swap3A_1061 = vector.shape_cast %get3A_961 : vector<16xf32> to vector<16xf32>
        tpu.vector_store %arg6[%swap3A_1058], %swap3A_1061 {strides = array<i32>} : memref<32768xf32, #tpu.memory_space<vmem>>, vector<16xf32>,
        %mul3A_1062 = arith.constant 256 : i32
        %mul3A_1063 = arith.muli %scan3A_947, %mul3A_1062 : i32
        %add3A_1064 = arith.constant 32 : i32
        %add3A_1065 = arith.addi %mul3A_1063, %add3A_1064 : i32
        %swap3A_1066 = arith.index_cast %add3A_1065 : i32 to index
        %swap3A_1067 = tpu.vector_load %arg6[%swap3A_1066] {strides = array<i32>} : memref<32768xf32, #tpu.memory_space<vmem>>, vector<16xf32>,
        %swap3A_1068 = vector.shape_cast %swap3A_1067 : vector<16xf32> to vector<16xf32>
        %swap3A_1069 = vector.shape_cast %get3A_967 : vector<16xf32> to vector<16xf32>
        tpu.vector_store %arg6[%swap3A_1066], %swap3A_1069 {strides = array<i32>} : memref<32768xf32, #tpu.memory_space<vmem>>, vector<16xf32>,
        %mul3A_1070 = arith.constant 256 : i32
        %mul3A_1071 = arith.muli %scan3A_947, %mul3A_1070 : i32
        %add3A_1072 = arith.constant 48 : i32
        %add3A_1073 = arith.addi %mul3A_1071, %add3A_1072 : i32
        %swap3A_1074 = arith.index_cast %add3A_1073 : i32 to index
        %swap3A_1075 = tpu.vector_load %arg6[%swap3A_1074] {strides = array<i32>} : memref<32768xf32, #tpu.memory_space<vmem>>, vector<16xf32>,
        %swap3A_1076 = vector.shape_cast %swap3A_1075 : vector<16xf32> to vector<16xf32>
        %swap3A_1077 = vector.shape_cast %get3A_973 : vector<16xf32> to vector<16xf32>
        tpu.vector_store %arg6[%swap3A_1074], %swap3A_1077 {strides = array<i32>} : memref<32768xf32, #tpu.memory_space<vmem>>, vector<16xf32>,
        %mul3A_1078 = arith.constant 256 : i32
        %mul3A_1079 = arith.muli %scan3A_947, %mul3A_1078 : i32
        %add3A_1080 = arith.constant 64 : i32
        %add3A_1081 = arith.addi %mul3A_1079, %add3A_1080 : i32
        %swap3A_1082 = arith.index_cast %add3A_1081 : i32 to index
        %swap3A_1083 = tpu.vector_load %arg6[%swap3A_1082] {strides = array<i32>} : memref<32768xf32, #tpu.memory_space<vmem>>, vector<16xf32>,
        %swap3A_1084 = vector.shape_cast %swap3A_1083 : vector<16xf32> to vector<16xf32>
        %swap3A_1085 = vector.shape_cast %get3A_979 : vector<16xf32> to vector<16xf32>
        tpu.vector_store %arg6[%swap3A_1082], %swap3A_1085 {strides = array<i32>} : memref<32768xf32, #tpu.memory_space<vmem>>, vector<16xf32>,
        %mul3A_1086 = arith.constant 256 : i32
        %mul3A_1087 = arith.muli %scan3A_947, %mul3A_1086 : i32
        %add3A_1088 = arith.constant 80 : i32
        %add3A_1089 = arith.addi %mul3A_1087, %add3A_1088 : i32
        %swap3A_1090 = arith.index_cast %add3A_1089 : i32 to index
        %swap3A_1091 = tpu.vector_load %arg6[%swap3A_1090] {strides = array<i32>} : memref<32768xf32, #tpu.memory_space<vmem>>, vector<16xf32>,
        %swap3A_1092 = vector.shape_cast %swap3A_1091 : vector<16xf32> to vector<16xf32>
        %swap3A_1093 = vector.shape_cast %get3A_985 : vector<16xf32> to vector<16xf32>
        tpu.vector_store %arg6[%swap3A_1090], %swap3A_1093 {strides = array<i32>} : memref<32768xf32, #tpu.memory_space<vmem>>, vector<16xf32>,
        %mul3A_1094 = arith.constant 256 : i32
        %mul3A_1095 = arith.muli %scan3A_947, %mul3A_1094 : i32
        %add3A_1096 = arith.constant 96 : i32
        %add3A_1097 = arith.addi %mul3A_1095, %add3A_1096 : i32
        %swap3A_1098 = arith.index_cast %add3A_1097 : i32 to index
        %swap3A_1099 = tpu.vector_load %arg6[%swap3A_1098] {strides = array<i32>} : memref<32768xf32, #tpu.memory_space<vmem>>, vector<16xf32>,
        %swap3A_1100 = vector.shape_cast %swap3A_1099 : vector<16xf32> to vector<16xf32>
        %swap3A_1101 = vector.shape_cast %get3A_991 : vector<16xf32> to vector<16xf32>
        tpu.vector_store %arg6[%swap3A_1098], %swap3A_1101 {strides = array<i32>} : memref<32768xf32, #tpu.memory_space<vmem>>, vector<16xf32>,
        %mul3A_1102 = arith.constant 256 : i32
        %mul3A_1103 = arith.muli %scan3A_947, %mul3A_1102 : i32
        %add3A_1104 = arith.constant 112 : i32
        %add3A_1105 = arith.addi %mul3A_1103, %add3A_1104 : i32
        %swap3A_1106 = arith.index_cast %add3A_1105 : i32 to index
        %swap3A_1107 = tpu.vector_load %arg6[%swap3A_1106] {strides = array<i32>} : memref<32768xf32, #tpu.memory_space<vmem>>, vector<16xf32>,
        %swap3A_1108 = vector.shape_cast %swap3A_1107 : vector<16xf32> to vector<16xf32>
        %swap3A_1109 = vector.shape_cast %get3A_997 : vector<16xf32> to vector<16xf32>
        tpu.vector_store %arg6[%swap3A_1106], %swap3A_1109 {strides = array<i32>} : memref<32768xf32, #tpu.memory_space<vmem>>, vector<16xf32>,
        %mul3A_1110 = arith.constant 256 : i32
        %mul3A_1111 = arith.muli %scan3A_947, %mul3A_1110 : i32
        %add3A_1112 = arith.constant 128 : i32
        %add3A_1113 = arith.addi %mul3A_1111, %add3A_1112 : i32
        %swap3A_1114 = arith.index_cast %add3A_1113 : i32 to index
        %swap3A_1115 = tpu.vector_load %arg6[%swap3A_1114] {strides = array<i32>} : memref<32768xf32, #tpu.memory_space<vmem>>, vector<16xf32>,
        %swap3A_1116 = vector.shape_cast %swap3A_1115 : vector<16xf32> to vector<16xf32>
        %swap3A_1117 = vector.shape_cast %get3A_1003 : vector<16xf32> to vector<16xf32>
        tpu.vector_store %arg6[%swap3A_1114], %swap3A_1117 {strides = array<i32>} : memref<32768xf32, #tpu.memory_space<vmem>>, vector<16xf32>,
        %mul3A_1118 = arith.constant 256 : i32
        %mul3A_1119 = arith.muli %scan3A_947, %mul3A_1118 : i32
        %add3A_1120 = arith.constant 144 : i32
        %add3A_1121 = arith.addi %mul3A_1119, %add3A_1120 : i32
        %swap3A_1122 = arith.index_cast %add3A_1121 : i32 to index
        %swap3A_1123 = tpu.vector_load %arg6[%swap3A_1122] {strides = array<i32>} : memref<32768xf32, #tpu.memory_space<vmem>>, vector<16xf32>,
        %swap3A_1124 = vector.shape_cast %swap3A_1123 : vector<16xf32> to vector<16xf32>
        %swap3A_1125 = vector.shape_cast %get3A_1009 : vector<16xf32> to vector<16xf32>
        tpu.vector_store %arg6[%swap3A_1122], %swap3A_1125 {strides = array<i32>} : memref<32768xf32, #tpu.memory_space<vmem>>, vector<16xf32>,
        %mul3A_1126 = arith.constant 256 : i32
        %mul3A_1127 = arith.muli %scan3A_947, %mul3A_1126 : i32
        %add3A_1128 = arith.constant 160 : i32
        %add3A_1129 = arith.addi %mul3A_1127, %add3A_1128 : i32
        %swap3A_1130 = arith.index_cast %add3A_1129 : i32 to index
        %swap3A_1131 = tpu.vector_load %arg6[%swap3A_1130] {strides = array<i32>} : memref<32768xf32, #tpu.memory_space<vmem>>, vector<16xf32>,
        %swap3A_1132 = vector.shape_cast %swap3A_1131 : vector<16xf32> to vector<16xf32>
        %swap3A_1133 = vector.shape_cast %get3A_1015 : vector<16xf32> to vector<16xf32>
        tpu.vector_store %arg6[%swap3A_1130], %swap3A_1133 {strides = array<i32>} : memref<32768xf32, #tpu.memory_space<vmem>>, vector<16xf32>,
        %mul3A_1134 = arith.constant 256 : i32
        %mul3A_1135 = arith.muli %scan3A_947, %mul3A_1134 : i32
        %add3A_1136 = arith.constant 176 : i32
        %add3A_1137 = arith.addi %mul3A_1135, %add3A_1136 : i32
        %swap3A_1138 = arith.index_cast %add3A_1137 : i32 to index
        %swap3A_1139 = tpu.vector_load %arg6[%swap3A_1138] {strides = array<i32>} : memref<32768xf32, #tpu.memory_space<vmem>>, vector<16xf32>,
        %swap3A_1140 = vector.shape_cast %swap3A_1139 : vector<16xf32> to vector<16xf32>
        %swap3A_1141 = vector.shape_cast %get3A_1021 : vector<16xf32> to vector<16xf32>
        tpu.vector_store %arg6[%swap3A_1138], %swap3A_1141 {strides = array<i32>} : memref<32768xf32, #tpu.memory_space<vmem>>, vector<16xf32>,
        %mul3A_1142 = arith.constant 256 : i32
        %mul3A_1143 = arith.muli %scan3A_947, %mul3A_1142 : i32
        %add3A_1144 = arith.constant 192 : i32
        %add3A_1145 = arith.addi %mul3A_1143, %add3A_1144 : i32
        %swap3A_1146 = arith.index_cast %add3A_1145 : i32 to index
        %swap3A_1147 = tpu.vector_load %arg6[%swap3A_1146] {strides = array<i32>} : memref<32768xf32, #tpu.memory_space<vmem>>, vector<16xf32>,
        %swap3A_1148 = vector.shape_cast %swap3A_1147 : vector<16xf32> to vector<16xf32>
        %swap3A_1149 = vector.shape_cast %get3A_1027 : vector<16xf32> to vector<16xf32>
        tpu.vector_store %arg6[%swap3A_1146], %swap3A_1149 {strides = array<i32>} : memref<32768xf32, #tpu.memory_space<vmem>>, vector<16xf32>,
        %mul3A_1150 = arith.constant 256 : i32
        %mul3A_1151 = arith.muli %scan3A_947, %mul3A_1150 : i32
        %add3A_1152 = arith.constant 208 : i32
        %add3A_1153 = arith.addi %mul3A_1151, %add3A_1152 : i32
        %swap3A_1154 = arith.index_cast %add3A_1153 : i32 to index
        %swap3A_1155 = tpu.vector_load %arg6[%swap3A_1154] {strides = array<i32>} : memref<32768xf32, #tpu.memory_space<vmem>>, vector<16xf32>,
        %swap3A_1156 = vector.shape_cast %swap3A_1155 : vector<16xf32> to vector<16xf32>
        %swap3A_1157 = vector.shape_cast %get3A_1033 : vector<16xf32> to vector<16xf32>
        tpu.vector_store %arg6[%swap3A_1154], %swap3A_1157 {strides = array<i32>} : memref<32768xf32, #tpu.memory_space<vmem>>, vector<16xf32>,
        %mul3A_1158 = arith.constant 256 : i32
        %mul3A_1159 = arith.muli %scan3A_947, %mul3A_1158 : i32
        %add3A_1160 = arith.constant 224 : i32
        %add3A_1161 = arith.addi %mul3A_1159, %add3A_1160 : i32
        %swap3A_1162 = arith.index_cast %add3A_1161 : i32 to index
        %swap3A_1163 = tpu.vector_load %arg6[%swap3A_1162] {strides = array<i32>} : memref<32768xf32, #tpu.memory_space<vmem>>, vector<16xf32>,
        %swap3A_1164 = vector.shape_cast %swap3A_1163 : vector<16xf32> to vector<16xf32>
        %swap3A_1165 = vector.shape_cast %get3A_1039 : vector<16xf32> to vector<16xf32>
        tpu.vector_store %arg6[%swap3A_1162], %swap3A_1165 {strides = array<i32>} : memref<32768xf32, #tpu.memory_space<vmem>>, vector<16xf32>,
        %mul3A_1166 = arith.constant 256 : i32
        %mul3A_1167 = arith.muli %scan3A_947, %mul3A_1166 : i32
        %add3A_1168 = arith.constant 240 : i32
        %add3A_1169 = arith.addi %mul3A_1167, %add3A_1168 : i32
        %swap3A_1170 = arith.index_cast %add3A_1169 : i32 to index
        %swap3A_1171 = tpu.vector_load %arg6[%swap3A_1170] {strides = array<i32>} : memref<32768xf32, #tpu.memory_space<vmem>>, vector<16xf32>,
        %swap3A_1172 = vector.shape_cast %swap3A_1171 : vector<16xf32> to vector<16xf32>
        %swap3A_1173 = vector.shape_cast %get3A_1045 : vector<16xf32> to vector<16xf32>
        tpu.vector_store %arg6[%swap3A_1170], %swap3A_1173 {strides = array<i32>} : memref<32768xf32, #tpu.memory_space<vmem>>, vector<16xf32>,
        %sub3A_1174 = arith.constant 1 : i32
        %sub3A_1175 = arith.subi %sub3A_213, %sub3A_1174 : i32
        %get3A_1176 = arith.index_cast %sub3A_1175 : i32 to index
        %get3A_1177 = arith.index_cast %sub3A_949 : i32 to index
        %get3A_1178 = tpu.vector_load %arg4[%get3A_1176, %get3A_1177] {strides = array<i32>} : memref<48x79xf32, #tpu.memory_space<vmem>>, vector<1x16xf32>,
        %get3A_1179 = vector.shape_cast %get3A_1178 : vector<1x16xf32> to vector<16xf32>
        %add3A_1180 = arith.constant 64 : i32
        %add3A_1181 = arith.addi %add3A_1180, %scan3A_947 : i32
        %mul3A_1182 = arith.constant 256 : i32
        %mul3A_1183 = arith.muli %add3A_1181, %mul3A_1182 : i32
        %add3A_1184 = arith.constant 0 : i32
        %add3A_1185 = arith.addi %mul3A_1183, %add3A_1184 : i32
        %swap3A_1186 = arith.index_cast %add3A_1185 : i32 to index
        %swap3A_1187 = tpu.vector_load %arg6[%swap3A_1186] {strides = array<i32>} : memref<32768xf32, #tpu.memory_space<vmem>>, vector<16xf32>,
        %swap3A_1188 = vector.shape_cast %swap3A_1187 : vector<16xf32> to vector<16xf32>
        %swap3A_1189 = vector.shape_cast %get3A_1179 : vector<16xf32> to vector<16xf32>
        tpu.vector_store %arg6[%swap3A_1186], %swap3A_1189 {strides = array<i32>} : memref<32768xf32, #tpu.memory_space<vmem>>, vector<16xf32>,
        %add3A_1190 = arith.constant 16 : i32
        %add3A_1191 = arith.addi %mul3A_1183, %add3A_1190 : i32
        %swap3A_1192 = arith.index_cast %add3A_1191 : i32 to index
        %swap3A_1193 = tpu.vector_load %arg6[%swap3A_1192] {strides = array<i32>} : memref<32768xf32, #tpu.memory_space<vmem>>, vector<16xf32>,
        %swap3A_1194 = vector.shape_cast %swap3A_1193 : vector<16xf32> to vector<16xf32>
        %swap3A_1195 = vector.shape_cast %get3A_955 : vector<16xf32> to vector<16xf32>
        tpu.vector_store %arg6[%swap3A_1192], %swap3A_1195 {strides = array<i32>} : memref<32768xf32, #tpu.memory_space<vmem>>, vector<16xf32>,
        %add3A_1196 = arith.constant 32 : i32
        %add3A_1197 = arith.addi %mul3A_1183, %add3A_1196 : i32
        %swap3A_1198 = arith.index_cast %add3A_1197 : i32 to index
        %swap3A_1199 = tpu.vector_load %arg6[%swap3A_1198] {strides = array<i32>} : memref<32768xf32, #tpu.memory_space<vmem>>, vector<16xf32>,
        %swap3A_1200 = vector.shape_cast %swap3A_1199 : vector<16xf32> to vector<16xf32>
        %swap3A_1201 = vector.shape_cast %get3A_961 : vector<16xf32> to vector<16xf32>
        tpu.vector_store %arg6[%swap3A_1198], %swap3A_1201 {strides = array<i32>} : memref<32768xf32, #tpu.memory_space<vmem>>, vector<16xf32>,
        %add3A_1202 = arith.constant 48 : i32
        %add3A_1203 = arith.addi %mul3A_1183, %add3A_1202 : i32
        %swap3A_1204 = arith.index_cast %add3A_1203 : i32 to index
        %swap3A_1205 = tpu.vector_load %arg6[%swap3A_1204] {strides = array<i32>} : memref<32768xf32, #tpu.memory_space<vmem>>, vector<16xf32>,
        %swap3A_1206 = vector.shape_cast %swap3A_1205 : vector<16xf32> to vector<16xf32>
        %swap3A_1207 = vector.shape_cast %get3A_967 : vector<16xf32> to vector<16xf32>
        tpu.vector_store %arg6[%swap3A_1204], %swap3A_1207 {strides = array<i32>} : memref<32768xf32, #tpu.memory_space<vmem>>, vector<16xf32>,
        %add3A_1208 = arith.constant 64 : i32
        %add3A_1209 = arith.addi %mul3A_1183, %add3A_1208 : i32
        %swap3A_1210 = arith.index_cast %add3A_1209 : i32 to index
        %swap3A_1211 = tpu.vector_load %arg6[%swap3A_1210] {strides = array<i32>} : memref<32768xf32, #tpu.memory_space<vmem>>, vector<16xf32>,
        %swap3A_1212 = vector.shape_cast %swap3A_1211 : vector<16xf32> to vector<16xf32>
        %swap3A_1213 = vector.shape_cast %get3A_973 : vector<16xf32> to vector<16xf32>
        tpu.vector_store %arg6[%swap3A_1210], %swap3A_1213 {strides = array<i32>} : memref<32768xf32, #tpu.memory_space<vmem>>, vector<16xf32>,
        %add3A_1214 = arith.constant 80 : i32
        %add3A_1215 = arith.addi %mul3A_1183, %add3A_1214 : i32
        %swap3A_1216 = arith.index_cast %add3A_1215 : i32 to index
        %swap3A_1217 = tpu.vector_load %arg6[%swap3A_1216] {strides = array<i32>} : memref<32768xf32, #tpu.memory_space<vmem>>, vector<16xf32>,
        %swap3A_1218 = vector.shape_cast %swap3A_1217 : vector<16xf32> to vector<16xf32>
        %swap3A_1219 = vector.shape_cast %get3A_979 : vector<16xf32> to vector<16xf32>
        tpu.vector_store %arg6[%swap3A_1216], %swap3A_1219 {strides = array<i32>} : memref<32768xf32, #tpu.memory_space<vmem>>, vector<16xf32>,
        %add3A_1220 = arith.constant 96 : i32
        %add3A_1221 = arith.addi %mul3A_1183, %add3A_1220 : i32
        %swap3A_1222 = arith.index_cast %add3A_1221 : i32 to index
        %swap3A_1223 = tpu.vector_load %arg6[%swap3A_1222] {strides = array<i32>} : memref<32768xf32, #tpu.memory_space<vmem>>, vector<16xf32>,
        %swap3A_1224 = vector.shape_cast %swap3A_1223 : vector<16xf32> to vector<16xf32>
        %swap3A_1225 = vector.shape_cast %get3A_985 : vector<16xf32> to vector<16xf32>
        tpu.vector_store %arg6[%swap3A_1222], %swap3A_1225 {strides = array<i32>} : memref<32768xf32, #tpu.memory_space<vmem>>, vector<16xf32>,
        %add3A_1226 = arith.constant 112 : i32
        %add3A_1227 = arith.addi %mul3A_1183, %add3A_1226 : i32
        %swap3A_1228 = arith.index_cast %add3A_1227 : i32 to index
        %swap3A_1229 = tpu.vector_load %arg6[%swap3A_1228] {strides = array<i32>} : memref<32768xf32, #tpu.memory_space<vmem>>, vector<16xf32>,
        %swap3A_1230 = vector.shape_cast %swap3A_1229 : vector<16xf32> to vector<16xf32>
        %swap3A_1231 = vector.shape_cast %get3A_991 : vector<16xf32> to vector<16xf32>
        tpu.vector_store %arg6[%swap3A_1228], %swap3A_1231 {strides = array<i32>} : memref<32768xf32, #tpu.memory_space<vmem>>, vector<16xf32>,
        %add3A_1232 = arith.constant 128 : i32
        %add3A_1233 = arith.addi %mul3A_1183, %add3A_1232 : i32
        %swap3A_1234 = arith.index_cast %add3A_1233 : i32 to index
        %swap3A_1235 = tpu.vector_load %arg6[%swap3A_1234] {strides = array<i32>} : memref<32768xf32, #tpu.memory_space<vmem>>, vector<16xf32>,
        %swap3A_1236 = vector.shape_cast %swap3A_1235 : vector<16xf32> to vector<16xf32>
        %swap3A_1237 = vector.shape_cast %get3A_997 : vector<16xf32> to vector<16xf32>
        tpu.vector_store %arg6[%swap3A_1234], %swap3A_1237 {strides = array<i32>} : memref<32768xf32, #tpu.memory_space<vmem>>, vector<16xf32>,
        %add3A_1238 = arith.constant 144 : i32
        %add3A_1239 = arith.addi %mul3A_1183, %add3A_1238 : i32
        %swap3A_1240 = arith.index_cast %add3A_1239 : i32 to index
        %swap3A_1241 = tpu.vector_load %arg6[%swap3A_1240] {strides = array<i32>} : memref<32768xf32, #tpu.memory_space<vmem>>, vector<16xf32>,
        %swap3A_1242 = vector.shape_cast %swap3A_1241 : vector<16xf32> to vector<16xf32>
        %swap3A_1243 = vector.shape_cast %get3A_1003 : vector<16xf32> to vector<16xf32>
        tpu.vector_store %arg6[%swap3A_1240], %swap3A_1243 {strides = array<i32>} : memref<32768xf32, #tpu.memory_space<vmem>>, vector<16xf32>,
        %add3A_1244 = arith.constant 160 : i32
        %add3A_1245 = arith.addi %mul3A_1183, %add3A_1244 : i32
        %swap3A_1246 = arith.index_cast %add3A_1245 : i32 to index
        %swap3A_1247 = tpu.vector_load %arg6[%swap3A_1246] {strides = array<i32>} : memref<32768xf32, #tpu.memory_space<vmem>>, vector<16xf32>,
        %swap3A_1248 = vector.shape_cast %swap3A_1247 : vector<16xf32> to vector<16xf32>
        %swap3A_1249 = vector.shape_cast %get3A_1009 : vector<16xf32> to vector<16xf32>
        tpu.vector_store %arg6[%swap3A_1246], %swap3A_1249 {strides = array<i32>} : memref<32768xf32, #tpu.memory_space<vmem>>, vector<16xf32>,
        %add3A_1250 = arith.constant 176 : i32
        %add3A_1251 = arith.addi %mul3A_1183, %add3A_1250 : i32
        %swap3A_1252 = arith.index_cast %add3A_1251 : i32 to index
        %swap3A_1253 = tpu.vector_load %arg6[%swap3A_1252] {strides = array<i32>} : memref<32768xf32, #tpu.memory_space<vmem>>, vector<16xf32>,
        %swap3A_1254 = vector.shape_cast %swap3A_1253 : vector<16xf32> to vector<16xf32>
        %swap3A_1255 = vector.shape_cast %get3A_1015 : vector<16xf32> to vector<16xf32>
        tpu.vector_store %arg6[%swap3A_1252], %swap3A_1255 {strides = array<i32>} : memref<32768xf32, #tpu.memory_space<vmem>>, vector<16xf32>,
        %add3A_1256 = arith.constant 192 : i32
        %add3A_1257 = arith.addi %mul3A_1183, %add3A_1256 : i32
        %swap3A_1258 = arith.index_cast %add3A_1257 : i32 to index
        %swap3A_1259 = tpu.vector_load %arg6[%swap3A_1258] {strides = array<i32>} : memref<32768xf32, #tpu.memory_space<vmem>>, vector<16xf32>,
        %swap3A_1260 = vector.shape_cast %swap3A_1259 : vector<16xf32> to vector<16xf32>
        %swap3A_1261 = vector.shape_cast %get3A_1021 : vector<16xf32> to vector<16xf32>
        tpu.vector_store %arg6[%swap3A_1258], %swap3A_1261 {strides = array<i32>} : memref<32768xf32, #tpu.memory_space<vmem>>, vector<16xf32>,
        %add3A_1262 = arith.constant 208 : i32
        %add3A_1263 = arith.addi %mul3A_1183, %add3A_1262 : i32
        %swap3A_1264 = arith.index_cast %add3A_1263 : i32 to index
        %swap3A_1265 = tpu.vector_load %arg6[%swap3A_1264] {strides = array<i32>} : memref<32768xf32, #tpu.memory_space<vmem>>, vector<16xf32>,
        %swap3A_1266 = vector.shape_cast %swap3A_1265 : vector<16xf32> to vector<16xf32>
        %swap3A_1267 = vector.shape_cast %get3A_1027 : vector<16xf32> to vector<16xf32>
        tpu.vector_store %arg6[%swap3A_1264], %swap3A_1267 {strides = array<i32>} : memref<32768xf32, #tpu.memory_space<vmem>>, vector<16xf32>,
        %add3A_1268 = arith.constant 224 : i32
        %add3A_1269 = arith.addi %mul3A_1183, %add3A_1268 : i32
        %swap3A_1270 = arith.index_cast %add3A_1269 : i32 to index
        %swap3A_1271 = tpu.vector_load %arg6[%swap3A_1270] {strides = array<i32>} : memref<32768xf32, #tpu.memory_space<vmem>>, vector<16xf32>,
        %swap3A_1272 = vector.shape_cast %swap3A_1271 : vector<16xf32> to vector<16xf32>
        %swap3A_1273 = vector.shape_cast %get3A_1033 : vector<16xf32> to vector<16xf32>
        tpu.vector_store %arg6[%swap3A_1270], %swap3A_1273 {strides = array<i32>} : memref<32768xf32, #tpu.memory_space<vmem>>, vector<16xf32>,
        %add3A_1274 = arith.constant 240 : i32
        %add3A_1275 = arith.addi %mul3A_1183, %add3A_1274 : i32
        %swap3A_1276 = arith.index_cast %add3A_1275 : i32 to index
        %swap3A_1277 = tpu.vector_load %arg6[%swap3A_1276] {strides = array<i32>} : memref<32768xf32, #tpu.memory_space<vmem>>, vector<16xf32>,
        %swap3A_1278 = vector.shape_cast %swap3A_1277 : vector<16xf32> to vector<16xf32>
        %swap3A_1279 = vector.shape_cast %get3A_1039 : vector<16xf32> to vector<16xf32>
        tpu.vector_store %arg6[%swap3A_1276], %swap3A_1279 {strides = array<i32>} : memref<32768xf32, #tpu.memory_space<vmem>>, vector<16xf32>,
        %scan3A_1280 = arith.constant 0 : i32
        %scan3A_1281 = arith.constant 3 : i32
        %scan3A_1282 = arith.addi %scan3A_278, %scan3A_1281 : i32
        %sub3A_1283 = arith.constant 63 : i32
        %sub3A_1284 = arith.subi %sub3A_1283, %scan3A_1282 : i32
        %add3A_1285 = arith.constant 0 : i32
        %add3A_1286 = arith.addi %sub3A_213, %add3A_1285 : i32
        %get3A_1287 = arith.index_cast %add3A_1286 : i32 to index
        %get3A_1288 = arith.index_cast %sub3A_1284 : i32 to index
        %get3A_1289 = tpu.vector_load %arg4[%get3A_1287, %get3A_1288] {strides = array<i32>} : memref<48x79xf32, #tpu.memory_space<vmem>>, vector<1x16xf32>,
        %get3A_1290 = vector.shape_cast %get3A_1289 : vector<1x16xf32> to vector<16xf32>
        %add3A_1291 = arith.constant 1 : i32
        %add3A_1292 = arith.addi %sub3A_213, %add3A_1291 : i32
        %get3A_1293 = arith.index_cast %add3A_1292 : i32 to index
        %get3A_1294 = arith.index_cast %sub3A_1284 : i32 to index
        %get3A_1295 = tpu.vector_load %arg4[%get3A_1293, %get3A_1294] {strides = array<i32>} : memref<48x79xf32, #tpu.memory_space<vmem>>, vector<1x16xf32>,
        %get3A_1296 = vector.shape_cast %get3A_1295 : vector<1x16xf32> to vector<16xf32>
        %add3A_1297 = arith.constant 2 : i32
        %add3A_1298 = arith.addi %sub3A_213, %add3A_1297 : i32
        %get3A_1299 = arith.index_cast %add3A_1298 : i32 to index
        %get3A_1300 = arith.index_cast %sub3A_1284 : i32 to index
        %get3A_1301 = tpu.vector_load %arg4[%get3A_1299, %get3A_1300] {strides = array<i32>} : memref<48x79xf32, #tpu.memory_space<vmem>>, vector<1x16xf32>,
        %get3A_1302 = vector.shape_cast %get3A_1301 : vector<1x16xf32> to vector<16xf32>
        %add3A_1303 = arith.constant 3 : i32
        %add3A_1304 = arith.addi %sub3A_213, %add3A_1303 : i32
        %get3A_1305 = arith.index_cast %add3A_1304 : i32 to index
        %get3A_1306 = arith.index_cast %sub3A_1284 : i32 to index
        %get3A_1307 = tpu.vector_load %arg4[%get3A_1305, %get3A_1306] {strides = array<i32>} : memref<48x79xf32, #tpu.memory_space<vmem>>, vector<1x16xf32>,
        %get3A_1308 = vector.shape_cast %get3A_1307 : vector<1x16xf32> to vector<16xf32>
        %add3A_1309 = arith.constant 4 : i32
        %add3A_1310 = arith.addi %sub3A_213, %add3A_1309 : i32
        %get3A_1311 = arith.index_cast %add3A_1310 : i32 to index
        %get3A_1312 = arith.index_cast %sub3A_1284 : i32 to index
        %get3A_1313 = tpu.vector_load %arg4[%get3A_1311, %get3A_1312] {strides = array<i32>} : memref<48x79xf32, #tpu.memory_space<vmem>>, vector<1x16xf32>,
        %get3A_1314 = vector.shape_cast %get3A_1313 : vector<1x16xf32> to vector<16xf32>
        %add3A_1315 = arith.constant 5 : i32
        %add3A_1316 = arith.addi %sub3A_213, %add3A_1315 : i32
        %get3A_1317 = arith.index_cast %add3A_1316 : i32 to index
        %get3A_1318 = arith.index_cast %sub3A_1284 : i32 to index
        %get3A_1319 = tpu.vector_load %arg4[%get3A_1317, %get3A_1318] {strides = array<i32>} : memref<48x79xf32, #tpu.memory_space<vmem>>, vector<1x16xf32>,
        %get3A_1320 = vector.shape_cast %get3A_1319 : vector<1x16xf32> to vector<16xf32>
        %add3A_1321 = arith.constant 6 : i32
        %add3A_1322 = arith.addi %sub3A_213, %add3A_1321 : i32
        %get3A_1323 = arith.index_cast %add3A_1322 : i32 to index
        %get3A_1324 = arith.index_cast %sub3A_1284 : i32 to index
        %get3A_1325 = tpu.vector_load %arg4[%get3A_1323, %get3A_1324] {strides = array<i32>} : memref<48x79xf32, #tpu.memory_space<vmem>>, vector<1x16xf32>,
        %get3A_1326 = vector.shape_cast %get3A_1325 : vector<1x16xf32> to vector<16xf32>
        %add3A_1327 = arith.constant 7 : i32
        %add3A_1328 = arith.addi %sub3A_213, %add3A_1327 : i32
        %get3A_1329 = arith.index_cast %add3A_1328 : i32 to index
        %get3A_1330 = arith.index_cast %sub3A_1284 : i32 to index
        %get3A_1331 = tpu.vector_load %arg4[%get3A_1329, %get3A_1330] {strides = array<i32>} : memref<48x79xf32, #tpu.memory_space<vmem>>, vector<1x16xf32>,
        %get3A_1332 = vector.shape_cast %get3A_1331 : vector<1x16xf32> to vector<16xf32>
        %add3A_1333 = arith.constant 8 : i32
        %add3A_1334 = arith.addi %sub3A_213, %add3A_1333 : i32
        %get3A_1335 = arith.index_cast %add3A_1334 : i32 to index
        %get3A_1336 = arith.index_cast %sub3A_1284 : i32 to index
        %get3A_1337 = tpu.vector_load %arg4[%get3A_1335, %get3A_1336] {strides = array<i32>} : memref<48x79xf32, #tpu.memory_space<vmem>>, vector<1x16xf32>,
        %get3A_1338 = vector.shape_cast %get3A_1337 : vector<1x16xf32> to vector<16xf32>
        %add3A_1339 = arith.constant 9 : i32
        %add3A_1340 = arith.addi %sub3A_213, %add3A_1339 : i32
        %get3A_1341 = arith.index_cast %add3A_1340 : i32 to index
        %get3A_1342 = arith.index_cast %sub3A_1284 : i32 to index
        %get3A_1343 = tpu.vector_load %arg4[%get3A_1341, %get3A_1342] {strides = array<i32>} : memref<48x79xf32, #tpu.memory_space<vmem>>, vector<1x16xf32>,
        %get3A_1344 = vector.shape_cast %get3A_1343 : vector<1x16xf32> to vector<16xf32>
        %add3A_1345 = arith.constant 10 : i32
        %add3A_1346 = arith.addi %sub3A_213, %add3A_1345 : i32
        %get3A_1347 = arith.index_cast %add3A_1346 : i32 to index
        %get3A_1348 = arith.index_cast %sub3A_1284 : i32 to index
        %get3A_1349 = tpu.vector_load %arg4[%get3A_1347, %get3A_1348] {strides = array<i32>} : memref<48x79xf32, #tpu.memory_space<vmem>>, vector<1x16xf32>,
        %get3A_1350 = vector.shape_cast %get3A_1349 : vector<1x16xf32> to vector<16xf32>
        %add3A_1351 = arith.constant 11 : i32
        %add3A_1352 = arith.addi %sub3A_213, %add3A_1351 : i32
        %get3A_1353 = arith.index_cast %add3A_1352 : i32 to index
        %get3A_1354 = arith.index_cast %sub3A_1284 : i32 to index
        %get3A_1355 = tpu.vector_load %arg4[%get3A_1353, %get3A_1354] {strides = array<i32>} : memref<48x79xf32, #tpu.memory_space<vmem>>, vector<1x16xf32>,
        %get3A_1356 = vector.shape_cast %get3A_1355 : vector<1x16xf32> to vector<16xf32>
        %add3A_1357 = arith.constant 12 : i32
        %add3A_1358 = arith.addi %sub3A_213, %add3A_1357 : i32
        %get3A_1359 = arith.index_cast %add3A_1358 : i32 to index
        %get3A_1360 = arith.index_cast %sub3A_1284 : i32 to index
        %get3A_1361 = tpu.vector_load %arg4[%get3A_1359, %get3A_1360] {strides = array<i32>} : memref<48x79xf32, #tpu.memory_space<vmem>>, vector<1x16xf32>,
        %get3A_1362 = vector.shape_cast %get3A_1361 : vector<1x16xf32> to vector<16xf32>
        %add3A_1363 = arith.constant 13 : i32
        %add3A_1364 = arith.addi %sub3A_213, %add3A_1363 : i32
        %get3A_1365 = arith.index_cast %add3A_1364 : i32 to index
        %get3A_1366 = arith.index_cast %sub3A_1284 : i32 to index
        %get3A_1367 = tpu.vector_load %arg4[%get3A_1365, %get3A_1366] {strides = array<i32>} : memref<48x79xf32, #tpu.memory_space<vmem>>, vector<1x16xf32>,
        %get3A_1368 = vector.shape_cast %get3A_1367 : vector<1x16xf32> to vector<16xf32>
        %add3A_1369 = arith.constant 14 : i32
        %add3A_1370 = arith.addi %sub3A_213, %add3A_1369 : i32
        %get3A_1371 = arith.index_cast %add3A_1370 : i32 to index
        %get3A_1372 = arith.index_cast %sub3A_1284 : i32 to index
        %get3A_1373 = tpu.vector_load %arg4[%get3A_1371, %get3A_1372] {strides = array<i32>} : memref<48x79xf32, #tpu.memory_space<vmem>>, vector<1x16xf32>,
        %get3A_1374 = vector.shape_cast %get3A_1373 : vector<1x16xf32> to vector<16xf32>
        %add3A_1375 = arith.constant 15 : i32
        %add3A_1376 = arith.addi %sub3A_213, %add3A_1375 : i32
        %get3A_1377 = arith.index_cast %add3A_1376 : i32 to index
        %get3A_1378 = arith.index_cast %sub3A_1284 : i32 to index
        %get3A_1379 = tpu.vector_load %arg4[%get3A_1377, %get3A_1378] {strides = array<i32>} : memref<48x79xf32, #tpu.memory_space<vmem>>, vector<1x16xf32>,
        %get3A_1380 = vector.shape_cast %get3A_1379 : vector<1x16xf32> to vector<16xf32>
        %mul3A_1381 = arith.constant 256 : i32
        %mul3A_1382 = arith.muli %scan3A_1282, %mul3A_1381 : i32
        %add3A_1383 = arith.constant 0 : i32
        %add3A_1384 = arith.addi %mul3A_1382, %add3A_1383 : i32
        %swap3A_1385 = arith.index_cast %add3A_1384 : i32 to index
        %swap3A_1386 = tpu.vector_load %arg6[%swap3A_1385] {strides = array<i32>} : memref<32768xf32, #tpu.memory_space<vmem>>, vector<16xf32>,
        %swap3A_1387 = vector.shape_cast %swap3A_1386 : vector<16xf32> to vector<16xf32>
        %swap3A_1388 = vector.shape_cast %get3A_1290 : vector<16xf32> to vector<16xf32>
        tpu.vector_store %arg6[%swap3A_1385], %swap3A_1388 {strides = array<i32>} : memref<32768xf32, #tpu.memory_space<vmem>>, vector<16xf32>,
        %mul3A_1389 = arith.constant 256 : i32
        %mul3A_1390 = arith.muli %scan3A_1282, %mul3A_1389 : i32
        %add3A_1391 = arith.constant 16 : i32
        %add3A_1392 = arith.addi %mul3A_1390, %add3A_1391 : i32
        %swap3A_1393 = arith.index_cast %add3A_1392 : i32 to index
        %swap3A_1394 = tpu.vector_load %arg6[%swap3A_1393] {strides = array<i32>} : memref<32768xf32, #tpu.memory_space<vmem>>, vector<16xf32>,
        %swap3A_1395 = vector.shape_cast %swap3A_1394 : vector<16xf32> to vector<16xf32>
        %swap3A_1396 = vector.shape_cast %get3A_1296 : vector<16xf32> to vector<16xf32>
        tpu.vector_store %arg6[%swap3A_1393], %swap3A_1396 {strides = array<i32>} : memref<32768xf32, #tpu.memory_space<vmem>>, vector<16xf32>,
        %mul3A_1397 = arith.constant 256 : i32
        %mul3A_1398 = arith.muli %scan3A_1282, %mul3A_1397 : i32
        %add3A_1399 = arith.constant 32 : i32
        %add3A_1400 = arith.addi %mul3A_1398, %add3A_1399 : i32
        %swap3A_1401 = arith.index_cast %add3A_1400 : i32 to index
        %swap3A_1402 = tpu.vector_load %arg6[%swap3A_1401] {strides = array<i32>} : memref<32768xf32, #tpu.memory_space<vmem>>, vector<16xf32>,
        %swap3A_1403 = vector.shape_cast %swap3A_1402 : vector<16xf32> to vector<16xf32>
        %swap3A_1404 = vector.shape_cast %get3A_1302 : vector<16xf32> to vector<16xf32>
        tpu.vector_store %arg6[%swap3A_1401], %swap3A_1404 {strides = array<i32>} : memref<32768xf32, #tpu.memory_space<vmem>>, vector<16xf32>,
        %mul3A_1405 = arith.constant 256 : i32
        %mul3A_1406 = arith.muli %scan3A_1282, %mul3A_1405 : i32
        %add3A_1407 = arith.constant 48 : i32
        %add3A_1408 = arith.addi %mul3A_1406, %add3A_1407 : i32
        %swap3A_1409 = arith.index_cast %add3A_1408 : i32 to index
        %swap3A_1410 = tpu.vector_load %arg6[%swap3A_1409] {strides = array<i32>} : memref<32768xf32, #tpu.memory_space<vmem>>, vector<16xf32>,
        %swap3A_1411 = vector.shape_cast %swap3A_1410 : vector<16xf32> to vector<16xf32>
        %swap3A_1412 = vector.shape_cast %get3A_1308 : vector<16xf32> to vector<16xf32>
        tpu.vector_store %arg6[%swap3A_1409], %swap3A_1412 {strides = array<i32>} : memref<32768xf32, #tpu.memory_space<vmem>>, vector<16xf32>,
        %mul3A_1413 = arith.constant 256 : i32
        %mul3A_1414 = arith.muli %scan3A_1282, %mul3A_1413 : i32
        %add3A_1415 = arith.constant 64 : i32
        %add3A_1416 = arith.addi %mul3A_1414, %add3A_1415 : i32
        %swap3A_1417 = arith.index_cast %add3A_1416 : i32 to index
        %swap3A_1418 = tpu.vector_load %arg6[%swap3A_1417] {strides = array<i32>} : memref<32768xf32, #tpu.memory_space<vmem>>, vector<16xf32>,
        %swap3A_1419 = vector.shape_cast %swap3A_1418 : vector<16xf32> to vector<16xf32>
        %swap3A_1420 = vector.shape_cast %get3A_1314 : vector<16xf32> to vector<16xf32>
        tpu.vector_store %arg6[%swap3A_1417], %swap3A_1420 {strides = array<i32>} : memref<32768xf32, #tpu.memory_space<vmem>>, vector<16xf32>,
        %mul3A_1421 = arith.constant 256 : i32
        %mul3A_1422 = arith.muli %scan3A_1282, %mul3A_1421 : i32
        %add3A_1423 = arith.constant 80 : i32
        %add3A_1424 = arith.addi %mul3A_1422, %add3A_1423 : i32
        %swap3A_1425 = arith.index_cast %add3A_1424 : i32 to index
        %swap3A_1426 = tpu.vector_load %arg6[%swap3A_1425] {strides = array<i32>} : memref<32768xf32, #tpu.memory_space<vmem>>, vector<16xf32>,
        %swap3A_1427 = vector.shape_cast %swap3A_1426 : vector<16xf32> to vector<16xf32>
        %swap3A_1428 = vector.shape_cast %get3A_1320 : vector<16xf32> to vector<16xf32>
        tpu.vector_store %arg6[%swap3A_1425], %swap3A_1428 {strides = array<i32>} : memref<32768xf32, #tpu.memory_space<vmem>>, vector<16xf32>,
        %mul3A_1429 = arith.constant 256 : i32
        %mul3A_1430 = arith.muli %scan3A_1282, %mul3A_1429 : i32
        %add3A_1431 = arith.constant 96 : i32
        %add3A_1432 = arith.addi %mul3A_1430, %add3A_1431 : i32
        %swap3A_1433 = arith.index_cast %add3A_1432 : i32 to index
        %swap3A_1434 = tpu.vector_load %arg6[%swap3A_1433] {strides = array<i32>} : memref<32768xf32, #tpu.memory_space<vmem>>, vector<16xf32>,
        %swap3A_1435 = vector.shape_cast %swap3A_1434 : vector<16xf32> to vector<16xf32>
        %swap3A_1436 = vector.shape_cast %get3A_1326 : vector<16xf32> to vector<16xf32>
        tpu.vector_store %arg6[%swap3A_1433], %swap3A_1436 {strides = array<i32>} : memref<32768xf32, #tpu.memory_space<vmem>>, vector<16xf32>,
        %mul3A_1437 = arith.constant 256 : i32
        %mul3A_1438 = arith.muli %scan3A_1282, %mul3A_1437 : i32
        %add3A_1439 = arith.constant 112 : i32
        %add3A_1440 = arith.addi %mul3A_1438, %add3A_1439 : i32
        %swap3A_1441 = arith.index_cast %add3A_1440 : i32 to index
        %swap3A_1442 = tpu.vector_load %arg6[%swap3A_1441] {strides = array<i32>} : memref<32768xf32, #tpu.memory_space<vmem>>, vector<16xf32>,
        %swap3A_1443 = vector.shape_cast %swap3A_1442 : vector<16xf32> to vector<16xf32>
        %swap3A_1444 = vector.shape_cast %get3A_1332 : vector<16xf32> to vector<16xf32>
        tpu.vector_store %arg6[%swap3A_1441], %swap3A_1444 {strides = array<i32>} : memref<32768xf32, #tpu.memory_space<vmem>>, vector<16xf32>,
        %mul3A_1445 = arith.constant 256 : i32
        %mul3A_1446 = arith.muli %scan3A_1282, %mul3A_1445 : i32
        %add3A_1447 = arith.constant 128 : i32
        %add3A_1448 = arith.addi %mul3A_1446, %add3A_1447 : i32
        %swap3A_1449 = arith.index_cast %add3A_1448 : i32 to index
        %swap3A_1450 = tpu.vector_load %arg6[%swap3A_1449] {strides = array<i32>} : memref<32768xf32, #tpu.memory_space<vmem>>, vector<16xf32>,
        %swap3A_1451 = vector.shape_cast %swap3A_1450 : vector<16xf32> to vector<16xf32>
        %swap3A_1452 = vector.shape_cast %get3A_1338 : vector<16xf32> to vector<16xf32>
        tpu.vector_store %arg6[%swap3A_1449], %swap3A_1452 {strides = array<i32>} : memref<32768xf32, #tpu.memory_space<vmem>>, vector<16xf32>,
        %mul3A_1453 = arith.constant 256 : i32
        %mul3A_1454 = arith.muli %scan3A_1282, %mul3A_1453 : i32
        %add3A_1455 = arith.constant 144 : i32
        %add3A_1456 = arith.addi %mul3A_1454, %add3A_1455 : i32
        %swap3A_1457 = arith.index_cast %add3A_1456 : i32 to index
        %swap3A_1458 = tpu.vector_load %arg6[%swap3A_1457] {strides = array<i32>} : memref<32768xf32, #tpu.memory_space<vmem>>, vector<16xf32>,
        %swap3A_1459 = vector.shape_cast %swap3A_1458 : vector<16xf32> to vector<16xf32>
        %swap3A_1460 = vector.shape_cast %get3A_1344 : vector<16xf32> to vector<16xf32>
        tpu.vector_store %arg6[%swap3A_1457], %swap3A_1460 {strides = array<i32>} : memref<32768xf32, #tpu.memory_space<vmem>>, vector<16xf32>,
        %mul3A_1461 = arith.constant 256 : i32
        %mul3A_1462 = arith.muli %scan3A_1282, %mul3A_1461 : i32
        %add3A_1463 = arith.constant 160 : i32
        %add3A_1464 = arith.addi %mul3A_1462, %add3A_1463 : i32
        %swap3A_1465 = arith.index_cast %add3A_1464 : i32 to index
        %swap3A_1466 = tpu.vector_load %arg6[%swap3A_1465] {strides = array<i32>} : memref<32768xf32, #tpu.memory_space<vmem>>, vector<16xf32>,
        %swap3A_1467 = vector.shape_cast %swap3A_1466 : vector<16xf32> to vector<16xf32>
        %swap3A_1468 = vector.shape_cast %get3A_1350 : vector<16xf32> to vector<16xf32>
        tpu.vector_store %arg6[%swap3A_1465], %swap3A_1468 {strides = array<i32>} : memref<32768xf32, #tpu.memory_space<vmem>>, vector<16xf32>,
        %mul3A_1469 = arith.constant 256 : i32
        %mul3A_1470 = arith.muli %scan3A_1282, %mul3A_1469 : i32
        %add3A_1471 = arith.constant 176 : i32
        %add3A_1472 = arith.addi %mul3A_1470, %add3A_1471 : i32
        %swap3A_1473 = arith.index_cast %add3A_1472 : i32 to index
        %swap3A_1474 = tpu.vector_load %arg6[%swap3A_1473] {strides = array<i32>} : memref<32768xf32, #tpu.memory_space<vmem>>, vector<16xf32>,
        %swap3A_1475 = vector.shape_cast %swap3A_1474 : vector<16xf32> to vector<16xf32>
        %swap3A_1476 = vector.shape_cast %get3A_1356 : vector<16xf32> to vector<16xf32>
        tpu.vector_store %arg6[%swap3A_1473], %swap3A_1476 {strides = array<i32>} : memref<32768xf32, #tpu.memory_space<vmem>>, vector<16xf32>,
        %mul3A_1477 = arith.constant 256 : i32
        %mul3A_1478 = arith.muli %scan3A_1282, %mul3A_1477 : i32
        %add3A_1479 = arith.constant 192 : i32
        %add3A_1480 = arith.addi %mul3A_1478, %add3A_1479 : i32
        %swap3A_1481 = arith.index_cast %add3A_1480 : i32 to index
        %swap3A_1482 = tpu.vector_load %arg6[%swap3A_1481] {strides = array<i32>} : memref<32768xf32, #tpu.memory_space<vmem>>, vector<16xf32>,
        %swap3A_1483 = vector.shape_cast %swap3A_1482 : vector<16xf32> to vector<16xf32>
        %swap3A_1484 = vector.shape_cast %get3A_1362 : vector<16xf32> to vector<16xf32>
        tpu.vector_store %arg6[%swap3A_1481], %swap3A_1484 {strides = array<i32>} : memref<32768xf32, #tpu.memory_space<vmem>>, vector<16xf32>,
        %mul3A_1485 = arith.constant 256 : i32
        %mul3A_1486 = arith.muli %scan3A_1282, %mul3A_1485 : i32
        %add3A_1487 = arith.constant 208 : i32
        %add3A_1488 = arith.addi %mul3A_1486, %add3A_1487 : i32
        %swap3A_1489 = arith.index_cast %add3A_1488 : i32 to index
        %swap3A_1490 = tpu.vector_load %arg6[%swap3A_1489] {strides = array<i32>} : memref<32768xf32, #tpu.memory_space<vmem>>, vector<16xf32>,
        %swap3A_1491 = vector.shape_cast %swap3A_1490 : vector<16xf32> to vector<16xf32>
        %swap3A_1492 = vector.shape_cast %get3A_1368 : vector<16xf32> to vector<16xf32>
        tpu.vector_store %arg6[%swap3A_1489], %swap3A_1492 {strides = array<i32>} : memref<32768xf32, #tpu.memory_space<vmem>>, vector<16xf32>,
        %mul3A_1493 = arith.constant 256 : i32
        %mul3A_1494 = arith.muli %scan3A_1282, %mul3A_1493 : i32
        %add3A_1495 = arith.constant 224 : i32
        %add3A_1496 = arith.addi %mul3A_1494, %add3A_1495 : i32
        %swap3A_1497 = arith.index_cast %add3A_1496 : i32 to index
        %swap3A_1498 = tpu.vector_load %arg6[%swap3A_1497] {strides = array<i32>} : memref<32768xf32, #tpu.memory_space<vmem>>, vector<16xf32>,
        %swap3A_1499 = vector.shape_cast %swap3A_1498 : vector<16xf32> to vector<16xf32>
        %swap3A_1500 = vector.shape_cast %get3A_1374 : vector<16xf32> to vector<16xf32>
        tpu.vector_store %arg6[%swap3A_1497], %swap3A_1500 {strides = array<i32>} : memref<32768xf32, #tpu.memory_space<vmem>>, vector<16xf32>,
        %mul3A_1501 = arith.constant 256 : i32
        %mul3A_1502 = arith.muli %scan3A_1282, %mul3A_1501 : i32
        %add3A_1503 = arith.constant 240 : i32
        %add3A_1504 = arith.addi %mul3A_1502, %add3A_1503 : i32
        %swap3A_1505 = arith.index_cast %add3A_1504 : i32 to index
        %swap3A_1506 = tpu.vector_load %arg6[%swap3A_1505] {strides = array<i32>} : memref<32768xf32, #tpu.memory_space<vmem>>, vector<16xf32>,
        %swap3A_1507 = vector.shape_cast %swap3A_1506 : vector<16xf32> to vector<16xf32>
        %swap3A_1508 = vector.shape_cast %get3A_1380 : vector<16xf32> to vector<16xf32>
        tpu.vector_store %arg6[%swap3A_1505], %swap3A_1508 {strides = array<i32>} : memref<32768xf32, #tpu.memory_space<vmem>>, vector<16xf32>,
        %sub3A_1509 = arith.constant 1 : i32
        %sub3A_1510 = arith.subi %sub3A_213, %sub3A_1509 : i32
        %get3A_1511 = arith.index_cast %sub3A_1510 : i32 to index
        %get3A_1512 = arith.index_cast %sub3A_1284 : i32 to index
        %get3A_1513 = tpu.vector_load %arg4[%get3A_1511, %get3A_1512] {strides = array<i32>} : memref<48x79xf32, #tpu.memory_space<vmem>>, vector<1x16xf32>,
        %get3A_1514 = vector.shape_cast %get3A_1513 : vector<1x16xf32> to vector<16xf32>
        %add3A_1515 = arith.constant 64 : i32
        %add3A_1516 = arith.addi %add3A_1515, %scan3A_1282 : i32
        %mul3A_1517 = arith.constant 256 : i32
        %mul3A_1518 = arith.muli %add3A_1516, %mul3A_1517 : i32
        %add3A_1519 = arith.constant 0 : i32
        %add3A_1520 = arith.addi %mul3A_1518, %add3A_1519 : i32
        %swap3A_1521 = arith.index_cast %add3A_1520 : i32 to index
        %swap3A_1522 = tpu.vector_load %arg6[%swap3A_1521] {strides = array<i32>} : memref<32768xf32, #tpu.memory_space<vmem>>, vector<16xf32>,
        %swap3A_1523 = vector.shape_cast %swap3A_1522 : vector<16xf32> to vector<16xf32>
        %swap3A_1524 = vector.shape_cast %get3A_1514 : vector<16xf32> to vector<16xf32>
        tpu.vector_store %arg6[%swap3A_1521], %swap3A_1524 {strides = array<i32>} : memref<32768xf32, #tpu.memory_space<vmem>>, vector<16xf32>,
        %add3A_1525 = arith.constant 16 : i32
        %add3A_1526 = arith.addi %mul3A_1518, %add3A_1525 : i32
        %swap3A_1527 = arith.index_cast %add3A_1526 : i32 to index
        %swap3A_1528 = tpu.vector_load %arg6[%swap3A_1527] {strides = array<i32>} : memref<32768xf32, #tpu.memory_space<vmem>>, vector<16xf32>,
        %swap3A_1529 = vector.shape_cast %swap3A_1528 : vector<16xf32> to vector<16xf32>
        %swap3A_1530 = vector.shape_cast %get3A_1290 : vector<16xf32> to vector<16xf32>
        tpu.vector_store %arg6[%swap3A_1527], %swap3A_1530 {strides = array<i32>} : memref<32768xf32, #tpu.memory_space<vmem>>, vector<16xf32>,
        %add3A_1531 = arith.constant 32 : i32
        %add3A_1532 = arith.addi %mul3A_1518, %add3A_1531 : i32
        %swap3A_1533 = arith.index_cast %add3A_1532 : i32 to index
        %swap3A_1534 = tpu.vector_load %arg6[%swap3A_1533] {strides = array<i32>} : memref<32768xf32, #tpu.memory_space<vmem>>, vector<16xf32>,
        %swap3A_1535 = vector.shape_cast %swap3A_1534 : vector<16xf32> to vector<16xf32>
        %swap3A_1536 = vector.shape_cast %get3A_1296 : vector<16xf32> to vector<16xf32>
        tpu.vector_store %arg6[%swap3A_1533], %swap3A_1536 {strides = array<i32>} : memref<32768xf32, #tpu.memory_space<vmem>>, vector<16xf32>,
        %add3A_1537 = arith.constant 48 : i32
        %add3A_1538 = arith.addi %mul3A_1518, %add3A_1537 : i32
        %swap3A_1539 = arith.index_cast %add3A_1538 : i32 to index
        %swap3A_1540 = tpu.vector_load %arg6[%swap3A_1539] {strides = array<i32>} : memref<32768xf32, #tpu.memory_space<vmem>>, vector<16xf32>,
        %swap3A_1541 = vector.shape_cast %swap3A_1540 : vector<16xf32> to vector<16xf32>
        %swap3A_1542 = vector.shape_cast %get3A_1302 : vector<16xf32> to vector<16xf32>
        tpu.vector_store %arg6[%swap3A_1539], %swap3A_1542 {strides = array<i32>} : memref<32768xf32, #tpu.memory_space<vmem>>, vector<16xf32>,
        %add3A_1543 = arith.constant 64 : i32
        %add3A_1544 = arith.addi %mul3A_1518, %add3A_1543 : i32
        %swap3A_1545 = arith.index_cast %add3A_1544 : i32 to index
        %swap3A_1546 = tpu.vector_load %arg6[%swap3A_1545] {strides = array<i32>} : memref<32768xf32, #tpu.memory_space<vmem>>, vector<16xf32>,
        %swap3A_1547 = vector.shape_cast %swap3A_1546 : vector<16xf32> to vector<16xf32>
        %swap3A_1548 = vector.shape_cast %get3A_1308 : vector<16xf32> to vector<16xf32>
        tpu.vector_store %arg6[%swap3A_1545], %swap3A_1548 {strides = array<i32>} : memref<32768xf32, #tpu.memory_space<vmem>>, vector<16xf32>,
        %add3A_1549 = arith.constant 80 : i32
        %add3A_1550 = arith.addi %mul3A_1518, %add3A_1549 : i32
        %swap3A_1551 = arith.index_cast %add3A_1550 : i32 to index
        %swap3A_1552 = tpu.vector_load %arg6[%swap3A_1551] {strides = array<i32>} : memref<32768xf32, #tpu.memory_space<vmem>>, vector<16xf32>,
        %swap3A_1553 = vector.shape_cast %swap3A_1552 : vector<16xf32> to vector<16xf32>
        %swap3A_1554 = vector.shape_cast %get3A_1314 : vector<16xf32> to vector<16xf32>
        tpu.vector_store %arg6[%swap3A_1551], %swap3A_1554 {strides = array<i32>} : memref<32768xf32, #tpu.memory_space<vmem>>, vector<16xf32>,
        %add3A_1555 = arith.constant 96 : i32
        %add3A_1556 = arith.addi %mul3A_1518, %add3A_1555 : i32
        %swap3A_1557 = arith.index_cast %add3A_1556 : i32 to index
        %swap3A_1558 = tpu.vector_load %arg6[%swap3A_1557] {strides = array<i32>} : memref<32768xf32, #tpu.memory_space<vmem>>, vector<16xf32>,
        %swap3A_1559 = vector.shape_cast %swap3A_1558 : vector<16xf32> to vector<16xf32>
        %swap3A_1560 = vector.shape_cast %get3A_1320 : vector<16xf32> to vector<16xf32>
        tpu.vector_store %arg6[%swap3A_1557], %swap3A_1560 {strides = array<i32>} : memref<32768xf32, #tpu.memory_space<vmem>>, vector<16xf32>,
        %add3A_1561 = arith.constant 112 : i32
        %add3A_1562 = arith.addi %mul3A_1518, %add3A_1561 : i32
        %swap3A_1563 = arith.index_cast %add3A_1562 : i32 to index
        %swap3A_1564 = tpu.vector_load %arg6[%swap3A_1563] {strides = array<i32>} : memref<32768xf32, #tpu.memory_space<vmem>>, vector<16xf32>,
        %swap3A_1565 = vector.shape_cast %swap3A_1564 : vector<16xf32> to vector<16xf32>
        %swap3A_1566 = vector.shape_cast %get3A_1326 : vector<16xf32> to vector<16xf32>
        tpu.vector_store %arg6[%swap3A_1563], %swap3A_1566 {strides = array<i32>} : memref<32768xf32, #tpu.memory_space<vmem>>, vector<16xf32>,
        %add3A_1567 = arith.constant 128 : i32
        %add3A_1568 = arith.addi %mul3A_1518, %add3A_1567 : i32
        %swap3A_1569 = arith.index_cast %add3A_1568 : i32 to index
        %swap3A_1570 = tpu.vector_load %arg6[%swap3A_1569] {strides = array<i32>} : memref<32768xf32, #tpu.memory_space<vmem>>, vector<16xf32>,
        %swap3A_1571 = vector.shape_cast %swap3A_1570 : vector<16xf32> to vector<16xf32>
        %swap3A_1572 = vector.shape_cast %get3A_1332 : vector<16xf32> to vector<16xf32>
        tpu.vector_store %arg6[%swap3A_1569], %swap3A_1572 {strides = array<i32>} : memref<32768xf32, #tpu.memory_space<vmem>>, vector<16xf32>,
        %add3A_1573 = arith.constant 144 : i32
        %add3A_1574 = arith.addi %mul3A_1518, %add3A_1573 : i32
        %swap3A_1575 = arith.index_cast %add3A_1574 : i32 to index
        %swap3A_1576 = tpu.vector_load %arg6[%swap3A_1575] {strides = array<i32>} : memref<32768xf32, #tpu.memory_space<vmem>>, vector<16xf32>,
        %swap3A_1577 = vector.shape_cast %swap3A_1576 : vector<16xf32> to vector<16xf32>
        %swap3A_1578 = vector.shape_cast %get3A_1338 : vector<16xf32> to vector<16xf32>
        tpu.vector_store %arg6[%swap3A_1575], %swap3A_1578 {strides = array<i32>} : memref<32768xf32, #tpu.memory_space<vmem>>, vector<16xf32>,
        %add3A_1579 = arith.constant 160 : i32
        %add3A_1580 = arith.addi %mul3A_1518, %add3A_1579 : i32
        %swap3A_1581 = arith.index_cast %add3A_1580 : i32 to index
        %swap3A_1582 = tpu.vector_load %arg6[%swap3A_1581] {strides = array<i32>} : memref<32768xf32, #tpu.memory_space<vmem>>, vector<16xf32>,
        %swap3A_1583 = vector.shape_cast %swap3A_1582 : vector<16xf32> to vector<16xf32>
        %swap3A_1584 = vector.shape_cast %get3A_1344 : vector<16xf32> to vector<16xf32>
        tpu.vector_store %arg6[%swap3A_1581], %swap3A_1584 {strides = array<i32>} : memref<32768xf32, #tpu.memory_space<vmem>>, vector<16xf32>,
        %add3A_1585 = arith.constant 176 : i32
        %add3A_1586 = arith.addi %mul3A_1518, %add3A_1585 : i32
        %swap3A_1587 = arith.index_cast %add3A_1586 : i32 to index
        %swap3A_1588 = tpu.vector_load %arg6[%swap3A_1587] {strides = array<i32>} : memref<32768xf32, #tpu.memory_space<vmem>>, vector<16xf32>,
        %swap3A_1589 = vector.shape_cast %swap3A_1588 : vector<16xf32> to vector<16xf32>
        %swap3A_1590 = vector.shape_cast %get3A_1350 : vector<16xf32> to vector<16xf32>
        tpu.vector_store %arg6[%swap3A_1587], %swap3A_1590 {strides = array<i32>} : memref<32768xf32, #tpu.memory_space<vmem>>, vector<16xf32>,
        %add3A_1591 = arith.constant 192 : i32
        %add3A_1592 = arith.addi %mul3A_1518, %add3A_1591 : i32
        %swap3A_1593 = arith.index_cast %add3A_1592 : i32 to index
        %swap3A_1594 = tpu.vector_load %arg6[%swap3A_1593] {strides = array<i32>} : memref<32768xf32, #tpu.memory_space<vmem>>, vector<16xf32>,
        %swap3A_1595 = vector.shape_cast %swap3A_1594 : vector<16xf32> to vector<16xf32>
        %swap3A_1596 = vector.shape_cast %get3A_1356 : vector<16xf32> to vector<16xf32>
        tpu.vector_store %arg6[%swap3A_1593], %swap3A_1596 {strides = array<i32>} : memref<32768xf32, #tpu.memory_space<vmem>>, vector<16xf32>,
        %add3A_1597 = arith.constant 208 : i32
        %add3A_1598 = arith.addi %mul3A_1518, %add3A_1597 : i32
        %swap3A_1599 = arith.index_cast %add3A_1598 : i32 to index
        %swap3A_1600 = tpu.vector_load %arg6[%swap3A_1599] {strides = array<i32>} : memref<32768xf32, #tpu.memory_space<vmem>>, vector<16xf32>,
        %swap3A_1601 = vector.shape_cast %swap3A_1600 : vector<16xf32> to vector<16xf32>
        %swap3A_1602 = vector.shape_cast %get3A_1362 : vector<16xf32> to vector<16xf32>
        tpu.vector_store %arg6[%swap3A_1599], %swap3A_1602 {strides = array<i32>} : memref<32768xf32, #tpu.memory_space<vmem>>, vector<16xf32>,
        %add3A_1603 = arith.constant 224 : i32
        %add3A_1604 = arith.addi %mul3A_1518, %add3A_1603 : i32
        %swap3A_1605 = arith.index_cast %add3A_1604 : i32 to index
        %swap3A_1606 = tpu.vector_load %arg6[%swap3A_1605] {strides = array<i32>} : memref<32768xf32, #tpu.memory_space<vmem>>, vector<16xf32>,
        %swap3A_1607 = vector.shape_cast %swap3A_1606 : vector<16xf32> to vector<16xf32>
        %swap3A_1608 = vector.shape_cast %get3A_1368 : vector<16xf32> to vector<16xf32>
        tpu.vector_store %arg6[%swap3A_1605], %swap3A_1608 {strides = array<i32>} : memref<32768xf32, #tpu.memory_space<vmem>>, vector<16xf32>,
        %add3A_1609 = arith.constant 240 : i32
        %add3A_1610 = arith.addi %mul3A_1518, %add3A_1609 : i32
        %swap3A_1611 = arith.index_cast %add3A_1610 : i32 to index
        %swap3A_1612 = tpu.vector_load %arg6[%swap3A_1611] {strides = array<i32>} : memref<32768xf32, #tpu.memory_space<vmem>>, vector<16xf32>,
        %swap3A_1613 = vector.shape_cast %swap3A_1612 : vector<16xf32> to vector<16xf32>
        %swap3A_1614 = vector.shape_cast %get3A_1374 : vector<16xf32> to vector<16xf32>
        tpu.vector_store %arg6[%swap3A_1611], %swap3A_1614 {strides = array<i32>} : memref<32768xf32, #tpu.memory_space<vmem>>, vector<16xf32>,
        %scan3A_1615 = arith.constant 0 : i32
        scf.yield %scan3A_1615 : i32
      }
      %scan3A_220 = arith.constant 64 : i32
      %mul3A_221 = arith.constant 2 : i32
      %mul3A_222 = arith.muli %mul3A_221, %scan3A_131 : i32
      %add3A_223 = arith.constant 1 : i32
      %add3A_224 = arith.addi %mul3A_222, %add3A_223 : i32
      %mul3A_225 = arith.constant 128 : i32
      %mul3A_226 = arith.muli %add3A_224, %mul3A_225 : i32
      %add3A_227 = arith.addi %mul3A_2, %mul3A_226 : i32
      %mul3A_228 = arith.constant 256 : i32
      %mul3A_229 = arith.muli %add3A_227, %mul3A_228 : i32
      %add3A_230 = arith.constant 0 : i32
      %add3A_231 = arith.addi %mul3A_229, %add3A_230 : i32
      %dma_start3A_232 = arith.constant 0 : i32
      %dma_start3A_233 = tpu.memref_slice %arg6[%dma_start3A_232] : memref<32768xf32, #tpu.memory_space<vmem>> -> memref<8192xf32, #tpu.memory_space<vmem>>
      %dma_start3A_234 = tpu.memref_slice %arg3[%add3A_231] : memref<16777216xf32, #tpu.memory_space<hbm>> -> memref<8192xf32, #tpu.memory_space<hbm>>
      %dma_start3A_235 = tpu.memref_slice %arg3[%add3A_231] : memref<16777216xf32, #tpu.memory_space<hbm>> -> memref<8192xf32, #tpu.memory_space<hbm>>
      %dma_start3A_236 = arith.constant 0 : i32
      %dma_start3A_237 = tpu.memref_slice %arg6[%dma_start3A_236] : memref<32768xf32, #tpu.memory_space<vmem>> -> memref<8192xf32, #tpu.memory_space<vmem>>
      tpu.enqueue_dma source(%dma_start3A_237 : memref<8192xf32, #tpu.memory_space<vmem>>) target(%dma_start3A_235 : memref<8192xf32, #tpu.memory_space<hbm>>) target_semaphore(%arg8 : memref<!tpu.dma_semaphore, #tpu.memory_space<semaphore_mem>>)
      %mul3A_238 = arith.constant 128 : i32
      %mul3A_239 = arith.muli %add3A_224, %mul3A_238 : i32
      %add3A_240 = arith.addi %mul3A_2, %mul3A_239 : i32
      %mul3A_241 = arith.constant 256 : i32
      %mul3A_242 = arith.muli %add3A_240, %mul3A_241 : i32
      %add3A_243 = arith.constant 8192 : i32
      %add3A_244 = arith.addi %mul3A_242, %add3A_243 : i32
      %dma_start3A_245 = arith.constant 8192 : i32
      %dma_start3A_246 = tpu.memref_slice %arg6[%dma_start3A_245] : memref<32768xf32, #tpu.memory_space<vmem>> -> memref<8192xf32, #tpu.memory_space<vmem>>
      %dma_start3A_247 = tpu.memref_slice %arg3[%add3A_244] : memref<16777216xf32, #tpu.memory_space<hbm>> -> memref<8192xf32, #tpu.memory_space<hbm>>
      %dma_start3A_248 = tpu.memref_slice %arg3[%add3A_244] : memref<16777216xf32, #tpu.memory_space<hbm>> -> memref<8192xf32, #tpu.memory_space<hbm>>
      %dma_start3A_249 = arith.constant 8192 : i32
      %dma_start3A_250 = tpu.memref_slice %arg6[%dma_start3A_249] : memref<32768xf32, #tpu.memory_space<vmem>> -> memref<8192xf32, #tpu.memory_space<vmem>>
      tpu.enqueue_dma source(%dma_start3A_250 : memref<8192xf32, #tpu.memory_space<vmem>>) target(%dma_start3A_248 : memref<8192xf32, #tpu.memory_space<hbm>>) target_semaphore(%arg8 : memref<!tpu.dma_semaphore, #tpu.memory_space<semaphore_mem>>)
      %mul3A_251 = arith.constant 128 : i32
      %mul3A_252 = arith.muli %add3A_224, %mul3A_251 : i32
      %add3A_253 = arith.addi %mul3A_2, %mul3A_252 : i32
      %mul3A_254 = arith.constant 256 : i32
      %mul3A_255 = arith.muli %add3A_253, %mul3A_254 : i32
      %add3A_256 = arith.constant 16384 : i32
      %add3A_257 = arith.addi %mul3A_255, %add3A_256 : i32
      %dma_start3A_258 = arith.constant 16384 : i32
      %dma_start3A_259 = tpu.memref_slice %arg6[%dma_start3A_258] : memref<32768xf32, #tpu.memory_space<vmem>> -> memref<8192xf32, #tpu.memory_space<vmem>>
      %dma_start3A_260 = tpu.memref_slice %arg3[%add3A_257] : memref<16777216xf32, #tpu.memory_space<hbm>> -> memref<8192xf32, #tpu.memory_space<hbm>>
      %dma_start3A_261 = tpu.memref_slice %arg3[%add3A_257] : memref<16777216xf32, #tpu.memory_space<hbm>> -> memref<8192xf32, #tpu.memory_space<hbm>>
      %dma_start3A_262 = arith.constant 16384 : i32
      %dma_start3A_263 = tpu.memref_slice %arg6[%dma_start3A_262] : memref<32768xf32, #tpu.memory_space<vmem>> -> memref<8192xf32, #tpu.memory_space<vmem>>
      tpu.enqueue_dma source(%dma_start3A_263 : memref<8192xf32, #tpu.memory_space<vmem>>) target(%dma_start3A_261 : memref<8192xf32, #tpu.memory_space<hbm>>) target_semaphore(%arg8 : memref<!tpu.dma_semaphore, #tpu.memory_space<semaphore_mem>>)
      %mul3A_264 = arith.constant 128 : i32
      %mul3A_265 = arith.muli %add3A_224, %mul3A_264 : i32
      %add3A_266 = arith.addi %mul3A_2, %mul3A_265 : i32
      %mul3A_267 = arith.constant 256 : i32
      %mul3A_268 = arith.muli %add3A_266, %mul3A_267 : i32
      %add3A_269 = arith.constant 24576 : i32
      %add3A_270 = arith.addi %mul3A_268, %add3A_269 : i32
      %dma_start3A_271 = arith.constant 24576 : i32
      %dma_start3A_272 = tpu.memref_slice %arg6[%dma_start3A_271] : memref<32768xf32, #tpu.memory_space<vmem>> -> memref<8192xf32, #tpu.memory_space<vmem>>
      %dma_start3A_273 = tpu.memref_slice %arg3[%add3A_270] : memref<16777216xf32, #tpu.memory_space<hbm>> -> memref<8192xf32, #tpu.memory_space<hbm>>
      %dma_start3A_274 = tpu.memref_slice %arg3[%add3A_270] : memref<16777216xf32, #tpu.memory_space<hbm>> -> memref<8192xf32, #tpu.memory_space<hbm>>
      %dma_start3A_275 = arith.constant 24576 : i32
      %dma_start3A_276 = tpu.memref_slice %arg6[%dma_start3A_275] : memref<32768xf32, #tpu.memory_space<vmem>> -> memref<8192xf32, #tpu.memory_space<vmem>>
      tpu.enqueue_dma source(%dma_start3A_276 : memref<8192xf32, #tpu.memory_space<vmem>>) target(%dma_start3A_274 : memref<8192xf32, #tpu.memory_space<hbm>>) target_semaphore(%arg8 : memref<!tpu.dma_semaphore, #tpu.memory_space<semaphore_mem>>)
      %scan3A_277 = arith.constant 0 : i32
      scf.yield %scan3A_277 : i32
    }
    %scan3A_67 = arith.constant 8 : i32
    %mul3A_68 = arith.constant 256 : i32
    %mul3A_69 = arith.muli %mul3A_2, %mul3A_68 : i32
    %dma_wait3A = arith.constant 0 : i32
    %dma_wait3A_70 = tpu.memref_slice %arg5[%dma_wait3A] : memref<32768xf32, #tpu.memory_space<vmem>> -> memref<8192xf32, #tpu.memory_space<vmem>>
    %dma_wait3A_71 = tpu.memref_slice %arg3[%mul3A_69] : memref<16777216xf32, #tpu.memory_space<hbm>> -> memref<8192xf32, #tpu.memory_space<hbm>>
    %dma_wait3A_72 = tpu.memref_slice %arg3[%mul3A_69] : memref<16777216xf32, #tpu.memory_space<hbm>> -> memref<8192xf32, #tpu.memory_space<hbm>>
    %dma_wait3A_73 = arith.constant 0 : i32
    %dma_wait3A_74 = tpu.memref_slice %arg5[%dma_wait3A_73] : memref<32768xf32, #tpu.memory_space<vmem>> -> memref<8192xf32, #tpu.memory_space<vmem>>
    tpu.wait_dma2 semaphore(%arg7 : memref<!tpu.dma_semaphore, #tpu.memory_space<semaphore_mem>>) src(%dma_wait3A_74 : memref<8192xf32, #tpu.memory_space<vmem>>) dst(%dma_wait3A_72 : memref<8192xf32, #tpu.memory_space<hbm>>)
    %mul3A_75 = arith.constant 256 : i32
    %mul3A_76 = arith.muli %mul3A_2, %mul3A_75 : i32
    %dma_wait3A_77 = arith.constant 0 : i32
    %dma_wait3A_78 = tpu.memref_slice %arg5[%dma_wait3A_77] : memref<32768xf32, #tpu.memory_space<vmem>> -> memref<8192xf32, #tpu.memory_space<vmem>>
    %dma_wait3A_79 = tpu.memref_slice %arg3[%mul3A_76] : memref<16777216xf32, #tpu.memory_space<hbm>> -> memref<8192xf32, #tpu.memory_space<hbm>>
    %dma_wait3A_80 = tpu.memref_slice %arg3[%mul3A_76] : memref<16777216xf32, #tpu.memory_space<hbm>> -> memref<8192xf32, #tpu.memory_space<hbm>>
    %dma_wait3A_81 = arith.constant 0 : i32
    %dma_wait3A_82 = tpu.memref_slice %arg5[%dma_wait3A_81] : memref<32768xf32, #tpu.memory_space<vmem>> -> memref<8192xf32, #tpu.memory_space<vmem>>
    tpu.wait_dma2 semaphore(%arg7 : memref<!tpu.dma_semaphore, #tpu.memory_space<semaphore_mem>>) src(%dma_wait3A_82 : memref<8192xf32, #tpu.memory_space<vmem>>) dst(%dma_wait3A_80 : memref<8192xf32, #tpu.memory_space<hbm>>)
    %mul3A_83 = arith.constant 256 : i32
    %mul3A_84 = arith.muli %mul3A_2, %mul3A_83 : i32
    %dma_wait3A_85 = arith.constant 0 : i32
    %dma_wait3A_86 = tpu.memref_slice %arg5[%dma_wait3A_85] : memref<32768xf32, #tpu.memory_space<vmem>> -> memref<8192xf32, #tpu.memory_space<vmem>>
    %dma_wait3A_87 = tpu.memref_slice %arg3[%mul3A_84] : memref<16777216xf32, #tpu.memory_space<hbm>> -> memref<8192xf32, #tpu.memory_space<hbm>>
    %dma_wait3A_88 = tpu.memref_slice %arg3[%mul3A_84] : memref<16777216xf32, #tpu.memory_space<hbm>> -> memref<8192xf32, #tpu.memory_space<hbm>>
    %dma_wait3A_89 = arith.constant 0 : i32
    %dma_wait3A_90 = tpu.memref_slice %arg5[%dma_wait3A_89] : memref<32768xf32, #tpu.memory_space<vmem>> -> memref<8192xf32, #tpu.memory_space<vmem>>
    tpu.wait_dma2 semaphore(%arg7 : memref<!tpu.dma_semaphore, #tpu.memory_space<semaphore_mem>>) src(%dma_wait3A_90 : memref<8192xf32, #tpu.memory_space<vmem>>) dst(%dma_wait3A_88 : memref<8192xf32, #tpu.memory_space<hbm>>)
    %mul3A_91 = arith.constant 256 : i32
    %mul3A_92 = arith.muli %mul3A_2, %mul3A_91 : i32
    %dma_wait3A_93 = arith.constant 0 : i32
    %dma_wait3A_94 = tpu.memref_slice %arg5[%dma_wait3A_93] : memref<32768xf32, #tpu.memory_space<vmem>> -> memref<8192xf32, #tpu.memory_space<vmem>>
    %dma_wait3A_95 = tpu.memref_slice %arg3[%mul3A_92] : memref<16777216xf32, #tpu.memory_space<hbm>> -> memref<8192xf32, #tpu.memory_space<hbm>>
    %dma_wait3A_96 = tpu.memref_slice %arg3[%mul3A_92] : memref<16777216xf32, #tpu.memory_space<hbm>> -> memref<8192xf32, #tpu.memory_space<hbm>>
    %dma_wait3A_97 = arith.constant 0 : i32
    %dma_wait3A_98 = tpu.memref_slice %arg5[%dma_wait3A_97] : memref<32768xf32, #tpu.memory_space<vmem>> -> memref<8192xf32, #tpu.memory_space<vmem>>
    tpu.wait_dma2 semaphore(%arg7 : memref<!tpu.dma_semaphore, #tpu.memory_space<semaphore_mem>>) src(%dma_wait3A_98 : memref<8192xf32, #tpu.memory_space<vmem>>) dst(%dma_wait3A_96 : memref<8192xf32, #tpu.memory_space<hbm>>)
    %mul3A_99 = arith.constant 256 : i32
    %mul3A_100 = arith.muli %mul3A_2, %mul3A_99 : i32
    %dma_wait3A_101 = arith.constant 0 : i32
    %dma_wait3A_102 = tpu.memref_slice %arg6[%dma_wait3A_101] : memref<32768xf32, #tpu.memory_space<vmem>> -> memref<8192xf32, #tpu.memory_space<vmem>>
    %dma_wait3A_103 = tpu.memref_slice %arg3[%mul3A_100] : memref<16777216xf32, #tpu.memory_space<hbm>> -> memref<8192xf32, #tpu.memory_space<hbm>>
    %dma_wait3A_104 = tpu.memref_slice %arg3[%mul3A_100] : memref<16777216xf32, #tpu.memory_space<hbm>> -> memref<8192xf32, #tpu.memory_space<hbm>>
    %dma_wait3A_105 = arith.constant 0 : i32
    %dma_wait3A_106 = tpu.memref_slice %arg6[%dma_wait3A_105] : memref<32768xf32, #tpu.memory_space<vmem>> -> memref<8192xf32, #tpu.memory_space<vmem>>
    tpu.wait_dma2 semaphore(%arg8 : memref<!tpu.dma_semaphore, #tpu.memory_space<semaphore_mem>>) src(%dma_wait3A_106 : memref<8192xf32, #tpu.memory_space<vmem>>) dst(%dma_wait3A_104 : memref<8192xf32, #tpu.memory_space<hbm>>)
    %mul3A_107 = arith.constant 256 : i32
    %mul3A_108 = arith.muli %mul3A_2, %mul3A_107 : i32
    %dma_wait3A_109 = arith.constant 0 : i32
    %dma_wait3A_110 = tpu.memref_slice %arg6[%dma_wait3A_109] : memref<32768xf32, #tpu.memory_space<vmem>> -> memref<8192xf32, #tpu.memory_space<vmem>>
    %dma_wait3A_111 = tpu.memref_slice %arg3[%mul3A_108] : memref<16777216xf32, #tpu.memory_space<hbm>> -> memref<8192xf32, #tpu.memory_space<hbm>>
    %dma_wait3A_112 = tpu.memref_slice %arg3[%mul3A_108] : memref<16777216xf32, #tpu.memory_space<hbm>> -> memref<8192xf32, #tpu.memory_space<hbm>>
    %dma_wait3A_113 = arith.constant 0 : i32
    %dma_wait3A_114 = tpu.memref_slice %arg6[%dma_wait3A_113] : memref<32768xf32, #tpu.memory_space<vmem>> -> memref<8192xf32, #tpu.memory_space<vmem>>
    tpu.wait_dma2 semaphore(%arg8 : memref<!tpu.dma_semaphore, #tpu.memory_space<semaphore_mem>>) src(%dma_wait3A_114 : memref<8192xf32, #tpu.memory_space<vmem>>) dst(%dma_wait3A_112 : memref<8192xf32, #tpu.memory_space<hbm>>)
    %mul3A_115 = arith.constant 256 : i32
    %mul3A_116 = arith.muli %mul3A_2, %mul3A_115 : i32
    %dma_wait3A_117 = arith.constant 0 : i32
    %dma_wait3A_118 = tpu.memref_slice %arg6[%dma_wait3A_117] : memref<32768xf32, #tpu.memory_space<vmem>> -> memref<8192xf32, #tpu.memory_space<vmem>>
    %dma_wait3A_119 = tpu.memref_slice %arg3[%mul3A_116] : memref<16777216xf32, #tpu.memory_space<hbm>> -> memref<8192xf32, #tpu.memory_space<hbm>>
    %dma_wait3A_120 = tpu.memref_slice %arg3[%mul3A_116] : memref<16777216xf32, #tpu.memory_space<hbm>> -> memref<8192xf32, #tpu.memory_space<hbm>>
    %dma_wait3A_121 = arith.constant 0 : i32
    %dma_wait3A_122 = tpu.memref_slice %arg6[%dma_wait3A_121] : memref<32768xf32, #tpu.memory_space<vmem>> -> memref<8192xf32, #tpu.memory_space<vmem>>
    tpu.wait_dma2 semaphore(%arg8 : memref<!tpu.dma_semaphore, #tpu.memory_space<semaphore_mem>>) src(%dma_wait3A_122 : memref<8192xf32, #tpu.memory_space<vmem>>) dst(%dma_wait3A_120 : memref<8192xf32, #tpu.memory_space<hbm>>)
    %mul3A_123 = arith.constant 256 : i32
    %mul3A_124 = arith.muli %mul3A_2, %mul3A_123 : i32
    %dma_wait3A_125 = arith.constant 0 : i32
    %dma_wait3A_126 = tpu.memref_slice %arg6[%dma_wait3A_125] : memref<32768xf32, #tpu.memory_space<vmem>> -> memref<8192xf32, #tpu.memory_space<vmem>>
    %dma_wait3A_127 = tpu.memref_slice %arg3[%mul3A_124] : memref<16777216xf32, #tpu.memory_space<hbm>> -> memref<8192xf32, #tpu.memory_space<hbm>>
    %dma_wait3A_128 = tpu.memref_slice %arg3[%mul3A_124] : memref<16777216xf32, #tpu.memory_space<hbm>> -> memref<8192xf32, #tpu.memory_space<hbm>>
    %dma_wait3A_129 = arith.constant 0 : i32
    %dma_wait3A_130 = tpu.memref_slice %arg6[%dma_wait3A_129] : memref<32768xf32, #tpu.memory_space<vmem>> -> memref<8192xf32, #tpu.memory_space<vmem>>
    tpu.wait_dma2 semaphore(%arg8 : memref<!tpu.dma_semaphore, #tpu.memory_space<semaphore_mem>>) src(%dma_wait3A_130 : memref<8192xf32, #tpu.memory_space<vmem>>) dst(%dma_wait3A_128 : memref<8192xf32, #tpu.memory_space<hbm>>)
    return
  }
}

module attributes {stable_mosaic.version = 14 : i64} {
  func.func @_resize_body(%arg0: memref<16x31x31xf32, #tpu.memory_space<vmem>>, %arg1: memref<79x31xf32, #tpu.memory_space<vmem>>, %arg2: memref<31x79xf32, #tpu.memory_space<vmem>>, %arg3: memref<16x80x79xf32, #tpu.memory_space<vmem>>) attributes {dimension_semantics = [], scalar_prefetch = 0 : i64, scratch_operands = 0 : i64, tpu.core_type = #tpu.core_type<tc>} {
    %get3A = arith.constant 0 : index
    %get3A_0 = arith.constant 0 : index
    %get3A_1 = vector.load %arg1[%get3A, %get3A_0] : memref<79x31xf32, #tpu.memory_space<vmem>>, vector<79x31xf32>
    %get3A_2 = arith.constant 0 : index
    %get3A_3 = arith.constant 0 : index
    %get3A_4 = vector.load %arg2[%get3A_2, %get3A_3] : memref<31x79xf32, #tpu.memory_space<vmem>>, vector<31x79xf32>
    %get3A_5 = arith.constant 0 : index
    %get3A_6 = arith.constant 0 : index
    %get3A_7 = arith.constant 0 : index
    %get3A_8 = vector.load %arg0[%get3A_5, %get3A_6, %get3A_7] : memref<16x31x31xf32, #tpu.memory_space<vmem>>, vector<1x31x31xf32>
    %get3A_9 = vector.shape_cast %get3A_8 : vector<1x31x31xf32> to vector<31x31xf32>
    %dot_general3A = arith.constant dense<0.000000e+00> : vector<79x31xf32>
    %dot_general3A_10 = tpu.matmul %get3A_1, %get3A_9, %dot_general3A {dimension_numbers = #tpu.dot_dimension_numbers<[1], [0], [0], [1], [0, 0, 1, 1], [], []>, transpose_lhs_hint = false} : vector<79x31xf32>, vector<31x31xf32>, vector<79x31xf32> -> vector<79x31xf32>
    %dot_general3A_11 = arith.constant dense<0.000000e+00> : vector<79x79xf32>
    %dot_general3A_12 = tpu.matmul %dot_general3A_10, %get3A_4, %dot_general3A_11 {dimension_numbers = #tpu.dot_dimension_numbers<[1], [0], [0], [1], [0, 0, 1, 1], [], []>, transpose_lhs_hint = false} : vector<79x31xf32>, vector<31x79xf32>, vector<79x79xf32> -> vector<79x79xf32>
    %swap3A = arith.constant 0 : index
    %swap3A_13 = arith.constant 0 : index
    %swap3A_14 = arith.constant 0 : index
    %swap3A_15 = vector.load %arg3[%swap3A, %swap3A_13, %swap3A_14] : memref<16x80x79xf32, #tpu.memory_space<vmem>>, vector<1x79x79xf32>
    %swap3A_16 = vector.shape_cast %swap3A_15 : vector<1x79x79xf32> to vector<79x79xf32>
    %swap3A_17 = vector.shape_cast %dot_general3A_12 : vector<79x79xf32> to vector<1x79x79xf32>
    tpu.vector_store %arg3[%swap3A, %swap3A_13, %swap3A_14], %swap3A_17 {strides = array<i32>} : memref<16x80x79xf32, #tpu.memory_space<vmem>>, vector<1x79x79xf32>,
    %broadcast_in_dim3A = arith.constant 0.000000e+00 : f32
    %broadcast_in_dim3A_18 = vector.broadcast %broadcast_in_dim3A : f32 to vector<1x79xf32>
    %swap3A_19 = arith.constant 0 : index
    %swap3A_20 = arith.constant 79 : index
    %swap3A_21 = arith.constant 0 : index
    %swap3A_22 = vector.load %arg3[%swap3A_19, %swap3A_20, %swap3A_21] : memref<16x80x79xf32, #tpu.memory_space<vmem>>, vector<1x1x79xf32>
    %swap3A_23 = vector.shape_cast %swap3A_22 : vector<1x1x79xf32> to vector<1x79xf32>
    %swap3A_24 = vector.shape_cast %broadcast_in_dim3A_18 : vector<1x79xf32> to vector<1x1x79xf32>
    tpu.vector_store %arg3[%swap3A_19, %swap3A_20, %swap3A_21], %swap3A_24 {strides = array<i32>} : memref<16x80x79xf32, #tpu.memory_space<vmem>>, vector<1x1x79xf32>,
    %get3A_25 = arith.constant 1 : index
    %get3A_26 = arith.constant 0 : index
    %get3A_27 = arith.constant 0 : index
    %get3A_28 = vector.load %arg0[%get3A_25, %get3A_26, %get3A_27] : memref<16x31x31xf32, #tpu.memory_space<vmem>>, vector<1x31x31xf32>
    %get3A_29 = vector.shape_cast %get3A_28 : vector<1x31x31xf32> to vector<31x31xf32>
    %dot_general3A_30 = arith.constant dense<0.000000e+00> : vector<79x31xf32>
    %dot_general3A_31 = tpu.matmul %get3A_1, %get3A_29, %dot_general3A_30 {dimension_numbers = #tpu.dot_dimension_numbers<[1], [0], [0], [1], [0, 0, 1, 1], [], []>, transpose_lhs_hint = false} : vector<79x31xf32>, vector<31x31xf32>, vector<79x31xf32> -> vector<79x31xf32>
    %dot_general3A_32 = arith.constant dense<0.000000e+00> : vector<79x79xf32>
    %dot_general3A_33 = tpu.matmul %dot_general3A_31, %get3A_4, %dot_general3A_32 {dimension_numbers = #tpu.dot_dimension_numbers<[1], [0], [0], [1], [0, 0, 1, 1], [], []>, transpose_lhs_hint = false} : vector<79x31xf32>, vector<31x79xf32>, vector<79x79xf32> -> vector<79x79xf32>
    %swap3A_34 = arith.constant 1 : index
    %swap3A_35 = arith.constant 0 : index
    %swap3A_36 = arith.constant 0 : index
    %swap3A_37 = vector.load %arg3[%swap3A_34, %swap3A_35, %swap3A_36] : memref<16x80x79xf32, #tpu.memory_space<vmem>>, vector<1x79x79xf32>
    %swap3A_38 = vector.shape_cast %swap3A_37 : vector<1x79x79xf32> to vector<79x79xf32>
    %swap3A_39 = vector.shape_cast %dot_general3A_33 : vector<79x79xf32> to vector<1x79x79xf32>
    tpu.vector_store %arg3[%swap3A_34, %swap3A_35, %swap3A_36], %swap3A_39 {strides = array<i32>} : memref<16x80x79xf32, #tpu.memory_space<vmem>>, vector<1x79x79xf32>,
    %broadcast_in_dim3A_40 = arith.constant 0.000000e+00 : f32
    %broadcast_in_dim3A_41 = vector.broadcast %broadcast_in_dim3A_40 : f32 to vector<1x79xf32>
    %swap3A_42 = arith.constant 1 : index
    %swap3A_43 = arith.constant 79 : index
    %swap3A_44 = arith.constant 0 : index
    %swap3A_45 = vector.load %arg3[%swap3A_42, %swap3A_43, %swap3A_44] : memref<16x80x79xf32, #tpu.memory_space<vmem>>, vector<1x1x79xf32>
    %swap3A_46 = vector.shape_cast %swap3A_45 : vector<1x1x79xf32> to vector<1x79xf32>
    %swap3A_47 = vector.shape_cast %broadcast_in_dim3A_41 : vector<1x79xf32> to vector<1x1x79xf32>
    tpu.vector_store %arg3[%swap3A_42, %swap3A_43, %swap3A_44], %swap3A_47 {strides = array<i32>} : memref<16x80x79xf32, #tpu.memory_space<vmem>>, vector<1x1x79xf32>,
    %get3A_48 = arith.constant 2 : index
    %get3A_49 = arith.constant 0 : index
    %get3A_50 = arith.constant 0 : index
    %get3A_51 = vector.load %arg0[%get3A_48, %get3A_49, %get3A_50] : memref<16x31x31xf32, #tpu.memory_space<vmem>>, vector<1x31x31xf32>
    %get3A_52 = vector.shape_cast %get3A_51 : vector<1x31x31xf32> to vector<31x31xf32>
    %dot_general3A_53 = arith.constant dense<0.000000e+00> : vector<79x31xf32>
    %dot_general3A_54 = tpu.matmul %get3A_1, %get3A_52, %dot_general3A_53 {dimension_numbers = #tpu.dot_dimension_numbers<[1], [0], [0], [1], [0, 0, 1, 1], [], []>, transpose_lhs_hint = false} : vector<79x31xf32>, vector<31x31xf32>, vector<79x31xf32> -> vector<79x31xf32>
    %dot_general3A_55 = arith.constant dense<0.000000e+00> : vector<79x79xf32>
    %dot_general3A_56 = tpu.matmul %dot_general3A_54, %get3A_4, %dot_general3A_55 {dimension_numbers = #tpu.dot_dimension_numbers<[1], [0], [0], [1], [0, 0, 1, 1], [], []>, transpose_lhs_hint = false} : vector<79x31xf32>, vector<31x79xf32>, vector<79x79xf32> -> vector<79x79xf32>
    %swap3A_57 = arith.constant 2 : index
    %swap3A_58 = arith.constant 0 : index
    %swap3A_59 = arith.constant 0 : index
    %swap3A_60 = vector.load %arg3[%swap3A_57, %swap3A_58, %swap3A_59] : memref<16x80x79xf32, #tpu.memory_space<vmem>>, vector<1x79x79xf32>
    %swap3A_61 = vector.shape_cast %swap3A_60 : vector<1x79x79xf32> to vector<79x79xf32>
    %swap3A_62 = vector.shape_cast %dot_general3A_56 : vector<79x79xf32> to vector<1x79x79xf32>
    tpu.vector_store %arg3[%swap3A_57, %swap3A_58, %swap3A_59], %swap3A_62 {strides = array<i32>} : memref<16x80x79xf32, #tpu.memory_space<vmem>>, vector<1x79x79xf32>,
    %broadcast_in_dim3A_63 = arith.constant 0.000000e+00 : f32
    %broadcast_in_dim3A_64 = vector.broadcast %broadcast_in_dim3A_63 : f32 to vector<1x79xf32>
    %swap3A_65 = arith.constant 2 : index
    %swap3A_66 = arith.constant 79 : index
    %swap3A_67 = arith.constant 0 : index
    %swap3A_68 = vector.load %arg3[%swap3A_65, %swap3A_66, %swap3A_67] : memref<16x80x79xf32, #tpu.memory_space<vmem>>, vector<1x1x79xf32>
    %swap3A_69 = vector.shape_cast %swap3A_68 : vector<1x1x79xf32> to vector<1x79xf32>
    %swap3A_70 = vector.shape_cast %broadcast_in_dim3A_64 : vector<1x79xf32> to vector<1x1x79xf32>
    tpu.vector_store %arg3[%swap3A_65, %swap3A_66, %swap3A_67], %swap3A_70 {strides = array<i32>} : memref<16x80x79xf32, #tpu.memory_space<vmem>>, vector<1x1x79xf32>,
    %get3A_71 = arith.constant 3 : index
    %get3A_72 = arith.constant 0 : index
    %get3A_73 = arith.constant 0 : index
    %get3A_74 = vector.load %arg0[%get3A_71, %get3A_72, %get3A_73] : memref<16x31x31xf32, #tpu.memory_space<vmem>>, vector<1x31x31xf32>
    %get3A_75 = vector.shape_cast %get3A_74 : vector<1x31x31xf32> to vector<31x31xf32>
    %dot_general3A_76 = arith.constant dense<0.000000e+00> : vector<79x31xf32>
    %dot_general3A_77 = tpu.matmul %get3A_1, %get3A_75, %dot_general3A_76 {dimension_numbers = #tpu.dot_dimension_numbers<[1], [0], [0], [1], [0, 0, 1, 1], [], []>, transpose_lhs_hint = false} : vector<79x31xf32>, vector<31x31xf32>, vector<79x31xf32> -> vector<79x31xf32>
    %dot_general3A_78 = arith.constant dense<0.000000e+00> : vector<79x79xf32>
    %dot_general3A_79 = tpu.matmul %dot_general3A_77, %get3A_4, %dot_general3A_78 {dimension_numbers = #tpu.dot_dimension_numbers<[1], [0], [0], [1], [0, 0, 1, 1], [], []>, transpose_lhs_hint = false} : vector<79x31xf32>, vector<31x79xf32>, vector<79x79xf32> -> vector<79x79xf32>
    %swap3A_80 = arith.constant 3 : index
    %swap3A_81 = arith.constant 0 : index
    %swap3A_82 = arith.constant 0 : index
    %swap3A_83 = vector.load %arg3[%swap3A_80, %swap3A_81, %swap3A_82] : memref<16x80x79xf32, #tpu.memory_space<vmem>>, vector<1x79x79xf32>
    %swap3A_84 = vector.shape_cast %swap3A_83 : vector<1x79x79xf32> to vector<79x79xf32>
    %swap3A_85 = vector.shape_cast %dot_general3A_79 : vector<79x79xf32> to vector<1x79x79xf32>
    tpu.vector_store %arg3[%swap3A_80, %swap3A_81, %swap3A_82], %swap3A_85 {strides = array<i32>} : memref<16x80x79xf32, #tpu.memory_space<vmem>>, vector<1x79x79xf32>,
    %broadcast_in_dim3A_86 = arith.constant 0.000000e+00 : f32
    %broadcast_in_dim3A_87 = vector.broadcast %broadcast_in_dim3A_86 : f32 to vector<1x79xf32>
    %swap3A_88 = arith.constant 3 : index
    %swap3A_89 = arith.constant 79 : index
    %swap3A_90 = arith.constant 0 : index
    %swap3A_91 = vector.load %arg3[%swap3A_88, %swap3A_89, %swap3A_90] : memref<16x80x79xf32, #tpu.memory_space<vmem>>, vector<1x1x79xf32>
    %swap3A_92 = vector.shape_cast %swap3A_91 : vector<1x1x79xf32> to vector<1x79xf32>
    %swap3A_93 = vector.shape_cast %broadcast_in_dim3A_87 : vector<1x79xf32> to vector<1x1x79xf32>
    tpu.vector_store %arg3[%swap3A_88, %swap3A_89, %swap3A_90], %swap3A_93 {strides = array<i32>} : memref<16x80x79xf32, #tpu.memory_space<vmem>>, vector<1x1x79xf32>,
    %get3A_94 = arith.constant 4 : index
    %get3A_95 = arith.constant 0 : index
    %get3A_96 = arith.constant 0 : index
    %get3A_97 = vector.load %arg0[%get3A_94, %get3A_95, %get3A_96] : memref<16x31x31xf32, #tpu.memory_space<vmem>>, vector<1x31x31xf32>
    %get3A_98 = vector.shape_cast %get3A_97 : vector<1x31x31xf32> to vector<31x31xf32>
    %dot_general3A_99 = arith.constant dense<0.000000e+00> : vector<79x31xf32>
    %dot_general3A_100 = tpu.matmul %get3A_1, %get3A_98, %dot_general3A_99 {dimension_numbers = #tpu.dot_dimension_numbers<[1], [0], [0], [1], [0, 0, 1, 1], [], []>, transpose_lhs_hint = false} : vector<79x31xf32>, vector<31x31xf32>, vector<79x31xf32> -> vector<79x31xf32>
    %dot_general3A_101 = arith.constant dense<0.000000e+00> : vector<79x79xf32>
    %dot_general3A_102 = tpu.matmul %dot_general3A_100, %get3A_4, %dot_general3A_101 {dimension_numbers = #tpu.dot_dimension_numbers<[1], [0], [0], [1], [0, 0, 1, 1], [], []>, transpose_lhs_hint = false} : vector<79x31xf32>, vector<31x79xf32>, vector<79x79xf32> -> vector<79x79xf32>
    %swap3A_103 = arith.constant 4 : index
    %swap3A_104 = arith.constant 0 : index
    %swap3A_105 = arith.constant 0 : index
    %swap3A_106 = vector.load %arg3[%swap3A_103, %swap3A_104, %swap3A_105] : memref<16x80x79xf32, #tpu.memory_space<vmem>>, vector<1x79x79xf32>
    %swap3A_107 = vector.shape_cast %swap3A_106 : vector<1x79x79xf32> to vector<79x79xf32>
    %swap3A_108 = vector.shape_cast %dot_general3A_102 : vector<79x79xf32> to vector<1x79x79xf32>
    tpu.vector_store %arg3[%swap3A_103, %swap3A_104, %swap3A_105], %swap3A_108 {strides = array<i32>} : memref<16x80x79xf32, #tpu.memory_space<vmem>>, vector<1x79x79xf32>,
    %broadcast_in_dim3A_109 = arith.constant 0.000000e+00 : f32
    %broadcast_in_dim3A_110 = vector.broadcast %broadcast_in_dim3A_109 : f32 to vector<1x79xf32>
    %swap3A_111 = arith.constant 4 : index
    %swap3A_112 = arith.constant 79 : index
    %swap3A_113 = arith.constant 0 : index
    %swap3A_114 = vector.load %arg3[%swap3A_111, %swap3A_112, %swap3A_113] : memref<16x80x79xf32, #tpu.memory_space<vmem>>, vector<1x1x79xf32>
    %swap3A_115 = vector.shape_cast %swap3A_114 : vector<1x1x79xf32> to vector<1x79xf32>
    %swap3A_116 = vector.shape_cast %broadcast_in_dim3A_110 : vector<1x79xf32> to vector<1x1x79xf32>
    tpu.vector_store %arg3[%swap3A_111, %swap3A_112, %swap3A_113], %swap3A_116 {strides = array<i32>} : memref<16x80x79xf32, #tpu.memory_space<vmem>>, vector<1x1x79xf32>,
    %get3A_117 = arith.constant 5 : index
    %get3A_118 = arith.constant 0 : index
    %get3A_119 = arith.constant 0 : index
    %get3A_120 = vector.load %arg0[%get3A_117, %get3A_118, %get3A_119] : memref<16x31x31xf32, #tpu.memory_space<vmem>>, vector<1x31x31xf32>
    %get3A_121 = vector.shape_cast %get3A_120 : vector<1x31x31xf32> to vector<31x31xf32>
    %dot_general3A_122 = arith.constant dense<0.000000e+00> : vector<79x31xf32>
    %dot_general3A_123 = tpu.matmul %get3A_1, %get3A_121, %dot_general3A_122 {dimension_numbers = #tpu.dot_dimension_numbers<[1], [0], [0], [1], [0, 0, 1, 1], [], []>, transpose_lhs_hint = false} : vector<79x31xf32>, vector<31x31xf32>, vector<79x31xf32> -> vector<79x31xf32>
    %dot_general3A_124 = arith.constant dense<0.000000e+00> : vector<79x79xf32>
    %dot_general3A_125 = tpu.matmul %dot_general3A_123, %get3A_4, %dot_general3A_124 {dimension_numbers = #tpu.dot_dimension_numbers<[1], [0], [0], [1], [0, 0, 1, 1], [], []>, transpose_lhs_hint = false} : vector<79x31xf32>, vector<31x79xf32>, vector<79x79xf32> -> vector<79x79xf32>
    %swap3A_126 = arith.constant 5 : index
    %swap3A_127 = arith.constant 0 : index
    %swap3A_128 = arith.constant 0 : index
    %swap3A_129 = vector.load %arg3[%swap3A_126, %swap3A_127, %swap3A_128] : memref<16x80x79xf32, #tpu.memory_space<vmem>>, vector<1x79x79xf32>
    %swap3A_130 = vector.shape_cast %swap3A_129 : vector<1x79x79xf32> to vector<79x79xf32>
    %swap3A_131 = vector.shape_cast %dot_general3A_125 : vector<79x79xf32> to vector<1x79x79xf32>
    tpu.vector_store %arg3[%swap3A_126, %swap3A_127, %swap3A_128], %swap3A_131 {strides = array<i32>} : memref<16x80x79xf32, #tpu.memory_space<vmem>>, vector<1x79x79xf32>,
    %broadcast_in_dim3A_132 = arith.constant 0.000000e+00 : f32
    %broadcast_in_dim3A_133 = vector.broadcast %broadcast_in_dim3A_132 : f32 to vector<1x79xf32>
    %swap3A_134 = arith.constant 5 : index
    %swap3A_135 = arith.constant 79 : index
    %swap3A_136 = arith.constant 0 : index
    %swap3A_137 = vector.load %arg3[%swap3A_134, %swap3A_135, %swap3A_136] : memref<16x80x79xf32, #tpu.memory_space<vmem>>, vector<1x1x79xf32>
    %swap3A_138 = vector.shape_cast %swap3A_137 : vector<1x1x79xf32> to vector<1x79xf32>
    %swap3A_139 = vector.shape_cast %broadcast_in_dim3A_133 : vector<1x79xf32> to vector<1x1x79xf32>
    tpu.vector_store %arg3[%swap3A_134, %swap3A_135, %swap3A_136], %swap3A_139 {strides = array<i32>} : memref<16x80x79xf32, #tpu.memory_space<vmem>>, vector<1x1x79xf32>,
    %get3A_140 = arith.constant 6 : index
    %get3A_141 = arith.constant 0 : index
    %get3A_142 = arith.constant 0 : index
    %get3A_143 = vector.load %arg0[%get3A_140, %get3A_141, %get3A_142] : memref<16x31x31xf32, #tpu.memory_space<vmem>>, vector<1x31x31xf32>
    %get3A_144 = vector.shape_cast %get3A_143 : vector<1x31x31xf32> to vector<31x31xf32>
    %dot_general3A_145 = arith.constant dense<0.000000e+00> : vector<79x31xf32>
    %dot_general3A_146 = tpu.matmul %get3A_1, %get3A_144, %dot_general3A_145 {dimension_numbers = #tpu.dot_dimension_numbers<[1], [0], [0], [1], [0, 0, 1, 1], [], []>, transpose_lhs_hint = false} : vector<79x31xf32>, vector<31x31xf32>, vector<79x31xf32> -> vector<79x31xf32>
    %dot_general3A_147 = arith.constant dense<0.000000e+00> : vector<79x79xf32>
    %dot_general3A_148 = tpu.matmul %dot_general3A_146, %get3A_4, %dot_general3A_147 {dimension_numbers = #tpu.dot_dimension_numbers<[1], [0], [0], [1], [0, 0, 1, 1], [], []>, transpose_lhs_hint = false} : vector<79x31xf32>, vector<31x79xf32>, vector<79x79xf32> -> vector<79x79xf32>
    %swap3A_149 = arith.constant 6 : index
    %swap3A_150 = arith.constant 0 : index
    %swap3A_151 = arith.constant 0 : index
    %swap3A_152 = vector.load %arg3[%swap3A_149, %swap3A_150, %swap3A_151] : memref<16x80x79xf32, #tpu.memory_space<vmem>>, vector<1x79x79xf32>
    %swap3A_153 = vector.shape_cast %swap3A_152 : vector<1x79x79xf32> to vector<79x79xf32>
    %swap3A_154 = vector.shape_cast %dot_general3A_148 : vector<79x79xf32> to vector<1x79x79xf32>
    tpu.vector_store %arg3[%swap3A_149, %swap3A_150, %swap3A_151], %swap3A_154 {strides = array<i32>} : memref<16x80x79xf32, #tpu.memory_space<vmem>>, vector<1x79x79xf32>,
    %broadcast_in_dim3A_155 = arith.constant 0.000000e+00 : f32
    %broadcast_in_dim3A_156 = vector.broadcast %broadcast_in_dim3A_155 : f32 to vector<1x79xf32>
    %swap3A_157 = arith.constant 6 : index
    %swap3A_158 = arith.constant 79 : index
    %swap3A_159 = arith.constant 0 : index
    %swap3A_160 = vector.load %arg3[%swap3A_157, %swap3A_158, %swap3A_159] : memref<16x80x79xf32, #tpu.memory_space<vmem>>, vector<1x1x79xf32>
    %swap3A_161 = vector.shape_cast %swap3A_160 : vector<1x1x79xf32> to vector<1x79xf32>
    %swap3A_162 = vector.shape_cast %broadcast_in_dim3A_156 : vector<1x79xf32> to vector<1x1x79xf32>
    tpu.vector_store %arg3[%swap3A_157, %swap3A_158, %swap3A_159], %swap3A_162 {strides = array<i32>} : memref<16x80x79xf32, #tpu.memory_space<vmem>>, vector<1x1x79xf32>,
    %get3A_163 = arith.constant 7 : index
    %get3A_164 = arith.constant 0 : index
    %get3A_165 = arith.constant 0 : index
    %get3A_166 = vector.load %arg0[%get3A_163, %get3A_164, %get3A_165] : memref<16x31x31xf32, #tpu.memory_space<vmem>>, vector<1x31x31xf32>
    %get3A_167 = vector.shape_cast %get3A_166 : vector<1x31x31xf32> to vector<31x31xf32>
    %dot_general3A_168 = arith.constant dense<0.000000e+00> : vector<79x31xf32>
    %dot_general3A_169 = tpu.matmul %get3A_1, %get3A_167, %dot_general3A_168 {dimension_numbers = #tpu.dot_dimension_numbers<[1], [0], [0], [1], [0, 0, 1, 1], [], []>, transpose_lhs_hint = false} : vector<79x31xf32>, vector<31x31xf32>, vector<79x31xf32> -> vector<79x31xf32>
    %dot_general3A_170 = arith.constant dense<0.000000e+00> : vector<79x79xf32>
    %dot_general3A_171 = tpu.matmul %dot_general3A_169, %get3A_4, %dot_general3A_170 {dimension_numbers = #tpu.dot_dimension_numbers<[1], [0], [0], [1], [0, 0, 1, 1], [], []>, transpose_lhs_hint = false} : vector<79x31xf32>, vector<31x79xf32>, vector<79x79xf32> -> vector<79x79xf32>
    %swap3A_172 = arith.constant 7 : index
    %swap3A_173 = arith.constant 0 : index
    %swap3A_174 = arith.constant 0 : index
    %swap3A_175 = vector.load %arg3[%swap3A_172, %swap3A_173, %swap3A_174] : memref<16x80x79xf32, #tpu.memory_space<vmem>>, vector<1x79x79xf32>
    %swap3A_176 = vector.shape_cast %swap3A_175 : vector<1x79x79xf32> to vector<79x79xf32>
    %swap3A_177 = vector.shape_cast %dot_general3A_171 : vector<79x79xf32> to vector<1x79x79xf32>
    tpu.vector_store %arg3[%swap3A_172, %swap3A_173, %swap3A_174], %swap3A_177 {strides = array<i32>} : memref<16x80x79xf32, #tpu.memory_space<vmem>>, vector<1x79x79xf32>,
    %broadcast_in_dim3A_178 = arith.constant 0.000000e+00 : f32
    %broadcast_in_dim3A_179 = vector.broadcast %broadcast_in_dim3A_178 : f32 to vector<1x79xf32>
    %swap3A_180 = arith.constant 7 : index
    %swap3A_181 = arith.constant 79 : index
    %swap3A_182 = arith.constant 0 : index
    %swap3A_183 = vector.load %arg3[%swap3A_180, %swap3A_181, %swap3A_182] : memref<16x80x79xf32, #tpu.memory_space<vmem>>, vector<1x1x79xf32>
    %swap3A_184 = vector.shape_cast %swap3A_183 : vector<1x1x79xf32> to vector<1x79xf32>
    %swap3A_185 = vector.shape_cast %broadcast_in_dim3A_179 : vector<1x79xf32> to vector<1x1x79xf32>
    tpu.vector_store %arg3[%swap3A_180, %swap3A_181, %swap3A_182], %swap3A_185 {strides = array<i32>} : memref<16x80x79xf32, #tpu.memory_space<vmem>>, vector<1x1x79xf32>,
    %get3A_186 = arith.constant 8 : index
    %get3A_187 = arith.constant 0 : index
    %get3A_188 = arith.constant 0 : index
    %get3A_189 = vector.load %arg0[%get3A_186, %get3A_187, %get3A_188] : memref<16x31x31xf32, #tpu.memory_space<vmem>>, vector<1x31x31xf32>
    %get3A_190 = vector.shape_cast %get3A_189 : vector<1x31x31xf32> to vector<31x31xf32>
    %dot_general3A_191 = arith.constant dense<0.000000e+00> : vector<79x31xf32>
    %dot_general3A_192 = tpu.matmul %get3A_1, %get3A_190, %dot_general3A_191 {dimension_numbers = #tpu.dot_dimension_numbers<[1], [0], [0], [1], [0, 0, 1, 1], [], []>, transpose_lhs_hint = false} : vector<79x31xf32>, vector<31x31xf32>, vector<79x31xf32> -> vector<79x31xf32>
    %dot_general3A_193 = arith.constant dense<0.000000e+00> : vector<79x79xf32>
    %dot_general3A_194 = tpu.matmul %dot_general3A_192, %get3A_4, %dot_general3A_193 {dimension_numbers = #tpu.dot_dimension_numbers<[1], [0], [0], [1], [0, 0, 1, 1], [], []>, transpose_lhs_hint = false} : vector<79x31xf32>, vector<31x79xf32>, vector<79x79xf32> -> vector<79x79xf32>
    %swap3A_195 = arith.constant 8 : index
    %swap3A_196 = arith.constant 0 : index
    %swap3A_197 = arith.constant 0 : index
    %swap3A_198 = vector.load %arg3[%swap3A_195, %swap3A_196, %swap3A_197] : memref<16x80x79xf32, #tpu.memory_space<vmem>>, vector<1x79x79xf32>
    %swap3A_199 = vector.shape_cast %swap3A_198 : vector<1x79x79xf32> to vector<79x79xf32>
    %swap3A_200 = vector.shape_cast %dot_general3A_194 : vector<79x79xf32> to vector<1x79x79xf32>
    tpu.vector_store %arg3[%swap3A_195, %swap3A_196, %swap3A_197], %swap3A_200 {strides = array<i32>} : memref<16x80x79xf32, #tpu.memory_space<vmem>>, vector<1x79x79xf32>,
    %broadcast_in_dim3A_201 = arith.constant 0.000000e+00 : f32
    %broadcast_in_dim3A_202 = vector.broadcast %broadcast_in_dim3A_201 : f32 to vector<1x79xf32>
    %swap3A_203 = arith.constant 8 : index
    %swap3A_204 = arith.constant 79 : index
    %swap3A_205 = arith.constant 0 : index
    %swap3A_206 = vector.load %arg3[%swap3A_203, %swap3A_204, %swap3A_205] : memref<16x80x79xf32, #tpu.memory_space<vmem>>, vector<1x1x79xf32>
    %swap3A_207 = vector.shape_cast %swap3A_206 : vector<1x1x79xf32> to vector<1x79xf32>
    %swap3A_208 = vector.shape_cast %broadcast_in_dim3A_202 : vector<1x79xf32> to vector<1x1x79xf32>
    tpu.vector_store %arg3[%swap3A_203, %swap3A_204, %swap3A_205], %swap3A_208 {strides = array<i32>} : memref<16x80x79xf32, #tpu.memory_space<vmem>>, vector<1x1x79xf32>,
    %get3A_209 = arith.constant 9 : index
    %get3A_210 = arith.constant 0 : index
    %get3A_211 = arith.constant 0 : index
    %get3A_212 = vector.load %arg0[%get3A_209, %get3A_210, %get3A_211] : memref<16x31x31xf32, #tpu.memory_space<vmem>>, vector<1x31x31xf32>
    %get3A_213 = vector.shape_cast %get3A_212 : vector<1x31x31xf32> to vector<31x31xf32>
    %dot_general3A_214 = arith.constant dense<0.000000e+00> : vector<79x31xf32>
    %dot_general3A_215 = tpu.matmul %get3A_1, %get3A_213, %dot_general3A_214 {dimension_numbers = #tpu.dot_dimension_numbers<[1], [0], [0], [1], [0, 0, 1, 1], [], []>, transpose_lhs_hint = false} : vector<79x31xf32>, vector<31x31xf32>, vector<79x31xf32> -> vector<79x31xf32>
    %dot_general3A_216 = arith.constant dense<0.000000e+00> : vector<79x79xf32>
    %dot_general3A_217 = tpu.matmul %dot_general3A_215, %get3A_4, %dot_general3A_216 {dimension_numbers = #tpu.dot_dimension_numbers<[1], [0], [0], [1], [0, 0, 1, 1], [], []>, transpose_lhs_hint = false} : vector<79x31xf32>, vector<31x79xf32>, vector<79x79xf32> -> vector<79x79xf32>
    %swap3A_218 = arith.constant 9 : index
    %swap3A_219 = arith.constant 0 : index
    %swap3A_220 = arith.constant 0 : index
    %swap3A_221 = vector.load %arg3[%swap3A_218, %swap3A_219, %swap3A_220] : memref<16x80x79xf32, #tpu.memory_space<vmem>>, vector<1x79x79xf32>
    %swap3A_222 = vector.shape_cast %swap3A_221 : vector<1x79x79xf32> to vector<79x79xf32>
    %swap3A_223 = vector.shape_cast %dot_general3A_217 : vector<79x79xf32> to vector<1x79x79xf32>
    tpu.vector_store %arg3[%swap3A_218, %swap3A_219, %swap3A_220], %swap3A_223 {strides = array<i32>} : memref<16x80x79xf32, #tpu.memory_space<vmem>>, vector<1x79x79xf32>,
    %broadcast_in_dim3A_224 = arith.constant 0.000000e+00 : f32
    %broadcast_in_dim3A_225 = vector.broadcast %broadcast_in_dim3A_224 : f32 to vector<1x79xf32>
    %swap3A_226 = arith.constant 9 : index
    %swap3A_227 = arith.constant 79 : index
    %swap3A_228 = arith.constant 0 : index
    %swap3A_229 = vector.load %arg3[%swap3A_226, %swap3A_227, %swap3A_228] : memref<16x80x79xf32, #tpu.memory_space<vmem>>, vector<1x1x79xf32>
    %swap3A_230 = vector.shape_cast %swap3A_229 : vector<1x1x79xf32> to vector<1x79xf32>
    %swap3A_231 = vector.shape_cast %broadcast_in_dim3A_225 : vector<1x79xf32> to vector<1x1x79xf32>
    tpu.vector_store %arg3[%swap3A_226, %swap3A_227, %swap3A_228], %swap3A_231 {strides = array<i32>} : memref<16x80x79xf32, #tpu.memory_space<vmem>>, vector<1x1x79xf32>,
    %get3A_232 = arith.constant 10 : index
    %get3A_233 = arith.constant 0 : index
    %get3A_234 = arith.constant 0 : index
    %get3A_235 = vector.load %arg0[%get3A_232, %get3A_233, %get3A_234] : memref<16x31x31xf32, #tpu.memory_space<vmem>>, vector<1x31x31xf32>
    %get3A_236 = vector.shape_cast %get3A_235 : vector<1x31x31xf32> to vector<31x31xf32>
    %dot_general3A_237 = arith.constant dense<0.000000e+00> : vector<79x31xf32>
    %dot_general3A_238 = tpu.matmul %get3A_1, %get3A_236, %dot_general3A_237 {dimension_numbers = #tpu.dot_dimension_numbers<[1], [0], [0], [1], [0, 0, 1, 1], [], []>, transpose_lhs_hint = false} : vector<79x31xf32>, vector<31x31xf32>, vector<79x31xf32> -> vector<79x31xf32>
    %dot_general3A_239 = arith.constant dense<0.000000e+00> : vector<79x79xf32>
    %dot_general3A_240 = tpu.matmul %dot_general3A_238, %get3A_4, %dot_general3A_239 {dimension_numbers = #tpu.dot_dimension_numbers<[1], [0], [0], [1], [0, 0, 1, 1], [], []>, transpose_lhs_hint = false} : vector<79x31xf32>, vector<31x79xf32>, vector<79x79xf32> -> vector<79x79xf32>
    %swap3A_241 = arith.constant 10 : index
    %swap3A_242 = arith.constant 0 : index
    %swap3A_243 = arith.constant 0 : index
    %swap3A_244 = vector.load %arg3[%swap3A_241, %swap3A_242, %swap3A_243] : memref<16x80x79xf32, #tpu.memory_space<vmem>>, vector<1x79x79xf32>
    %swap3A_245 = vector.shape_cast %swap3A_244 : vector<1x79x79xf32> to vector<79x79xf32>
    %swap3A_246 = vector.shape_cast %dot_general3A_240 : vector<79x79xf32> to vector<1x79x79xf32>
    tpu.vector_store %arg3[%swap3A_241, %swap3A_242, %swap3A_243], %swap3A_246 {strides = array<i32>} : memref<16x80x79xf32, #tpu.memory_space<vmem>>, vector<1x79x79xf32>,
    %broadcast_in_dim3A_247 = arith.constant 0.000000e+00 : f32
    %broadcast_in_dim3A_248 = vector.broadcast %broadcast_in_dim3A_247 : f32 to vector<1x79xf32>
    %swap3A_249 = arith.constant 10 : index
    %swap3A_250 = arith.constant 79 : index
    %swap3A_251 = arith.constant 0 : index
    %swap3A_252 = vector.load %arg3[%swap3A_249, %swap3A_250, %swap3A_251] : memref<16x80x79xf32, #tpu.memory_space<vmem>>, vector<1x1x79xf32>
    %swap3A_253 = vector.shape_cast %swap3A_252 : vector<1x1x79xf32> to vector<1x79xf32>
    %swap3A_254 = vector.shape_cast %broadcast_in_dim3A_248 : vector<1x79xf32> to vector<1x1x79xf32>
    tpu.vector_store %arg3[%swap3A_249, %swap3A_250, %swap3A_251], %swap3A_254 {strides = array<i32>} : memref<16x80x79xf32, #tpu.memory_space<vmem>>, vector<1x1x79xf32>,
    %get3A_255 = arith.constant 11 : index
    %get3A_256 = arith.constant 0 : index
    %get3A_257 = arith.constant 0 : index
    %get3A_258 = vector.load %arg0[%get3A_255, %get3A_256, %get3A_257] : memref<16x31x31xf32, #tpu.memory_space<vmem>>, vector<1x31x31xf32>
    %get3A_259 = vector.shape_cast %get3A_258 : vector<1x31x31xf32> to vector<31x31xf32>
    %dot_general3A_260 = arith.constant dense<0.000000e+00> : vector<79x31xf32>
    %dot_general3A_261 = tpu.matmul %get3A_1, %get3A_259, %dot_general3A_260 {dimension_numbers = #tpu.dot_dimension_numbers<[1], [0], [0], [1], [0, 0, 1, 1], [], []>, transpose_lhs_hint = false} : vector<79x31xf32>, vector<31x31xf32>, vector<79x31xf32> -> vector<79x31xf32>
    %dot_general3A_262 = arith.constant dense<0.000000e+00> : vector<79x79xf32>
    %dot_general3A_263 = tpu.matmul %dot_general3A_261, %get3A_4, %dot_general3A_262 {dimension_numbers = #tpu.dot_dimension_numbers<[1], [0], [0], [1], [0, 0, 1, 1], [], []>, transpose_lhs_hint = false} : vector<79x31xf32>, vector<31x79xf32>, vector<79x79xf32> -> vector<79x79xf32>
    %swap3A_264 = arith.constant 11 : index
    %swap3A_265 = arith.constant 0 : index
    %swap3A_266 = arith.constant 0 : index
    %swap3A_267 = vector.load %arg3[%swap3A_264, %swap3A_265, %swap3A_266] : memref<16x80x79xf32, #tpu.memory_space<vmem>>, vector<1x79x79xf32>
    %swap3A_268 = vector.shape_cast %swap3A_267 : vector<1x79x79xf32> to vector<79x79xf32>
    %swap3A_269 = vector.shape_cast %dot_general3A_263 : vector<79x79xf32> to vector<1x79x79xf32>
    tpu.vector_store %arg3[%swap3A_264, %swap3A_265, %swap3A_266], %swap3A_269 {strides = array<i32>} : memref<16x80x79xf32, #tpu.memory_space<vmem>>, vector<1x79x79xf32>,
    %broadcast_in_dim3A_270 = arith.constant 0.000000e+00 : f32
    %broadcast_in_dim3A_271 = vector.broadcast %broadcast_in_dim3A_270 : f32 to vector<1x79xf32>
    %swap3A_272 = arith.constant 11 : index
    %swap3A_273 = arith.constant 79 : index
    %swap3A_274 = arith.constant 0 : index
    %swap3A_275 = vector.load %arg3[%swap3A_272, %swap3A_273, %swap3A_274] : memref<16x80x79xf32, #tpu.memory_space<vmem>>, vector<1x1x79xf32>
    %swap3A_276 = vector.shape_cast %swap3A_275 : vector<1x1x79xf32> to vector<1x79xf32>
    %swap3A_277 = vector.shape_cast %broadcast_in_dim3A_271 : vector<1x79xf32> to vector<1x1x79xf32>
    tpu.vector_store %arg3[%swap3A_272, %swap3A_273, %swap3A_274], %swap3A_277 {strides = array<i32>} : memref<16x80x79xf32, #tpu.memory_space<vmem>>, vector<1x1x79xf32>,
    %get3A_278 = arith.constant 12 : index
    %get3A_279 = arith.constant 0 : index
    %get3A_280 = arith.constant 0 : index
    %get3A_281 = vector.load %arg0[%get3A_278, %get3A_279, %get3A_280] : memref<16x31x31xf32, #tpu.memory_space<vmem>>, vector<1x31x31xf32>
    %get3A_282 = vector.shape_cast %get3A_281 : vector<1x31x31xf32> to vector<31x31xf32>
    %dot_general3A_283 = arith.constant dense<0.000000e+00> : vector<79x31xf32>
    %dot_general3A_284 = tpu.matmul %get3A_1, %get3A_282, %dot_general3A_283 {dimension_numbers = #tpu.dot_dimension_numbers<[1], [0], [0], [1], [0, 0, 1, 1], [], []>, transpose_lhs_hint = false} : vector<79x31xf32>, vector<31x31xf32>, vector<79x31xf32> -> vector<79x31xf32>
    %dot_general3A_285 = arith.constant dense<0.000000e+00> : vector<79x79xf32>
    %dot_general3A_286 = tpu.matmul %dot_general3A_284, %get3A_4, %dot_general3A_285 {dimension_numbers = #tpu.dot_dimension_numbers<[1], [0], [0], [1], [0, 0, 1, 1], [], []>, transpose_lhs_hint = false} : vector<79x31xf32>, vector<31x79xf32>, vector<79x79xf32> -> vector<79x79xf32>
    %swap3A_287 = arith.constant 12 : index
    %swap3A_288 = arith.constant 0 : index
    %swap3A_289 = arith.constant 0 : index
    %swap3A_290 = vector.load %arg3[%swap3A_287, %swap3A_288, %swap3A_289] : memref<16x80x79xf32, #tpu.memory_space<vmem>>, vector<1x79x79xf32>
    %swap3A_291 = vector.shape_cast %swap3A_290 : vector<1x79x79xf32> to vector<79x79xf32>
    %swap3A_292 = vector.shape_cast %dot_general3A_286 : vector<79x79xf32> to vector<1x79x79xf32>
    tpu.vector_store %arg3[%swap3A_287, %swap3A_288, %swap3A_289], %swap3A_292 {strides = array<i32>} : memref<16x80x79xf32, #tpu.memory_space<vmem>>, vector<1x79x79xf32>,
    %broadcast_in_dim3A_293 = arith.constant 0.000000e+00 : f32
    %broadcast_in_dim3A_294 = vector.broadcast %broadcast_in_dim3A_293 : f32 to vector<1x79xf32>
    %swap3A_295 = arith.constant 12 : index
    %swap3A_296 = arith.constant 79 : index
    %swap3A_297 = arith.constant 0 : index
    %swap3A_298 = vector.load %arg3[%swap3A_295, %swap3A_296, %swap3A_297] : memref<16x80x79xf32, #tpu.memory_space<vmem>>, vector<1x1x79xf32>
    %swap3A_299 = vector.shape_cast %swap3A_298 : vector<1x1x79xf32> to vector<1x79xf32>
    %swap3A_300 = vector.shape_cast %broadcast_in_dim3A_294 : vector<1x79xf32> to vector<1x1x79xf32>
    tpu.vector_store %arg3[%swap3A_295, %swap3A_296, %swap3A_297], %swap3A_300 {strides = array<i32>} : memref<16x80x79xf32, #tpu.memory_space<vmem>>, vector<1x1x79xf32>,
    %get3A_301 = arith.constant 13 : index
    %get3A_302 = arith.constant 0 : index
    %get3A_303 = arith.constant 0 : index
    %get3A_304 = vector.load %arg0[%get3A_301, %get3A_302, %get3A_303] : memref<16x31x31xf32, #tpu.memory_space<vmem>>, vector<1x31x31xf32>
    %get3A_305 = vector.shape_cast %get3A_304 : vector<1x31x31xf32> to vector<31x31xf32>
    %dot_general3A_306 = arith.constant dense<0.000000e+00> : vector<79x31xf32>
    %dot_general3A_307 = tpu.matmul %get3A_1, %get3A_305, %dot_general3A_306 {dimension_numbers = #tpu.dot_dimension_numbers<[1], [0], [0], [1], [0, 0, 1, 1], [], []>, transpose_lhs_hint = false} : vector<79x31xf32>, vector<31x31xf32>, vector<79x31xf32> -> vector<79x31xf32>
    %dot_general3A_308 = arith.constant dense<0.000000e+00> : vector<79x79xf32>
    %dot_general3A_309 = tpu.matmul %dot_general3A_307, %get3A_4, %dot_general3A_308 {dimension_numbers = #tpu.dot_dimension_numbers<[1], [0], [0], [1], [0, 0, 1, 1], [], []>, transpose_lhs_hint = false} : vector<79x31xf32>, vector<31x79xf32>, vector<79x79xf32> -> vector<79x79xf32>
    %swap3A_310 = arith.constant 13 : index
    %swap3A_311 = arith.constant 0 : index
    %swap3A_312 = arith.constant 0 : index
    %swap3A_313 = vector.load %arg3[%swap3A_310, %swap3A_311, %swap3A_312] : memref<16x80x79xf32, #tpu.memory_space<vmem>>, vector<1x79x79xf32>
    %swap3A_314 = vector.shape_cast %swap3A_313 : vector<1x79x79xf32> to vector<79x79xf32>
    %swap3A_315 = vector.shape_cast %dot_general3A_309 : vector<79x79xf32> to vector<1x79x79xf32>
    tpu.vector_store %arg3[%swap3A_310, %swap3A_311, %swap3A_312], %swap3A_315 {strides = array<i32>} : memref<16x80x79xf32, #tpu.memory_space<vmem>>, vector<1x79x79xf32>,
    %broadcast_in_dim3A_316 = arith.constant 0.000000e+00 : f32
    %broadcast_in_dim3A_317 = vector.broadcast %broadcast_in_dim3A_316 : f32 to vector<1x79xf32>
    %swap3A_318 = arith.constant 13 : index
    %swap3A_319 = arith.constant 79 : index
    %swap3A_320 = arith.constant 0 : index
    %swap3A_321 = vector.load %arg3[%swap3A_318, %swap3A_319, %swap3A_320] : memref<16x80x79xf32, #tpu.memory_space<vmem>>, vector<1x1x79xf32>
    %swap3A_322 = vector.shape_cast %swap3A_321 : vector<1x1x79xf32> to vector<1x79xf32>
    %swap3A_323 = vector.shape_cast %broadcast_in_dim3A_317 : vector<1x79xf32> to vector<1x1x79xf32>
    tpu.vector_store %arg3[%swap3A_318, %swap3A_319, %swap3A_320], %swap3A_323 {strides = array<i32>} : memref<16x80x79xf32, #tpu.memory_space<vmem>>, vector<1x1x79xf32>,
    %get3A_324 = arith.constant 14 : index
    %get3A_325 = arith.constant 0 : index
    %get3A_326 = arith.constant 0 : index
    %get3A_327 = vector.load %arg0[%get3A_324, %get3A_325, %get3A_326] : memref<16x31x31xf32, #tpu.memory_space<vmem>>, vector<1x31x31xf32>
    %get3A_328 = vector.shape_cast %get3A_327 : vector<1x31x31xf32> to vector<31x31xf32>
    %dot_general3A_329 = arith.constant dense<0.000000e+00> : vector<79x31xf32>
    %dot_general3A_330 = tpu.matmul %get3A_1, %get3A_328, %dot_general3A_329 {dimension_numbers = #tpu.dot_dimension_numbers<[1], [0], [0], [1], [0, 0, 1, 1], [], []>, transpose_lhs_hint = false} : vector<79x31xf32>, vector<31x31xf32>, vector<79x31xf32> -> vector<79x31xf32>
    %dot_general3A_331 = arith.constant dense<0.000000e+00> : vector<79x79xf32>
    %dot_general3A_332 = tpu.matmul %dot_general3A_330, %get3A_4, %dot_general3A_331 {dimension_numbers = #tpu.dot_dimension_numbers<[1], [0], [0], [1], [0, 0, 1, 1], [], []>, transpose_lhs_hint = false} : vector<79x31xf32>, vector<31x79xf32>, vector<79x79xf32> -> vector<79x79xf32>
    %swap3A_333 = arith.constant 14 : index
    %swap3A_334 = arith.constant 0 : index
    %swap3A_335 = arith.constant 0 : index
    %swap3A_336 = vector.load %arg3[%swap3A_333, %swap3A_334, %swap3A_335] : memref<16x80x79xf32, #tpu.memory_space<vmem>>, vector<1x79x79xf32>
    %swap3A_337 = vector.shape_cast %swap3A_336 : vector<1x79x79xf32> to vector<79x79xf32>
    %swap3A_338 = vector.shape_cast %dot_general3A_332 : vector<79x79xf32> to vector<1x79x79xf32>
    tpu.vector_store %arg3[%swap3A_333, %swap3A_334, %swap3A_335], %swap3A_338 {strides = array<i32>} : memref<16x80x79xf32, #tpu.memory_space<vmem>>, vector<1x79x79xf32>,
    %broadcast_in_dim3A_339 = arith.constant 0.000000e+00 : f32
    %broadcast_in_dim3A_340 = vector.broadcast %broadcast_in_dim3A_339 : f32 to vector<1x79xf32>
    %swap3A_341 = arith.constant 14 : index
    %swap3A_342 = arith.constant 79 : index
    %swap3A_343 = arith.constant 0 : index
    %swap3A_344 = vector.load %arg3[%swap3A_341, %swap3A_342, %swap3A_343] : memref<16x80x79xf32, #tpu.memory_space<vmem>>, vector<1x1x79xf32>
    %swap3A_345 = vector.shape_cast %swap3A_344 : vector<1x1x79xf32> to vector<1x79xf32>
    %swap3A_346 = vector.shape_cast %broadcast_in_dim3A_340 : vector<1x79xf32> to vector<1x1x79xf32>
    tpu.vector_store %arg3[%swap3A_341, %swap3A_342, %swap3A_343], %swap3A_346 {strides = array<i32>} : memref<16x80x79xf32, #tpu.memory_space<vmem>>, vector<1x1x79xf32>,
    %get3A_347 = arith.constant 15 : index
    %get3A_348 = arith.constant 0 : index
    %get3A_349 = arith.constant 0 : index
    %get3A_350 = vector.load %arg0[%get3A_347, %get3A_348, %get3A_349] : memref<16x31x31xf32, #tpu.memory_space<vmem>>, vector<1x31x31xf32>
    %get3A_351 = vector.shape_cast %get3A_350 : vector<1x31x31xf32> to vector<31x31xf32>
    %dot_general3A_352 = arith.constant dense<0.000000e+00> : vector<79x31xf32>
    %dot_general3A_353 = tpu.matmul %get3A_1, %get3A_351, %dot_general3A_352 {dimension_numbers = #tpu.dot_dimension_numbers<[1], [0], [0], [1], [0, 0, 1, 1], [], []>, transpose_lhs_hint = false} : vector<79x31xf32>, vector<31x31xf32>, vector<79x31xf32> -> vector<79x31xf32>
    %dot_general3A_354 = arith.constant dense<0.000000e+00> : vector<79x79xf32>
    %dot_general3A_355 = tpu.matmul %dot_general3A_353, %get3A_4, %dot_general3A_354 {dimension_numbers = #tpu.dot_dimension_numbers<[1], [0], [0], [1], [0, 0, 1, 1], [], []>, transpose_lhs_hint = false} : vector<79x31xf32>, vector<31x79xf32>, vector<79x79xf32> -> vector<79x79xf32>
    %swap3A_356 = arith.constant 15 : index
    %swap3A_357 = arith.constant 0 : index
    %swap3A_358 = arith.constant 0 : index
    %swap3A_359 = vector.load %arg3[%swap3A_356, %swap3A_357, %swap3A_358] : memref<16x80x79xf32, #tpu.memory_space<vmem>>, vector<1x79x79xf32>
    %swap3A_360 = vector.shape_cast %swap3A_359 : vector<1x79x79xf32> to vector<79x79xf32>
    %swap3A_361 = vector.shape_cast %dot_general3A_355 : vector<79x79xf32> to vector<1x79x79xf32>
    tpu.vector_store %arg3[%swap3A_356, %swap3A_357, %swap3A_358], %swap3A_361 {strides = array<i32>} : memref<16x80x79xf32, #tpu.memory_space<vmem>>, vector<1x79x79xf32>,
    %broadcast_in_dim3A_362 = arith.constant 0.000000e+00 : f32
    %broadcast_in_dim3A_363 = vector.broadcast %broadcast_in_dim3A_362 : f32 to vector<1x79xf32>
    %swap3A_364 = arith.constant 15 : index
    %swap3A_365 = arith.constant 79 : index
    %swap3A_366 = arith.constant 0 : index
    %swap3A_367 = vector.load %arg3[%swap3A_364, %swap3A_365, %swap3A_366] : memref<16x80x79xf32, #tpu.memory_space<vmem>>, vector<1x1x79xf32>
    %swap3A_368 = vector.shape_cast %swap3A_367 : vector<1x1x79xf32> to vector<1x79xf32>
    %swap3A_369 = vector.shape_cast %broadcast_in_dim3A_363 : vector<1x79xf32> to vector<1x1x79xf32>
    tpu.vector_store %arg3[%swap3A_364, %swap3A_365, %swap3A_366], %swap3A_369 {strides = array<i32>} : memref<16x80x79xf32, #tpu.memory_space<vmem>>, vector<1x1x79xf32>,
    return
  }
}

</mosaic_0001>

<sc_bundles>
// kernel: kernel.4.cloned.1.call-start
scs
__scs_entry_jumppad:
0x0: {  	(pc) =	sbr.rel $0x88, $3  }
0x1: {  	(tag) =	ssettag $0x0;
	lr =	simm.s32 $0x1  }
0x2: {  	[smem:$0x3FA0] =	sst lr;
	_ =	strace $0xD0000000  }
0x3: {  	_ = 	snop  }
0x4: {  	_ = 	snop  }
0x5: {  	_ = 	snop  }
0x6: {  	_ = 	snop  }
0x7: {  	_ = 	snop  }
__scs_overlays_trampoline_lowered:
0x8: {  	[smem:$0x3FAF] =	sst s0  }
0x9: {  	[smem:$0x3FB0] =	sst s1  }
0xa: {  	[smem:$0x3FB1] =	sst s2  }
0xb: {  	[smem:$0x3FB2] =	sst s3  }
0xc: {  	[smem:$0x3FB3] =	sst s4  }
0xd: {  	[smem:$0x3FB4] =	sst s5  }
0xe: {  	[smem:$0x3FB5] =	sst s6  }
0xf: {  	[smem:$0x3FB6] =	sst s7  }
0x10: {  	[smem:$0x3FB7] =	sst s8  }
0x11: {  	[smem:$0x3FB8] =	sst s9;
	s0 =	simm.s32 @!p0 $0x0  }
0x12: {  	s1 =	sld [smem:$0x3F9E];
	s0 =	simm.s32 @p0 $0x1  }
0x13: {  	[smem:$0x3FB9] =	sst s0;
	s0 =	simm.s32 @!p1 $0x0  }
0x14: {  	s2 =	sld [smem:$0x3F9D];
	s0 =	simm.s32 @p1 $0x1  }
0x15: {  	[smem:$0x3FBA] =	sst s0;
	s0 =	simm.s32 @!p2 $0x0  }
0x16: {  	s3 =	sld [smem:$0x3FDB];
	s0 =	simm.s32 @p2 $0x1  }
0x17: {  	s4 =	simm.s32 $0x1BF5;
	[smem:$0x3FBC] =	sst s0  }
0x18: {  	s0 =	sld [smem:$0x3F9F];
	_ =	swait.ge [sflag:s4], $0x0  }
0x19: {  	s7 =	sld [smem:$0x3FA0]  }
0x1a: {  	s8 =	sadd.s32 $0xFFFFE003, lr  }
0x1b: {  	s9 =	sadd.s32 $0xFFFFFEF7, lr;
	s5 =	simm.s32 $0xFFFFFFFF;
	p2 =	slt.u32 s8, $0xFFFFF086  }
0x1c: {  	p1 =	slt.u32 s9, $0xF7A;
	s5 =	simm.s32 @!p2 $0x0  }
0x1d: {  	s5 =	simm.s32 @p1 $0x1;
	p0 =	seq.s32 s7, s2  }
0x1e: {  	s7 =	smul.u32 @!p0 $0xF7A, s2;
	p2 =	seq.s32 @!p0 s5, $0x0  }
0x1f: {  	s9 =	smul.u32 $0xF7A, s1;
	s8 =	simm.s32 @!p0 $0x1BF5;
	p2 =	por !p2, p0  }
0x20: {  	[sflag:s8] =	ssyncset.s32 @!p0 $0xFFFFF086;
	s6 =	sadd.s32 @!p0 s3, s7;
	s7 =	simm.s32 @!p0 $0x108  }
0x21: {  	s3 =	sadd.s32 s3, s9;
	s6 =	sadd.s32 @!p0 $0x88, s6;
	s7 =	simm.s32 @p2 $0x1082  }
0x22: {  	[simem:s7], [sflag:s8] =	dma.local @!p0 [hbm:s6], $0xF7A  }
0x23: {  	s9 =	sor.u32 $0xD0000000, s2;
	s6 =	simm.s32 $0x108;
	_ =	swait.ge @!p0 [sflag:s8], $0x0  }
0x24: {  	s3 =	sadd.s32 $0x88, s3;
	s6 =	simm.s32 @!p1 $0x1082;
	[sflag:s4] =	ssyncset.s32 $0xFFFFF086  }
0x25: {  	[simem:s6], [sflag:s4] =	dma.local [hbm:s3], $0xF7A  }
0x26: {  	[smem:$0x3FA0] =	sst s1;
	(tag) =	ssettag s2;
	_ =	strace s9  }
0x27: {  	s1 =	sld [smem:$0x3FB0]  }
0x28: {  	s2 =	sld [smem:$0x3FB1]  }
0x29: {  	s4 =	sld [smem:$0x3FB3]  }
0x2a: {  	p0 =	seq.s32 s5, $0x0;
	s5 =	sld [smem:$0x3FB4]  }
0x2b: {  	s6 =	sld [smem:$0x3FB5]  }
0x2c: {  	s7 =	sld [smem:$0x3FB6]  }
0x2d: {  	s3 =	simm.s32 $0x108;
	s8 =	sld [smem:$0x3FB7]  }
0x2e: {  	s3 =	simm.s32 @!p0 $0x1082;
	s9 =	sld [smem:$0x3FB8]  }
0x2f: {  	lr =	sadd.s32 s0, s3;
	s0 =	sld [smem:$0x3FAF]  }
0x30: {  	s3 =	sld [smem:$0x3FB2]  }
0x31: {  	[smem:$0x3FBB] =	sst s10  }
0x32: {  	s10 =	sld [smem:$0x3FB9];
	_ =	sdelay $0x3  }
0x33: {  	p0 =	seq.s32 s10, $0x1;
	s10 =	sld [smem:$0x3FBB];
	_ =	sdelay $0x3  }
0x34: {  	[smem:$0x3FBB] =	sst s10  }
0x35: {  	s10 =	sld [smem:$0x3FBA];
	_ =	sdelay $0x3  }
0x36: {  	p1 =	seq.s32 s10, $0x1;
	s10 =	sld [smem:$0x3FBB];
	_ =	sdelay $0x3  }
0x37: {  	[smem:$0x3FBB] =	sst s10  }
0x38: {  	s10 =	sld [smem:$0x3FBC]  }
0x39: {  	_ = 	snop;
	(pc) =	sbr.ind lr, $3  }
0x3a: {  	_ = 	snop  }
0x3b: {  	_ = 	snop  }
0x3c: {  	p2 =	seq.s32 s10, $0x1;
	s10 =	sld [smem:$0x3FBB]  }
0x3d: {  	_ =	shalt  }
0x3e: {  	_ =	shalt  }
0x3f: {  	_ =	shalt  }
0x40: {  	_ =	shalt  }
0x41: {  	_ =	shalt  }
0x42: {  	_ =	shalt  }
0x43: {  	_ =	shalt  }
0x44: {  	_ =	shalt  }
0x45: {  	_ =	shalt  }
0x46: {  	_ =	shalt  }
0x47: {  	_ =	shalt  }
0x48: {  	_ =	shalt  }
0x49: {  	_ =	shalt  }
0x4a: {  	_ =	shalt  }
0x4b: {  	_ =	shalt  }
0x4c: {  	_ =	shalt  }
0x4d: {  	_ =	shalt  }
0x4e: {  	_ =	shalt  }
0x4f: {  	_ =	shalt  }
0x50: {  	_ =	shalt  }
0x51: {  	_ =	shalt  }
0x52: {  	_ =	shalt  }
0x53: {  	_ =	shalt  }
0x54: {  	_ =	shalt  }
0x55: {  	_ =	shalt  }
0x56: {  	_ =	shalt  }
0x57: {  	_ =	shalt  }
0x58: {  	_ =	shalt  }
0x59: {  	_ =	shalt  }
0x5a: {  	_ =	shalt  }
0x5b: {  	_ =	shalt  }
0x5c: {  	_ =	shalt  }
0x5d: {  	_ =	shalt  }
0x5e: {  	_ =	shalt  }
0x5f: {  	_ =	shalt  }
0x60: {  	_ =	shalt  }
0x61: {  	_ =	shalt  }
0x62: {  	_ =	shalt  }
0x63: {  	_ =	shalt  }
0x64: {  	_ =	shalt  }
0x65: {  	_ =	shalt  }
0x66: {  	_ =	shalt  }
0x67: {  	_ =	shalt  }
0x68: {  	_ =	shalt  }
0x69: {  	_ =	shalt  }
0x6a: {  	_ =	shalt  }
0x6b: {  	_ =	shalt  }
0x6c: {  	_ =	shalt  }
0x6d: {  	_ =	shalt  }
0x6e: {  	_ =	shalt  }
0x6f: {  	_ =	shalt  }
0x70: {  	_ =	shalt  }
0x71: {  	_ =	shalt  }
0x72: {  	_ =	shalt  }
0x73: {  	_ =	shalt  }
0x74: {  	_ =	shalt  }
0x75: {  	_ =	shalt  }
0x76: {  	_ =	shalt  }
0x77: {  	_ =	shalt  }
0x78: {  	_ =	shalt  }
0x79: {  	_ =	shalt  }
0x7a: {  	_ =	shalt  }
0x7b: {  	_ =	shalt  }
0x7c: {  	_ =	shalt  }
0x7d: {  	_ =	shalt  }
0x7e: {  	_ =	shalt  }
0x7f: {  	_ =	shalt  }
0x80: {  	_ =	shalt  }
0x81: {  	_ =	shalt  }
0x82: {  	_ =	shalt  }
0x83: {  	_ =	shalt  }
0x84: {  	_ =	shalt  }
0x85: {  	_ =	shalt  }
0x86: {  	_ =	shalt  }
0x87: {  	_ =	shalt  }
.Lfunc_end0:
.L_simem_size_0:
called_computation_lowered:
.L_overlay_start_0:
0x88: {  	s2 =	sld [smem:$0x3FD9]  }
0x89: {  	s3 =	sld [smem:$0x3FFE];
	_ =	sdelay $0x1  }
0x8a: {  	s1 =	srdreg.scid  }
0x8b: {  	s0 =	sand.u32 $0x1, s1  }
0x8c: {  	s17 =	sshll.u32 s0, $0xA;
	s2 =	sadd.s32 s3, s2  }
0x8d: {  	s2 =	sadd.s32 s2, s17  }
0x8e: {  	[smem:$0x3FC7] =	sst s2  }
0x8f: {  	_ = 	snop  }
0x90: {  	s2 =	sld [smem:$0x3FD0];
	(tm) =	ssettm $0x1  }
0x91: {  	s18 =	sld [smem:$0x3FFB];
	_ =	sdelay $0x3  }
0x92: {  	_ =	strace s18  }
0x93: {  	s3 =	sld [smem:$0x3FFC];
	_ =	sdelay $0x3  }
0x94: {  	_ =	strace s3  }
0x95: {  	s3 =	sld [smem:$0x3FFD];
	_ =	sdelay $0x3  }
0x96: {  	_ =	strace s3  }
0x97: {  	_ =	strace $0x8FFFFFFF  }
0x98: {  	s19 =	sld [smem:$0x3FDB];
	_ =	sdelay $0x1  }
0x99: {  	s4 =	simm.s32 $_scs_section_size  }
0x9a: {  	s5 =	simm.s32 $_size__tile_overlayer_lowered;
	s6 =	simm.s32 $_tile_overlayer_lowered  }
0x9b: {  	s22 =	simm.s32 $0x1BFF;
	s21 =	sshll.u32 s6, $0x1;
	s3 =	sadd.s32 s4, s19  }
0x9c: {  	s7 =	simm.s32 $0x0;
	s20 =	sshll.u32 s5, $0x1;
	s5 =	sadd.s32 s21, s3  }
0x9d: {  	[timem:s7], [sflag:s22] =	dma.local [hbm:s5], s20  }
0x9e: {  	_ =	swait.ge [sflag:s22], s20  }
0x9f: {  	s4 =	ssub.s32 $0x0, s20;
	[sflag:s22] =	ssyncset.done $0x0  }
0xa0: {  	[sflag:s22] =	ssyncadd.s32 s4;
	_ =	sdelay $0x1  }
0xa1: {  	s23 =	simm.s32 $0x1B8B  }
0xa2: {  	_ =	swait.ge [sflag:s23], $0x1  }
0xa3: {  	[sflag:s23] =	ssyncset.done $0x0  }
0xa4: {  	s25 =	simm.s32 $0x1B8E;
	s24 =	sld [smem:$0x3FFE];
	[sflag:s23] =	ssyncadd.s32 $0xFFFFFFFF  }
0xa5: {  	s26 =	simm.s32 $execute0_lowered;
	[smem:$0x3FD2] =	sst s25  }
0xa6: {  	s5 =	sshll.u32 s26, $0x1;
	_ =	strace $0x80000046;
	[dreg:$0x1] =	wrdreg $0xFFFFFFFF  }
0xa7: {  	s28 =	simm.s32 $_size_execute0_lowered;
	s3 =	sadd.s32 s3, s5;
	[dreg:$0x0] =	wrdreg $0x0  }
0xa8: {  	s5 =	sshll.u32 s28, $0x1;
	[dreg:$0x2] =	wrdreg s3  }
0xa9: {  	[dreg:$0x3] =	wrdreg s5  }
0xaa: {  	[dreg:$0x4] =	wrdreg $0xC0  }
0xab: {  	_ =	task [dreg:s7], $0x5FFFF  }
0xac: {  	[dreg:$0x1] =	wrdreg $0xFFFFFFFF  }
0xad: {  	[dreg:$0x0] =	wrdreg $0x60  }
0xae: {  	[dreg:$0x2] =	wrdreg s2  }
0xaf: {  	[dreg:$0x3] =	wrdreg s24  }
0xb0: {  	[dreg:$0x4] =	wrdreg $0x9  }
0xb1: {  	_ =	task.clear_ibuf [dreg:s7], $0x5FFFF;
	_ =	strace $0x90000046  }
0xb2: {  	s29 =	simm.s32 $0x9;
	_ =	strace $0x80000048  }
0xb3: {  	_ =	swait.ge [sflag:s29], $0x1  }
0xb4: {  	[sflag:s29] =	ssyncadd.s32 $0xFFFFFFFF  }
0xb5: {  	_ =	strace $0x90000048  }
0xb6: {  	_ =	sfence  }
0xb7: {  	s30 =	sld [smem:$0x0];
	_ =	sdelay $0x2  }
0xb8: {  	s31 =	sshll.u32 s1, $0xD;
	s1 =	sshrl.u32 s1, $0x2  }
0xb9: {  	s3 =	sand.u32 $0x4000, s31;
	s1 =	sadd.s32 s1, s30  }
0xba: {  	s0 =	sor.u32 s3, s0;
	s1 =	sshll.u32 s1, $0x11  }
0xbb: {  	s0 =	sor.u32 s1, s0  }
0xbc: {  	s0 =	sadd.s32 $0x8F2B, s0  }
0xbd: {  	[sflag:s0] =	ssyncadd.remote.s32 $0x1  }
0xbe: {  	_ =	sfence.sel $0xFFFF  }
0xbf: {  	[dreg:$0x0] =	wrdreg $0xFFFFFFFF;
	(pc) =	sbr.abs _section_cstart, $3  }
0xc0: {  	[dreg:$0x1] =	wrdreg $0xFFFFFFFF  }
0xc1: {  	_ =	task.clear_ibuf [dreg:s7], $0x2FFFF;
	_ =	strace $0x9FFFFFFF  }
0xc2: {  	(tm) =	ssettm $0x7FFFFFFF  }
0xc3: {  	_ =	shalt  }
tec
execute0_lowered:
.L_overlay_start_1:
0x0: {  	(tag) =	ssettag $0x1  }
0x1: {  	s1 =	srdreg.scid;
	s5 =	rddreg [dreg:$0x0]  }
0x2: {  	s0 =	stileid.u32;
	s9 =	rddreg [dreg:$0x1]  }
0x3: {  	s11 =	simm.s32 $0x3;
	s12 =	simm.s32 $0x1800;
	s13 =	simm.s32 $0x3800  }
0x4: {  	s14 =	simm.s32 $0x5800;
	s15 =	simm.s32 $0x7800;
	s3 =	sand.u32 $0x1, s1  }
0x5: {  	s16 =	simm.s32 $0x9800;
	s28 =	sshll.u32 s0, $0xC;
	s2 =	sshll.u32 s3, $0xB  }
0x6: {  	s17 =	simm.s32 $0xB800;
	s18 =	simm.s32 $0xD800;
	s6 =	sor.u32 s2, s28  }
0x7: {  	s19 =	simm.s32 $0xF800;
	p1 =	seq.s32 s3, $0x1;
	p0 =	seq.s32 s6, $0x0  }
0x8: {  	s20 =	simm.s32 $0x2;
	s21 =	simm.s32 $0x0;
	p0 =	por !p0, !p1  }
0x9: {  	s1 =	rddreg [dreg:$0x2];
	s2 =	simm.s32 $0x1;
	p0 =	por !p0, !p0  }
0xa: {  	s7 =	sshll.u32 s3, $0x5;
	s8 =	ssub.s32 $0x2, s3;
	s2 =	simm.s32 @!p0 $0x0  }
0xb: {  	s3 =	sadd.s32 $0xA00, s9;
	s29 =	sxor.u32 $0x20, s7;
	s4 =	ssub.s32 s0, s2  }
0xc: {  	s30 =	sshrl.u32 s8, $0x1;
	s7 =	sadd.s32 $0xE00, s9;
	s4 =	smul.u32 $0x50, s4  }
0xd: {  	s10 =	ssub.s32 s8, s30;
	s6 =	sshll.u32 s6, $0x8;
	s8 =	sadd.s32 $0x1200, s9  }
0xe: {  	s9 =	sadd.s32 $0x1600, s9;
	s2 =	simm.s32 $0x0;
	s4 =	sadd.s32 s29, s4  }
0xf: {  	s10 =	smax.u32 s10, $0x1;
	[smem:$0x7FF] =	sst s2;
	s31 =	sshll.u32 s4, $0x4  }
0x10: {  	_ =	strace $0x80000047;
	s4 =	simm.s32 $0x1;
	s5 =	sadd.s32 s5, s31  }
.LBB2_1:
0x11: {  	[tilespmem:s2], [sflag:$0x3] =	stream.linear.gather [hbm4b:s5+s2], $0x1800, $0x38;
	[tilespmem:$0x11800] =	vst v63  }
0x12: {  	_ =	swait.ge [sflag:s11], $0x1800  }
0x13: {  	s22 =	simm.s32 $0x173F;
	[sflag:s11] =	ssyncset.done $0x0  }
0x14: {  	s23 =	simm.s32 $0x163F;
	s24 =	simm.s32 $0x0;
	[sflag:s11] =	ssyncadd.s32 $0xFFFFE800  }
.LBB2_2:
0x15: {  	p0 =	seq.s32 s24, $0x0  }
0x16: {  	s25 =	simm.s32 @!p0 $0x1  }
0x17: {  	_ =	swait.ge @!p0 [sflag:s25], $0x2000  }
0x18: {  	[sflag:s25] =	ssyncset.done @!p0 $0x0  }
0x19: {  	[sflag:s25] =	ssyncadd.s32 @!p0 $0xFFFFE000  }
0x1a: {  	_ =	swait.ge @!p0 [sflag:s25], $0x2000  }
0x1b: {  	[sflag:s25] =	ssyncset.done @!p0 $0x0  }
0x1c: {  	[sflag:s25] =	ssyncadd.s32 @!p0 $0xFFFFE000  }
0x1d: {  	_ =	swait.ge @!p0 [sflag:s25], $0x2000  }
0x1e: {  	[sflag:s25] =	ssyncset.done @!p0 $0x0  }
0x1f: {  	[sflag:s25] =	ssyncadd.s32 @!p0 $0xFFFFE000  }
0x20: {  	_ =	swait.ge @!p0 [sflag:s25], $0x2000  }
0x21: {  	s26 =	simm.s32 $0x1800;
	[sflag:s25] =	ssyncset.done @!p0 $0x0  }
0x22: {  	s28 =	smov.u32 s22;
	[sflag:s25] =	ssyncadd.s32 @!p0 $0xFFFFE000;
	s25 =	simm.s32 $0xFFFFFFFC  }
.LBB2_3:
0x23: {  	v0 =	vld [tilespmem:s28+$0xFFFFF880]  }
0x24: {  	v1 =	vld [tilespmem:s28+$0xFFFFF900]  }
0x25: {  	v2 =	vld [tilespmem:s28+$0xFFFFF980]  }
0x26: {  	v3 =	vld [tilespmem:s28+$0xFFFFFA00]  }
0x27: {  	v4 =	vld [tilespmem:s28+$0xFFFFFA80]  }
0x28: {  	v5 =	vld [tilespmem:s28+$0xFFFFFB00]  }
0x29: {  	v6 =	vld [tilespmem:s28+$0xFFFFFB80]  }
0x2a: {  	v7 =	vld [tilespmem:s28+$0xFFFFFC00]  }
0x2b: {  	v8 =	vld [tilespmem:s28+$0xFFFFFC80]  }
0x2c: {  	v9 =	vld [tilespmem:s28+$0xFFFFFD00]  }
0x2d: {  	v10 =	vld [tilespmem:s28+$0xFFFFFD80]  }
0x2e: {  	v11 =	vld [tilespmem:s28+$0xFFFFFE00]  }
0x2f: {  	v12 =	vld [tilespmem:s28+$0xFFFFFE80]  }
0x30: {  	v13 =	vld [tilespmem:s28+$0xFFFFFF00]  }
0x31: {  	v14 =	vld [tilespmem:s28+$0xFFFFFF80]  }
0x32: {  	v15 =	vld [tilespmem:s28+$0x0];
	[tilespmem:s26+$0x0] =	vst v0  }
0x33: {  	[tilespmem:s26+$0x10] =	vst v1  }
0x34: {  	[tilespmem:s26+$0x20] =	vst v2  }
0x35: {  	[tilespmem:s26+$0x30] =	vst v3  }
0x36: {  	[tilespmem:s26+$0x40] =	vst v4  }
0x37: {  	[tilespmem:s26+$0x50] =	vst v5  }
0x38: {  	[tilespmem:s26+$0x60] =	vst v6  }
0x39: {  	[tilespmem:s26+$0x70] =	vst v7  }
0x3a: {  	[tilespmem:s26+$0x80] =	vst v8  }
0x3b: {  	[tilespmem:s26+$0x90] =	vst v9  }
0x3c: {  	[tilespmem:s26+$0xA0] =	vst v10  }
0x3d: {  	[tilespmem:s26+$0xB0] =	vst v11  }
0x3e: {  	[tilespmem:s26+$0xC0] =	vst v12  }
0x3f: {  	[tilespmem:s26+$0xD0] =	vst v13  }
0x40: {  	[tilespmem:s26+$0xE0] =	vst v14  }
0x41: {  	[tilespmem:s26+$0xF0] =	vst v15  }
0x42: {  	v15 =	vld [tilespmem:s28+$0xFFFFF800];
	[tilespmem:s26+$0x4010] =	vst v0  }
0x43: {  	[tilespmem:s26+$0x4020] =	vst v1  }
0x44: {  	[tilespmem:s26+$0x4030] =	vst v2  }
0x45: {  	[tilespmem:s26+$0x4040] =	vst v3  }
0x46: {  	[tilespmem:s26+$0x4050] =	vst v4  }
0x47: {  	[tilespmem:s26+$0x4060] =	vst v5  }
0x48: {  	[tilespmem:s26+$0x4070] =	vst v6  }
0x49: {  	[tilespmem:s26+$0x4080] =	vst v7  }
0x4a: {  	[tilespmem:s26+$0x4090] =	vst v8  }
0x4b: {  	[tilespmem:s26+$0x40A0] =	vst v9  }
0x4c: {  	[tilespmem:s26+$0x40B0] =	vst v10  }
0x4d: {  	[tilespmem:s26+$0x40C0] =	vst v11  }
0x4e: {  	[tilespmem:s26+$0x40D0] =	vst v12  }
0x4f: {  	[tilespmem:s26+$0x40E0] =	vst v13  }
0x50: {  	[tilespmem:s26+$0x40F0] =	vst v14  }
0x51: {  	[tilespmem:s26+$0x4000] =	vst v15  }
0x52: {  	v0 =	vld [tilespmem:s28+$0xFFFFF87F]  }
0x53: {  	v1 =	vld [tilespmem:s28+$0xFFFFF8FF]  }
0x54: {  	v2 =	vld [tilespmem:s28+$0xFFFFF97F]  }
0x55: {  	v3 =	vld [tilespmem:s28+$0xFFFFF9FF]  }
0x56: {  	v4 =	vld [tilespmem:s28+$0xFFFFFA7F]  }
0x57: {  	v5 =	vld [tilespmem:s28+$0xFFFFFAFF]  }
0x58: {  	v6 =	vld [tilespmem:s28+$0xFFFFFB7F]  }
0x59: {  	v7 =	vld [tilespmem:s28+$0xFFFFFBFF]  }
0x5a: {  	v8 =	vld [tilespmem:s28+$0xFFFFFC7F]  }
0x5b: {  	v9 =	vld [tilespmem:s28+$0xFFFFFCFF]  }
0x5c: {  	v10 =	vld [tilespmem:s28+$0xFFFFFD7F]  }
0x5d: {  	v11 =	vld [tilespmem:s28+$0xFFFFFDFF]  }
0x5e: {  	v12 =	vld [tilespmem:s28+$0xFFFFFE7F]  }
0x5f: {  	v13 =	vld [tilespmem:s28+$0xFFFFFEFF]  }
0x60: {  	v14 =	vld [tilespmem:s28+$0xFFFFFF7F]  }
0x61: {  	v15 =	vld [tilespmem:s28+$0xFFFFFFFF];
	[tilespmem:s26+$0x100] =	vst v0  }
0x62: {  	[tilespmem:s26+$0x110] =	vst v1  }
0x63: {  	[tilespmem:s26+$0x120] =	vst v2  }
0x64: {  	[tilespmem:s26+$0x130] =	vst v3  }
0x65: {  	[tilespmem:s26+$0x140] =	vst v4  }
0x66: {  	[tilespmem:s26+$0x150] =	vst v5  }
0x67: {  	[tilespmem:s26+$0x160] =	vst v6  }
0x68: {  	[tilespmem:s26+$0x170] =	vst v7  }
0x69: {  	[tilespmem:s26+$0x180] =	vst v8  }
0x6a: {  	[tilespmem:s26+$0x190] =	vst v9  }
0x6b: {  	[tilespmem:s26+$0x1A0] =	vst v10  }
0x6c: {  	[tilespmem:s26+$0x1B0] =	vst v11  }
0x6d: {  	[tilespmem:s26+$0x1C0] =	vst v12  }
0x6e: {  	[tilespmem:s26+$0x1D0] =	vst v13  }
0x6f: {  	[tilespmem:s26+$0x1E0] =	vst v14  }
0x70: {  	[tilespmem:s26+$0x1F0] =	vst v15  }
0x71: {  	v15 =	vld [tilespmem:s28+$0xFFFFF7FF];
	[tilespmem:s26+$0x4110] =	vst v0  }
0x72: {  	[tilespmem:s26+$0x4120] =	vst v1  }
0x73: {  	[tilespmem:s26+$0x4130] =	vst v2  }
0x74: {  	[tilespmem:s26+$0x4140] =	vst v3  }
0x75: {  	[tilespmem:s26+$0x4150] =	vst v4  }
0x76: {  	[tilespmem:s26+$0x4160] =	vst v5  }
0x77: {  	[tilespmem:s26+$0x4170] =	vst v6  }
0x78: {  	[tilespmem:s26+$0x4180] =	vst v7  }
0x79: {  	[tilespmem:s26+$0x4190] =	vst v8  }
0x7a: {  	[tilespmem:s26+$0x41A0] =	vst v9  }
0x7b: {  	[tilespmem:s26+$0x41B0] =	vst v10  }
0x7c: {  	[tilespmem:s26+$0x41C0] =	vst v11  }
0x7d: {  	[tilespmem:s26+$0x41D0] =	vst v12  }
0x7e: {  	[tilespmem:s26+$0x41E0] =	vst v13  }
0x7f: {  	[tilespmem:s26+$0x41F0] =	vst v14  }
0x80: {  	[tilespmem:s26+$0x4100] =	vst v15  }
0x81: {  	v0 =	vld [tilespmem:s28+$0xFFFFF87E]  }
0x82: {  	v1 =	vld [tilespmem:s28+$0xFFFFF8FE]  }
0x83: {  	v2 =	vld [tilespmem:s28+$0xFFFFF97E]  }
0x84: {  	v3 =	vld [tilespmem:s28+$0xFFFFF9FE]  }
0x85: {  	v4 =	vld [tilespmem:s28+$0xFFFFFA7E]  }
0x86: {  	v5 =	vld [tilespmem:s28+$0xFFFFFAFE]  }
0x87: {  	v6 =	vld [tilespmem:s28+$0xFFFFFB7E]  }
0x88: {  	v7 =	vld [tilespmem:s28+$0xFFFFFBFE]  }
0x89: {  	v8 =	vld [tilespmem:s28+$0xFFFFFC7E]  }
0x8a: {  	v9 =	vld [tilespmem:s28+$0xFFFFFCFE]  }
0x8b: {  	v10 =	vld [tilespmem:s28+$0xFFFFFD7E]  }
0x8c: {  	v11 =	vld [tilespmem:s28+$0xFFFFFDFE]  }
0x8d: {  	v12 =	vld [tilespmem:s28+$0xFFFFFE7E]  }
0x8e: {  	v13 =	vld [tilespmem:s28+$0xFFFFFEFE]  }
0x8f: {  	v14 =	vld [tilespmem:s28+$0xFFFFFF7E]  }
0x90: {  	v15 =	vld [tilespmem:s28+$0xFFFFFFFE];
	[tilespmem:s26+$0x200] =	vst v0  }
0x91: {  	[tilespmem:s26+$0x210] =	vst v1  }
0x92: {  	[tilespmem:s26+$0x220] =	vst v2  }
0x93: {  	[tilespmem:s26+$0x230] =	vst v3  }
0x94: {  	[tilespmem:s26+$0x240] =	vst v4  }
0x95: {  	[tilespmem:s26+$0x250] =	vst v5  }
0x96: {  	[tilespmem:s26+$0x260] =	vst v6  }
0x97: {  	[tilespmem:s26+$0x270] =	vst v7  }
0x98: {  	[tilespmem:s26+$0x280] =	vst v8  }
0x99: {  	[tilespmem:s26+$0x290] =	vst v9  }
0x9a: {  	[tilespmem:s26+$0x2A0] =	vst v10  }
0x9b: {  	[tilespmem:s26+$0x2B0] =	vst v11  }
0x9c: {  	[tilespmem:s26+$0x2C0] =	vst v12  }
0x9d: {  	[tilespmem:s26+$0x2D0] =	vst v13  }
0x9e: {  	[tilespmem:s26+$0x2E0] =	vst v14  }
0x9f: {  	[tilespmem:s26+$0x2F0] =	vst v15  }
0xa0: {  	v15 =	vld [tilespmem:s28+$0xFFFFF7FE];
	[tilespmem:s26+$0x4210] =	vst v0  }
0xa1: {  	[tilespmem:s26+$0x4220] =	vst v1  }
0xa2: {  	[tilespmem:s26+$0x4230] =	vst v2  }
0xa3: {  	[tilespmem:s26+$0x4240] =	vst v3  }
0xa4: {  	[tilespmem:s26+$0x4250] =	vst v4  }
0xa5: {  	[tilespmem:s26+$0x4260] =	vst v5  }
0xa6: {  	[tilespmem:s26+$0x4270] =	vst v6  }
0xa7: {  	[tilespmem:s26+$0x4280] =	vst v7  }
0xa8: {  	[tilespmem:s26+$0x4290] =	vst v8  }
0xa9: {  	[tilespmem:s26+$0x42A0] =	vst v9  }
0xaa: {  	[tilespmem:s26+$0x42B0] =	vst v10  }
0xab: {  	[tilespmem:s26+$0x42C0] =	vst v11  }
0xac: {  	[tilespmem:s26+$0x42D0] =	vst v12  }
0xad: {  	[tilespmem:s26+$0x42E0] =	vst v13  }
0xae: {  	[tilespmem:s26+$0x42F0] =	vst v14  }
0xaf: {  	[tilespmem:s26+$0x4200] =	vst v15  }
0xb0: {  	v0 =	vld [tilespmem:s28+$0xFFFFF87D]  }
0xb1: {  	v1 =	vld [tilespmem:s28+$0xFFFFF8FD]  }
0xb2: {  	v2 =	vld [tilespmem:s28+$0xFFFFF97D]  }
0xb3: {  	v3 =	vld [tilespmem:s28+$0xFFFFF9FD]  }
0xb4: {  	v4 =	vld [tilespmem:s28+$0xFFFFFA7D]  }
0xb5: {  	v5 =	vld [tilespmem:s28+$0xFFFFFAFD]  }
0xb6: {  	v6 =	vld [tilespmem:s28+$0xFFFFFB7D]  }
0xb7: {  	v7 =	vld [tilespmem:s28+$0xFFFFFBFD]  }
0xb8: {  	v8 =	vld [tilespmem:s28+$0xFFFFFC7D]  }
0xb9: {  	v9 =	vld [tilespmem:s28+$0xFFFFFCFD]  }
0xba: {  	v10 =	vld [tilespmem:s28+$0xFFFFFD7D]  }
0xbb: {  	v11 =	vld [tilespmem:s28+$0xFFFFFDFD]  }
0xbc: {  	v12 =	vld [tilespmem:s28+$0xFFFFFE7D]  }
0xbd: {  	v13 =	vld [tilespmem:s28+$0xFFFFFEFD]  }
0xbe: {  	v14 =	vld [tilespmem:s28+$0xFFFFFF7D]  }
0xbf: {  	v15 =	vld [tilespmem:s28+$0xFFFFFFFD];
	[tilespmem:s26+$0x300] =	vst v0  }
0xc0: {  	[tilespmem:s26+$0x310] =	vst v1  }
0xc1: {  	[tilespmem:s26+$0x320] =	vst v2  }
0xc2: {  	[tilespmem:s26+$0x330] =	vst v3  }
0xc3: {  	[tilespmem:s26+$0x340] =	vst v4  }
0xc4: {  	[tilespmem:s26+$0x350] =	vst v5  }
0xc5: {  	[tilespmem:s26+$0x360] =	vst v6  }
0xc6: {  	[tilespmem:s26+$0x370] =	vst v7  }
0xc7: {  	[tilespmem:s26+$0x380] =	vst v8  }
0xc8: {  	[tilespmem:s26+$0x390] =	vst v9  }
0xc9: {  	[tilespmem:s26+$0x3A0] =	vst v10  }
0xca: {  	[tilespmem:s26+$0x3B0] =	vst v11  }
0xcb: {  	[tilespmem:s26+$0x3C0] =	vst v12  }
0xcc: {  	[tilespmem:s26+$0x3D0] =	vst v13  }
0xcd: {  	[tilespmem:s26+$0x3E0] =	vst v14  }
0xce: {  	[tilespmem:s26+$0x3F0] =	vst v15  }
0xcf: {  	v15 =	vld [tilespmem:s28+$0xFFFFF7FD];
	[tilespmem:s26+$0x4310] =	vst v0  }
0xd0: {  	[tilespmem:s26+$0x4320] =	vst v1  }
0xd1: {  	[tilespmem:s26+$0x4330] =	vst v2  }
0xd2: {  	[tilespmem:s26+$0x4340] =	vst v3  }
0xd3: {  	[tilespmem:s26+$0x4350] =	vst v4  }
0xd4: {  	[tilespmem:s26+$0x4360] =	vst v5  }
0xd5: {  	[tilespmem:s26+$0x4370] =	vst v6  }
0xd6: {  	[tilespmem:s26+$0x4380] =	vst v7  }
0xd7: {  	[tilespmem:s26+$0x4390] =	vst v8  }
0xd8: {  	s25 =	sadd.s32 $0x4, s25;
	[tilespmem:s26+$0x43A0] =	vst v9  }
0xd9: {  	p1 =	slt.u32 s25, $0x3C;
	[tilespmem:s26+$0x43B0] =	vst v10  }
.Ltmp0:
0xda: {  	[tilespmem:s26+$0x43C0] =	vst v11;
	(pc) =	sbr.rel @p1 .LBB2_3-.Ltmp0, $4  }
0xdb: {  	[tilespmem:s26+$0x43D0] =	vst v12  }
0xdc: {  	[tilespmem:s26+$0x43E0] =	vst v13  }
0xdd: {  	[tilespmem:s26+$0x43F0] =	vst v14  }
0xde: {  	s28 =	sadd.s32 $0xFFFFFFFC, s28;
	[tilespmem:s26+$0x4300] =	vst v15;
	s26 =	sadd.s32 $0x400, s26  }
0xdf: {  	s25 =	sshll.u32 s24, $0x10  }
0xe0: {  	s25 =	sadd.s32 s6, s25  }
0xe1: {  	s25 =	sshrl.u32 s25, $0x3  }
0xe2: {  	s26 =	sadd.s32 s3, s25  }
0xe3: {  	[hbm4b:s26+s2] =	stream.linear.scatter [tilespmem:s12], [sflag:$0x1], $0x2000, $0x38;
	[tilespmem:$0x11800] =	vst v63  }
0xe4: {  	s30 =	sadd.s32 s25, s7  }
0xe5: {  	[hbm4b:s30+s2] =	stream.linear.scatter [tilespmem:s13], [sflag:$0x1], $0x2000, $0x38;
	[tilespmem:$0x11800] =	vst v63  }
0xe6: {  	s31 =	sadd.s32 s25, s8  }
0xe7: {  	[hbm4b:s31+s2] =	stream.linear.scatter [tilespmem:s14], [sflag:$0x1], $0x2000, $0x38;
	[tilespmem:$0x11800] =	vst v63  }
0xe8: {  	s25 =	sadd.s32 s25, s9  }
0xe9: {  	[hbm4b:s25+s2] =	stream.linear.scatter [tilespmem:s15], [sflag:$0x1], $0x2000, $0x38;
	[tilespmem:$0x11800] =	vst v63  }
0xea: {  	s25 =	simm.s32 @!p0 $0x2  }
0xeb: {  	_ =	swait.ge @!p0 [sflag:s25], $0x2000  }
0xec: {  	[sflag:s25] =	ssyncset.done @!p0 $0x0  }
0xed: {  	[sflag:s25] =	ssyncadd.s32 @!p0 $0xFFFFE000  }
0xee: {  	_ =	swait.ge @!p0 [sflag:s25], $0x2000  }
0xef: {  	[sflag:s25] =	ssyncset.done @!p0 $0x0  }
0xf0: {  	[sflag:s25] =	ssyncadd.s32 @!p0 $0xFFFFE000  }
0xf1: {  	_ =	swait.ge @!p0 [sflag:s25], $0x2000  }
0xf2: {  	[sflag:s25] =	ssyncset.done @!p0 $0x0  }
0xf3: {  	[sflag:s25] =	ssyncadd.s32 @!p0 $0xFFFFE000  }
0xf4: {  	_ =	swait.ge @!p0 [sflag:s25], $0x2000  }
0xf5: {  	s28 =	simm.s32 $0x9800;
	s29 =	smov.u32 s23;
	[sflag:s25] =	ssyncset.done @!p0 $0x0  }
0xf6: {  	s26 =	simm.s32 $0xFFFFFFFC;
	[sflag:s25] =	ssyncadd.s32 @!p0 $0xFFFFE000;
	s25 =	sshllo.u32 s24, $0x1  }
.LBB2_5:
0xf7: {  	v0 =	vld [tilespmem:s29+$0xFFFFF880]  }
0xf8: {  	v1 =	vld [tilespmem:s29+$0xFFFFF900]  }
0xf9: {  	v2 =	vld [tilespmem:s29+$0xFFFFF980]  }
0xfa: {  	v3 =	vld [tilespmem:s29+$0xFFFFFA00]  }
0xfb: {  	v4 =	vld [tilespmem:s29+$0xFFFFFA80]  }
0xfc: {  	v5 =	vld [tilespmem:s29+$0xFFFFFB00]  }
0xfd: {  	v6 =	vld [tilespmem:s29+$0xFFFFFB80]  }
0xfe: {  	v7 =	vld [tilespmem:s29+$0xFFFFFC00]  }
0xff: {  	v8 =	vld [tilespmem:s29+$0xFFFFFC80]  }
0x100: {  	v9 =	vld [tilespmem:s29+$0xFFFFFD00]  }
0x101: {  	v10 =	vld [tilespmem:s29+$0xFFFFFD80]  }
0x102: {  	v11 =	vld [tilespmem:s29+$0xFFFFFE00]  }
0x103: {  	v12 =	vld [tilespmem:s29+$0xFFFFFE80]  }
0x104: {  	v13 =	vld [tilespmem:s29+$0xFFFFFF00]  }
0x105: {  	v14 =	vld [tilespmem:s29+$0xFFFFFF80]  }
0x106: {  	v15 =	vld [tilespmem:s29+$0x0];
	[tilespmem:s28+$0x0] =	vst v0  }
0x107: {  	[tilespmem:s28+$0x10] =	vst v1  }
0x108: {  	[tilespmem:s28+$0x20] =	vst v2  }
0x109: {  	[tilespmem:s28+$0x30] =	vst v3  }
0x10a: {  	[tilespmem:s28+$0x40] =	vst v4  }
0x10b: {  	[tilespmem:s28+$0x50] =	vst v5  }
0x10c: {  	[tilespmem:s28+$0x60] =	vst v6  }
0x10d: {  	[tilespmem:s28+$0x70] =	vst v7  }
0x10e: {  	[tilespmem:s28+$0x80] =	vst v8  }
0x10f: {  	[tilespmem:s28+$0x90] =	vst v9  }
0x110: {  	[tilespmem:s28+$0xA0] =	vst v10  }
0x111: {  	[tilespmem:s28+$0xB0] =	vst v11  }
0x112: {  	[tilespmem:s28+$0xC0] =	vst v12  }
0x113: {  	[tilespmem:s28+$0xD0] =	vst v13  }
0x114: {  	[tilespmem:s28+$0xE0] =	vst v14  }
0x115: {  	[tilespmem:s28+$0xF0] =	vst v15  }
0x116: {  	v15 =	vld [tilespmem:s29+$0xFFFFF800];
	[tilespmem:s28+$0x4010] =	vst v0  }
0x117: {  	[tilespmem:s28+$0x4020] =	vst v1  }
0x118: {  	[tilespmem:s28+$0x4030] =	vst v2  }
0x119: {  	[tilespmem:s28+$0x4040] =	vst v3  }
0x11a: {  	[tilespmem:s28+$0x4050] =	vst v4  }
0x11b: {  	[tilespmem:s28+$0x4060] =	vst v5  }
0x11c: {  	[tilespmem:s28+$0x4070] =	vst v6  }
0x11d: {  	[tilespmem:s28+$0x4080] =	vst v7  }
0x11e: {  	[tilespmem:s28+$0x4090] =	vst v8  }
0x11f: {  	[tilespmem:s28+$0x40A0] =	vst v9  }
0x120: {  	[tilespmem:s28+$0x40B0] =	vst v10  }
0x121: {  	[tilespmem:s28+$0x40C0] =	vst v11  }
0x122: {  	[tilespmem:s28+$0x40D0] =	vst v12  }
0x123: {  	[tilespmem:s28+$0x40E0] =	vst v13  }
0x124: {  	[tilespmem:s28+$0x40F0] =	vst v14  }
0x125: {  	[tilespmem:s28+$0x4000] =	vst v15  }
0x126: {  	v0 =	vld [tilespmem:s29+$0xFFFFF87F]  }
0x127: {  	v1 =	vld [tilespmem:s29+$0xFFFFF8FF]  }
0x128: {  	v2 =	vld [tilespmem:s29+$0xFFFFF97F]  }
0x129: {  	v3 =	vld [tilespmem:s29+$0xFFFFF9FF]  }
0x12a: {  	v4 =	vld [tilespmem:s29+$0xFFFFFA7F]  }
0x12b: {  	v5 =	vld [tilespmem:s29+$0xFFFFFAFF]  }
0x12c: {  	v6 =	vld [tilespmem:s29+$0xFFFFFB7F]  }
0x12d: {  	v7 =	vld [tilespmem:s29+$0xFFFFFBFF]  }
0x12e: {  	v8 =	vld [tilespmem:s29+$0xFFFFFC7F]  }
0x12f: {  	v9 =	vld [tilespmem:s29+$0xFFFFFCFF]  }
0x130: {  	v10 =	vld [tilespmem:s29+$0xFFFFFD7F]  }
0x131: {  	v11 =	vld [tilespmem:s29+$0xFFFFFDFF]  }
0x132: {  	v12 =	vld [tilespmem:s29+$0xFFFFFE7F]  }
0x133: {  	v13 =	vld [tilespmem:s29+$0xFFFFFEFF]  }
0x134: {  	v14 =	vld [tilespmem:s29+$0xFFFFFF7F]  }
0x135: {  	v15 =	vld [tilespmem:s29+$0xFFFFFFFF];
	[tilespmem:s28+$0x100] =	vst v0  }
0x136: {  	[tilespmem:s28+$0x110] =	vst v1  }
0x137: {  	[tilespmem:s28+$0x120] =	vst v2  }
0x138: {  	[tilespmem:s28+$0x130] =	vst v3  }
0x139: {  	[tilespmem:s28+$0x140] =	vst v4  }
0x13a: {  	[tilespmem:s28+$0x150] =	vst v5  }
0x13b: {  	[tilespmem:s28+$0x160] =	vst v6  }
0x13c: {  	[tilespmem:s28+$0x170] =	vst v7  }
0x13d: {  	[tilespmem:s28+$0x180] =	vst v8  }
0x13e: {  	[tilespmem:s28+$0x190] =	vst v9  }
0x13f: {  	[tilespmem:s28+$0x1A0] =	vst v10  }
0x140: {  	[tilespmem:s28+$0x1B0] =	vst v11  }
0x141: {  	[tilespmem:s28+$0x1C0] =	vst v12  }
0x142: {  	[tilespmem:s28+$0x1D0] =	vst v13  }
0x143: {  	[tilespmem:s28+$0x1E0] =	vst v14  }
0x144: {  	[tilespmem:s28+$0x1F0] =	vst v15  }
0x145: {  	v15 =	vld [tilespmem:s29+$0xFFFFF7FF];
	[tilespmem:s28+$0x4110] =	vst v0  }
0x146: {  	[tilespmem:s28+$0x4120] =	vst v1  }
0x147: {  	[tilespmem:s28+$0x4130] =	vst v2  }
0x148: {  	[tilespmem:s28+$0x4140] =	vst v3  }
0x149: {  	[tilespmem:s28+$0x4150] =	vst v4  }
0x14a: {  	[tilespmem:s28+$0x4160] =	vst v5  }
0x14b: {  	[tilespmem:s28+$0x4170] =	vst v6  }
0x14c: {  	[tilespmem:s28+$0x4180] =	vst v7  }
0x14d: {  	[tilespmem:s28+$0x4190] =	vst v8  }
0x14e: {  	[tilespmem:s28+$0x41A0] =	vst v9  }
0x14f: {  	[tilespmem:s28+$0x41B0] =	vst v10  }
0x150: {  	[tilespmem:s28+$0x41C0] =	vst v11  }
0x151: {  	[tilespmem:s28+$0x41D0] =	vst v12  }
0x152: {  	[tilespmem:s28+$0x41E0] =	vst v13  }
0x153: {  	[tilespmem:s28+$0x41F0] =	vst v14  }
0x154: {  	[tilespmem:s28+$0x4100] =	vst v15  }
0x155: {  	v0 =	vld [tilespmem:s29+$0xFFFFF87E]  }
0x156: {  	v1 =	vld [tilespmem:s29+$0xFFFFF8FE]  }
0x157: {  	v2 =	vld [tilespmem:s29+$0xFFFFF97E]  }
0x158: {  	v3 =	vld [tilespmem:s29+$0xFFFFF9FE]  }
0x159: {  	v4 =	vld [tilespmem:s29+$0xFFFFFA7E]  }
0x15a: {  	v5 =	vld [tilespmem:s29+$0xFFFFFAFE]  }
0x15b: {  	v6 =	vld [tilespmem:s29+$0xFFFFFB7E]  }
0x15c: {  	v7 =	vld [tilespmem:s29+$0xFFFFFBFE]  }
0x15d: {  	v8 =	vld [tilespmem:s29+$0xFFFFFC7E]  }
0x15e: {  	v9 =	vld [tilespmem:s29+$0xFFFFFCFE]  }
0x15f: {  	v10 =	vld [tilespmem:s29+$0xFFFFFD7E]  }
0x160: {  	v11 =	vld [tilespmem:s29+$0xFFFFFDFE]  }
0x161: {  	v12 =	vld [tilespmem:s29+$0xFFFFFE7E]  }
0x162: {  	v13 =	vld [tilespmem:s29+$0xFFFFFEFE]  }
0x163: {  	v14 =	vld [tilespmem:s29+$0xFFFFFF7E]  }
0x164: {  	v15 =	vld [tilespmem:s29+$0xFFFFFFFE];
	[tilespmem:s28+$0x200] =	vst v0  }
0x165: {  	[tilespmem:s28+$0x210] =	vst v1  }
0x166: {  	[tilespmem:s28+$0x220] =	vst v2  }
0x167: {  	[tilespmem:s28+$0x230] =	vst v3  }
0x168: {  	[tilespmem:s28+$0x240] =	vst v4  }
0x169: {  	[tilespmem:s28+$0x250] =	vst v5  }
0x16a: {  	[tilespmem:s28+$0x260] =	vst v6  }
0x16b: {  	[tilespmem:s28+$0x270] =	vst v7  }
0x16c: {  	[tilespmem:s28+$0x280] =	vst v8  }
0x16d: {  	[tilespmem:s28+$0x290] =	vst v9  }
0x16e: {  	[tilespmem:s28+$0x2A0] =	vst v10  }
0x16f: {  	[tilespmem:s28+$0x2B0] =	vst v11  }
0x170: {  	[tilespmem:s28+$0x2C0] =	vst v12  }
0x171: {  	[tilespmem:s28+$0x2D0] =	vst v13  }
0x172: {  	[tilespmem:s28+$0x2E0] =	vst v14  }
0x173: {  	[tilespmem:s28+$0x2F0] =	vst v15  }
0x174: {  	v15 =	vld [tilespmem:s29+$0xFFFFF7FE];
	[tilespmem:s28+$0x4210] =	vst v0  }
0x175: {  	[tilespmem:s28+$0x4220] =	vst v1  }
0x176: {  	[tilespmem:s28+$0x4230] =	vst v2  }
0x177: {  	[tilespmem:s28+$0x4240] =	vst v3  }
0x178: {  	[tilespmem:s28+$0x4250] =	vst v4  }
0x179: {  	[tilespmem:s28+$0x4260] =	vst v5  }
0x17a: {  	[tilespmem:s28+$0x4270] =	vst v6  }
0x17b: {  	[tilespmem:s28+$0x4280] =	vst v7  }
0x17c: {  	[tilespmem:s28+$0x4290] =	vst v8  }
0x17d: {  	[tilespmem:s28+$0x42A0] =	vst v9  }
0x17e: {  	[tilespmem:s28+$0x42B0] =	vst v10  }
0x17f: {  	[tilespmem:s28+$0x42C0] =	vst v11  }
0x180: {  	[tilespmem:s28+$0x42D0] =	vst v12  }
0x181: {  	[tilespmem:s28+$0x42E0] =	vst v13  }
0x182: {  	[tilespmem:s28+$0x42F0] =	vst v14  }
0x183: {  	[tilespmem:s28+$0x4200] =	vst v15  }
0x184: {  	v0 =	vld [tilespmem:s29+$0xFFFFF87D]  }
0x185: {  	v1 =	vld [tilespmem:s29+$0xFFFFF8FD]  }
0x186: {  	v2 =	vld [tilespmem:s29+$0xFFFFF97D]  }
0x187: {  	v3 =	vld [tilespmem:s29+$0xFFFFF9FD]  }
0x188: {  	v4 =	vld [tilespmem:s29+$0xFFFFFA7D]  }
0x189: {  	v5 =	vld [tilespmem:s29+$0xFFFFFAFD]  }
0x18a: {  	v6 =	vld [tilespmem:s29+$0xFFFFFB7D]  }
0x18b: {  	v7 =	vld [tilespmem:s29+$0xFFFFFBFD]  }
0x18c: {  	v8 =	vld [tilespmem:s29+$0xFFFFFC7D]  }
0x18d: {  	v9 =	vld [tilespmem:s29+$0xFFFFFCFD]  }
0x18e: {  	v10 =	vld [tilespmem:s29+$0xFFFFFD7D]  }
0x18f: {  	v11 =	vld [tilespmem:s29+$0xFFFFFDFD]  }
0x190: {  	v12 =	vld [tilespmem:s29+$0xFFFFFE7D]  }
0x191: {  	v13 =	vld [tilespmem:s29+$0xFFFFFEFD]  }
0x192: {  	v14 =	vld [tilespmem:s29+$0xFFFFFF7D]  }
0x193: {  	v15 =	vld [tilespmem:s29+$0xFFFFFFFD];
	[tilespmem:s28+$0x300] =	vst v0  }
0x194: {  	[tilespmem:s28+$0x310] =	vst v1  }
0x195: {  	[tilespmem:s28+$0x320] =	vst v2  }
0x196: {  	[tilespmem:s28+$0x330] =	vst v3  }
0x197: {  	[tilespmem:s28+$0x340] =	vst v4  }
0x198: {  	[tilespmem:s28+$0x350] =	vst v5  }
0x199: {  	[tilespmem:s28+$0x360] =	vst v6  }
0x19a: {  	[tilespmem:s28+$0x370] =	vst v7  }
0x19b: {  	[tilespmem:s28+$0x380] =	vst v8  }
0x19c: {  	[tilespmem:s28+$0x390] =	vst v9  }
0x19d: {  	[tilespmem:s28+$0x3A0] =	vst v10  }
0x19e: {  	[tilespmem:s28+$0x3B0] =	vst v11  }
0x19f: {  	[tilespmem:s28+$0x3C0] =	vst v12  }
0x1a0: {  	[tilespmem:s28+$0x3D0] =	vst v13  }
0x1a1: {  	[tilespmem:s28+$0x3E0] =	vst v14  }
0x1a2: {  	[tilespmem:s28+$0x3F0] =	vst v15  }
0x1a3: {  	v15 =	vld [tilespmem:s29+$0xFFFFF7FD];
	[tilespmem:s28+$0x4310] =	vst v0  }
0x1a4: {  	[tilespmem:s28+$0x4320] =	vst v1  }
0x1a5: {  	[tilespmem:s28+$0x4330] =	vst v2  }
0x1a6: {  	[tilespmem:s28+$0x4340] =	vst v3  }
0x1a7: {  	[tilespmem:s28+$0x4350] =	vst v4  }
0x1a8: {  	[tilespmem:s28+$0x4360] =	vst v5  }
0x1a9: {  	[tilespmem:s28+$0x4370] =	vst v6  }
0x1aa: {  	[tilespmem:s28+$0x4380] =	vst v7  }
0x1ab: {  	[tilespmem:s28+$0x4390] =	vst v8  }
0x1ac: {  	s26 =	sadd.s32 $0x4, s26;
	[tilespmem:s28+$0x43A0] =	vst v9  }
0x1ad: {  	p0 =	slt.u32 s26, $0x3C;
	[tilespmem:s28+$0x43B0] =	vst v10  }
.Ltmp1:
0x1ae: {  	[tilespmem:s28+$0x43C0] =	vst v11;
	(pc) =	sbr.rel @p0 .LBB2_5-.Ltmp1, $4  }
0x1af: {  	[tilespmem:s28+$0x43D0] =	vst v12  }
0x1b0: {  	[tilespmem:s28+$0x43E0] =	vst v13  }
0x1b1: {  	[tilespmem:s28+$0x43F0] =	vst v14  }
0x1b2: {  	s29 =	sadd.s32 $0xFFFFFFFC, s29;
	[tilespmem:s28+$0x4300] =	vst v15;
	s28 =	sadd.s32 $0x400, s28  }
0x1b3: {  	s25 =	sshll.u32 s25, $0xF  }
0x1b4: {  	s25 =	sadd.s32 s6, s25  }
0x1b5: {  	s25 =	sshrl.u32 s25, $0x3  }
0x1b6: {  	s24 =	sadd.s32 $0x1, s24;
	s26 =	sadd.s32 s3, s25  }
0x1b7: {  	[hbm4b:s26+s2] =	stream.linear.scatter [tilespmem:s16], [sflag:$0x2], $0x2000, $0x38;
	[tilespmem:$0x11800] =	vst v63  }
0x1b8: {  	p0 =	sne.s32 s24, $0x8;
	s30 =	sadd.s32 s25, s7  }
0x1b9: {  	[hbm4b:s30+s2] =	stream.linear.scatter [tilespmem:s17], [sflag:$0x2], $0x2000, $0x38;
	[tilespmem:$0x11800] =	vst v63  }
.Ltmp2:
0x1ba: {  	_ = 	snop;
	(pc) =	sbr.rel @p0 .LBB2_2-.Ltmp2, $4  }
0x1bb: {  	s31 =	sadd.s32 s25, s8  }
0x1bc: {  	[hbm4b:s31+s2] =	stream.linear.scatter [tilespmem:s18], [sflag:$0x2], $0x2000, $0x38;
	[tilespmem:$0x11800] =	vst v63  }
0x1bd: {  	s22 =	sadd.s32 $0xFFFFFE00, s22;
	s23 =	sadd.s32 $0xFFFFFE00, s23;
	s25 =	sadd.s32 s25, s9  }
0x1be: {  	[hbm4b:s25+s2] =	stream.linear.scatter [tilespmem:s19], [sflag:$0x2], $0x2000, $0x38;
	[tilespmem:$0x11800] =	vst v63  }
0x1bf: {  	_ =	swait.ge [sflag:s4], $0x2000  }
0x1c0: {  	[sflag:s4] =	ssyncset.done $0x0  }
0x1c1: {  	[sflag:s4] =	ssyncadd.s32 $0xFFFFE000  }
0x1c2: {  	_ =	swait.ge [sflag:s4], $0x2000  }
0x1c3: {  	[sflag:s4] =	ssyncset.done $0x0  }
0x1c4: {  	[sflag:s4] =	ssyncadd.s32 $0xFFFFE000  }
0x1c5: {  	_ =	swait.ge [sflag:s4], $0x2000  }
0x1c6: {  	[sflag:s4] =	ssyncset.done $0x0  }
0x1c7: {  	[sflag:s4] =	ssyncadd.s32 $0xFFFFE000  }
0x1c8: {  	_ =	swait.ge [sflag:s4], $0x2000  }
0x1c9: {  	[sflag:s4] =	ssyncset.done $0x0  }
0x1ca: {  	[sflag:s4] =	ssyncadd.s32 $0xFFFFE000  }
0x1cb: {  	_ =	swait.ge [sflag:s20], $0x2000  }
0x1cc: {  	[sflag:s20] =	ssyncset.done $0x0  }
0x1cd: {  	[sflag:s20] =	ssyncadd.s32 $0xFFFFE000  }
0x1ce: {  	_ =	swait.ge [sflag:s20], $0x2000  }
0x1cf: {  	[sflag:s20] =	ssyncset.done $0x0  }
0x1d0: {  	s21 =	sadd.s32 $0x1, s21;
	[sflag:s20] =	ssyncadd.s32 $0xFFFFE000  }
0x1d1: {  	p0 =	sne.s32 s21, s10;
	_ =	swait.ge [sflag:s20], $0x2000  }
.Ltmp3:
0x1d2: {  	[sflag:s20] =	ssyncset.done $0x0;
	(pc) =	sbr.rel @p0 .LBB2_1-.Ltmp3, $4  }
0x1d3: {  	[sflag:s20] =	ssyncadd.s32 $0xFFFFE000  }
0x1d4: {  	_ =	swait.ge [sflag:s20], $0x2000  }
0x1d5: {  	[sflag:s20] =	ssyncset.done $0x0  }
0x1d6: {  	[sflag:s20] =	ssyncadd.s32 $0xFFFFE000  }
0x1d7: {  	_ =	sfence.sel $0x180000  }
0x1d8: {  	[bflag:$0x0] =	sbarrier.arrive $0xFFFF  }
0x1d9: {  	p0 =	sne.s32 s0, $0x0;
	_ =	strace $0x90000047  }
0x1da: {  	s0 =	sadd.s32 @!p0 $0x100000, s1;
	[bflag:$0x2] =	sbarrier.arrive $0xFFFF  }
0x1db: {  	[sflag:s0] =	ssyncadd.tile.s32 @!p0 $0x1;
	_ =	shalt  }
.Lfunc_end2:
_tile_overlayer_lowered:
.L_overlay_start_2:
0x1dc: {  	(tag) =	ssettag $0x2  }
0x1dd: {  	s0 =	rddreg [dreg:$0x0];
	s2 =	stileid.u32  }
0x1de: {  	s1 =	rddreg [dreg:$0x1];
	p0 =	sne.s32 s2, $0x0  }
0x1df: {  	s3 =	rddreg [dreg:$0x2];
	[bflag:$0x3] =	sbarrier.arrive $0xFFFF;
	s2 =	simm.s32 @!p0 $0x1C03  }
0x1e0: {  	[timem:s3], [sflag:s2] =	dma.local @!p0 [hbm:s0], s1  }
0x1e1: {  	s0 =	simm.s32 @!p0 $0x3  }
0x1e2: {  	_ =	swait.ge @!p0 [sflag:s0], s1  }
0x1e3: {  	s1 =	ssub.s32 @!p0 $0x0, s1;
	[sflag:s0] =	ssyncset.done @!p0 $0x0  }
0x1e4: {  	[sflag:s0] =	ssyncadd.s32 @!p0 s1  }
0x1e5: {  	[bflag:$0x3] =	sbarrier.arrive $0xFFFF  }
0x1e6: {  	_ =	shalt  }

</sc_bundles>
